<compile_context>
chip_gen: v7x
topology: tpu7x:2x2x1
jax: 0.10.2.dev20260603
libtpu: 0.0.44.dev20260713+nightly
codegen_flags: <defaults>
</compile_context>

<pallas_src>
import functools

import jax
import jax.numpy as jnp
from jax import lax
from jax.experimental import pallas as pl
from jax.experimental.pallas import tpu as pltpu
from jax.experimental.pallas import tpu_sc as plsc

N = 10000
E = 320000

N_PAD = 10240
BN = 640
G = N_PAD // BN
NSUB = 16
NW = 32
K = 128
EPS = E // NW
C = 80
CP = C // 2
EP = C * K
RPT = N_PAD // NSUB

_mesh = plsc.VectorSubcoreMesh(core_axis_name="c", subcore_axis_name="s")
F32 = jnp.float32



@functools.partial(
    pl.kernel,
    out_type=jax.ShapeDtypeStruct((2, N_PAD), F32),
    mesh=_mesh,
    scratch_types=[
        pltpu.VMEM((C, K), jnp.int32),
        pltpu.VMEM((K,), F32),
        pltpu.VMEM_SHARED((N_PAD,), F32),
    ],
)
def _deg_kernel(cidx_hbm, zeros_hbm, deg_hbm, cidx_v, ones_v, acc):
    c = lax.axis_index("c")
    s = lax.axis_index("s")
    w32 = c * NSUB + s
    base = s * RPT
    pltpu.sync_copy(cidx_hbm.at[w32], cidx_v)
    for k in range(K // 16):
        ones_v[pl.ds(k * 16, 16)] = jnp.ones((16,), F32)
    pltpu.sync_copy(zeros_hbm.at[pl.ds(base, RPT)],
                    acc.at[pl.ds(base, RPT)])
    plsc.subcore_barrier()

    def body(j, carry):
        pltpu.sync_copy(ones_v, acc.at[cidx_v.at[j]], add=True)
        return carry

    lax.fori_loop(0, C, body, 0)
    plsc.subcore_barrier()
    pltpu.sync_copy(acc.at[pl.ds(base, RPT)],
                    deg_hbm.at[c, pl.ds(base, RPT)])


@functools.partial(
    pl.kernel,
    out_type=jax.ShapeDtypeStruct((2, N_PAD, 128), F32),
    mesh=_mesh,
    scratch_types=[
        pltpu.VMEM((2, 2, K), jnp.int32),
        pltpu.VMEM((K, 128), F32),
        pltpu.VMEM((K, 128), F32),
        pltpu.VMEM_SHARED((N_PAD, 128), F32),
        pltpu.SemaphoreType.DMA,
        pltpu.SemaphoreType.DMA,
        pltpu.SemaphoreType.DMA,
        pltpu.SemaphoreType.DMA,
    ],
)
def _prop(y_hbm, z_hbm, idx_hbm, out_hbm, idxb, buf0, buf1, acc,
          sem0, sem1, semi0, semi1):
    c = lax.axis_index("c")
    s = lax.axis_index("s")
    w32 = c * NSUB + s
    base = s * RPT

    @pl.when(c == 0)
    def _():
        pltpu.sync_copy(y_hbm.at[pl.ds(base, RPT)], acc.at[pl.ds(base, RPT)])

    @pl.when(c == 1)
    def _():
        pltpu.sync_copy(z_hbm.at[pl.ds(base, RPT)], acc.at[pl.ds(base, RPT)])

    pltpu.async_copy(idx_hbm.at[w32, 0], idxb.at[0], semi0)
    pltpu.async_copy(idx_hbm.at[w32, 1], idxb.at[1], semi1)
    plsc.subcore_barrier()
    pltpu.make_async_copy(idx_hbm.at[w32, 0], idxb.at[0], semi0).wait()
    pltpu.async_copy(y_hbm.at[idxb.at[0, 0]], buf0, sem0)

    def body(p, carry):
        j0 = 2 * p
        pltpu.make_async_copy(idx_hbm.at[w32, 0], idxb.at[1], semi1).wait()
        pltpu.make_async_copy(y_hbm.at[idxb.at[0, 0]], buf0, sem0).wait()
        pltpu.async_copy(y_hbm.at[idxb.at[1, 0]], buf1, sem1)
        pltpu.sync_copy(buf0, acc.at[idxb.at[0, 1]], add=True)

        @pl.when(p < CP - 1)
        def _():
            pltpu.async_copy(idx_hbm.at[w32, j0 + 2], idxb.at[0], semi0)

        pltpu.make_async_copy(y_hbm.at[idxb.at[1, 0]], buf1, sem1).wait()

        @pl.when(p < CP - 1)
        def _():
            pltpu.make_async_copy(idx_hbm.at[w32, 0], idxb.at[0], semi0).wait()
            pltpu.async_copy(y_hbm.at[idxb.at[0, 0]], buf0, sem0)

        pltpu.sync_copy(buf1, acc.at[idxb.at[1, 1]], add=True)

        @pl.when(p < CP - 1)
        def _():
            pltpu.async_copy(idx_hbm.at[w32, j0 + 3], idxb.at[1], semi1)

        return carry

    lax.fori_loop(0, CP, body, 0)
    plsc.subcore_barrier()
    pltpu.sync_copy(acc.at[pl.ds(base, RPT)],
                    out_hbm.at[c, pl.ds(base, RPT)])



def _dot(a, b):
    return jax.lax.dot_general(a, b, (((1,), (0,)), ((), ())),
                               preferred_element_type=F32,
                               precision=jax.lax.Precision.HIGHEST)


def _full(shape):
    return pl.BlockSpec(shape, lambda i: tuple(0 for _ in shape))


def _row(w):
    return pl.BlockSpec((BN, w), lambda i: (i, 0))


def _part(j):
    return pl.BlockSpec((1, BN, 128), lambda i, j=j: (j, i, 0))


def _t0_body(d0_ref, d1_ref, x_ref, w_ref, b_ref, u_ref, y_ref, s_ref):
    deg = d0_ref[0] + d1_ref[0] + 1.0
    sv = jax.lax.rsqrt(deg)
    s_ref[...] = sv
    u_ref[...] = _dot(x_ref[...], w_ref[...]) + b_ref[...]
    y_ref[...] = x_ref[...] * sv


def _t0(deg2, x_p, w00, b00):
    return pl.pallas_call(
        _t0_body,
        grid=(G,),
        in_specs=[
            pl.BlockSpec((1, BN, 1), lambda i: (0, i, 0)),
            pl.BlockSpec((1, BN, 1), lambda i: (1, i, 0)),
            _row(128), _full((128, 128)), _full((1, 128)),
        ],
        out_specs=[_row(128), _row(128), _row(1)],
        out_shape=[
            jax.ShapeDtypeStruct((N_PAD, 128), F32),
            jax.ShapeDtypeStruct((N_PAD, 128), F32),
            jax.ShapeDtypeStruct((N_PAD, 1), F32),
        ],
    )(deg2, deg2, x_p, w00, b00)


def _t1l0_body(pa_ref, pb_ref, s_ref, w_ref, b_ref, u_ref, y_ref):
    sv = s_ref[...]
    t = pa_ref[0] + pb_ref[0]
    h = t * sv
    u_ref[...] = _dot(h, w_ref[...]) + b_ref[...]
    y_ref[...] = t * (sv * sv)


def _t1l0(p, s2, wm, b2):
    return pl.pallas_call(
        _t1l0_body,
        grid=(G,),
        in_specs=[_part(0), _part(1), _row(1),
                  _full((128, 128)), _full((1, 128))],
        out_specs=[_row(128), _row(128)],
        out_shape=[
            jax.ShapeDtypeStruct((N_PAD, 128), F32),
            jax.ShapeDtypeStruct((N_PAD, 128), F32),
        ],
    )(p, p, s2, wm, b2)


def _t2a_body(pa_ref, pb_ref, s_ref, u0_ref, u1_ref, w2_ref, b2_ref,
              w0n_ref, b0n_ref, u0p_ref, y0_ref, y1_ref, y2_ref):
    sv = s_ref[...]
    t = pa_ref[0] + pb_ref[0]
    h2 = t * sv
    u2 = _dot(h2, w2_ref[...]) + b2_ref[...]
    hl = jax.nn.relu(jnp.concatenate([u0_ref[...], u1_ref[...], u2], axis=1))
    u0p_ref[...] = _dot(hl, w0n_ref[...]) + b0n_ref[...]
    y0_ref[...] = hl[:, :128] * sv
    y1_ref[...] = hl[:, 128:256] * sv
    y2_ref[...] = hl[:, 256:] * sv


def _t2a(p, s2, u0, u1, w02, b02, w10, b10):
    return pl.pallas_call(
        _t2a_body,
        grid=(G,),
        in_specs=[_part(0), _part(1), _row(1), _row(128), _row(128),
                  _full((128, 128)), _full((1, 128)),
                  _full((384, 128)), _full((1, 128))],
        out_specs=[_row(128), _row(128), _row(128), _row(128)],
        out_shape=[jax.ShapeDtypeStruct((N_PAD, 128), F32)] * 4,
    )(p, p, s2, u0, u1, w02, b02, w10, b10)


def _t1l1_body(pa0, pb0, pa1, pb1, pa2, pb2, s_ref, w_ref, b_ref,
               u_ref, y0_ref, y1_ref, y2_ref):
    sv = s_ref[...]
    t0 = pa0[0] + pb0[0]
    t1 = pa1[0] + pb1[0]
    t2 = pa2[0] + pb2[0]
    h = jnp.concatenate([t0 * sv, t1 * sv, t2 * sv], axis=1)
    u_ref[...] = _dot(h, w_ref[...]) + b_ref[...]
    y0_ref[...] = t0 * (sv * sv)
    y1_ref[...] = t1 * (sv * sv)
    y2_ref[...] = t2 * (sv * sv)


def _t1l1(q0, q1, q2, s2, wm, b2):
    return pl.pallas_call(
        _t1l1_body,
        grid=(G,),
        in_specs=[_part(0), _part(1), _part(0), _part(1), _part(0), _part(1),
                  _row(1), _full((384, 128)), _full((1, 128))],
        out_specs=[_row(128), _row(128), _row(128), _row(128)],
        out_shape=[jax.ShapeDtypeStruct((N_PAD, 128), F32)] * 4,
    )(q0, q0, q1, q1, q2, q2, s2, wm, b2)


def _t2b_body(pa0, pb0, pa1, pb1, pa2, pb2, s_ref, u0_ref, u1_ref,
              w2_ref, b2_ref, o_ref):
    sv = s_ref[...]
    h2 = jnp.concatenate([(pa0[0] + pb0[0]) * sv,
                          (pa1[0] + pb1[0]) * sv,
                          (pa2[0] + pb2[0]) * sv], axis=1)
    u2 = _dot(h2, w2_ref[...]) + b2_ref[...]
    o_ref[...] = jax.nn.relu(
        jnp.concatenate([u0_ref[...], u1_ref[...], u2], axis=1))


def _t2b(q0, q1, q2, s2, u0p, u1p, w12, b12):
    return pl.pallas_call(
        _t2b_body,
        grid=(G,),
        in_specs=[_part(0), _part(1), _part(0), _part(1), _part(0), _part(1),
                  _row(1), _row(128), _row(128),
                  _full((384, 128)), _full((1, 128))],
        out_specs=_row(384),
        out_shape=jax.ShapeDtypeStruct((N_PAD, 384), F32),
    )(q0, q0, q1, q1, q2, q2, s2, u0p, u1p, w12, b12)



def kernel(x, edge_index, W0_0, b0_0, W0_1, b0_1, W0_2, b0_2,
           W1_0, b1_0, W1_1, b1_1, W1_2, b1_2):
    row = edge_index[0]
    col = edge_index[1]
    cidx = jnp.full((NW, EP), N, jnp.int32).at[:, :EPS].set(
        col.reshape(NW, EPS)).reshape(NW, C, K)
    ridx = jnp.zeros((NW, EP), jnp.int32).at[:, :EPS].set(
        row.reshape(NW, EPS)).reshape(NW, C, K)
    idx2 = jnp.stack([ridx, cidx], axis=2)

    x_p = jnp.zeros((N_PAD, 128), F32).at[:N].set(x)
    zeros1 = jnp.zeros((N_PAD,), F32)
    zeros2 = jnp.zeros((N_PAD, 128), F32)
    b00 = b0_0.reshape(1, 128)
    b01 = b0_1.reshape(1, 128)
    b02 = b0_2.reshape(1, 128)
    b10 = b1_0.reshape(1, 128)
    b11 = b1_1.reshape(1, 128)
    b12 = b1_2.reshape(1, 128)

    deg = _deg_kernel(cidx, zeros1)
    deg2 = deg.reshape(2, N_PAD, 1)

    u0, y0, s2 = _t0(deg2, x_p, W0_0, b00)
    p1 = _prop(y0, zeros2, idx2)
    u1, y1 = _t1l0(p1, s2, W0_1, b01)
    p2 = _prop(y1, zeros2, idx2)

    u0p, ya0, ya1, ya2 = _t2a(p2, s2, u0, u1, W0_2, b02, W1_0, b10)

    qa0 = _prop(ya0, zeros2, idx2)
    qa1 = _prop(ya1, zeros2, idx2)
    qa2 = _prop(ya2, zeros2, idx2)
    u1p, yb0, yb1, yb2 = _t1l1(qa0, qa1, qa2, s2, W1_1, b11)
    qb0 = _prop(yb0, zeros2, idx2)
    qb1 = _prop(yb1, zeros2, idx2)
    qb2 = _prop(yb2, zeros2, idx2)
    out = _t2b(qb0, qb1, qb2, s2, u0p, u1p, W1_2, b12)

    return out[:N]

# --- scband reference (transcript-rebuilt; emitter-appended) ---
"""Pipeline reference for scband-mix-hop-4973572128783 (READ-ONLY COPY).

The authoritative reference and input builder live on the scoring server;
editing this copy changes nothing except your own understanding.
"""

import jax, jax.numpy as jnp
import numpy as np

N = 10000
E = 320000
D_IN = 128
D_OUT = 128
HOPS = 3
NUM_LAYERS = 2


def _glorot(key, shape):
    fan_in, fan_out = shape
    lim = float(np.sqrt(6.0 / (fan_in + fan_out)))
    return jax.random.uniform(key, shape, jnp.float32, -lim, lim)


def setup_inputs(seed: int = 0) -> dict:
    key = jax.random.key(seed)
    ks = jax.random.split(key, 2 + 2 * HOPS * NUM_LAYERS)
    inp = {}
    inp["x"] = jax.random.normal(ks[0], (N, D_IN), dtype=jnp.float32)
    inp["edge_index"] = jax.random.randint(ks[1], (2, E), 0, N, dtype=jnp.int32)
    i = 2
    for l in range(NUM_LAYERS):
        d_in = D_IN if l == 0 else HOPS * D_OUT
        for p in range(HOPS):
            inp[f"W{l}_{p}"] = _glorot(ks[i], (d_in, D_OUT)); i += 1
            inp[f"b{l}_{p}"] = jnp.zeros((D_OUT,), jnp.float32); i += 1
    return inp


def _gcn_norm(edge_index, num_nodes):
    # GCN symmetric normalization with added self-loops: D^{-1/2}(A+I)D^{-1/2}
    loop = jnp.arange(num_nodes, dtype=edge_index.dtype)
    row = jnp.concatenate([edge_index[0], loop])
    col = jnp.concatenate([edge_index[1], loop])
    ew = jnp.ones(row.shape[0], jnp.float32)
    deg = jnp.zeros((num_nodes,), jnp.float32).at[col].add(ew)
    dinv = jnp.where(deg > 0, jax.lax.rsqrt(jnp.maximum(deg, 1e-12)), 0.0)
    w = dinv[row] * ew * dinv[col]
    return row, col, w


def _propagate(row, col, w, x, num_nodes):
    # gather from source nodes, scale by edge weight, scatter-add into dst nodes
    msg = jnp.take(x, row, axis=0) * w[:, None]
    return jnp.zeros((num_nodes, x.shape[1]), x.dtype).at[col].add(msg)


def _mixhop_conv(x, row, col, w, Ws, bs, num_nodes):
    # power 0: identity; power k: A_norm^k x, each followed by its own linear, then concat
    outs = [x @ Ws[0] + bs[0]]
    h = x
    for p in range(1, len(Ws)):
        h = _propagate(row, col, w, h, num_nodes)
        outs.append(h @ Ws[p] + bs[p])
    return jnp.concatenate(outs, axis=-1)


def reference(x, edge_index, W0_0, b0_0, W0_1, b0_1, W0_2, b0_2,
              W1_0, b1_0, W1_1, b1_1, W1_2, b1_2):
    params = {
        "W0_0": W0_0, "b0_0": b0_0, "W0_1": W0_1, "b0_1": b0_1,
        "W0_2": W0_2, "b0_2": b0_2, "W1_0": W1_0, "b1_0": b1_0,
        "W1_1": W1_1, "b1_1": b1_1, "W1_2": W1_2, "b1_2": b1_2,
    }
    row, col, w = _gcn_norm(edge_index, N)
    h = x
    for l in range(NUM_LAYERS):
        Ws = [params[f"W{l}_{p}"] for p in range(HOPS)]
        bs = [params[f"b{l}_{p}"] for p in range(HOPS)]
        h = jax.nn.relu(_mixhop_conv(h, row, col, w, Ws, bs, N))
    return h

if __name__ == "__main__":
    import jax
    _d = setup_inputs()
    print(jax.jit(kernel)(*tuple(_d.values())))

</pallas_src>

<mosaic_0001>
#map = affine_map<(d0, d1) -> (0, 0)>
#map1 = affine_map<(d0, d1) -> (0, 0, 0, 0)>
#map2 = affine_map<(d0, d1) -> (0, 0, 0)>
module attributes {stable_mosaic.version = 14 : i64} {
  func.func @_prop(%arg0: i32, %arg1: i32, %arg2: memref<10240x128xf32, #tpu.memory_space<hbm>>, %arg3: memref<10240x128xf32, #tpu.memory_space<hbm>>, %arg4: memref<32x80x2x128xi32, #tpu.memory_space<hbm>>, %arg5: memref<2x10240x128xf32, #tpu.memory_space<hbm>>, %arg6: memref<2x2x128xi32, #tpu.memory_space<vmem>>, %arg7: memref<128x128xf32, #tpu.memory_space<vmem>>, %arg8: memref<128x128xf32, #tpu.memory_space<vmem>>, %arg9: memref<10240x128xf32, #tpu.memory_space<vmem_shared>>, %arg10: memref<!tpu.dma_semaphore, #tpu.memory_space<semaphore_mem>>, %arg11: memref<!tpu.dma_semaphore, #tpu.memory_space<semaphore_mem>>, %arg12: memref<!tpu.dma_semaphore, #tpu.memory_space<semaphore_mem>>, %arg13: memref<!tpu.dma_semaphore, #tpu.memory_space<semaphore_mem>>) attributes {dimension_semantics = [#tpu.dimension_semantics<core_parallel>, #tpu.dimension_semantics<subcore_parallel>], iteration_bounds = array<i64: 2, 16>, scalar_prefetch = 0 : i64, scratch_operands = 8 : i64, tpu.core_type = #tpu.core_type<sc_vector_subcore>, window_params = [{transform_indices = #map}, {transform_indices = #map}, {transform_indices = #map1}, {transform_indices = #map2}]} {
    %mul3A = arith.constant 16 : i32
    %mul3A_0 = arith.muli %arg0, %mul3A : i32
    %add3A = arith.addi %mul3A_0, %arg1 : i32
    %mul3A_1 = arith.constant 640 : i32
    %mul3A_2 = arith.muli %arg1, %mul3A_1 : i32
    %eq3A = arith.constant 0 : i32
    %eq3A_3 = arith.cmpi eq, %arg0, %eq3A : i32
    %convert_element_type3A = arith.extui %eq3A_3 : i1 to i32
    %cond3A = arith.constant 0 : i32
    %cond3A_4 = arith.cmpi ne, %convert_element_type3A, %cond3A : i32
    scf.if %cond3A_4 {
      "tpu.region"() ({
        %run_scoped3A = tpu.sem_alloc : memref<!tpu.dma_semaphore, #tpu.memory_space<semaphore_mem>>
        %dma_start3A_76 = arith.constant 0 : i32
        %dma_start3A_77 = tpu.memref_slice %arg9[%mul3A_2, %dma_start3A_76] : memref<10240x128xf32, #tpu.memory_space<vmem_shared>> -> memref<640x128xf32, #tpu.memory_space<vmem_shared>>
        %dma_start3A_78 = arith.constant 0 : i32
        %dma_start3A_79 = tpu.memref_slice %arg2[%mul3A_2, %dma_start3A_78] : memref<10240x128xf32, #tpu.memory_space<hbm>> -> memref<640x128xf32, #tpu.memory_space<hbm>>
        tpu.enqueue_dma source(%dma_start3A_79 : memref<640x128xf32, #tpu.memory_space<hbm>>) target(%dma_start3A_77 : memref<640x128xf32, #tpu.memory_space<vmem_shared>>) target_semaphore(%run_scoped3A : memref<!tpu.dma_semaphore, #tpu.memory_space<semaphore_mem>>)
        %dma_wait3A_80 = arith.constant 0 : i32
        %dma_wait3A_81 = tpu.memref_slice %arg9[%mul3A_2, %dma_wait3A_80] : memref<10240x128xf32, #tpu.memory_space<vmem_shared>> -> memref<640x128xf32, #tpu.memory_space<vmem_shared>>
        %dma_wait3A_82 = arith.constant 0 : i32
        %dma_wait3A_83 = tpu.memref_slice %arg2[%mul3A_2, %dma_wait3A_82] : memref<10240x128xf32, #tpu.memory_space<hbm>> -> memref<640x128xf32, #tpu.memory_space<hbm>>
        tpu.wait_dma2 semaphore(%run_scoped3A : memref<!tpu.dma_semaphore, #tpu.memory_space<semaphore_mem>>) src(%dma_wait3A_83 : memref<640x128xf32, #tpu.memory_space<hbm>>) dst(%dma_wait3A_81 : memref<640x128xf32, #tpu.memory_space<vmem_shared>>)
        tpu.yield
      }) : () -> ()
    } else {
    }
    %eq3A_5 = arith.constant 1 : i32
    %eq3A_6 = arith.cmpi eq, %arg0, %eq3A_5 : i32
    %convert_element_type3A_7 = arith.extui %eq3A_6 : i1 to i32
    %cond3A_8 = arith.constant 0 : i32
    %cond3A_9 = arith.cmpi ne, %convert_element_type3A_7, %cond3A_8 : i32
    scf.if %cond3A_9 {
      "tpu.region"() ({
        %run_scoped3A = tpu.sem_alloc : memref<!tpu.dma_semaphore, #tpu.memory_space<semaphore_mem>>
        %dma_start3A_76 = arith.constant 0 : i32
        %dma_start3A_77 = tpu.memref_slice %arg9[%mul3A_2, %dma_start3A_76] : memref<10240x128xf32, #tpu.memory_space<vmem_shared>> -> memref<640x128xf32, #tpu.memory_space<vmem_shared>>
        %dma_start3A_78 = arith.constant 0 : i32
        %dma_start3A_79 = tpu.memref_slice %arg3[%mul3A_2, %dma_start3A_78] : memref<10240x128xf32, #tpu.memory_space<hbm>> -> memref<640x128xf32, #tpu.memory_space<hbm>>
        tpu.enqueue_dma source(%dma_start3A_79 : memref<640x128xf32, #tpu.memory_space<hbm>>) target(%dma_start3A_77 : memref<640x128xf32, #tpu.memory_space<vmem_shared>>) target_semaphore(%run_scoped3A : memref<!tpu.dma_semaphore, #tpu.memory_space<semaphore_mem>>)
        %dma_wait3A_80 = arith.constant 0 : i32
        %dma_wait3A_81 = tpu.memref_slice %arg9[%mul3A_2, %dma_wait3A_80] : memref<10240x128xf32, #tpu.memory_space<vmem_shared>> -> memref<640x128xf32, #tpu.memory_space<vmem_shared>>
        %dma_wait3A_82 = arith.constant 0 : i32
        %dma_wait3A_83 = tpu.memref_slice %arg3[%mul3A_2, %dma_wait3A_82] : memref<10240x128xf32, #tpu.memory_space<hbm>> -> memref<640x128xf32, #tpu.memory_space<hbm>>
        tpu.wait_dma2 semaphore(%run_scoped3A : memref<!tpu.dma_semaphore, #tpu.memory_space<semaphore_mem>>) src(%dma_wait3A_83 : memref<640x128xf32, #tpu.memory_space<hbm>>) dst(%dma_wait3A_81 : memref<640x128xf32, #tpu.memory_space<vmem_shared>>)
        tpu.yield
      }) : () -> ()
    } else {
    }
    %dma_start3A = arith.constant 0 : i32
    %dma_start3A_10 = arith.constant 0 : i32
    %dma_start3A_11 = arith.constant 0 : i32
    %dma_start3A_12 = arith.constant 0 : i32
    %dma_start3A_13 = tpu.memref_slice %arg6[%dma_start3A_10, %dma_start3A_11, %dma_start3A_12] : memref<2x2x128xi32, #tpu.memory_space<vmem>> -> memref<1x2x128xi32, #tpu.memory_space<vmem>>
    %dma_start3A_14 = tpu.memref_squeeze %dma_start3A_13 : memref<1x2x128xi32, #tpu.memory_space<vmem>> -> memref<2x128xi32, #tpu.memory_space<vmem>>
    %dma_start3A_15 = arith.constant 0 : i32
    %dma_start3A_16 = arith.constant 0 : i32
    %dma_start3A_17 = tpu.memref_slice %arg4[%add3A, %dma_start3A, %dma_start3A_15, %dma_start3A_16] : memref<32x80x2x128xi32, #tpu.memory_space<hbm>> -> memref<1x1x2x128xi32, #tpu.memory_space<hbm>>
    %dma_start3A_18 = tpu.memref_squeeze %dma_start3A_17 : memref<1x1x2x128xi32, #tpu.memory_space<hbm>> -> memref<2x128xi32, #tpu.memory_space<hbm>>
    %dma_start3A_19 = arith.constant 0 : i32
    %dma_start3A_20 = arith.constant 0 : i32
    %dma_start3A_21 = tpu.memref_slice %arg6[%dma_start3A_10, %dma_start3A_19, %dma_start3A_20] : memref<2x2x128xi32, #tpu.memory_space<vmem>> -> memref<1x2x128xi32, #tpu.memory_space<vmem>>
    %dma_start3A_22 = tpu.memref_squeeze %dma_start3A_21 : memref<1x2x128xi32, #tpu.memory_space<vmem>> -> memref<2x128xi32, #tpu.memory_space<vmem>>
    %dma_start3A_23 = arith.constant 0 : i32
    %dma_start3A_24 = arith.constant 0 : i32
    %dma_start3A_25 = tpu.memref_slice %arg4[%add3A, %dma_start3A, %dma_start3A_23, %dma_start3A_24] : memref<32x80x2x128xi32, #tpu.memory_space<hbm>> -> memref<1x1x2x128xi32, #tpu.memory_space<hbm>>
    %dma_start3A_26 = tpu.memref_squeeze %dma_start3A_25 : memref<1x1x2x128xi32, #tpu.memory_space<hbm>> -> memref<2x128xi32, #tpu.memory_space<hbm>>
    tpu.enqueue_dma source(%dma_start3A_26 : memref<2x128xi32, #tpu.memory_space<hbm>>) target(%dma_start3A_22 : memref<2x128xi32, #tpu.memory_space<vmem>>) target_semaphore(%arg12 : memref<!tpu.dma_semaphore, #tpu.memory_space<semaphore_mem>>)
    %dma_start3A_27 = arith.constant 1 : i32
    %dma_start3A_28 = arith.constant 1 : i32
    %dma_start3A_29 = arith.constant 0 : i32
    %dma_start3A_30 = arith.constant 0 : i32
    %dma_start3A_31 = tpu.memref_slice %arg6[%dma_start3A_28, %dma_start3A_29, %dma_start3A_30] : memref<2x2x128xi32, #tpu.memory_space<vmem>> -> memref<1x2x128xi32, #tpu.memory_space<vmem>>
    %dma_start3A_32 = tpu.memref_squeeze %dma_start3A_31 : memref<1x2x128xi32, #tpu.memory_space<vmem>> -> memref<2x128xi32, #tpu.memory_space<vmem>>
    %dma_start3A_33 = arith.constant 0 : i32
    %dma_start3A_34 = arith.constant 0 : i32
    %dma_start3A_35 = tpu.memref_slice %arg4[%add3A, %dma_start3A_27, %dma_start3A_33, %dma_start3A_34] : memref<32x80x2x128xi32, #tpu.memory_space<hbm>> -> memref<1x1x2x128xi32, #tpu.memory_space<hbm>>
    %dma_start3A_36 = tpu.memref_squeeze %dma_start3A_35 : memref<1x1x2x128xi32, #tpu.memory_space<hbm>> -> memref<2x128xi32, #tpu.memory_space<hbm>>
    %dma_start3A_37 = arith.constant 0 : i32
    %dma_start3A_38 = arith.constant 0 : i32
    %dma_start3A_39 = tpu.memref_slice %arg6[%dma_start3A_28, %dma_start3A_37, %dma_start3A_38] : memref<2x2x128xi32, #tpu.memory_space<vmem>> -> memref<1x2x128xi32, #tpu.memory_space<vmem>>
    %dma_start3A_40 = tpu.memref_squeeze %dma_start3A_39 : memref<1x2x128xi32, #tpu.memory_space<vmem>> -> memref<2x128xi32, #tpu.memory_space<vmem>>
    %dma_start3A_41 = arith.constant 0 : i32
    %dma_start3A_42 = arith.constant 0 : i32
    %dma_start3A_43 = tpu.memref_slice %arg4[%add3A, %dma_start3A_27, %dma_start3A_41, %dma_start3A_42] : memref<32x80x2x128xi32, #tpu.memory_space<hbm>> -> memref<1x1x2x128xi32, #tpu.memory_space<hbm>>
    %dma_start3A_44 = tpu.memref_squeeze %dma_start3A_43 : memref<1x1x2x128xi32, #tpu.memory_space<hbm>> -> memref<2x128xi32, #tpu.memory_space<hbm>>
    tpu.enqueue_dma source(%dma_start3A_44 : memref<2x128xi32, #tpu.memory_space<hbm>>) target(%dma_start3A_40 : memref<2x128xi32, #tpu.memory_space<vmem>>) target_semaphore(%arg13 : memref<!tpu.dma_semaphore, #tpu.memory_space<semaphore_mem>>)
    %barrier3A = arith.constant 0 : index
    tpu.barrier barrier_id(%barrier3A)
    %dma_wait3A = arith.constant 0 : i32
    %dma_wait3A_45 = arith.constant 0 : i32
    %dma_wait3A_46 = arith.constant 0 : i32
    %dma_wait3A_47 = arith.constant 0 : i32
    %dma_wait3A_48 = tpu.memref_slice %arg6[%dma_wait3A_45, %dma_wait3A_46, %dma_wait3A_47] : memref<2x2x128xi32, #tpu.memory_space<vmem>> -> memref<1x2x128xi32, #tpu.memory_space<vmem>>
    %dma_wait3A_49 = tpu.memref_squeeze %dma_wait3A_48 : memref<1x2x128xi32, #tpu.memory_space<vmem>> -> memref<2x128xi32, #tpu.memory_space<vmem>>
    %dma_wait3A_50 = arith.constant 0 : i32
    %dma_wait3A_51 = arith.constant 0 : i32
    %dma_wait3A_52 = tpu.memref_slice %arg4[%add3A, %dma_wait3A, %dma_wait3A_50, %dma_wait3A_51] : memref<32x80x2x128xi32, #tpu.memory_space<hbm>> -> memref<1x1x2x128xi32, #tpu.memory_space<hbm>>
    %dma_wait3A_53 = tpu.memref_squeeze %dma_wait3A_52 : memref<1x1x2x128xi32, #tpu.memory_space<hbm>> -> memref<2x128xi32, #tpu.memory_space<hbm>>
    %dma_wait3A_54 = arith.constant 0 : i32
    %dma_wait3A_55 = arith.constant 0 : i32
    %dma_wait3A_56 = tpu.memref_slice %arg6[%dma_wait3A_45, %dma_wait3A_54, %dma_wait3A_55] : memref<2x2x128xi32, #tpu.memory_space<vmem>> -> memref<1x2x128xi32, #tpu.memory_space<vmem>>
    %dma_wait3A_57 = tpu.memref_squeeze %dma_wait3A_56 : memref<1x2x128xi32, #tpu.memory_space<vmem>> -> memref<2x128xi32, #tpu.memory_space<vmem>>
    %dma_wait3A_58 = arith.constant 0 : i32
    %dma_wait3A_59 = arith.constant 0 : i32
    %dma_wait3A_60 = tpu.memref_slice %arg4[%add3A, %dma_wait3A, %dma_wait3A_58, %dma_wait3A_59] : memref<32x80x2x128xi32, #tpu.memory_space<hbm>> -> memref<1x1x2x128xi32, #tpu.memory_space<hbm>>
    %dma_wait3A_61 = tpu.memref_squeeze %dma_wait3A_60 : memref<1x1x2x128xi32, #tpu.memory_space<hbm>> -> memref<2x128xi32, #tpu.memory_space<hbm>>
    tpu.wait_dma2 semaphore(%arg12 : memref<!tpu.dma_semaphore, #tpu.memory_space<semaphore_mem>>) src(%dma_wait3A_61 : memref<2x128xi32, #tpu.memory_space<hbm>>) dst(%dma_wait3A_57 : memref<2x128xi32, #tpu.memory_space<vmem>>)
    %dma_start3A_62 = arith.constant 0 : i32
    %dma_start3A_63 = arith.constant 0 : i32
    %dma_start3A_64 = arith.constant 0 : i32
    %dma_start3A_65 = tpu.memref_slice %arg6[%dma_start3A_62, %dma_start3A_63, %dma_start3A_64] : memref<2x2x128xi32, #tpu.memory_space<vmem>> -> memref<1x1x128xi32, #tpu.memory_space<vmem>>
    %dma_start3A_66 = tpu.memref_squeeze %dma_start3A_65 : memref<1x1x128xi32, #tpu.memory_space<vmem>> -> memref<128xi32, #tpu.memory_space<vmem>>
    %dma_start3A_67 = arith.constant 0 : i32
    %dma_start3A_68 = arith.constant 0 : i32
    %dma_start3A_69 = tpu.memref_slice %arg2[%dma_start3A_67, %dma_start3A_68] : memref<10240x128xf32, #tpu.memory_space<hbm>> -> memref<10240x128xf32, #tpu.memory_space<hbm>>
    tpu.enqueue_indirect_dma source(%dma_start3A_69 : memref<10240x128xf32, #tpu.memory_space<hbm>>) target(%arg7 : memref<128x128xf32, #tpu.memory_space<vmem>>) offsets(%dma_start3A_66 : memref<128xi32, #tpu.memory_space<vmem>>) semaphore(%arg10 : memref<!tpu.dma_semaphore, #tpu.memory_space<semaphore_mem>>)
    %scan3A = arith.constant 0 : i32
    %scan3A_70 = arith.constant 0 : i32
    %scan3A_71 = arith.constant 40 : i32
    %scan3A_72 = arith.addi %scan3A_70, %scan3A_71 : i32
    %scan3A_73 = arith.constant 1 : i32
    scf.for %scan3A_76 = %scan3A_70 to %scan3A_72 step %scan3A_73  : i32 {
      %mul3A_77 = arith.constant 2 : i32
      %mul3A_78 = arith.muli %mul3A_77, %scan3A_76 : i32
      %dma_wait3A_79 = arith.constant 0 : i32
      %dma_wait3A_80 = arith.constant 1 : i32
      %dma_wait3A_81 = arith.constant 0 : i32
      %dma_wait3A_82 = arith.constant 0 : i32
      %dma_wait3A_83 = tpu.memref_slice %arg6[%dma_wait3A_80, %dma_wait3A_81, %dma_wait3A_82] : memref<2x2x128xi32, #tpu.memory_space<vmem>> -> memref<1x2x128xi32, #tpu.memory_space<vmem>>
      %dma_wait3A_84 = tpu.memref_squeeze %dma_wait3A_83 : memref<1x2x128xi32, #tpu.memory_space<vmem>> -> memref<2x128xi32, #tpu.memory_space<vmem>>
      %dma_wait3A_85 = arith.constant 0 : i32
      %dma_wait3A_86 = arith.constant 0 : i32
      %dma_wait3A_87 = tpu.memref_slice %arg4[%add3A, %dma_wait3A_79, %dma_wait3A_85, %dma_wait3A_86] : memref<32x80x2x128xi32, #tpu.memory_space<hbm>> -> memref<1x1x2x128xi32, #tpu.memory_space<hbm>>
      %dma_wait3A_88 = tpu.memref_squeeze %dma_wait3A_87 : memref<1x1x2x128xi32, #tpu.memory_space<hbm>> -> memref<2x128xi32, #tpu.memory_space<hbm>>
      %dma_wait3A_89 = arith.constant 0 : i32
      %dma_wait3A_90 = arith.constant 0 : i32
      %dma_wait3A_91 = tpu.memref_slice %arg6[%dma_wait3A_80, %dma_wait3A_89, %dma_wait3A_90] : memref<2x2x128xi32, #tpu.memory_space<vmem>> -> memref<1x2x128xi32, #tpu.memory_space<vmem>>
      %dma_wait3A_92 = tpu.memref_squeeze %dma_wait3A_91 : memref<1x2x128xi32, #tpu.memory_space<vmem>> -> memref<2x128xi32, #tpu.memory_space<vmem>>
      %dma_wait3A_93 = arith.constant 0 : i32
      %dma_wait3A_94 = arith.constant 0 : i32
      %dma_wait3A_95 = tpu.memref_slice %arg4[%add3A, %dma_wait3A_79, %dma_wait3A_93, %dma_wait3A_94] : memref<32x80x2x128xi32, #tpu.memory_space<hbm>> -> memref<1x1x2x128xi32, #tpu.memory_space<hbm>>
      %dma_wait3A_96 = tpu.memref_squeeze %dma_wait3A_95 : memref<1x1x2x128xi32, #tpu.memory_space<hbm>> -> memref<2x128xi32, #tpu.memory_space<hbm>>
      tpu.wait_dma2 semaphore(%arg13 : memref<!tpu.dma_semaphore, #tpu.memory_space<semaphore_mem>>) src(%dma_wait3A_96 : memref<2x128xi32, #tpu.memory_space<hbm>>) dst(%dma_wait3A_92 : memref<2x128xi32, #tpu.memory_space<vmem>>)
      %dma_wait3A_97 = arith.constant 0 : i32
      %dma_wait3A_98 = arith.constant 0 : i32
      %dma_wait3A_99 = arith.constant 0 : i32
      %dma_wait3A_100 = tpu.memref_slice %arg6[%dma_wait3A_97, %dma_wait3A_98, %dma_wait3A_99] : memref<2x2x128xi32, #tpu.memory_space<vmem>> -> memref<1x1x128xi32, #tpu.memory_space<vmem>>
      %dma_wait3A_101 = tpu.memref_squeeze %dma_wait3A_100 : memref<1x1x128xi32, #tpu.memory_space<vmem>> -> memref<128xi32, #tpu.memory_space<vmem>>
      %dma_wait3A_102 = arith.constant 0 : i32
      %dma_wait3A_103 = arith.constant 0 : i32
      %dma_wait3A_104 = tpu.memref_slice %arg2[%dma_wait3A_102, %dma_wait3A_103] : memref<10240x128xf32, #tpu.memory_space<hbm>> -> memref<10240x128xf32, #tpu.memory_space<hbm>>
      tpu.wait_indirect_dma semaphore(%arg10 : memref<!tpu.dma_semaphore, #tpu.memory_space<semaphore_mem>>) src(%dma_wait3A_104 : memref<10240x128xf32, #tpu.memory_space<hbm>>) dst(%arg7 : memref<128x128xf32, #tpu.memory_space<vmem>>)
      %dma_start3A_105 = arith.constant 1 : i32
      %dma_start3A_106 = arith.constant 0 : i32
      %dma_start3A_107 = arith.constant 0 : i32
      %dma_start3A_108 = tpu.memref_slice %arg6[%dma_start3A_105, %dma_start3A_106, %dma_start3A_107] : memref<2x2x128xi32, #tpu.memory_space<vmem>> -> memref<1x1x128xi32, #tpu.memory_space<vmem>>
      %dma_start3A_109 = tpu.memref_squeeze %dma_start3A_108 : memref<1x1x128xi32, #tpu.memory_space<vmem>> -> memref<128xi32, #tpu.memory_space<vmem>>
      %dma_start3A_110 = arith.constant 0 : i32
      %dma_start3A_111 = arith.constant 0 : i32
      %dma_start3A_112 = tpu.memref_slice %arg2[%dma_start3A_110, %dma_start3A_111] : memref<10240x128xf32, #tpu.memory_space<hbm>> -> memref<10240x128xf32, #tpu.memory_space<hbm>>
      tpu.enqueue_indirect_dma source(%dma_start3A_112 : memref<10240x128xf32, #tpu.memory_space<hbm>>) target(%arg8 : memref<128x128xf32, #tpu.memory_space<vmem>>) offsets(%dma_start3A_109 : memref<128xi32, #tpu.memory_space<vmem>>) semaphore(%arg11 : memref<!tpu.dma_semaphore, #tpu.memory_space<semaphore_mem>>)
      %run_scoped3A = arith.constant 0 : i32
      %run_scoped3A_113 = arith.constant 1 : i32
      "tpu.region"() ({
        %run_scoped3A_138 = tpu.sem_alloc : memref<!tpu.dma_semaphore, #tpu.memory_space<semaphore_mem>>
        %dma_start3A_139 = arith.constant 0 : i32
        %dma_start3A_140 = tpu.memref_slice %arg6[%run_scoped3A, %run_scoped3A_113, %dma_start3A_139] : memref<2x2x128xi32, #tpu.memory_space<vmem>> -> memref<1x1x128xi32, #tpu.memory_space<vmem>>
        %dma_start3A_141 = tpu.memref_squeeze %dma_start3A_140 : memref<1x1x128xi32, #tpu.memory_space<vmem>> -> memref<128xi32, #tpu.memory_space<vmem>>
        %dma_start3A_142 = arith.constant 0 : i32
        %dma_start3A_143 = arith.constant 0 : i32
        %dma_start3A_144 = tpu.memref_slice %arg9[%dma_start3A_142, %dma_start3A_143] : memref<10240x128xf32, #tpu.memory_space<vmem_shared>> -> memref<10240x128xf32, #tpu.memory_space<vmem_shared>>
        tpu.enqueue_indirect_dma source(%arg7 : memref<128x128xf32, #tpu.memory_space<vmem>>) target(%dma_start3A_144 : memref<10240x128xf32, #tpu.memory_space<vmem_shared>>) offsets(%dma_start3A_141 : memref<128xi32, #tpu.memory_space<vmem>>) semaphore(%run_scoped3A_138 : memref<!tpu.dma_semaphore, #tpu.memory_space<semaphore_mem>>) {add = true}
        %dma_wait3A_145 = arith.constant 0 : i32
        %dma_wait3A_146 = tpu.memref_slice %arg6[%run_scoped3A, %run_scoped3A_113, %dma_wait3A_145] : memref<2x2x128xi32, #tpu.memory_space<vmem>> -> memref<1x1x128xi32, #tpu.memory_space<vmem>>
        %dma_wait3A_147 = tpu.memref_squeeze %dma_wait3A_146 : memref<1x1x128xi32, #tpu.memory_space<vmem>> -> memref<128xi32, #tpu.memory_space<vmem>>
        %dma_wait3A_148 = arith.constant 0 : i32
        %dma_wait3A_149 = arith.constant 0 : i32
        %dma_wait3A_150 = tpu.memref_slice %arg9[%dma_wait3A_148, %dma_wait3A_149] : memref<10240x128xf32, #tpu.memory_space<vmem_shared>> -> memref<10240x128xf32, #tpu.memory_space<vmem_shared>>
        tpu.wait_indirect_dma semaphore(%run_scoped3A_138 : memref<!tpu.dma_semaphore, #tpu.memory_space<semaphore_mem>>) src(%arg7 : memref<128x128xf32, #tpu.memory_space<vmem>>) dst(%dma_wait3A_150 : memref<10240x128xf32, #tpu.memory_space<vmem_shared>>)
        tpu.yield
      }) : () -> ()
      %lt3A = arith.constant 39 : i32
      %lt3A_114 = arith.cmpi slt, %scan3A_76, %lt3A : i32
      %convert_element_type3A_115 = arith.extui %lt3A_114 : i1 to i32
      %cond3A_116 = arith.constant 0 : i32
      %cond3A_117 = arith.cmpi ne, %convert_element_type3A_115, %cond3A_116 : i32
      scf.if %cond3A_117 {
        %add3A_138 = arith.constant 2 : i32
        %add3A_139 = arith.addi %mul3A_78, %add3A_138 : i32
        %dma_start3A_140 = arith.constant 0 : i32
        %dma_start3A_141 = arith.constant 0 : i32
        %dma_start3A_142 = arith.constant 0 : i32
        %dma_start3A_143 = tpu.memref_slice %arg6[%dma_start3A_140, %dma_start3A_141, %dma_start3A_142] : memref<2x2x128xi32, #tpu.memory_space<vmem>> -> memref<1x2x128xi32, #tpu.memory_space<vmem>>
        %dma_start3A_144 = tpu.memref_squeeze %dma_start3A_143 : memref<1x2x128xi32, #tpu.memory_space<vmem>> -> memref<2x128xi32, #tpu.memory_space<vmem>>
        %dma_start3A_145 = arith.constant 0 : i32
        %dma_start3A_146 = arith.constant 0 : i32
        %dma_start3A_147 = tpu.memref_slice %arg4[%add3A, %add3A_139, %dma_start3A_145, %dma_start3A_146] : memref<32x80x2x128xi32, #tpu.memory_space<hbm>> -> memref<1x1x2x128xi32, #tpu.memory_space<hbm>>
        %dma_start3A_148 = tpu.memref_squeeze %dma_start3A_147 : memref<1x1x2x128xi32, #tpu.memory_space<hbm>> -> memref<2x128xi32, #tpu.memory_space<hbm>>
        %dma_start3A_149 = arith.constant 0 : i32
        %dma_start3A_150 = arith.constant 0 : i32
        %dma_start3A_151 = tpu.memref_slice %arg6[%dma_start3A_140, %dma_start3A_149, %dma_start3A_150] : memref<2x2x128xi32, #tpu.memory_space<vmem>> -> memref<1x2x128xi32, #tpu.memory_space<vmem>>
        %dma_start3A_152 = tpu.memref_squeeze %dma_start3A_151 : memref<1x2x128xi32, #tpu.memory_space<vmem>> -> memref<2x128xi32, #tpu.memory_space<vmem>>
        %dma_start3A_153 = arith.constant 0 : i32
        %dma_start3A_154 = arith.constant 0 : i32
        %dma_start3A_155 = tpu.memref_slice %arg4[%add3A, %add3A_139, %dma_start3A_153, %dma_start3A_154] : memref<32x80x2x128xi32, #tpu.memory_space<hbm>> -> memref<1x1x2x128xi32, #tpu.memory_space<hbm>>
        %dma_start3A_156 = tpu.memref_squeeze %dma_start3A_155 : memref<1x1x2x128xi32, #tpu.memory_space<hbm>> -> memref<2x128xi32, #tpu.memory_space<hbm>>
        tpu.enqueue_dma source(%dma_start3A_156 : memref<2x128xi32, #tpu.memory_space<hbm>>) target(%dma_start3A_152 : memref<2x128xi32, #tpu.memory_space<vmem>>) target_semaphore(%arg12 : memref<!tpu.dma_semaphore, #tpu.memory_space<semaphore_mem>>)
      } else {
      }
      %dma_wait3A_118 = arith.constant 1 : i32
      %dma_wait3A_119 = arith.constant 0 : i32
      %dma_wait3A_120 = arith.constant 0 : i32
      %dma_wait3A_121 = tpu.memref_slice %arg6[%dma_wait3A_118, %dma_wait3A_119, %dma_wait3A_120] : memref<2x2x128xi32, #tpu.memory_space<vmem>> -> memref<1x1x128xi32, #tpu.memory_space<vmem>>
      %dma_wait3A_122 = tpu.memref_squeeze %dma_wait3A_121 : memref<1x1x128xi32, #tpu.memory_space<vmem>> -> memref<128xi32, #tpu.memory_space<vmem>>
      %dma_wait3A_123 = arith.constant 0 : i32
      %dma_wait3A_124 = arith.constant 0 : i32
      %dma_wait3A_125 = tpu.memref_slice %arg2[%dma_wait3A_123, %dma_wait3A_124] : memref<10240x128xf32, #tpu.memory_space<hbm>> -> memref<10240x128xf32, #tpu.memory_space<hbm>>
      tpu.wait_indirect_dma semaphore(%arg11 : memref<!tpu.dma_semaphore, #tpu.memory_space<semaphore_mem>>) src(%dma_wait3A_125 : memref<10240x128xf32, #tpu.memory_space<hbm>>) dst(%arg8 : memref<128x128xf32, #tpu.memory_space<vmem>>)
      %lt3A_126 = arith.constant 39 : i32
      %lt3A_127 = arith.cmpi slt, %scan3A_76, %lt3A_126 : i32
      %convert_element_type3A_128 = arith.extui %lt3A_127 : i1 to i32
      %cond3A_129 = arith.constant 0 : i32
      %cond3A_130 = arith.cmpi ne, %convert_element_type3A_128, %cond3A_129 : i32
      scf.if %cond3A_130 {
        %dma_wait3A_138 = arith.constant 0 : i32
        %dma_wait3A_139 = arith.constant 0 : i32
        %dma_wait3A_140 = arith.constant 0 : i32
        %dma_wait3A_141 = arith.constant 0 : i32
        %dma_wait3A_142 = tpu.memref_slice %arg6[%dma_wait3A_139, %dma_wait3A_140, %dma_wait3A_141] : memref<2x2x128xi32, #tpu.memory_space<vmem>> -> memref<1x2x128xi32, #tpu.memory_space<vmem>>
        %dma_wait3A_143 = tpu.memref_squeeze %dma_wait3A_142 : memref<1x2x128xi32, #tpu.memory_space<vmem>> -> memref<2x128xi32, #tpu.memory_space<vmem>>
        %dma_wait3A_144 = arith.constant 0 : i32
        %dma_wait3A_145 = arith.constant 0 : i32
        %dma_wait3A_146 = tpu.memref_slice %arg4[%add3A, %dma_wait3A_138, %dma_wait3A_144, %dma_wait3A_145] : memref<32x80x2x128xi32, #tpu.memory_space<hbm>> -> memref<1x1x2x128xi32, #tpu.memory_space<hbm>>
        %dma_wait3A_147 = tpu.memref_squeeze %dma_wait3A_146 : memref<1x1x2x128xi32, #tpu.memory_space<hbm>> -> memref<2x128xi32, #tpu.memory_space<hbm>>
        %dma_wait3A_148 = arith.constant 0 : i32
        %dma_wait3A_149 = arith.constant 0 : i32
        %dma_wait3A_150 = tpu.memref_slice %arg6[%dma_wait3A_139, %dma_wait3A_148, %dma_wait3A_149] : memref<2x2x128xi32, #tpu.memory_space<vmem>> -> memref<1x2x128xi32, #tpu.memory_space<vmem>>
        %dma_wait3A_151 = tpu.memref_squeeze %dma_wait3A_150 : memref<1x2x128xi32, #tpu.memory_space<vmem>> -> memref<2x128xi32, #tpu.memory_space<vmem>>
        %dma_wait3A_152 = arith.constant 0 : i32
        %dma_wait3A_153 = arith.constant 0 : i32
        %dma_wait3A_154 = tpu.memref_slice %arg4[%add3A, %dma_wait3A_138, %dma_wait3A_152, %dma_wait3A_153] : memref<32x80x2x128xi32, #tpu.memory_space<hbm>> -> memref<1x1x2x128xi32, #tpu.memory_space<hbm>>
        %dma_wait3A_155 = tpu.memref_squeeze %dma_wait3A_154 : memref<1x1x2x128xi32, #tpu.memory_space<hbm>> -> memref<2x128xi32, #tpu.memory_space<hbm>>
        tpu.wait_dma2 semaphore(%arg12 : memref<!tpu.dma_semaphore, #tpu.memory_space<semaphore_mem>>) src(%dma_wait3A_155 : memref<2x128xi32, #tpu.memory_space<hbm>>) dst(%dma_wait3A_151 : memref<2x128xi32, #tpu.memory_space<vmem>>)
        %dma_start3A_156 = arith.constant 0 : i32
        %dma_start3A_157 = arith.constant 0 : i32
        %dma_start3A_158 = arith.constant 0 : i32
        %dma_start3A_159 = tpu.memref_slice %arg6[%dma_start3A_156, %dma_start3A_157, %dma_start3A_158] : memref<2x2x128xi32, #tpu.memory_space<vmem>> -> memref<1x1x128xi32, #tpu.memory_space<vmem>>
        %dma_start3A_160 = tpu.memref_squeeze %dma_start3A_159 : memref<1x1x128xi32, #tpu.memory_space<vmem>> -> memref<128xi32, #tpu.memory_space<vmem>>
        %dma_start3A_161 = arith.constant 0 : i32
        %dma_start3A_162 = arith.constant 0 : i32
        %dma_start3A_163 = tpu.memref_slice %arg2[%dma_start3A_161, %dma_start3A_162] : memref<10240x128xf32, #tpu.memory_space<hbm>> -> memref<10240x128xf32, #tpu.memory_space<hbm>>
        tpu.enqueue_indirect_dma source(%dma_start3A_163 : memref<10240x128xf32, #tpu.memory_space<hbm>>) target(%arg7 : memref<128x128xf32, #tpu.memory_space<vmem>>) offsets(%dma_start3A_160 : memref<128xi32, #tpu.memory_space<vmem>>) semaphore(%arg10 : memref<!tpu.dma_semaphore, #tpu.memory_space<semaphore_mem>>)
      } else {
      }
      %run_scoped3A_131 = arith.constant 1 : i32
      %run_scoped3A_132 = arith.constant 1 : i32
      "tpu.region"() ({
        %run_scoped3A_138 = tpu.sem_alloc : memref<!tpu.dma_semaphore, #tpu.memory_space<semaphore_mem>>
        %dma_start3A_139 = arith.constant 0 : i32
        %dma_start3A_140 = tpu.memref_slice %arg6[%run_scoped3A_131, %run_scoped3A_132, %dma_start3A_139] : memref<2x2x128xi32, #tpu.memory_space<vmem>> -> memref<1x1x128xi32, #tpu.memory_space<vmem>>
        %dma_start3A_141 = tpu.memref_squeeze %dma_start3A_140 : memref<1x1x128xi32, #tpu.memory_space<vmem>> -> memref<128xi32, #tpu.memory_space<vmem>>
        %dma_start3A_142 = arith.constant 0 : i32
        %dma_start3A_143 = arith.constant 0 : i32
        %dma_start3A_144 = tpu.memref_slice %arg9[%dma_start3A_142, %dma_start3A_143] : memref<10240x128xf32, #tpu.memory_space<vmem_shared>> -> memref<10240x128xf32, #tpu.memory_space<vmem_shared>>
        tpu.enqueue_indirect_dma source(%arg8 : memref<128x128xf32, #tpu.memory_space<vmem>>) target(%dma_start3A_144 : memref<10240x128xf32, #tpu.memory_space<vmem_shared>>) offsets(%dma_start3A_141 : memref<128xi32, #tpu.memory_space<vmem>>) semaphore(%run_scoped3A_138 : memref<!tpu.dma_semaphore, #tpu.memory_space<semaphore_mem>>) {add = true}
        %dma_wait3A_145 = arith.constant 0 : i32
        %dma_wait3A_146 = tpu.memref_slice %arg6[%run_scoped3A_131, %run_scoped3A_132, %dma_wait3A_145] : memref<2x2x128xi32, #tpu.memory_space<vmem>> -> memref<1x1x128xi32, #tpu.memory_space<vmem>>
        %dma_wait3A_147 = tpu.memref_squeeze %dma_wait3A_146 : memref<1x1x128xi32, #tpu.memory_space<vmem>> -> memref<128xi32, #tpu.memory_space<vmem>>
        %dma_wait3A_148 = arith.constant 0 : i32
        %dma_wait3A_149 = arith.constant 0 : i32
        %dma_wait3A_150 = tpu.memref_slice %arg9[%dma_wait3A_148, %dma_wait3A_149] : memref<10240x128xf32, #tpu.memory_space<vmem_shared>> -> memref<10240x128xf32, #tpu.memory_space<vmem_shared>>
        tpu.wait_indirect_dma semaphore(%run_scoped3A_138 : memref<!tpu.dma_semaphore, #tpu.memory_space<semaphore_mem>>) src(%arg8 : memref<128x128xf32, #tpu.memory_space<vmem>>) dst(%dma_wait3A_150 : memref<10240x128xf32, #tpu.memory_space<vmem_shared>>)
        tpu.yield
      }) : () -> ()
      %lt3A_133 = arith.constant 39 : i32
      %lt3A_134 = arith.cmpi slt, %scan3A_76, %lt3A_133 : i32
      %convert_element_type3A_135 = arith.extui %lt3A_134 : i1 to i32
      %cond3A_136 = arith.constant 0 : i32
      %cond3A_137 = arith.cmpi ne, %convert_element_type3A_135, %cond3A_136 : i32
      scf.if %cond3A_137 {
        %add3A_138 = arith.constant 3 : i32
        %add3A_139 = arith.addi %mul3A_78, %add3A_138 : i32
        %dma_start3A_140 = arith.constant 1 : i32
        %dma_start3A_141 = arith.constant 0 : i32
        %dma_start3A_142 = arith.constant 0 : i32
        %dma_start3A_143 = tpu.memref_slice %arg6[%dma_start3A_140, %dma_start3A_141, %dma_start3A_142] : memref<2x2x128xi32, #tpu.memory_space<vmem>> -> memref<1x2x128xi32, #tpu.memory_space<vmem>>
        %dma_start3A_144 = tpu.memref_squeeze %dma_start3A_143 : memref<1x2x128xi32, #tpu.memory_space<vmem>> -> memref<2x128xi32, #tpu.memory_space<vmem>>
        %dma_start3A_145 = arith.constant 0 : i32
        %dma_start3A_146 = arith.constant 0 : i32
        %dma_start3A_147 = tpu.memref_slice %arg4[%add3A, %add3A_139, %dma_start3A_145, %dma_start3A_146] : memref<32x80x2x128xi32, #tpu.memory_space<hbm>> -> memref<1x1x2x128xi32, #tpu.memory_space<hbm>>
        %dma_start3A_148 = tpu.memref_squeeze %dma_start3A_147 : memref<1x1x2x128xi32, #tpu.memory_space<hbm>> -> memref<2x128xi32, #tpu.memory_space<hbm>>
        %dma_start3A_149 = arith.constant 0 : i32
        %dma_start3A_150 = arith.constant 0 : i32
        %dma_start3A_151 = tpu.memref_slice %arg6[%dma_start3A_140, %dma_start3A_149, %dma_start3A_150] : memref<2x2x128xi32, #tpu.memory_space<vmem>> -> memref<1x2x128xi32, #tpu.memory_space<vmem>>
        %dma_start3A_152 = tpu.memref_squeeze %dma_start3A_151 : memref<1x2x128xi32, #tpu.memory_space<vmem>> -> memref<2x128xi32, #tpu.memory_space<vmem>>
        %dma_start3A_153 = arith.constant 0 : i32
        %dma_start3A_154 = arith.constant 0 : i32
        %dma_start3A_155 = tpu.memref_slice %arg4[%add3A, %add3A_139, %dma_start3A_153, %dma_start3A_154] : memref<32x80x2x128xi32, #tpu.memory_space<hbm>> -> memref<1x1x2x128xi32, #tpu.memory_space<hbm>>
        %dma_start3A_156 = tpu.memref_squeeze %dma_start3A_155 : memref<1x1x2x128xi32, #tpu.memory_space<hbm>> -> memref<2x128xi32, #tpu.memory_space<hbm>>
        tpu.enqueue_dma source(%dma_start3A_156 : memref<2x128xi32, #tpu.memory_space<hbm>>) target(%dma_start3A_152 : memref<2x128xi32, #tpu.memory_space<vmem>>) target_semaphore(%arg13 : memref<!tpu.dma_semaphore, #tpu.memory_space<semaphore_mem>>)
      } else {
      }
    }
    %scan3A_74 = arith.constant 40 : i32
    %barrier3A_75 = arith.constant 0 : index
    tpu.barrier barrier_id(%barrier3A_75)
    "tpu.region"() ({
      %run_scoped3A = tpu.sem_alloc : memref<!tpu.dma_semaphore, #tpu.memory_space<semaphore_mem>>
      %dma_start3A_76 = arith.constant 0 : i32
      %dma_start3A_77 = tpu.memref_slice %arg5[%arg0, %mul3A_2, %dma_start3A_76] : memref<2x10240x128xf32, #tpu.memory_space<hbm>> -> memref<1x640x128xf32, #tpu.memory_space<hbm>>
      %dma_start3A_78 = tpu.memref_squeeze %dma_start3A_77 : memref<1x640x128xf32, #tpu.memory_space<hbm>> -> memref<640x128xf32, #tpu.memory_space<hbm>>
      %dma_start3A_79 = arith.constant 0 : i32
      %dma_start3A_80 = tpu.memref_slice %arg9[%mul3A_2, %dma_start3A_79] : memref<10240x128xf32, #tpu.memory_space<vmem_shared>> -> memref<640x128xf32, #tpu.memory_space<vmem_shared>>
      tpu.enqueue_dma source(%dma_start3A_80 : memref<640x128xf32, #tpu.memory_space<vmem_shared>>) target(%dma_start3A_78 : memref<640x128xf32, #tpu.memory_space<hbm>>) target_semaphore(%run_scoped3A : memref<!tpu.dma_semaphore, #tpu.memory_space<semaphore_mem>>)
      %dma_wait3A_81 = arith.constant 0 : i32
      %dma_wait3A_82 = tpu.memref_slice %arg5[%arg0, %mul3A_2, %dma_wait3A_81] : memref<2x10240x128xf32, #tpu.memory_space<hbm>> -> memref<1x640x128xf32, #tpu.memory_space<hbm>>
      %dma_wait3A_83 = tpu.memref_squeeze %dma_wait3A_82 : memref<1x640x128xf32, #tpu.memory_space<hbm>> -> memref<640x128xf32, #tpu.memory_space<hbm>>
      %dma_wait3A_84 = arith.constant 0 : i32
      %dma_wait3A_85 = tpu.memref_slice %arg9[%mul3A_2, %dma_wait3A_84] : memref<10240x128xf32, #tpu.memory_space<vmem_shared>> -> memref<640x128xf32, #tpu.memory_space<vmem_shared>>
      tpu.wait_dma2 semaphore(%run_scoped3A : memref<!tpu.dma_semaphore, #tpu.memory_space<semaphore_mem>>) src(%dma_wait3A_85 : memref<640x128xf32, #tpu.memory_space<vmem_shared>>) dst(%dma_wait3A_83 : memref<640x128xf32, #tpu.memory_space<hbm>>)
      tpu.yield
    }) : () -> ()
    return
  }
}

#map = affine_map<(d0, d1) -> (0, 0, 0)>
#map1 = affine_map<(d0, d1) -> (0)>
#map2 = affine_map<(d0, d1) -> (0, 0)>
module attributes {stable_mosaic.version = 14 : i64} {
  func.func @_deg_kernel(%arg0: i32, %arg1: i32, %arg2: memref<32x80x128xi32, #tpu.memory_space<hbm>>, %arg3: memref<10240xf32, #tpu.memory_space<hbm>>, %arg4: memref<2x10240xf32, #tpu.memory_space<hbm>>, %arg5: memref<80x128xi32, #tpu.memory_space<vmem>>, %arg6: memref<128xf32, #tpu.memory_space<vmem>>, %arg7: memref<10240xf32, #tpu.memory_space<vmem_shared>>) attributes {dimension_semantics = [#tpu.dimension_semantics<core_parallel>, #tpu.dimension_semantics<subcore_parallel>], iteration_bounds = array<i64: 2, 16>, scalar_prefetch = 0 : i64, scratch_operands = 3 : i64, tpu.core_type = #tpu.core_type<sc_vector_subcore>, window_params = [{transform_indices = #map}, {transform_indices = #map1}, {transform_indices = #map2}]} {
    %mul3A = arith.constant 16 : i32
    %mul3A_0 = arith.muli %arg0, %mul3A : i32
    %add3A = arith.addi %mul3A_0, %arg1 : i32
    %mul3A_1 = arith.constant 640 : i32
    %mul3A_2 = arith.muli %arg1, %mul3A_1 : i32
    "tpu.region"() ({
      %run_scoped3A = tpu.sem_alloc : memref<!tpu.dma_semaphore, #tpu.memory_space<semaphore_mem>>
      %dma_start3A = arith.constant 0 : i32
      %dma_start3A_55 = arith.constant 0 : i32
      %dma_start3A_56 = tpu.memref_slice %arg2[%add3A, %dma_start3A, %dma_start3A_55] : memref<32x80x128xi32, #tpu.memory_space<hbm>> -> memref<1x80x128xi32, #tpu.memory_space<hbm>>
      %dma_start3A_57 = tpu.memref_squeeze %dma_start3A_56 : memref<1x80x128xi32, #tpu.memory_space<hbm>> -> memref<80x128xi32, #tpu.memory_space<hbm>>
      %dma_start3A_58 = arith.constant 0 : i32
      %dma_start3A_59 = arith.constant 0 : i32
      %dma_start3A_60 = tpu.memref_slice %arg2[%add3A, %dma_start3A_58, %dma_start3A_59] : memref<32x80x128xi32, #tpu.memory_space<hbm>> -> memref<1x80x128xi32, #tpu.memory_space<hbm>>
      %dma_start3A_61 = tpu.memref_squeeze %dma_start3A_60 : memref<1x80x128xi32, #tpu.memory_space<hbm>> -> memref<80x128xi32, #tpu.memory_space<hbm>>
      tpu.enqueue_dma source(%dma_start3A_61 : memref<80x128xi32, #tpu.memory_space<hbm>>) target(%arg5 : memref<80x128xi32, #tpu.memory_space<vmem>>) target_semaphore(%run_scoped3A : memref<!tpu.dma_semaphore, #tpu.memory_space<semaphore_mem>>)
      %dma_wait3A = arith.constant 0 : i32
      %dma_wait3A_62 = arith.constant 0 : i32
      %dma_wait3A_63 = tpu.memref_slice %arg2[%add3A, %dma_wait3A, %dma_wait3A_62] : memref<32x80x128xi32, #tpu.memory_space<hbm>> -> memref<1x80x128xi32, #tpu.memory_space<hbm>>
      %dma_wait3A_64 = tpu.memref_squeeze %dma_wait3A_63 : memref<1x80x128xi32, #tpu.memory_space<hbm>> -> memref<80x128xi32, #tpu.memory_space<hbm>>
      %dma_wait3A_65 = arith.constant 0 : i32
      %dma_wait3A_66 = arith.constant 0 : i32
      %dma_wait3A_67 = tpu.memref_slice %arg2[%add3A, %dma_wait3A_65, %dma_wait3A_66] : memref<32x80x128xi32, #tpu.memory_space<hbm>> -> memref<1x80x128xi32, #tpu.memory_space<hbm>>
      %dma_wait3A_68 = tpu.memref_squeeze %dma_wait3A_67 : memref<1x80x128xi32, #tpu.memory_space<hbm>> -> memref<80x128xi32, #tpu.memory_space<hbm>>
      tpu.wait_dma2 semaphore(%run_scoped3A : memref<!tpu.dma_semaphore, #tpu.memory_space<semaphore_mem>>) src(%dma_wait3A_68 : memref<80x128xi32, #tpu.memory_space<hbm>>) dst(%arg5 : memref<80x128xi32, #tpu.memory_space<vmem>>)
      tpu.yield
    }) : () -> ()
    %broadcast_in_dim3A = arith.constant 1.000000e+00 : f32
    %broadcast_in_dim3A_3 = vector.broadcast %broadcast_in_dim3A : f32 to vector<16xf32>
    %swap3A = arith.constant 0 : index
    %swap3A_4 = tpu.vector_load %arg6[%swap3A] {strides = array<i32>} : memref<128xf32, #tpu.memory_space<vmem>>, vector<16xf32>,
    %swap3A_5 = vector.shape_cast %swap3A_4 : vector<16xf32> to vector<16xf32>
    %swap3A_6 = vector.shape_cast %broadcast_in_dim3A_3 : vector<16xf32> to vector<16xf32>
    tpu.vector_store %arg6[%swap3A], %swap3A_6 {strides = array<i32>} : memref<128xf32, #tpu.memory_space<vmem>>, vector<16xf32>,
    %broadcast_in_dim3A_7 = arith.constant 1.000000e+00 : f32
    %broadcast_in_dim3A_8 = vector.broadcast %broadcast_in_dim3A_7 : f32 to vector<16xf32>
    %swap3A_9 = arith.constant 16 : index
    %swap3A_10 = tpu.vector_load %arg6[%swap3A_9] {strides = array<i32>} : memref<128xf32, #tpu.memory_space<vmem>>, vector<16xf32>,
    %swap3A_11 = vector.shape_cast %swap3A_10 : vector<16xf32> to vector<16xf32>
    %swap3A_12 = vector.shape_cast %broadcast_in_dim3A_8 : vector<16xf32> to vector<16xf32>
    tpu.vector_store %arg6[%swap3A_9], %swap3A_12 {strides = array<i32>} : memref<128xf32, #tpu.memory_space<vmem>>, vector<16xf32>,
    %broadcast_in_dim3A_13 = arith.constant 1.000000e+00 : f32
    %broadcast_in_dim3A_14 = vector.broadcast %broadcast_in_dim3A_13 : f32 to vector<16xf32>
    %swap3A_15 = arith.constant 32 : index
    %swap3A_16 = tpu.vector_load %arg6[%swap3A_15] {strides = array<i32>} : memref<128xf32, #tpu.memory_space<vmem>>, vector<16xf32>,
    %swap3A_17 = vector.shape_cast %swap3A_16 : vector<16xf32> to vector<16xf32>
    %swap3A_18 = vector.shape_cast %broadcast_in_dim3A_14 : vector<16xf32> to vector<16xf32>
    tpu.vector_store %arg6[%swap3A_15], %swap3A_18 {strides = array<i32>} : memref<128xf32, #tpu.memory_space<vmem>>, vector<16xf32>,
    %broadcast_in_dim3A_19 = arith.constant 1.000000e+00 : f32
    %broadcast_in_dim3A_20 = vector.broadcast %broadcast_in_dim3A_19 : f32 to vector<16xf32>
    %swap3A_21 = arith.constant 48 : index
    %swap3A_22 = tpu.vector_load %arg6[%swap3A_21] {strides = array<i32>} : memref<128xf32, #tpu.memory_space<vmem>>, vector<16xf32>,
    %swap3A_23 = vector.shape_cast %swap3A_22 : vector<16xf32> to vector<16xf32>
    %swap3A_24 = vector.shape_cast %broadcast_in_dim3A_20 : vector<16xf32> to vector<16xf32>
    tpu.vector_store %arg6[%swap3A_21], %swap3A_24 {strides = array<i32>} : memref<128xf32, #tpu.memory_space<vmem>>, vector<16xf32>,
    %broadcast_in_dim3A_25 = arith.constant 1.000000e+00 : f32
    %broadcast_in_dim3A_26 = vector.broadcast %broadcast_in_dim3A_25 : f32 to vector<16xf32>
    %swap3A_27 = arith.constant 64 : index
    %swap3A_28 = tpu.vector_load %arg6[%swap3A_27] {strides = array<i32>} : memref<128xf32, #tpu.memory_space<vmem>>, vector<16xf32>,
    %swap3A_29 = vector.shape_cast %swap3A_28 : vector<16xf32> to vector<16xf32>
    %swap3A_30 = vector.shape_cast %broadcast_in_dim3A_26 : vector<16xf32> to vector<16xf32>
    tpu.vector_store %arg6[%swap3A_27], %swap3A_30 {strides = array<i32>} : memref<128xf32, #tpu.memory_space<vmem>>, vector<16xf32>,
    %broadcast_in_dim3A_31 = arith.constant 1.000000e+00 : f32
    %broadcast_in_dim3A_32 = vector.broadcast %broadcast_in_dim3A_31 : f32 to vector<16xf32>
    %swap3A_33 = arith.constant 80 : index
    %swap3A_34 = tpu.vector_load %arg6[%swap3A_33] {strides = array<i32>} : memref<128xf32, #tpu.memory_space<vmem>>, vector<16xf32>,
    %swap3A_35 = vector.shape_cast %swap3A_34 : vector<16xf32> to vector<16xf32>
    %swap3A_36 = vector.shape_cast %broadcast_in_dim3A_32 : vector<16xf32> to vector<16xf32>
    tpu.vector_store %arg6[%swap3A_33], %swap3A_36 {strides = array<i32>} : memref<128xf32, #tpu.memory_space<vmem>>, vector<16xf32>,
    %broadcast_in_dim3A_37 = arith.constant 1.000000e+00 : f32
    %broadcast_in_dim3A_38 = vector.broadcast %broadcast_in_dim3A_37 : f32 to vector<16xf32>
    %swap3A_39 = arith.constant 96 : index
    %swap3A_40 = tpu.vector_load %arg6[%swap3A_39] {strides = array<i32>} : memref<128xf32, #tpu.memory_space<vmem>>, vector<16xf32>,
    %swap3A_41 = vector.shape_cast %swap3A_40 : vector<16xf32> to vector<16xf32>
    %swap3A_42 = vector.shape_cast %broadcast_in_dim3A_38 : vector<16xf32> to vector<16xf32>
    tpu.vector_store %arg6[%swap3A_39], %swap3A_42 {strides = array<i32>} : memref<128xf32, #tpu.memory_space<vmem>>, vector<16xf32>,
    %broadcast_in_dim3A_43 = arith.constant 1.000000e+00 : f32
    %broadcast_in_dim3A_44 = vector.broadcast %broadcast_in_dim3A_43 : f32 to vector<16xf32>
    %swap3A_45 = arith.constant 112 : index
    %swap3A_46 = tpu.vector_load %arg6[%swap3A_45] {strides = array<i32>} : memref<128xf32, #tpu.memory_space<vmem>>, vector<16xf32>,
    %swap3A_47 = vector.shape_cast %swap3A_46 : vector<16xf32> to vector<16xf32>
    %swap3A_48 = vector.shape_cast %broadcast_in_dim3A_44 : vector<16xf32> to vector<16xf32>
    tpu.vector_store %arg6[%swap3A_45], %swap3A_48 {strides = array<i32>} : memref<128xf32, #tpu.memory_space<vmem>>, vector<16xf32>,
    "tpu.region"() ({
      %run_scoped3A = tpu.sem_alloc : memref<!tpu.dma_semaphore, #tpu.memory_space<semaphore_mem>>
      %dma_start3A = tpu.memref_slice %arg7[%mul3A_2] : memref<10240xf32, #tpu.memory_space<vmem_shared>> -> memref<640xf32, #tpu.memory_space<vmem_shared>>
      %dma_start3A_55 = tpu.memref_slice %arg3[%mul3A_2] : memref<10240xf32, #tpu.memory_space<hbm>> -> memref<640xf32, #tpu.memory_space<hbm>>
      tpu.enqueue_dma source(%dma_start3A_55 : memref<640xf32, #tpu.memory_space<hbm>>) target(%dma_start3A : memref<640xf32, #tpu.memory_space<vmem_shared>>) target_semaphore(%run_scoped3A : memref<!tpu.dma_semaphore, #tpu.memory_space<semaphore_mem>>)
      %dma_wait3A = tpu.memref_slice %arg7[%mul3A_2] : memref<10240xf32, #tpu.memory_space<vmem_shared>> -> memref<640xf32, #tpu.memory_space<vmem_shared>>
      %dma_wait3A_56 = tpu.memref_slice %arg3[%mul3A_2] : memref<10240xf32, #tpu.memory_space<hbm>> -> memref<640xf32, #tpu.memory_space<hbm>>
      tpu.wait_dma2 semaphore(%run_scoped3A : memref<!tpu.dma_semaphore, #tpu.memory_space<semaphore_mem>>) src(%dma_wait3A_56 : memref<640xf32, #tpu.memory_space<hbm>>) dst(%dma_wait3A : memref<640xf32, #tpu.memory_space<vmem_shared>>)
      tpu.yield
    }) : () -> ()
    %barrier3A = arith.constant 0 : index
    tpu.barrier barrier_id(%barrier3A)
    %scan3A = arith.constant 0 : i32
    %scan3A_49 = arith.constant 0 : i32
    %scan3A_50 = arith.constant 80 : i32
    %scan3A_51 = arith.addi %scan3A_49, %scan3A_50 : i32
    %scan3A_52 = arith.constant 1 : i32
    scf.for %scan3A_55 = %scan3A_49 to %scan3A_51 step %scan3A_52  : i32 {
      "tpu.region"() ({
        %run_scoped3A = tpu.sem_alloc : memref<!tpu.dma_semaphore, #tpu.memory_space<semaphore_mem>>
        %dma_start3A = arith.constant 0 : i32
        %dma_start3A_56 = tpu.memref_slice %arg5[%scan3A_55, %dma_start3A] : memref<80x128xi32, #tpu.memory_space<vmem>> -> memref<1x128xi32, #tpu.memory_space<vmem>>
        %dma_start3A_57 = tpu.memref_squeeze %dma_start3A_56 : memref<1x128xi32, #tpu.memory_space<vmem>> -> memref<128xi32, #tpu.memory_space<vmem>>
        %dma_start3A_58 = arith.constant 0 : i32
        %dma_start3A_59 = tpu.memref_slice %arg7[%dma_start3A_58] : memref<10240xf32, #tpu.memory_space<vmem_shared>> -> memref<10240xf32, #tpu.memory_space<vmem_shared>>
        tpu.enqueue_indirect_dma source(%arg6 : memref<128xf32, #tpu.memory_space<vmem>>) target(%dma_start3A_59 : memref<10240xf32, #tpu.memory_space<vmem_shared>>) offsets(%dma_start3A_57 : memref<128xi32, #tpu.memory_space<vmem>>) semaphore(%run_scoped3A : memref<!tpu.dma_semaphore, #tpu.memory_space<semaphore_mem>>) {add = true}
        %dma_wait3A = arith.constant 0 : i32
        %dma_wait3A_60 = tpu.memref_slice %arg5[%scan3A_55, %dma_wait3A] : memref<80x128xi32, #tpu.memory_space<vmem>> -> memref<1x128xi32, #tpu.memory_space<vmem>>
        %dma_wait3A_61 = tpu.memref_squeeze %dma_wait3A_60 : memref<1x128xi32, #tpu.memory_space<vmem>> -> memref<128xi32, #tpu.memory_space<vmem>>
        %dma_wait3A_62 = arith.constant 0 : i32
        %dma_wait3A_63 = tpu.memref_slice %arg7[%dma_wait3A_62] : memref<10240xf32, #tpu.memory_space<vmem_shared>> -> memref<10240xf32, #tpu.memory_space<vmem_shared>>
        tpu.wait_indirect_dma semaphore(%run_scoped3A : memref<!tpu.dma_semaphore, #tpu.memory_space<semaphore_mem>>) src(%arg6 : memref<128xf32, #tpu.memory_space<vmem>>) dst(%dma_wait3A_63 : memref<10240xf32, #tpu.memory_space<vmem_shared>>)
        tpu.yield
      }) : () -> ()
    }
    %scan3A_53 = arith.constant 80 : i32
    %barrier3A_54 = arith.constant 0 : index
    tpu.barrier barrier_id(%barrier3A_54)
    "tpu.region"() ({
      %run_scoped3A = tpu.sem_alloc : memref<!tpu.dma_semaphore, #tpu.memory_space<semaphore_mem>>
      %dma_start3A = tpu.memref_slice %arg4[%arg0, %mul3A_2] : memref<2x10240xf32, #tpu.memory_space<hbm>> -> memref<1x640xf32, #tpu.memory_space<hbm>>
      %dma_start3A_55 = tpu.memref_squeeze %dma_start3A : memref<1x640xf32, #tpu.memory_space<hbm>> -> memref<640xf32, #tpu.memory_space<hbm>>
      %dma_start3A_56 = tpu.memref_slice %arg7[%mul3A_2] : memref<10240xf32, #tpu.memory_space<vmem_shared>> -> memref<640xf32, #tpu.memory_space<vmem_shared>>
      tpu.enqueue_dma source(%dma_start3A_56 : memref<640xf32, #tpu.memory_space<vmem_shared>>) target(%dma_start3A_55 : memref<640xf32, #tpu.memory_space<hbm>>) target_semaphore(%run_scoped3A : memref<!tpu.dma_semaphore, #tpu.memory_space<semaphore_mem>>)
      %dma_wait3A = tpu.memref_slice %arg4[%arg0, %mul3A_2] : memref<2x10240xf32, #tpu.memory_space<hbm>> -> memref<1x640xf32, #tpu.memory_space<hbm>>
      %dma_wait3A_57 = tpu.memref_squeeze %dma_wait3A : memref<1x640xf32, #tpu.memory_space<hbm>> -> memref<640xf32, #tpu.memory_space<hbm>>
      %dma_wait3A_58 = tpu.memref_slice %arg7[%mul3A_2] : memref<10240xf32, #tpu.memory_space<vmem_shared>> -> memref<640xf32, #tpu.memory_space<vmem_shared>>
      tpu.wait_dma2 semaphore(%run_scoped3A : memref<!tpu.dma_semaphore, #tpu.memory_space<semaphore_mem>>) src(%dma_wait3A_58 : memref<640xf32, #tpu.memory_space<vmem_shared>>) dst(%dma_wait3A_57 : memref<640xf32, #tpu.memory_space<hbm>>)
      tpu.yield
    }) : () -> ()
    return
  }
}

#map = affine_map<(d0, d1) -> (0, 0)>
#map1 = affine_map<(d0, d1) -> (0, 0, 0, 0)>
#map2 = affine_map<(d0, d1) -> (0, 0, 0)>
module attributes {stable_mosaic.version = 14 : i64} {
  func.func @_prop(%arg0: i32, %arg1: i32, %arg2: memref<10240x128xf32, #tpu.memory_space<hbm>>, %arg3: memref<10240x128xf32, #tpu.memory_space<hbm>>, %arg4: memref<32x80x2x128xi32, #tpu.memory_space<hbm>>, %arg5: memref<2x10240x128xf32, #tpu.memory_space<hbm>>, %arg6: memref<2x2x128xi32, #tpu.memory_space<vmem>>, %arg7: memref<128x128xf32, #tpu.memory_space<vmem>>, %arg8: memref<128x128xf32, #tpu.memory_space<vmem>>, %arg9: memref<10240x128xf32, #tpu.memory_space<vmem_shared>>, %arg10: memref<!tpu.dma_semaphore, #tpu.memory_space<semaphore_mem>>, %arg11: memref<!tpu.dma_semaphore, #tpu.memory_space<semaphore_mem>>, %arg12: memref<!tpu.dma_semaphore, #tpu.memory_space<semaphore_mem>>, %arg13: memref<!tpu.dma_semaphore, #tpu.memory_space<semaphore_mem>>) attributes {dimension_semantics = [#tpu.dimension_semantics<core_parallel>, #tpu.dimension_semantics<subcore_parallel>], iteration_bounds = array<i64: 2, 16>, scalar_prefetch = 0 : i64, scratch_operands = 8 : i64, tpu.core_type = #tpu.core_type<sc_vector_subcore>, window_params = [{transform_indices = #map}, {transform_indices = #map}, {transform_indices = #map1}, {transform_indices = #map2}]} {
    %mul3A = arith.constant 16 : i32
    %mul3A_0 = arith.muli %arg0, %mul3A : i32
    %add3A = arith.addi %mul3A_0, %arg1 : i32
    %mul3A_1 = arith.constant 640 : i32
    %mul3A_2 = arith.muli %arg1, %mul3A_1 : i32
    %eq3A = arith.constant 0 : i32
    %eq3A_3 = arith.cmpi eq, %arg0, %eq3A : i32
    %convert_element_type3A = arith.extui %eq3A_3 : i1 to i32
    %cond3A = arith.constant 0 : i32
    %cond3A_4 = arith.cmpi ne, %convert_element_type3A, %cond3A : i32
    scf.if %cond3A_4 {
      "tpu.region"() ({
        %run_scoped3A = tpu.sem_alloc : memref<!tpu.dma_semaphore, #tpu.memory_space<semaphore_mem>>
        %dma_start3A_76 = arith.constant 0 : i32
        %dma_start3A_77 = tpu.memref_slice %arg9[%mul3A_2, %dma_start3A_76] : memref<10240x128xf32, #tpu.memory_space<vmem_shared>> -> memref<640x128xf32, #tpu.memory_space<vmem_shared>>
        %dma_start3A_78 = arith.constant 0 : i32
        %dma_start3A_79 = tpu.memref_slice %arg2[%mul3A_2, %dma_start3A_78] : memref<10240x128xf32, #tpu.memory_space<hbm>> -> memref<640x128xf32, #tpu.memory_space<hbm>>
        tpu.enqueue_dma source(%dma_start3A_79 : memref<640x128xf32, #tpu.memory_space<hbm>>) target(%dma_start3A_77 : memref<640x128xf32, #tpu.memory_space<vmem_shared>>) target_semaphore(%run_scoped3A : memref<!tpu.dma_semaphore, #tpu.memory_space<semaphore_mem>>)
        %dma_wait3A_80 = arith.constant 0 : i32
        %dma_wait3A_81 = tpu.memref_slice %arg9[%mul3A_2, %dma_wait3A_80] : memref<10240x128xf32, #tpu.memory_space<vmem_shared>> -> memref<640x128xf32, #tpu.memory_space<vmem_shared>>
        %dma_wait3A_82 = arith.constant 0 : i32
        %dma_wait3A_83 = tpu.memref_slice %arg2[%mul3A_2, %dma_wait3A_82] : memref<10240x128xf32, #tpu.memory_space<hbm>> -> memref<640x128xf32, #tpu.memory_space<hbm>>
        tpu.wait_dma2 semaphore(%run_scoped3A : memref<!tpu.dma_semaphore, #tpu.memory_space<semaphore_mem>>) src(%dma_wait3A_83 : memref<640x128xf32, #tpu.memory_space<hbm>>) dst(%dma_wait3A_81 : memref<640x128xf32, #tpu.memory_space<vmem_shared>>)
        tpu.yield
      }) : () -> ()
    } else {
    }
    %eq3A_5 = arith.constant 1 : i32
    %eq3A_6 = arith.cmpi eq, %arg0, %eq3A_5 : i32
    %convert_element_type3A_7 = arith.extui %eq3A_6 : i1 to i32
    %cond3A_8 = arith.constant 0 : i32
    %cond3A_9 = arith.cmpi ne, %convert_element_type3A_7, %cond3A_8 : i32
    scf.if %cond3A_9 {
      "tpu.region"() ({
        %run_scoped3A = tpu.sem_alloc : memref<!tpu.dma_semaphore, #tpu.memory_space<semaphore_mem>>
        %dma_start3A_76 = arith.constant 0 : i32
        %dma_start3A_77 = tpu.memref_slice %arg9[%mul3A_2, %dma_start3A_76] : memref<10240x128xf32, #tpu.memory_space<vmem_shared>> -> memref<640x128xf32, #tpu.memory_space<vmem_shared>>
        %dma_start3A_78 = arith.constant 0 : i32
        %dma_start3A_79 = tpu.memref_slice %arg3[%mul3A_2, %dma_start3A_78] : memref<10240x128xf32, #tpu.memory_space<hbm>> -> memref<640x128xf32, #tpu.memory_space<hbm>>
        tpu.enqueue_dma source(%dma_start3A_79 : memref<640x128xf32, #tpu.memory_space<hbm>>) target(%dma_start3A_77 : memref<640x128xf32, #tpu.memory_space<vmem_shared>>) target_semaphore(%run_scoped3A : memref<!tpu.dma_semaphore, #tpu.memory_space<semaphore_mem>>)
        %dma_wait3A_80 = arith.constant 0 : i32
        %dma_wait3A_81 = tpu.memref_slice %arg9[%mul3A_2, %dma_wait3A_80] : memref<10240x128xf32, #tpu.memory_space<vmem_shared>> -> memref<640x128xf32, #tpu.memory_space<vmem_shared>>
        %dma_wait3A_82 = arith.constant 0 : i32
        %dma_wait3A_83 = tpu.memref_slice %arg3[%mul3A_2, %dma_wait3A_82] : memref<10240x128xf32, #tpu.memory_space<hbm>> -> memref<640x128xf32, #tpu.memory_space<hbm>>
        tpu.wait_dma2 semaphore(%run_scoped3A : memref<!tpu.dma_semaphore, #tpu.memory_space<semaphore_mem>>) src(%dma_wait3A_83 : memref<640x128xf32, #tpu.memory_space<hbm>>) dst(%dma_wait3A_81 : memref<640x128xf32, #tpu.memory_space<vmem_shared>>)
        tpu.yield
      }) : () -> ()
    } else {
    }
    %dma_start3A = arith.constant 0 : i32
    %dma_start3A_10 = arith.constant 0 : i32
    %dma_start3A_11 = arith.constant 0 : i32
    %dma_start3A_12 = arith.constant 0 : i32
    %dma_start3A_13 = tpu.memref_slice %arg6[%dma_start3A_10, %dma_start3A_11, %dma_start3A_12] : memref<2x2x128xi32, #tpu.memory_space<vmem>> -> memref<1x2x128xi32, #tpu.memory_space<vmem>>
    %dma_start3A_14 = tpu.memref_squeeze %dma_start3A_13 : memref<1x2x128xi32, #tpu.memory_space<vmem>> -> memref<2x128xi32, #tpu.memory_space<vmem>>
    %dma_start3A_15 = arith.constant 0 : i32
    %dma_start3A_16 = arith.constant 0 : i32
    %dma_start3A_17 = tpu.memref_slice %arg4[%add3A, %dma_start3A, %dma_start3A_15, %dma_start3A_16] : memref<32x80x2x128xi32, #tpu.memory_space<hbm>> -> memref<1x1x2x128xi32, #tpu.memory_space<hbm>>
    %dma_start3A_18 = tpu.memref_squeeze %dma_start3A_17 : memref<1x1x2x128xi32, #tpu.memory_space<hbm>> -> memref<2x128xi32, #tpu.memory_space<hbm>>
    %dma_start3A_19 = arith.constant 0 : i32
    %dma_start3A_20 = arith.constant 0 : i32
    %dma_start3A_21 = tpu.memref_slice %arg6[%dma_start3A_10, %dma_start3A_19, %dma_start3A_20] : memref<2x2x128xi32, #tpu.memory_space<vmem>> -> memref<1x2x128xi32, #tpu.memory_space<vmem>>
    %dma_start3A_22 = tpu.memref_squeeze %dma_start3A_21 : memref<1x2x128xi32, #tpu.memory_space<vmem>> -> memref<2x128xi32, #tpu.memory_space<vmem>>
    %dma_start3A_23 = arith.constant 0 : i32
    %dma_start3A_24 = arith.constant 0 : i32
    %dma_start3A_25 = tpu.memref_slice %arg4[%add3A, %dma_start3A, %dma_start3A_23, %dma_start3A_24] : memref<32x80x2x128xi32, #tpu.memory_space<hbm>> -> memref<1x1x2x128xi32, #tpu.memory_space<hbm>>
    %dma_start3A_26 = tpu.memref_squeeze %dma_start3A_25 : memref<1x1x2x128xi32, #tpu.memory_space<hbm>> -> memref<2x128xi32, #tpu.memory_space<hbm>>
    tpu.enqueue_dma source(%dma_start3A_26 : memref<2x128xi32, #tpu.memory_space<hbm>>) target(%dma_start3A_22 : memref<2x128xi32, #tpu.memory_space<vmem>>) target_semaphore(%arg12 : memref<!tpu.dma_semaphore, #tpu.memory_space<semaphore_mem>>)
    %dma_start3A_27 = arith.constant 1 : i32
    %dma_start3A_28 = arith.constant 1 : i32
    %dma_start3A_29 = arith.constant 0 : i32
    %dma_start3A_30 = arith.constant 0 : i32
    %dma_start3A_31 = tpu.memref_slice %arg6[%dma_start3A_28, %dma_start3A_29, %dma_start3A_30] : memref<2x2x128xi32, #tpu.memory_space<vmem>> -> memref<1x2x128xi32, #tpu.memory_space<vmem>>
    %dma_start3A_32 = tpu.memref_squeeze %dma_start3A_31 : memref<1x2x128xi32, #tpu.memory_space<vmem>> -> memref<2x128xi32, #tpu.memory_space<vmem>>
    %dma_start3A_33 = arith.constant 0 : i32
    %dma_start3A_34 = arith.constant 0 : i32
    %dma_start3A_35 = tpu.memref_slice %arg4[%add3A, %dma_start3A_27, %dma_start3A_33, %dma_start3A_34] : memref<32x80x2x128xi32, #tpu.memory_space<hbm>> -> memref<1x1x2x128xi32, #tpu.memory_space<hbm>>
    %dma_start3A_36 = tpu.memref_squeeze %dma_start3A_35 : memref<1x1x2x128xi32, #tpu.memory_space<hbm>> -> memref<2x128xi32, #tpu.memory_space<hbm>>
    %dma_start3A_37 = arith.constant 0 : i32
    %dma_start3A_38 = arith.constant 0 : i32
    %dma_start3A_39 = tpu.memref_slice %arg6[%dma_start3A_28, %dma_start3A_37, %dma_start3A_38] : memref<2x2x128xi32, #tpu.memory_space<vmem>> -> memref<1x2x128xi32, #tpu.memory_space<vmem>>
    %dma_start3A_40 = tpu.memref_squeeze %dma_start3A_39 : memref<1x2x128xi32, #tpu.memory_space<vmem>> -> memref<2x128xi32, #tpu.memory_space<vmem>>
    %dma_start3A_41 = arith.constant 0 : i32
    %dma_start3A_42 = arith.constant 0 : i32
    %dma_start3A_43 = tpu.memref_slice %arg4[%add3A, %dma_start3A_27, %dma_start3A_41, %dma_start3A_42] : memref<32x80x2x128xi32, #tpu.memory_space<hbm>> -> memref<1x1x2x128xi32, #tpu.memory_space<hbm>>
    %dma_start3A_44 = tpu.memref_squeeze %dma_start3A_43 : memref<1x1x2x128xi32, #tpu.memory_space<hbm>> -> memref<2x128xi32, #tpu.memory_space<hbm>>
    tpu.enqueue_dma source(%dma_start3A_44 : memref<2x128xi32, #tpu.memory_space<hbm>>) target(%dma_start3A_40 : memref<2x128xi32, #tpu.memory_space<vmem>>) target_semaphore(%arg13 : memref<!tpu.dma_semaphore, #tpu.memory_space<semaphore_mem>>)
    %barrier3A = arith.constant 0 : index
    tpu.barrier barrier_id(%barrier3A)
    %dma_wait3A = arith.constant 0 : i32
    %dma_wait3A_45 = arith.constant 0 : i32
    %dma_wait3A_46 = arith.constant 0 : i32
    %dma_wait3A_47 = arith.constant 0 : i32
    %dma_wait3A_48 = tpu.memref_slice %arg6[%dma_wait3A_45, %dma_wait3A_46, %dma_wait3A_47] : memref<2x2x128xi32, #tpu.memory_space<vmem>> -> memref<1x2x128xi32, #tpu.memory_space<vmem>>
    %dma_wait3A_49 = tpu.memref_squeeze %dma_wait3A_48 : memref<1x2x128xi32, #tpu.memory_space<vmem>> -> memref<2x128xi32, #tpu.memory_space<vmem>>
    %dma_wait3A_50 = arith.constant 0 : i32
    %dma_wait3A_51 = arith.constant 0 : i32
    %dma_wait3A_52 = tpu.memref_slice %arg4[%add3A, %dma_wait3A, %dma_wait3A_50, %dma_wait3A_51] : memref<32x80x2x128xi32, #tpu.memory_space<hbm>> -> memref<1x1x2x128xi32, #tpu.memory_space<hbm>>
    %dma_wait3A_53 = tpu.memref_squeeze %dma_wait3A_52 : memref<1x1x2x128xi32, #tpu.memory_space<hbm>> -> memref<2x128xi32, #tpu.memory_space<hbm>>
    %dma_wait3A_54 = arith.constant 0 : i32
    %dma_wait3A_55 = arith.constant 0 : i32
    %dma_wait3A_56 = tpu.memref_slice %arg6[%dma_wait3A_45, %dma_wait3A_54, %dma_wait3A_55] : memref<2x2x128xi32, #tpu.memory_space<vmem>> -> memref<1x2x128xi32, #tpu.memory_space<vmem>>
    %dma_wait3A_57 = tpu.memref_squeeze %dma_wait3A_56 : memref<1x2x128xi32, #tpu.memory_space<vmem>> -> memref<2x128xi32, #tpu.memory_space<vmem>>
    %dma_wait3A_58 = arith.constant 0 : i32
    %dma_wait3A_59 = arith.constant 0 : i32
    %dma_wait3A_60 = tpu.memref_slice %arg4[%add3A, %dma_wait3A, %dma_wait3A_58, %dma_wait3A_59] : memref<32x80x2x128xi32, #tpu.memory_space<hbm>> -> memref<1x1x2x128xi32, #tpu.memory_space<hbm>>
    %dma_wait3A_61 = tpu.memref_squeeze %dma_wait3A_60 : memref<1x1x2x128xi32, #tpu.memory_space<hbm>> -> memref<2x128xi32, #tpu.memory_space<hbm>>
    tpu.wait_dma2 semaphore(%arg12 : memref<!tpu.dma_semaphore, #tpu.memory_space<semaphore_mem>>) src(%dma_wait3A_61 : memref<2x128xi32, #tpu.memory_space<hbm>>) dst(%dma_wait3A_57 : memref<2x128xi32, #tpu.memory_space<vmem>>)
    %dma_start3A_62 = arith.constant 0 : i32
    %dma_start3A_63 = arith.constant 0 : i32
    %dma_start3A_64 = arith.constant 0 : i32
    %dma_start3A_65 = tpu.memref_slice %arg6[%dma_start3A_62, %dma_start3A_63, %dma_start3A_64] : memref<2x2x128xi32, #tpu.memory_space<vmem>> -> memref<1x1x128xi32, #tpu.memory_space<vmem>>
    %dma_start3A_66 = tpu.memref_squeeze %dma_start3A_65 : memref<1x1x128xi32, #tpu.memory_space<vmem>> -> memref<128xi32, #tpu.memory_space<vmem>>
    %dma_start3A_67 = arith.constant 0 : i32
    %dma_start3A_68 = arith.constant 0 : i32
    %dma_start3A_69 = tpu.memref_slice %arg2[%dma_start3A_67, %dma_start3A_68] : memref<10240x128xf32, #tpu.memory_space<hbm>> -> memref<10240x128xf32, #tpu.memory_space<hbm>>
    tpu.enqueue_indirect_dma source(%dma_start3A_69 : memref<10240x128xf32, #tpu.memory_space<hbm>>) target(%arg7 : memref<128x128xf32, #tpu.memory_space<vmem>>) offsets(%dma_start3A_66 : memref<128xi32, #tpu.memory_space<vmem>>) semaphore(%arg10 : memref<!tpu.dma_semaphore, #tpu.memory_space<semaphore_mem>>)
    %scan3A = arith.constant 0 : i32
    %scan3A_70 = arith.constant 0 : i32
    %scan3A_71 = arith.constant 40 : i32
    %scan3A_72 = arith.addi %scan3A_70, %scan3A_71 : i32
    %scan3A_73 = arith.constant 1 : i32
    scf.for %scan3A_76 = %scan3A_70 to %scan3A_72 step %scan3A_73  : i32 {
      %mul3A_77 = arith.constant 2 : i32
      %mul3A_78 = arith.muli %mul3A_77, %scan3A_76 : i32
      %dma_wait3A_79 = arith.constant 0 : i32
      %dma_wait3A_80 = arith.constant 1 : i32
      %dma_wait3A_81 = arith.constant 0 : i32
      %dma_wait3A_82 = arith.constant 0 : i32
      %dma_wait3A_83 = tpu.memref_slice %arg6[%dma_wait3A_80, %dma_wait3A_81, %dma_wait3A_82] : memref<2x2x128xi32, #tpu.memory_space<vmem>> -> memref<1x2x128xi32, #tpu.memory_space<vmem>>
      %dma_wait3A_84 = tpu.memref_squeeze %dma_wait3A_83 : memref<1x2x128xi32, #tpu.memory_space<vmem>> -> memref<2x128xi32, #tpu.memory_space<vmem>>
      %dma_wait3A_85 = arith.constant 0 : i32
      %dma_wait3A_86 = arith.constant 0 : i32
      %dma_wait3A_87 = tpu.memref_slice %arg4[%add3A, %dma_wait3A_79, %dma_wait3A_85, %dma_wait3A_86] : memref<32x80x2x128xi32, #tpu.memory_space<hbm>> -> memref<1x1x2x128xi32, #tpu.memory_space<hbm>>
      %dma_wait3A_88 = tpu.memref_squeeze %dma_wait3A_87 : memref<1x1x2x128xi32, #tpu.memory_space<hbm>> -> memref<2x128xi32, #tpu.memory_space<hbm>>
      %dma_wait3A_89 = arith.constant 0 : i32
      %dma_wait3A_90 = arith.constant 0 : i32
      %dma_wait3A_91 = tpu.memref_slice %arg6[%dma_wait3A_80, %dma_wait3A_89, %dma_wait3A_90] : memref<2x2x128xi32, #tpu.memory_space<vmem>> -> memref<1x2x128xi32, #tpu.memory_space<vmem>>
      %dma_wait3A_92 = tpu.memref_squeeze %dma_wait3A_91 : memref<1x2x128xi32, #tpu.memory_space<vmem>> -> memref<2x128xi32, #tpu.memory_space<vmem>>
      %dma_wait3A_93 = arith.constant 0 : i32
      %dma_wait3A_94 = arith.constant 0 : i32
      %dma_wait3A_95 = tpu.memref_slice %arg4[%add3A, %dma_wait3A_79, %dma_wait3A_93, %dma_wait3A_94] : memref<32x80x2x128xi32, #tpu.memory_space<hbm>> -> memref<1x1x2x128xi32, #tpu.memory_space<hbm>>
      %dma_wait3A_96 = tpu.memref_squeeze %dma_wait3A_95 : memref<1x1x2x128xi32, #tpu.memory_space<hbm>> -> memref<2x128xi32, #tpu.memory_space<hbm>>
      tpu.wait_dma2 semaphore(%arg13 : memref<!tpu.dma_semaphore, #tpu.memory_space<semaphore_mem>>) src(%dma_wait3A_96 : memref<2x128xi32, #tpu.memory_space<hbm>>) dst(%dma_wait3A_92 : memref<2x128xi32, #tpu.memory_space<vmem>>)
      %dma_wait3A_97 = arith.constant 0 : i32
      %dma_wait3A_98 = arith.constant 0 : i32
      %dma_wait3A_99 = arith.constant 0 : i32
      %dma_wait3A_100 = tpu.memref_slice %arg6[%dma_wait3A_97, %dma_wait3A_98, %dma_wait3A_99] : memref<2x2x128xi32, #tpu.memory_space<vmem>> -> memref<1x1x128xi32, #tpu.memory_space<vmem>>
      %dma_wait3A_101 = tpu.memref_squeeze %dma_wait3A_100 : memref<1x1x128xi32, #tpu.memory_space<vmem>> -> memref<128xi32, #tpu.memory_space<vmem>>
      %dma_wait3A_102 = arith.constant 0 : i32
      %dma_wait3A_103 = arith.constant 0 : i32
      %dma_wait3A_104 = tpu.memref_slice %arg2[%dma_wait3A_102, %dma_wait3A_103] : memref<10240x128xf32, #tpu.memory_space<hbm>> -> memref<10240x128xf32, #tpu.memory_space<hbm>>
      tpu.wait_indirect_dma semaphore(%arg10 : memref<!tpu.dma_semaphore, #tpu.memory_space<semaphore_mem>>) src(%dma_wait3A_104 : memref<10240x128xf32, #tpu.memory_space<hbm>>) dst(%arg7 : memref<128x128xf32, #tpu.memory_space<vmem>>)
      %dma_start3A_105 = arith.constant 1 : i32
      %dma_start3A_106 = arith.constant 0 : i32
      %dma_start3A_107 = arith.constant 0 : i32
      %dma_start3A_108 = tpu.memref_slice %arg6[%dma_start3A_105, %dma_start3A_106, %dma_start3A_107] : memref<2x2x128xi32, #tpu.memory_space<vmem>> -> memref<1x1x128xi32, #tpu.memory_space<vmem>>
      %dma_start3A_109 = tpu.memref_squeeze %dma_start3A_108 : memref<1x1x128xi32, #tpu.memory_space<vmem>> -> memref<128xi32, #tpu.memory_space<vmem>>
      %dma_start3A_110 = arith.constant 0 : i32
      %dma_start3A_111 = arith.constant 0 : i32
      %dma_start3A_112 = tpu.memref_slice %arg2[%dma_start3A_110, %dma_start3A_111] : memref<10240x128xf32, #tpu.memory_space<hbm>> -> memref<10240x128xf32, #tpu.memory_space<hbm>>
      tpu.enqueue_indirect_dma source(%dma_start3A_112 : memref<10240x128xf32, #tpu.memory_space<hbm>>) target(%arg8 : memref<128x128xf32, #tpu.memory_space<vmem>>) offsets(%dma_start3A_109 : memref<128xi32, #tpu.memory_space<vmem>>) semaphore(%arg11 : memref<!tpu.dma_semaphore, #tpu.memory_space<semaphore_mem>>)
      %run_scoped3A = arith.constant 0 : i32
      %run_scoped3A_113 = arith.constant 1 : i32
      "tpu.region"() ({
        %run_scoped3A_138 = tpu.sem_alloc : memref<!tpu.dma_semaphore, #tpu.memory_space<semaphore_mem>>
        %dma_start3A_139 = arith.constant 0 : i32
        %dma_start3A_140 = tpu.memref_slice %arg6[%run_scoped3A, %run_scoped3A_113, %dma_start3A_139] : memref<2x2x128xi32, #tpu.memory_space<vmem>> -> memref<1x1x128xi32, #tpu.memory_space<vmem>>
        %dma_start3A_141 = tpu.memref_squeeze %dma_start3A_140 : memref<1x1x128xi32, #tpu.memory_space<vmem>> -> memref<128xi32, #tpu.memory_space<vmem>>
        %dma_start3A_142 = arith.constant 0 : i32
        %dma_start3A_143 = arith.constant 0 : i32
        %dma_start3A_144 = tpu.memref_slice %arg9[%dma_start3A_142, %dma_start3A_143] : memref<10240x128xf32, #tpu.memory_space<vmem_shared>> -> memref<10240x128xf32, #tpu.memory_space<vmem_shared>>
        tpu.enqueue_indirect_dma source(%arg7 : memref<128x128xf32, #tpu.memory_space<vmem>>) target(%dma_start3A_144 : memref<10240x128xf32, #tpu.memory_space<vmem_shared>>) offsets(%dma_start3A_141 : memref<128xi32, #tpu.memory_space<vmem>>) semaphore(%run_scoped3A_138 : memref<!tpu.dma_semaphore, #tpu.memory_space<semaphore_mem>>) {add = true}
        %dma_wait3A_145 = arith.constant 0 : i32
        %dma_wait3A_146 = tpu.memref_slice %arg6[%run_scoped3A, %run_scoped3A_113, %dma_wait3A_145] : memref<2x2x128xi32, #tpu.memory_space<vmem>> -> memref<1x1x128xi32, #tpu.memory_space<vmem>>
        %dma_wait3A_147 = tpu.memref_squeeze %dma_wait3A_146 : memref<1x1x128xi32, #tpu.memory_space<vmem>> -> memref<128xi32, #tpu.memory_space<vmem>>
        %dma_wait3A_148 = arith.constant 0 : i32
        %dma_wait3A_149 = arith.constant 0 : i32
        %dma_wait3A_150 = tpu.memref_slice %arg9[%dma_wait3A_148, %dma_wait3A_149] : memref<10240x128xf32, #tpu.memory_space<vmem_shared>> -> memref<10240x128xf32, #tpu.memory_space<vmem_shared>>
        tpu.wait_indirect_dma semaphore(%run_scoped3A_138 : memref<!tpu.dma_semaphore, #tpu.memory_space<semaphore_mem>>) src(%arg7 : memref<128x128xf32, #tpu.memory_space<vmem>>) dst(%dma_wait3A_150 : memref<10240x128xf32, #tpu.memory_space<vmem_shared>>)
        tpu.yield
      }) : () -> ()
      %lt3A = arith.constant 39 : i32
      %lt3A_114 = arith.cmpi slt, %scan3A_76, %lt3A : i32
      %convert_element_type3A_115 = arith.extui %lt3A_114 : i1 to i32
      %cond3A_116 = arith.constant 0 : i32
      %cond3A_117 = arith.cmpi ne, %convert_element_type3A_115, %cond3A_116 : i32
      scf.if %cond3A_117 {
        %add3A_138 = arith.constant 2 : i32
        %add3A_139 = arith.addi %mul3A_78, %add3A_138 : i32
        %dma_start3A_140 = arith.constant 0 : i32
        %dma_start3A_141 = arith.constant 0 : i32
        %dma_start3A_142 = arith.constant 0 : i32
        %dma_start3A_143 = tpu.memref_slice %arg6[%dma_start3A_140, %dma_start3A_141, %dma_start3A_142] : memref<2x2x128xi32, #tpu.memory_space<vmem>> -> memref<1x2x128xi32, #tpu.memory_space<vmem>>
        %dma_start3A_144 = tpu.memref_squeeze %dma_start3A_143 : memref<1x2x128xi32, #tpu.memory_space<vmem>> -> memref<2x128xi32, #tpu.memory_space<vmem>>
        %dma_start3A_145 = arith.constant 0 : i32
        %dma_start3A_146 = arith.constant 0 : i32
        %dma_start3A_147 = tpu.memref_slice %arg4[%add3A, %add3A_139, %dma_start3A_145, %dma_start3A_146] : memref<32x80x2x128xi32, #tpu.memory_space<hbm>> -> memref<1x1x2x128xi32, #tpu.memory_space<hbm>>
        %dma_start3A_148 = tpu.memref_squeeze %dma_start3A_147 : memref<1x1x2x128xi32, #tpu.memory_space<hbm>> -> memref<2x128xi32, #tpu.memory_space<hbm>>
        %dma_start3A_149 = arith.constant 0 : i32
        %dma_start3A_150 = arith.constant 0 : i32
        %dma_start3A_151 = tpu.memref_slice %arg6[%dma_start3A_140, %dma_start3A_149, %dma_start3A_150] : memref<2x2x128xi32, #tpu.memory_space<vmem>> -> memref<1x2x128xi32, #tpu.memory_space<vmem>>
        %dma_start3A_152 = tpu.memref_squeeze %dma_start3A_151 : memref<1x2x128xi32, #tpu.memory_space<vmem>> -> memref<2x128xi32, #tpu.memory_space<vmem>>
        %dma_start3A_153 = arith.constant 0 : i32
        %dma_start3A_154 = arith.constant 0 : i32
        %dma_start3A_155 = tpu.memref_slice %arg4[%add3A, %add3A_139, %dma_start3A_153, %dma_start3A_154] : memref<32x80x2x128xi32, #tpu.memory_space<hbm>> -> memref<1x1x2x128xi32, #tpu.memory_space<hbm>>
        %dma_start3A_156 = tpu.memref_squeeze %dma_start3A_155 : memref<1x1x2x128xi32, #tpu.memory_space<hbm>> -> memref<2x128xi32, #tpu.memory_space<hbm>>
        tpu.enqueue_dma source(%dma_start3A_156 : memref<2x128xi32, #tpu.memory_space<hbm>>) target(%dma_start3A_152 : memref<2x128xi32, #tpu.memory_space<vmem>>) target_semaphore(%arg12 : memref<!tpu.dma_semaphore, #tpu.memory_space<semaphore_mem>>)
      } else {
      }
      %dma_wait3A_118 = arith.constant 1 : i32
      %dma_wait3A_119 = arith.constant 0 : i32
      %dma_wait3A_120 = arith.constant 0 : i32
      %dma_wait3A_121 = tpu.memref_slice %arg6[%dma_wait3A_118, %dma_wait3A_119, %dma_wait3A_120] : memref<2x2x128xi32, #tpu.memory_space<vmem>> -> memref<1x1x128xi32, #tpu.memory_space<vmem>>
      %dma_wait3A_122 = tpu.memref_squeeze %dma_wait3A_121 : memref<1x1x128xi32, #tpu.memory_space<vmem>> -> memref<128xi32, #tpu.memory_space<vmem>>
      %dma_wait3A_123 = arith.constant 0 : i32
      %dma_wait3A_124 = arith.constant 0 : i32
      %dma_wait3A_125 = tpu.memref_slice %arg2[%dma_wait3A_123, %dma_wait3A_124] : memref<10240x128xf32, #tpu.memory_space<hbm>> -> memref<10240x128xf32, #tpu.memory_space<hbm>>
      tpu.wait_indirect_dma semaphore(%arg11 : memref<!tpu.dma_semaphore, #tpu.memory_space<semaphore_mem>>) src(%dma_wait3A_125 : memref<10240x128xf32, #tpu.memory_space<hbm>>) dst(%arg8 : memref<128x128xf32, #tpu.memory_space<vmem>>)
      %lt3A_126 = arith.constant 39 : i32
      %lt3A_127 = arith.cmpi slt, %scan3A_76, %lt3A_126 : i32
      %convert_element_type3A_128 = arith.extui %lt3A_127 : i1 to i32
      %cond3A_129 = arith.constant 0 : i32
      %cond3A_130 = arith.cmpi ne, %convert_element_type3A_128, %cond3A_129 : i32
      scf.if %cond3A_130 {
        %dma_wait3A_138 = arith.constant 0 : i32
        %dma_wait3A_139 = arith.constant 0 : i32
        %dma_wait3A_140 = arith.constant 0 : i32
        %dma_wait3A_141 = arith.constant 0 : i32
        %dma_wait3A_142 = tpu.memref_slice %arg6[%dma_wait3A_139, %dma_wait3A_140, %dma_wait3A_141] : memref<2x2x128xi32, #tpu.memory_space<vmem>> -> memref<1x2x128xi32, #tpu.memory_space<vmem>>
        %dma_wait3A_143 = tpu.memref_squeeze %dma_wait3A_142 : memref<1x2x128xi32, #tpu.memory_space<vmem>> -> memref<2x128xi32, #tpu.memory_space<vmem>>
        %dma_wait3A_144 = arith.constant 0 : i32
        %dma_wait3A_145 = arith.constant 0 : i32
        %dma_wait3A_146 = tpu.memref_slice %arg4[%add3A, %dma_wait3A_138, %dma_wait3A_144, %dma_wait3A_145] : memref<32x80x2x128xi32, #tpu.memory_space<hbm>> -> memref<1x1x2x128xi32, #tpu.memory_space<hbm>>
        %dma_wait3A_147 = tpu.memref_squeeze %dma_wait3A_146 : memref<1x1x2x128xi32, #tpu.memory_space<hbm>> -> memref<2x128xi32, #tpu.memory_space<hbm>>
        %dma_wait3A_148 = arith.constant 0 : i32
        %dma_wait3A_149 = arith.constant 0 : i32
        %dma_wait3A_150 = tpu.memref_slice %arg6[%dma_wait3A_139, %dma_wait3A_148, %dma_wait3A_149] : memref<2x2x128xi32, #tpu.memory_space<vmem>> -> memref<1x2x128xi32, #tpu.memory_space<vmem>>
        %dma_wait3A_151 = tpu.memref_squeeze %dma_wait3A_150 : memref<1x2x128xi32, #tpu.memory_space<vmem>> -> memref<2x128xi32, #tpu.memory_space<vmem>>
        %dma_wait3A_152 = arith.constant 0 : i32
        %dma_wait3A_153 = arith.constant 0 : i32
        %dma_wait3A_154 = tpu.memref_slice %arg4[%add3A, %dma_wait3A_138, %dma_wait3A_152, %dma_wait3A_153] : memref<32x80x2x128xi32, #tpu.memory_space<hbm>> -> memref<1x1x2x128xi32, #tpu.memory_space<hbm>>
        %dma_wait3A_155 = tpu.memref_squeeze %dma_wait3A_154 : memref<1x1x2x128xi32, #tpu.memory_space<hbm>> -> memref<2x128xi32, #tpu.memory_space<hbm>>
        tpu.wait_dma2 semaphore(%arg12 : memref<!tpu.dma_semaphore, #tpu.memory_space<semaphore_mem>>) src(%dma_wait3A_155 : memref<2x128xi32, #tpu.memory_space<hbm>>) dst(%dma_wait3A_151 : memref<2x128xi32, #tpu.memory_space<vmem>>)
        %dma_start3A_156 = arith.constant 0 : i32
        %dma_start3A_157 = arith.constant 0 : i32
        %dma_start3A_158 = arith.constant 0 : i32
        %dma_start3A_159 = tpu.memref_slice %arg6[%dma_start3A_156, %dma_start3A_157, %dma_start3A_158] : memref<2x2x128xi32, #tpu.memory_space<vmem>> -> memref<1x1x128xi32, #tpu.memory_space<vmem>>
        %dma_start3A_160 = tpu.memref_squeeze %dma_start3A_159 : memref<1x1x128xi32, #tpu.memory_space<vmem>> -> memref<128xi32, #tpu.memory_space<vmem>>
        %dma_start3A_161 = arith.constant 0 : i32
        %dma_start3A_162 = arith.constant 0 : i32
        %dma_start3A_163 = tpu.memref_slice %arg2[%dma_start3A_161, %dma_start3A_162] : memref<10240x128xf32, #tpu.memory_space<hbm>> -> memref<10240x128xf32, #tpu.memory_space<hbm>>
        tpu.enqueue_indirect_dma source(%dma_start3A_163 : memref<10240x128xf32, #tpu.memory_space<hbm>>) target(%arg7 : memref<128x128xf32, #tpu.memory_space<vmem>>) offsets(%dma_start3A_160 : memref<128xi32, #tpu.memory_space<vmem>>) semaphore(%arg10 : memref<!tpu.dma_semaphore, #tpu.memory_space<semaphore_mem>>)
      } else {
      }
      %run_scoped3A_131 = arith.constant 1 : i32
      %run_scoped3A_132 = arith.constant 1 : i32
      "tpu.region"() ({
        %run_scoped3A_138 = tpu.sem_alloc : memref<!tpu.dma_semaphore, #tpu.memory_space<semaphore_mem>>
        %dma_start3A_139 = arith.constant 0 : i32
        %dma_start3A_140 = tpu.memref_slice %arg6[%run_scoped3A_131, %run_scoped3A_132, %dma_start3A_139] : memref<2x2x128xi32, #tpu.memory_space<vmem>> -> memref<1x1x128xi32, #tpu.memory_space<vmem>>
        %dma_start3A_141 = tpu.memref_squeeze %dma_start3A_140 : memref<1x1x128xi32, #tpu.memory_space<vmem>> -> memref<128xi32, #tpu.memory_space<vmem>>
        %dma_start3A_142 = arith.constant 0 : i32
        %dma_start3A_143 = arith.constant 0 : i32
        %dma_start3A_144 = tpu.memref_slice %arg9[%dma_start3A_142, %dma_start3A_143] : memref<10240x128xf32, #tpu.memory_space<vmem_shared>> -> memref<10240x128xf32, #tpu.memory_space<vmem_shared>>
        tpu.enqueue_indirect_dma source(%arg8 : memref<128x128xf32, #tpu.memory_space<vmem>>) target(%dma_start3A_144 : memref<10240x128xf32, #tpu.memory_space<vmem_shared>>) offsets(%dma_start3A_141 : memref<128xi32, #tpu.memory_space<vmem>>) semaphore(%run_scoped3A_138 : memref<!tpu.dma_semaphore, #tpu.memory_space<semaphore_mem>>) {add = true}
        %dma_wait3A_145 = arith.constant 0 : i32
        %dma_wait3A_146 = tpu.memref_slice %arg6[%run_scoped3A_131, %run_scoped3A_132, %dma_wait3A_145] : memref<2x2x128xi32, #tpu.memory_space<vmem>> -> memref<1x1x128xi32, #tpu.memory_space<vmem>>
        %dma_wait3A_147 = tpu.memref_squeeze %dma_wait3A_146 : memref<1x1x128xi32, #tpu.memory_space<vmem>> -> memref<128xi32, #tpu.memory_space<vmem>>
        %dma_wait3A_148 = arith.constant 0 : i32
        %dma_wait3A_149 = arith.constant 0 : i32
        %dma_wait3A_150 = tpu.memref_slice %arg9[%dma_wait3A_148, %dma_wait3A_149] : memref<10240x128xf32, #tpu.memory_space<vmem_shared>> -> memref<10240x128xf32, #tpu.memory_space<vmem_shared>>
        tpu.wait_indirect_dma semaphore(%run_scoped3A_138 : memref<!tpu.dma_semaphore, #tpu.memory_space<semaphore_mem>>) src(%arg8 : memref<128x128xf32, #tpu.memory_space<vmem>>) dst(%dma_wait3A_150 : memref<10240x128xf32, #tpu.memory_space<vmem_shared>>)
        tpu.yield
      }) : () -> ()
      %lt3A_133 = arith.constant 39 : i32
      %lt3A_134 = arith.cmpi slt, %scan3A_76, %lt3A_133 : i32
      %convert_element_type3A_135 = arith.extui %lt3A_134 : i1 to i32
      %cond3A_136 = arith.constant 0 : i32
      %cond3A_137 = arith.cmpi ne, %convert_element_type3A_135, %cond3A_136 : i32
      scf.if %cond3A_137 {
        %add3A_138 = arith.constant 3 : i32
        %add3A_139 = arith.addi %mul3A_78, %add3A_138 : i32
        %dma_start3A_140 = arith.constant 1 : i32
        %dma_start3A_141 = arith.constant 0 : i32
        %dma_start3A_142 = arith.constant 0 : i32
        %dma_start3A_143 = tpu.memref_slice %arg6[%dma_start3A_140, %dma_start3A_141, %dma_start3A_142] : memref<2x2x128xi32, #tpu.memory_space<vmem>> -> memref<1x2x128xi32, #tpu.memory_space<vmem>>
        %dma_start3A_144 = tpu.memref_squeeze %dma_start3A_143 : memref<1x2x128xi32, #tpu.memory_space<vmem>> -> memref<2x128xi32, #tpu.memory_space<vmem>>
        %dma_start3A_145 = arith.constant 0 : i32
        %dma_start3A_146 = arith.constant 0 : i32
        %dma_start3A_147 = tpu.memref_slice %arg4[%add3A, %add3A_139, %dma_start3A_145, %dma_start3A_146] : memref<32x80x2x128xi32, #tpu.memory_space<hbm>> -> memref<1x1x2x128xi32, #tpu.memory_space<hbm>>
        %dma_start3A_148 = tpu.memref_squeeze %dma_start3A_147 : memref<1x1x2x128xi32, #tpu.memory_space<hbm>> -> memref<2x128xi32, #tpu.memory_space<hbm>>
        %dma_start3A_149 = arith.constant 0 : i32
        %dma_start3A_150 = arith.constant 0 : i32
        %dma_start3A_151 = tpu.memref_slice %arg6[%dma_start3A_140, %dma_start3A_149, %dma_start3A_150] : memref<2x2x128xi32, #tpu.memory_space<vmem>> -> memref<1x2x128xi32, #tpu.memory_space<vmem>>
        %dma_start3A_152 = tpu.memref_squeeze %dma_start3A_151 : memref<1x2x128xi32, #tpu.memory_space<vmem>> -> memref<2x128xi32, #tpu.memory_space<vmem>>
        %dma_start3A_153 = arith.constant 0 : i32
        %dma_start3A_154 = arith.constant 0 : i32
        %dma_start3A_155 = tpu.memref_slice %arg4[%add3A, %add3A_139, %dma_start3A_153, %dma_start3A_154] : memref<32x80x2x128xi32, #tpu.memory_space<hbm>> -> memref<1x1x2x128xi32, #tpu.memory_space<hbm>>
        %dma_start3A_156 = tpu.memref_squeeze %dma_start3A_155 : memref<1x1x2x128xi32, #tpu.memory_space<hbm>> -> memref<2x128xi32, #tpu.memory_space<hbm>>
        tpu.enqueue_dma source(%dma_start3A_156 : memref<2x128xi32, #tpu.memory_space<hbm>>) target(%dma_start3A_152 : memref<2x128xi32, #tpu.memory_space<vmem>>) target_semaphore(%arg13 : memref<!tpu.dma_semaphore, #tpu.memory_space<semaphore_mem>>)
      } else {
      }
    }
    %scan3A_74 = arith.constant 40 : i32
    %barrier3A_75 = arith.constant 0 : index
    tpu.barrier barrier_id(%barrier3A_75)
    "tpu.region"() ({
      %run_scoped3A = tpu.sem_alloc : memref<!tpu.dma_semaphore, #tpu.memory_space<semaphore_mem>>
      %dma_start3A_76 = arith.constant 0 : i32
      %dma_start3A_77 = tpu.memref_slice %arg5[%arg0, %mul3A_2, %dma_start3A_76] : memref<2x10240x128xf32, #tpu.memory_space<hbm>> -> memref<1x640x128xf32, #tpu.memory_space<hbm>>
      %dma_start3A_78 = tpu.memref_squeeze %dma_start3A_77 : memref<1x640x128xf32, #tpu.memory_space<hbm>> -> memref<640x128xf32, #tpu.memory_space<hbm>>
      %dma_start3A_79 = arith.constant 0 : i32
      %dma_start3A_80 = tpu.memref_slice %arg9[%mul3A_2, %dma_start3A_79] : memref<10240x128xf32, #tpu.memory_space<vmem_shared>> -> memref<640x128xf32, #tpu.memory_space<vmem_shared>>
      tpu.enqueue_dma source(%dma_start3A_80 : memref<640x128xf32, #tpu.memory_space<vmem_shared>>) target(%dma_start3A_78 : memref<640x128xf32, #tpu.memory_space<hbm>>) target_semaphore(%run_scoped3A : memref<!tpu.dma_semaphore, #tpu.memory_space<semaphore_mem>>)
      %dma_wait3A_81 = arith.constant 0 : i32
      %dma_wait3A_82 = tpu.memref_slice %arg5[%arg0, %mul3A_2, %dma_wait3A_81] : memref<2x10240x128xf32, #tpu.memory_space<hbm>> -> memref<1x640x128xf32, #tpu.memory_space<hbm>>
      %dma_wait3A_83 = tpu.memref_squeeze %dma_wait3A_82 : memref<1x640x128xf32, #tpu.memory_space<hbm>> -> memref<640x128xf32, #tpu.memory_space<hbm>>
      %dma_wait3A_84 = arith.constant 0 : i32
      %dma_wait3A_85 = tpu.memref_slice %arg9[%mul3A_2, %dma_wait3A_84] : memref<10240x128xf32, #tpu.memory_space<vmem_shared>> -> memref<640x128xf32, #tpu.memory_space<vmem_shared>>
      tpu.wait_dma2 semaphore(%run_scoped3A : memref<!tpu.dma_semaphore, #tpu.memory_space<semaphore_mem>>) src(%dma_wait3A_85 : memref<640x128xf32, #tpu.memory_space<vmem_shared>>) dst(%dma_wait3A_83 : memref<640x128xf32, #tpu.memory_space<hbm>>)
      tpu.yield
    }) : () -> ()
    return
  }
}

#map = affine_map<(d0, d1) -> (0, 0)>
#map1 = affine_map<(d0, d1) -> (0, 0, 0, 0)>
#map2 = affine_map<(d0, d1) -> (0, 0, 0)>
module attributes {stable_mosaic.version = 14 : i64} {
  func.func @_prop(%arg0: i32, %arg1: i32, %arg2: memref<10240x128xf32, #tpu.memory_space<hbm>>, %arg3: memref<10240x128xf32, #tpu.memory_space<hbm>>, %arg4: memref<32x80x2x128xi32, #tpu.memory_space<hbm>>, %arg5: memref<2x10240x128xf32, #tpu.memory_space<hbm>>, %arg6: memref<2x2x128xi32, #tpu.memory_space<vmem>>, %arg7: memref<128x128xf32, #tpu.memory_space<vmem>>, %arg8: memref<128x128xf32, #tpu.memory_space<vmem>>, %arg9: memref<10240x128xf32, #tpu.memory_space<vmem_shared>>, %arg10: memref<!tpu.dma_semaphore, #tpu.memory_space<semaphore_mem>>, %arg11: memref<!tpu.dma_semaphore, #tpu.memory_space<semaphore_mem>>, %arg12: memref<!tpu.dma_semaphore, #tpu.memory_space<semaphore_mem>>, %arg13: memref<!tpu.dma_semaphore, #tpu.memory_space<semaphore_mem>>) attributes {dimension_semantics = [#tpu.dimension_semantics<core_parallel>, #tpu.dimension_semantics<subcore_parallel>], iteration_bounds = array<i64: 2, 16>, scalar_prefetch = 0 : i64, scratch_operands = 8 : i64, tpu.core_type = #tpu.core_type<sc_vector_subcore>, window_params = [{transform_indices = #map}, {transform_indices = #map}, {transform_indices = #map1}, {transform_indices = #map2}]} {
    %mul3A = arith.constant 16 : i32
    %mul3A_0 = arith.muli %arg0, %mul3A : i32
    %add3A = arith.addi %mul3A_0, %arg1 : i32
    %mul3A_1 = arith.constant 640 : i32
    %mul3A_2 = arith.muli %arg1, %mul3A_1 : i32
    %eq3A = arith.constant 0 : i32
    %eq3A_3 = arith.cmpi eq, %arg0, %eq3A : i32
    %convert_element_type3A = arith.extui %eq3A_3 : i1 to i32
    %cond3A = arith.constant 0 : i32
    %cond3A_4 = arith.cmpi ne, %convert_element_type3A, %cond3A : i32
    scf.if %cond3A_4 {
      "tpu.region"() ({
        %run_scoped3A = tpu.sem_alloc : memref<!tpu.dma_semaphore, #tpu.memory_space<semaphore_mem>>
        %dma_start3A_76 = arith.constant 0 : i32
        %dma_start3A_77 = tpu.memref_slice %arg9[%mul3A_2, %dma_start3A_76] : memref<10240x128xf32, #tpu.memory_space<vmem_shared>> -> memref<640x128xf32, #tpu.memory_space<vmem_shared>>
        %dma_start3A_78 = arith.constant 0 : i32
        %dma_start3A_79 = tpu.memref_slice %arg2[%mul3A_2, %dma_start3A_78] : memref<10240x128xf32, #tpu.memory_space<hbm>> -> memref<640x128xf32, #tpu.memory_space<hbm>>
        tpu.enqueue_dma source(%dma_start3A_79 : memref<640x128xf32, #tpu.memory_space<hbm>>) target(%dma_start3A_77 : memref<640x128xf32, #tpu.memory_space<vmem_shared>>) target_semaphore(%run_scoped3A : memref<!tpu.dma_semaphore, #tpu.memory_space<semaphore_mem>>)
        %dma_wait3A_80 = arith.constant 0 : i32
        %dma_wait3A_81 = tpu.memref_slice %arg9[%mul3A_2, %dma_wait3A_80] : memref<10240x128xf32, #tpu.memory_space<vmem_shared>> -> memref<640x128xf32, #tpu.memory_space<vmem_shared>>
        %dma_wait3A_82 = arith.constant 0 : i32
        %dma_wait3A_83 = tpu.memref_slice %arg2[%mul3A_2, %dma_wait3A_82] : memref<10240x128xf32, #tpu.memory_space<hbm>> -> memref<640x128xf32, #tpu.memory_space<hbm>>
        tpu.wait_dma2 semaphore(%run_scoped3A : memref<!tpu.dma_semaphore, #tpu.memory_space<semaphore_mem>>) src(%dma_wait3A_83 : memref<640x128xf32, #tpu.memory_space<hbm>>) dst(%dma_wait3A_81 : memref<640x128xf32, #tpu.memory_space<vmem_shared>>)
        tpu.yield
      }) : () -> ()
    } else {
    }
    %eq3A_5 = arith.constant 1 : i32
    %eq3A_6 = arith.cmpi eq, %arg0, %eq3A_5 : i32
    %convert_element_type3A_7 = arith.extui %eq3A_6 : i1 to i32
    %cond3A_8 = arith.constant 0 : i32
    %cond3A_9 = arith.cmpi ne, %convert_element_type3A_7, %cond3A_8 : i32
    scf.if %cond3A_9 {
      "tpu.region"() ({
        %run_scoped3A = tpu.sem_alloc : memref<!tpu.dma_semaphore, #tpu.memory_space<semaphore_mem>>
        %dma_start3A_76 = arith.constant 0 : i32
        %dma_start3A_77 = tpu.memref_slice %arg9[%mul3A_2, %dma_start3A_76] : memref<10240x128xf32, #tpu.memory_space<vmem_shared>> -> memref<640x128xf32, #tpu.memory_space<vmem_shared>>
        %dma_start3A_78 = arith.constant 0 : i32
        %dma_start3A_79 = tpu.memref_slice %arg3[%mul3A_2, %dma_start3A_78] : memref<10240x128xf32, #tpu.memory_space<hbm>> -> memref<640x128xf32, #tpu.memory_space<hbm>>
        tpu.enqueue_dma source(%dma_start3A_79 : memref<640x128xf32, #tpu.memory_space<hbm>>) target(%dma_start3A_77 : memref<640x128xf32, #tpu.memory_space<vmem_shared>>) target_semaphore(%run_scoped3A : memref<!tpu.dma_semaphore, #tpu.memory_space<semaphore_mem>>)
        %dma_wait3A_80 = arith.constant 0 : i32
        %dma_wait3A_81 = tpu.memref_slice %arg9[%mul3A_2, %dma_wait3A_80] : memref<10240x128xf32, #tpu.memory_space<vmem_shared>> -> memref<640x128xf32, #tpu.memory_space<vmem_shared>>
        %dma_wait3A_82 = arith.constant 0 : i32
        %dma_wait3A_83 = tpu.memref_slice %arg3[%mul3A_2, %dma_wait3A_82] : memref<10240x128xf32, #tpu.memory_space<hbm>> -> memref<640x128xf32, #tpu.memory_space<hbm>>
        tpu.wait_dma2 semaphore(%run_scoped3A : memref<!tpu.dma_semaphore, #tpu.memory_space<semaphore_mem>>) src(%dma_wait3A_83 : memref<640x128xf32, #tpu.memory_space<hbm>>) dst(%dma_wait3A_81 : memref<640x128xf32, #tpu.memory_space<vmem_shared>>)
        tpu.yield
      }) : () -> ()
    } else {
    }
    %dma_start3A = arith.constant 0 : i32
    %dma_start3A_10 = arith.constant 0 : i32
    %dma_start3A_11 = arith.constant 0 : i32
    %dma_start3A_12 = arith.constant 0 : i32
    %dma_start3A_13 = tpu.memref_slice %arg6[%dma_start3A_10, %dma_start3A_11, %dma_start3A_12] : memref<2x2x128xi32, #tpu.memory_space<vmem>> -> memref<1x2x128xi32, #tpu.memory_space<vmem>>
    %dma_start3A_14 = tpu.memref_squeeze %dma_start3A_13 : memref<1x2x128xi32, #tpu.memory_space<vmem>> -> memref<2x128xi32, #tpu.memory_space<vmem>>
    %dma_start3A_15 = arith.constant 0 : i32
    %dma_start3A_16 = arith.constant 0 : i32
    %dma_start3A_17 = tpu.memref_slice %arg4[%add3A, %dma_start3A, %dma_start3A_15, %dma_start3A_16] : memref<32x80x2x128xi32, #tpu.memory_space<hbm>> -> memref<1x1x2x128xi32, #tpu.memory_space<hbm>>
    %dma_start3A_18 = tpu.memref_squeeze %dma_start3A_17 : memref<1x1x2x128xi32, #tpu.memory_space<hbm>> -> memref<2x128xi32, #tpu.memory_space<hbm>>
    %dma_start3A_19 = arith.constant 0 : i32
    %dma_start3A_20 = arith.constant 0 : i32
    %dma_start3A_21 = tpu.memref_slice %arg6[%dma_start3A_10, %dma_start3A_19, %dma_start3A_20] : memref<2x2x128xi32, #tpu.memory_space<vmem>> -> memref<1x2x128xi32, #tpu.memory_space<vmem>>
    %dma_start3A_22 = tpu.memref_squeeze %dma_start3A_21 : memref<1x2x128xi32, #tpu.memory_space<vmem>> -> memref<2x128xi32, #tpu.memory_space<vmem>>
    %dma_start3A_23 = arith.constant 0 : i32
    %dma_start3A_24 = arith.constant 0 : i32
    %dma_start3A_25 = tpu.memref_slice %arg4[%add3A, %dma_start3A, %dma_start3A_23, %dma_start3A_24] : memref<32x80x2x128xi32, #tpu.memory_space<hbm>> -> memref<1x1x2x128xi32, #tpu.memory_space<hbm>>
    %dma_start3A_26 = tpu.memref_squeeze %dma_start3A_25 : memref<1x1x2x128xi32, #tpu.memory_space<hbm>> -> memref<2x128xi32, #tpu.memory_space<hbm>>
    tpu.enqueue_dma source(%dma_start3A_26 : memref<2x128xi32, #tpu.memory_space<hbm>>) target(%dma_start3A_22 : memref<2x128xi32, #tpu.memory_space<vmem>>) target_semaphore(%arg12 : memref<!tpu.dma_semaphore, #tpu.memory_space<semaphore_mem>>)
    %dma_start3A_27 = arith.constant 1 : i32
    %dma_start3A_28 = arith.constant 1 : i32
    %dma_start3A_29 = arith.constant 0 : i32
    %dma_start3A_30 = arith.constant 0 : i32
    %dma_start3A_31 = tpu.memref_slice %arg6[%dma_start3A_28, %dma_start3A_29, %dma_start3A_30] : memref<2x2x128xi32, #tpu.memory_space<vmem>> -> memref<1x2x128xi32, #tpu.memory_space<vmem>>
    %dma_start3A_32 = tpu.memref_squeeze %dma_start3A_31 : memref<1x2x128xi32, #tpu.memory_space<vmem>> -> memref<2x128xi32, #tpu.memory_space<vmem>>
    %dma_start3A_33 = arith.constant 0 : i32
    %dma_start3A_34 = arith.constant 0 : i32
    %dma_start3A_35 = tpu.memref_slice %arg4[%add3A, %dma_start3A_27, %dma_start3A_33, %dma_start3A_34] : memref<32x80x2x128xi32, #tpu.memory_space<hbm>> -> memref<1x1x2x128xi32, #tpu.memory_space<hbm>>
    %dma_start3A_36 = tpu.memref_squeeze %dma_start3A_35 : memref<1x1x2x128xi32, #tpu.memory_space<hbm>> -> memref<2x128xi32, #tpu.memory_space<hbm>>
    %dma_start3A_37 = arith.constant 0 : i32
    %dma_start3A_38 = arith.constant 0 : i32
    %dma_start3A_39 = tpu.memref_slice %arg6[%dma_start3A_28, %dma_start3A_37, %dma_start3A_38] : memref<2x2x128xi32, #tpu.memory_space<vmem>> -> memref<1x2x128xi32, #tpu.memory_space<vmem>>
    %dma_start3A_40 = tpu.memref_squeeze %dma_start3A_39 : memref<1x2x128xi32, #tpu.memory_space<vmem>> -> memref<2x128xi32, #tpu.memory_space<vmem>>
    %dma_start3A_41 = arith.constant 0 : i32
    %dma_start3A_42 = arith.constant 0 : i32
    %dma_start3A_43 = tpu.memref_slice %arg4[%add3A, %dma_start3A_27, %dma_start3A_41, %dma_start3A_42] : memref<32x80x2x128xi32, #tpu.memory_space<hbm>> -> memref<1x1x2x128xi32, #tpu.memory_space<hbm>>
    %dma_start3A_44 = tpu.memref_squeeze %dma_start3A_43 : memref<1x1x2x128xi32, #tpu.memory_space<hbm>> -> memref<2x128xi32, #tpu.memory_space<hbm>>
    tpu.enqueue_dma source(%dma_start3A_44 : memref<2x128xi32, #tpu.memory_space<hbm>>) target(%dma_start3A_40 : memref<2x128xi32, #tpu.memory_space<vmem>>) target_semaphore(%arg13 : memref<!tpu.dma_semaphore, #tpu.memory_space<semaphore_mem>>)
    %barrier3A = arith.constant 0 : index
    tpu.barrier barrier_id(%barrier3A)
    %dma_wait3A = arith.constant 0 : i32
    %dma_wait3A_45 = arith.constant 0 : i32
    %dma_wait3A_46 = arith.constant 0 : i32
    %dma_wait3A_47 = arith.constant 0 : i32
    %dma_wait3A_48 = tpu.memref_slice %arg6[%dma_wait3A_45, %dma_wait3A_46, %dma_wait3A_47] : memref<2x2x128xi32, #tpu.memory_space<vmem>> -> memref<1x2x128xi32, #tpu.memory_space<vmem>>
    %dma_wait3A_49 = tpu.memref_squeeze %dma_wait3A_48 : memref<1x2x128xi32, #tpu.memory_space<vmem>> -> memref<2x128xi32, #tpu.memory_space<vmem>>
    %dma_wait3A_50 = arith.constant 0 : i32
    %dma_wait3A_51 = arith.constant 0 : i32
    %dma_wait3A_52 = tpu.memref_slice %arg4[%add3A, %dma_wait3A, %dma_wait3A_50, %dma_wait3A_51] : memref<32x80x2x128xi32, #tpu.memory_space<hbm>> -> memref<1x1x2x128xi32, #tpu.memory_space<hbm>>
    %dma_wait3A_53 = tpu.memref_squeeze %dma_wait3A_52 : memref<1x1x2x128xi32, #tpu.memory_space<hbm>> -> memref<2x128xi32, #tpu.memory_space<hbm>>
    %dma_wait3A_54 = arith.constant 0 : i32
    %dma_wait3A_55 = arith.constant 0 : i32
    %dma_wait3A_56 = tpu.memref_slice %arg6[%dma_wait3A_45, %dma_wait3A_54, %dma_wait3A_55] : memref<2x2x128xi32, #tpu.memory_space<vmem>> -> memref<1x2x128xi32, #tpu.memory_space<vmem>>
    %dma_wait3A_57 = tpu.memref_squeeze %dma_wait3A_56 : memref<1x2x128xi32, #tpu.memory_space<vmem>> -> memref<2x128xi32, #tpu.memory_space<vmem>>
    %dma_wait3A_58 = arith.constant 0 : i32
    %dma_wait3A_59 = arith.constant 0 : i32
    %dma_wait3A_60 = tpu.memref_slice %arg4[%add3A, %dma_wait3A, %dma_wait3A_58, %dma_wait3A_59] : memref<32x80x2x128xi32, #tpu.memory_space<hbm>> -> memref<1x1x2x128xi32, #tpu.memory_space<hbm>>
    %dma_wait3A_61 = tpu.memref_squeeze %dma_wait3A_60 : memref<1x1x2x128xi32, #tpu.memory_space<hbm>> -> memref<2x128xi32, #tpu.memory_space<hbm>>
    tpu.wait_dma2 semaphore(%arg12 : memref<!tpu.dma_semaphore, #tpu.memory_space<semaphore_mem>>) src(%dma_wait3A_61 : memref<2x128xi32, #tpu.memory_space<hbm>>) dst(%dma_wait3A_57 : memref<2x128xi32, #tpu.memory_space<vmem>>)
    %dma_start3A_62 = arith.constant 0 : i32
    %dma_start3A_63 = arith.constant 0 : i32
    %dma_start3A_64 = arith.constant 0 : i32
    %dma_start3A_65 = tpu.memref_slice %arg6[%dma_start3A_62, %dma_start3A_63, %dma_start3A_64] : memref<2x2x128xi32, #tpu.memory_space<vmem>> -> memref<1x1x128xi32, #tpu.memory_space<vmem>>
    %dma_start3A_66 = tpu.memref_squeeze %dma_start3A_65 : memref<1x1x128xi32, #tpu.memory_space<vmem>> -> memref<128xi32, #tpu.memory_space<vmem>>
    %dma_start3A_67 = arith.constant 0 : i32
    %dma_start3A_68 = arith.constant 0 : i32
    %dma_start3A_69 = tpu.memref_slice %arg2[%dma_start3A_67, %dma_start3A_68] : memref<10240x128xf32, #tpu.memory_space<hbm>> -> memref<10240x128xf32, #tpu.memory_space<hbm>>
    tpu.enqueue_indirect_dma source(%dma_start3A_69 : memref<10240x128xf32, #tpu.memory_space<hbm>>) target(%arg7 : memref<128x128xf32, #tpu.memory_space<vmem>>) offsets(%dma_start3A_66 : memref<128xi32, #tpu.memory_space<vmem>>) semaphore(%arg10 : memref<!tpu.dma_semaphore, #tpu.memory_space<semaphore_mem>>)
    %scan3A = arith.constant 0 : i32
    %scan3A_70 = arith.constant 0 : i32
    %scan3A_71 = arith.constant 40 : i32
    %scan3A_72 = arith.addi %scan3A_70, %scan3A_71 : i32
    %scan3A_73 = arith.constant 1 : i32
    scf.for %scan3A_76 = %scan3A_70 to %scan3A_72 step %scan3A_73  : i32 {
      %mul3A_77 = arith.constant 2 : i32
      %mul3A_78 = arith.muli %mul3A_77, %scan3A_76 : i32
      %dma_wait3A_79 = arith.constant 0 : i32
      %dma_wait3A_80 = arith.constant 1 : i32
      %dma_wait3A_81 = arith.constant 0 : i32
      %dma_wait3A_82 = arith.constant 0 : i32
      %dma_wait3A_83 = tpu.memref_slice %arg6[%dma_wait3A_80, %dma_wait3A_81, %dma_wait3A_82] : memref<2x2x128xi32, #tpu.memory_space<vmem>> -> memref<1x2x128xi32, #tpu.memory_space<vmem>>
      %dma_wait3A_84 = tpu.memref_squeeze %dma_wait3A_83 : memref<1x2x128xi32, #tpu.memory_space<vmem>> -> memref<2x128xi32, #tpu.memory_space<vmem>>
      %dma_wait3A_85 = arith.constant 0 : i32
      %dma_wait3A_86 = arith.constant 0 : i32
      %dma_wait3A_87 = tpu.memref_slice %arg4[%add3A, %dma_wait3A_79, %dma_wait3A_85, %dma_wait3A_86] : memref<32x80x2x128xi32, #tpu.memory_space<hbm>> -> memref<1x1x2x128xi32, #tpu.memory_space<hbm>>
      %dma_wait3A_88 = tpu.memref_squeeze %dma_wait3A_87 : memref<1x1x2x128xi32, #tpu.memory_space<hbm>> -> memref<2x128xi32, #tpu.memory_space<hbm>>
      %dma_wait3A_89 = arith.constant 0 : i32
      %dma_wait3A_90 = arith.constant 0 : i32
      %dma_wait3A_91 = tpu.memref_slice %arg6[%dma_wait3A_80, %dma_wait3A_89, %dma_wait3A_90] : memref<2x2x128xi32, #tpu.memory_space<vmem>> -> memref<1x2x128xi32, #tpu.memory_space<vmem>>
      %dma_wait3A_92 = tpu.memref_squeeze %dma_wait3A_91 : memref<1x2x128xi32, #tpu.memory_space<vmem>> -> memref<2x128xi32, #tpu.memory_space<vmem>>
      %dma_wait3A_93 = arith.constant 0 : i32
      %dma_wait3A_94 = arith.constant 0 : i32
      %dma_wait3A_95 = tpu.memref_slice %arg4[%add3A, %dma_wait3A_79, %dma_wait3A_93, %dma_wait3A_94] : memref<32x80x2x128xi32, #tpu.memory_space<hbm>> -> memref<1x1x2x128xi32, #tpu.memory_space<hbm>>
      %dma_wait3A_96 = tpu.memref_squeeze %dma_wait3A_95 : memref<1x1x2x128xi32, #tpu.memory_space<hbm>> -> memref<2x128xi32, #tpu.memory_space<hbm>>
      tpu.wait_dma2 semaphore(%arg13 : memref<!tpu.dma_semaphore, #tpu.memory_space<semaphore_mem>>) src(%dma_wait3A_96 : memref<2x128xi32, #tpu.memory_space<hbm>>) dst(%dma_wait3A_92 : memref<2x128xi32, #tpu.memory_space<vmem>>)
      %dma_wait3A_97 = arith.constant 0 : i32
      %dma_wait3A_98 = arith.constant 0 : i32
      %dma_wait3A_99 = arith.constant 0 : i32
      %dma_wait3A_100 = tpu.memref_slice %arg6[%dma_wait3A_97, %dma_wait3A_98, %dma_wait3A_99] : memref<2x2x128xi32, #tpu.memory_space<vmem>> -> memref<1x1x128xi32, #tpu.memory_space<vmem>>
      %dma_wait3A_101 = tpu.memref_squeeze %dma_wait3A_100 : memref<1x1x128xi32, #tpu.memory_space<vmem>> -> memref<128xi32, #tpu.memory_space<vmem>>
      %dma_wait3A_102 = arith.constant 0 : i32
      %dma_wait3A_103 = arith.constant 0 : i32
      %dma_wait3A_104 = tpu.memref_slice %arg2[%dma_wait3A_102, %dma_wait3A_103] : memref<10240x128xf32, #tpu.memory_space<hbm>> -> memref<10240x128xf32, #tpu.memory_space<hbm>>
      tpu.wait_indirect_dma semaphore(%arg10 : memref<!tpu.dma_semaphore, #tpu.memory_space<semaphore_mem>>) src(%dma_wait3A_104 : memref<10240x128xf32, #tpu.memory_space<hbm>>) dst(%arg7 : memref<128x128xf32, #tpu.memory_space<vmem>>)
      %dma_start3A_105 = arith.constant 1 : i32
      %dma_start3A_106 = arith.constant 0 : i32
      %dma_start3A_107 = arith.constant 0 : i32
      %dma_start3A_108 = tpu.memref_slice %arg6[%dma_start3A_105, %dma_start3A_106, %dma_start3A_107] : memref<2x2x128xi32, #tpu.memory_space<vmem>> -> memref<1x1x128xi32, #tpu.memory_space<vmem>>
      %dma_start3A_109 = tpu.memref_squeeze %dma_start3A_108 : memref<1x1x128xi32, #tpu.memory_space<vmem>> -> memref<128xi32, #tpu.memory_space<vmem>>
      %dma_start3A_110 = arith.constant 0 : i32
      %dma_start3A_111 = arith.constant 0 : i32
      %dma_start3A_112 = tpu.memref_slice %arg2[%dma_start3A_110, %dma_start3A_111] : memref<10240x128xf32, #tpu.memory_space<hbm>> -> memref<10240x128xf32, #tpu.memory_space<hbm>>
      tpu.enqueue_indirect_dma source(%dma_start3A_112 : memref<10240x128xf32, #tpu.memory_space<hbm>>) target(%arg8 : memref<128x128xf32, #tpu.memory_space<vmem>>) offsets(%dma_start3A_109 : memref<128xi32, #tpu.memory_space<vmem>>) semaphore(%arg11 : memref<!tpu.dma_semaphore, #tpu.memory_space<semaphore_mem>>)
      %run_scoped3A = arith.constant 0 : i32
      %run_scoped3A_113 = arith.constant 1 : i32
      "tpu.region"() ({
        %run_scoped3A_138 = tpu.sem_alloc : memref<!tpu.dma_semaphore, #tpu.memory_space<semaphore_mem>>
        %dma_start3A_139 = arith.constant 0 : i32
        %dma_start3A_140 = tpu.memref_slice %arg6[%run_scoped3A, %run_scoped3A_113, %dma_start3A_139] : memref<2x2x128xi32, #tpu.memory_space<vmem>> -> memref<1x1x128xi32, #tpu.memory_space<vmem>>
        %dma_start3A_141 = tpu.memref_squeeze %dma_start3A_140 : memref<1x1x128xi32, #tpu.memory_space<vmem>> -> memref<128xi32, #tpu.memory_space<vmem>>
        %dma_start3A_142 = arith.constant 0 : i32
        %dma_start3A_143 = arith.constant 0 : i32
        %dma_start3A_144 = tpu.memref_slice %arg9[%dma_start3A_142, %dma_start3A_143] : memref<10240x128xf32, #tpu.memory_space<vmem_shared>> -> memref<10240x128xf32, #tpu.memory_space<vmem_shared>>
        tpu.enqueue_indirect_dma source(%arg7 : memref<128x128xf32, #tpu.memory_space<vmem>>) target(%dma_start3A_144 : memref<10240x128xf32, #tpu.memory_space<vmem_shared>>) offsets(%dma_start3A_141 : memref<128xi32, #tpu.memory_space<vmem>>) semaphore(%run_scoped3A_138 : memref<!tpu.dma_semaphore, #tpu.memory_space<semaphore_mem>>) {add = true}
        %dma_wait3A_145 = arith.constant 0 : i32
        %dma_wait3A_146 = tpu.memref_slice %arg6[%run_scoped3A, %run_scoped3A_113, %dma_wait3A_145] : memref<2x2x128xi32, #tpu.memory_space<vmem>> -> memref<1x1x128xi32, #tpu.memory_space<vmem>>
        %dma_wait3A_147 = tpu.memref_squeeze %dma_wait3A_146 : memref<1x1x128xi32, #tpu.memory_space<vmem>> -> memref<128xi32, #tpu.memory_space<vmem>>
        %dma_wait3A_148 = arith.constant 0 : i32
        %dma_wait3A_149 = arith.constant 0 : i32
        %dma_wait3A_150 = tpu.memref_slice %arg9[%dma_wait3A_148, %dma_wait3A_149] : memref<10240x128xf32, #tpu.memory_space<vmem_shared>> -> memref<10240x128xf32, #tpu.memory_space<vmem_shared>>
        tpu.wait_indirect_dma semaphore(%run_scoped3A_138 : memref<!tpu.dma_semaphore, #tpu.memory_space<semaphore_mem>>) src(%arg7 : memref<128x128xf32, #tpu.memory_space<vmem>>) dst(%dma_wait3A_150 : memref<10240x128xf32, #tpu.memory_space<vmem_shared>>)
        tpu.yield
      }) : () -> ()
      %lt3A = arith.constant 39 : i32
      %lt3A_114 = arith.cmpi slt, %scan3A_76, %lt3A : i32
      %convert_element_type3A_115 = arith.extui %lt3A_114 : i1 to i32
      %cond3A_116 = arith.constant 0 : i32
      %cond3A_117 = arith.cmpi ne, %convert_element_type3A_115, %cond3A_116 : i32
      scf.if %cond3A_117 {
        %add3A_138 = arith.constant 2 : i32
        %add3A_139 = arith.addi %mul3A_78, %add3A_138 : i32
        %dma_start3A_140 = arith.constant 0 : i32
        %dma_start3A_141 = arith.constant 0 : i32
        %dma_start3A_142 = arith.constant 0 : i32
        %dma_start3A_143 = tpu.memref_slice %arg6[%dma_start3A_140, %dma_start3A_141, %dma_start3A_142] : memref<2x2x128xi32, #tpu.memory_space<vmem>> -> memref<1x2x128xi32, #tpu.memory_space<vmem>>
        %dma_start3A_144 = tpu.memref_squeeze %dma_start3A_143 : memref<1x2x128xi32, #tpu.memory_space<vmem>> -> memref<2x128xi32, #tpu.memory_space<vmem>>
        %dma_start3A_145 = arith.constant 0 : i32
        %dma_start3A_146 = arith.constant 0 : i32
        %dma_start3A_147 = tpu.memref_slice %arg4[%add3A, %add3A_139, %dma_start3A_145, %dma_start3A_146] : memref<32x80x2x128xi32, #tpu.memory_space<hbm>> -> memref<1x1x2x128xi32, #tpu.memory_space<hbm>>
        %dma_start3A_148 = tpu.memref_squeeze %dma_start3A_147 : memref<1x1x2x128xi32, #tpu.memory_space<hbm>> -> memref<2x128xi32, #tpu.memory_space<hbm>>
        %dma_start3A_149 = arith.constant 0 : i32
        %dma_start3A_150 = arith.constant 0 : i32
        %dma_start3A_151 = tpu.memref_slice %arg6[%dma_start3A_140, %dma_start3A_149, %dma_start3A_150] : memref<2x2x128xi32, #tpu.memory_space<vmem>> -> memref<1x2x128xi32, #tpu.memory_space<vmem>>
        %dma_start3A_152 = tpu.memref_squeeze %dma_start3A_151 : memref<1x2x128xi32, #tpu.memory_space<vmem>> -> memref<2x128xi32, #tpu.memory_space<vmem>>
        %dma_start3A_153 = arith.constant 0 : i32
        %dma_start3A_154 = arith.constant 0 : i32
        %dma_start3A_155 = tpu.memref_slice %arg4[%add3A, %add3A_139, %dma_start3A_153, %dma_start3A_154] : memref<32x80x2x128xi32, #tpu.memory_space<hbm>> -> memref<1x1x2x128xi32, #tpu.memory_space<hbm>>
        %dma_start3A_156 = tpu.memref_squeeze %dma_start3A_155 : memref<1x1x2x128xi32, #tpu.memory_space<hbm>> -> memref<2x128xi32, #tpu.memory_space<hbm>>
        tpu.enqueue_dma source(%dma_start3A_156 : memref<2x128xi32, #tpu.memory_space<hbm>>) target(%dma_start3A_152 : memref<2x128xi32, #tpu.memory_space<vmem>>) target_semaphore(%arg12 : memref<!tpu.dma_semaphore, #tpu.memory_space<semaphore_mem>>)
      } else {
      }
      %dma_wait3A_118 = arith.constant 1 : i32
      %dma_wait3A_119 = arith.constant 0 : i32
      %dma_wait3A_120 = arith.constant 0 : i32
      %dma_wait3A_121 = tpu.memref_slice %arg6[%dma_wait3A_118, %dma_wait3A_119, %dma_wait3A_120] : memref<2x2x128xi32, #tpu.memory_space<vmem>> -> memref<1x1x128xi32, #tpu.memory_space<vmem>>
      %dma_wait3A_122 = tpu.memref_squeeze %dma_wait3A_121 : memref<1x1x128xi32, #tpu.memory_space<vmem>> -> memref<128xi32, #tpu.memory_space<vmem>>
      %dma_wait3A_123 = arith.constant 0 : i32
      %dma_wait3A_124 = arith.constant 0 : i32
      %dma_wait3A_125 = tpu.memref_slice %arg2[%dma_wait3A_123, %dma_wait3A_124] : memref<10240x128xf32, #tpu.memory_space<hbm>> -> memref<10240x128xf32, #tpu.memory_space<hbm>>
      tpu.wait_indirect_dma semaphore(%arg11 : memref<!tpu.dma_semaphore, #tpu.memory_space<semaphore_mem>>) src(%dma_wait3A_125 : memref<10240x128xf32, #tpu.memory_space<hbm>>) dst(%arg8 : memref<128x128xf32, #tpu.memory_space<vmem>>)
      %lt3A_126 = arith.constant 39 : i32
      %lt3A_127 = arith.cmpi slt, %scan3A_76, %lt3A_126 : i32
      %convert_element_type3A_128 = arith.extui %lt3A_127 : i1 to i32
      %cond3A_129 = arith.constant 0 : i32
      %cond3A_130 = arith.cmpi ne, %convert_element_type3A_128, %cond3A_129 : i32
      scf.if %cond3A_130 {
        %dma_wait3A_138 = arith.constant 0 : i32
        %dma_wait3A_139 = arith.constant 0 : i32
        %dma_wait3A_140 = arith.constant 0 : i32
        %dma_wait3A_141 = arith.constant 0 : i32
        %dma_wait3A_142 = tpu.memref_slice %arg6[%dma_wait3A_139, %dma_wait3A_140, %dma_wait3A_141] : memref<2x2x128xi32, #tpu.memory_space<vmem>> -> memref<1x2x128xi32, #tpu.memory_space<vmem>>
        %dma_wait3A_143 = tpu.memref_squeeze %dma_wait3A_142 : memref<1x2x128xi32, #tpu.memory_space<vmem>> -> memref<2x128xi32, #tpu.memory_space<vmem>>
        %dma_wait3A_144 = arith.constant 0 : i32
        %dma_wait3A_145 = arith.constant 0 : i32
        %dma_wait3A_146 = tpu.memref_slice %arg4[%add3A, %dma_wait3A_138, %dma_wait3A_144, %dma_wait3A_145] : memref<32x80x2x128xi32, #tpu.memory_space<hbm>> -> memref<1x1x2x128xi32, #tpu.memory_space<hbm>>
        %dma_wait3A_147 = tpu.memref_squeeze %dma_wait3A_146 : memref<1x1x2x128xi32, #tpu.memory_space<hbm>> -> memref<2x128xi32, #tpu.memory_space<hbm>>
        %dma_wait3A_148 = arith.constant 0 : i32
        %dma_wait3A_149 = arith.constant 0 : i32
        %dma_wait3A_150 = tpu.memref_slice %arg6[%dma_wait3A_139, %dma_wait3A_148, %dma_wait3A_149] : memref<2x2x128xi32, #tpu.memory_space<vmem>> -> memref<1x2x128xi32, #tpu.memory_space<vmem>>
        %dma_wait3A_151 = tpu.memref_squeeze %dma_wait3A_150 : memref<1x2x128xi32, #tpu.memory_space<vmem>> -> memref<2x128xi32, #tpu.memory_space<vmem>>
        %dma_wait3A_152 = arith.constant 0 : i32
        %dma_wait3A_153 = arith.constant 0 : i32
        %dma_wait3A_154 = tpu.memref_slice %arg4[%add3A, %dma_wait3A_138, %dma_wait3A_152, %dma_wait3A_153] : memref<32x80x2x128xi32, #tpu.memory_space<hbm>> -> memref<1x1x2x128xi32, #tpu.memory_space<hbm>>
        %dma_wait3A_155 = tpu.memref_squeeze %dma_wait3A_154 : memref<1x1x2x128xi32, #tpu.memory_space<hbm>> -> memref<2x128xi32, #tpu.memory_space<hbm>>
        tpu.wait_dma2 semaphore(%arg12 : memref<!tpu.dma_semaphore, #tpu.memory_space<semaphore_mem>>) src(%dma_wait3A_155 : memref<2x128xi32, #tpu.memory_space<hbm>>) dst(%dma_wait3A_151 : memref<2x128xi32, #tpu.memory_space<vmem>>)
        %dma_start3A_156 = arith.constant 0 : i32
        %dma_start3A_157 = arith.constant 0 : i32
        %dma_start3A_158 = arith.constant 0 : i32
        %dma_start3A_159 = tpu.memref_slice %arg6[%dma_start3A_156, %dma_start3A_157, %dma_start3A_158] : memref<2x2x128xi32, #tpu.memory_space<vmem>> -> memref<1x1x128xi32, #tpu.memory_space<vmem>>
        %dma_start3A_160 = tpu.memref_squeeze %dma_start3A_159 : memref<1x1x128xi32, #tpu.memory_space<vmem>> -> memref<128xi32, #tpu.memory_space<vmem>>
        %dma_start3A_161 = arith.constant 0 : i32
        %dma_start3A_162 = arith.constant 0 : i32
        %dma_start3A_163 = tpu.memref_slice %arg2[%dma_start3A_161, %dma_start3A_162] : memref<10240x128xf32, #tpu.memory_space<hbm>> -> memref<10240x128xf32, #tpu.memory_space<hbm>>
        tpu.enqueue_indirect_dma source(%dma_start3A_163 : memref<10240x128xf32, #tpu.memory_space<hbm>>) target(%arg7 : memref<128x128xf32, #tpu.memory_space<vmem>>) offsets(%dma_start3A_160 : memref<128xi32, #tpu.memory_space<vmem>>) semaphore(%arg10 : memref<!tpu.dma_semaphore, #tpu.memory_space<semaphore_mem>>)
      } else {
      }
      %run_scoped3A_131 = arith.constant 1 : i32
      %run_scoped3A_132 = arith.constant 1 : i32
      "tpu.region"() ({
        %run_scoped3A_138 = tpu.sem_alloc : memref<!tpu.dma_semaphore, #tpu.memory_space<semaphore_mem>>
        %dma_start3A_139 = arith.constant 0 : i32
        %dma_start3A_140 = tpu.memref_slice %arg6[%run_scoped3A_131, %run_scoped3A_132, %dma_start3A_139] : memref<2x2x128xi32, #tpu.memory_space<vmem>> -> memref<1x1x128xi32, #tpu.memory_space<vmem>>
        %dma_start3A_141 = tpu.memref_squeeze %dma_start3A_140 : memref<1x1x128xi32, #tpu.memory_space<vmem>> -> memref<128xi32, #tpu.memory_space<vmem>>
        %dma_start3A_142 = arith.constant 0 : i32
        %dma_start3A_143 = arith.constant 0 : i32
        %dma_start3A_144 = tpu.memref_slice %arg9[%dma_start3A_142, %dma_start3A_143] : memref<10240x128xf32, #tpu.memory_space<vmem_shared>> -> memref<10240x128xf32, #tpu.memory_space<vmem_shared>>
        tpu.enqueue_indirect_dma source(%arg8 : memref<128x128xf32, #tpu.memory_space<vmem>>) target(%dma_start3A_144 : memref<10240x128xf32, #tpu.memory_space<vmem_shared>>) offsets(%dma_start3A_141 : memref<128xi32, #tpu.memory_space<vmem>>) semaphore(%run_scoped3A_138 : memref<!tpu.dma_semaphore, #tpu.memory_space<semaphore_mem>>) {add = true}
        %dma_wait3A_145 = arith.constant 0 : i32
        %dma_wait3A_146 = tpu.memref_slice %arg6[%run_scoped3A_131, %run_scoped3A_132, %dma_wait3A_145] : memref<2x2x128xi32, #tpu.memory_space<vmem>> -> memref<1x1x128xi32, #tpu.memory_space<vmem>>
        %dma_wait3A_147 = tpu.memref_squeeze %dma_wait3A_146 : memref<1x1x128xi32, #tpu.memory_space<vmem>> -> memref<128xi32, #tpu.memory_space<vmem>>
        %dma_wait3A_148 = arith.constant 0 : i32
        %dma_wait3A_149 = arith.constant 0 : i32
        %dma_wait3A_150 = tpu.memref_slice %arg9[%dma_wait3A_148, %dma_wait3A_149] : memref<10240x128xf32, #tpu.memory_space<vmem_shared>> -> memref<10240x128xf32, #tpu.memory_space<vmem_shared>>
        tpu.wait_indirect_dma semaphore(%run_scoped3A_138 : memref<!tpu.dma_semaphore, #tpu.memory_space<semaphore_mem>>) src(%arg8 : memref<128x128xf32, #tpu.memory_space<vmem>>) dst(%dma_wait3A_150 : memref<10240x128xf32, #tpu.memory_space<vmem_shared>>)
        tpu.yield
      }) : () -> ()
      %lt3A_133 = arith.constant 39 : i32
      %lt3A_134 = arith.cmpi slt, %scan3A_76, %lt3A_133 : i32
      %convert_element_type3A_135 = arith.extui %lt3A_134 : i1 to i32
      %cond3A_136 = arith.constant 0 : i32
      %cond3A_137 = arith.cmpi ne, %convert_element_type3A_135, %cond3A_136 : i32
      scf.if %cond3A_137 {
        %add3A_138 = arith.constant 3 : i32
        %add3A_139 = arith.addi %mul3A_78, %add3A_138 : i32
        %dma_start3A_140 = arith.constant 1 : i32
        %dma_start3A_141 = arith.constant 0 : i32
        %dma_start3A_142 = arith.constant 0 : i32
        %dma_start3A_143 = tpu.memref_slice %arg6[%dma_start3A_140, %dma_start3A_141, %dma_start3A_142] : memref<2x2x128xi32, #tpu.memory_space<vmem>> -> memref<1x2x128xi32, #tpu.memory_space<vmem>>
        %dma_start3A_144 = tpu.memref_squeeze %dma_start3A_143 : memref<1x2x128xi32, #tpu.memory_space<vmem>> -> memref<2x128xi32, #tpu.memory_space<vmem>>
        %dma_start3A_145 = arith.constant 0 : i32
        %dma_start3A_146 = arith.constant 0 : i32
        %dma_start3A_147 = tpu.memref_slice %arg4[%add3A, %add3A_139, %dma_start3A_145, %dma_start3A_146] : memref<32x80x2x128xi32, #tpu.memory_space<hbm>> -> memref<1x1x2x128xi32, #tpu.memory_space<hbm>>
        %dma_start3A_148 = tpu.memref_squeeze %dma_start3A_147 : memref<1x1x2x128xi32, #tpu.memory_space<hbm>> -> memref<2x128xi32, #tpu.memory_space<hbm>>
        %dma_start3A_149 = arith.constant 0 : i32
        %dma_start3A_150 = arith.constant 0 : i32
        %dma_start3A_151 = tpu.memref_slice %arg6[%dma_start3A_140, %dma_start3A_149, %dma_start3A_150] : memref<2x2x128xi32, #tpu.memory_space<vmem>> -> memref<1x2x128xi32, #tpu.memory_space<vmem>>
        %dma_start3A_152 = tpu.memref_squeeze %dma_start3A_151 : memref<1x2x128xi32, #tpu.memory_space<vmem>> -> memref<2x128xi32, #tpu.memory_space<vmem>>
        %dma_start3A_153 = arith.constant 0 : i32
        %dma_start3A_154 = arith.constant 0 : i32
        %dma_start3A_155 = tpu.memref_slice %arg4[%add3A, %add3A_139, %dma_start3A_153, %dma_start3A_154] : memref<32x80x2x128xi32, #tpu.memory_space<hbm>> -> memref<1x1x2x128xi32, #tpu.memory_space<hbm>>
        %dma_start3A_156 = tpu.memref_squeeze %dma_start3A_155 : memref<1x1x2x128xi32, #tpu.memory_space<hbm>> -> memref<2x128xi32, #tpu.memory_space<hbm>>
        tpu.enqueue_dma source(%dma_start3A_156 : memref<2x128xi32, #tpu.memory_space<hbm>>) target(%dma_start3A_152 : memref<2x128xi32, #tpu.memory_space<vmem>>) target_semaphore(%arg13 : memref<!tpu.dma_semaphore, #tpu.memory_space<semaphore_mem>>)
      } else {
      }
    }
    %scan3A_74 = arith.constant 40 : i32
    %barrier3A_75 = arith.constant 0 : index
    tpu.barrier barrier_id(%barrier3A_75)
    "tpu.region"() ({
      %run_scoped3A = tpu.sem_alloc : memref<!tpu.dma_semaphore, #tpu.memory_space<semaphore_mem>>
      %dma_start3A_76 = arith.constant 0 : i32
      %dma_start3A_77 = tpu.memref_slice %arg5[%arg0, %mul3A_2, %dma_start3A_76] : memref<2x10240x128xf32, #tpu.memory_space<hbm>> -> memref<1x640x128xf32, #tpu.memory_space<hbm>>
      %dma_start3A_78 = tpu.memref_squeeze %dma_start3A_77 : memref<1x640x128xf32, #tpu.memory_space<hbm>> -> memref<640x128xf32, #tpu.memory_space<hbm>>
      %dma_start3A_79 = arith.constant 0 : i32
      %dma_start3A_80 = tpu.memref_slice %arg9[%mul3A_2, %dma_start3A_79] : memref<10240x128xf32, #tpu.memory_space<vmem_shared>> -> memref<640x128xf32, #tpu.memory_space<vmem_shared>>
      tpu.enqueue_dma source(%dma_start3A_80 : memref<640x128xf32, #tpu.memory_space<vmem_shared>>) target(%dma_start3A_78 : memref<640x128xf32, #tpu.memory_space<hbm>>) target_semaphore(%run_scoped3A : memref<!tpu.dma_semaphore, #tpu.memory_space<semaphore_mem>>)
      %dma_wait3A_81 = arith.constant 0 : i32
      %dma_wait3A_82 = tpu.memref_slice %arg5[%arg0, %mul3A_2, %dma_wait3A_81] : memref<2x10240x128xf32, #tpu.memory_space<hbm>> -> memref<1x640x128xf32, #tpu.memory_space<hbm>>
      %dma_wait3A_83 = tpu.memref_squeeze %dma_wait3A_82 : memref<1x640x128xf32, #tpu.memory_space<hbm>> -> memref<640x128xf32, #tpu.memory_space<hbm>>
      %dma_wait3A_84 = arith.constant 0 : i32
      %dma_wait3A_85 = tpu.memref_slice %arg9[%mul3A_2, %dma_wait3A_84] : memref<10240x128xf32, #tpu.memory_space<vmem_shared>> -> memref<640x128xf32, #tpu.memory_space<vmem_shared>>
      tpu.wait_dma2 semaphore(%run_scoped3A : memref<!tpu.dma_semaphore, #tpu.memory_space<semaphore_mem>>) src(%dma_wait3A_85 : memref<640x128xf32, #tpu.memory_space<vmem_shared>>) dst(%dma_wait3A_83 : memref<640x128xf32, #tpu.memory_space<hbm>>)
      tpu.yield
    }) : () -> ()
    return
  }
}

#map = affine_map<(d0, d1) -> (0, 0)>
#map1 = affine_map<(d0, d1) -> (0, 0, 0, 0)>
#map2 = affine_map<(d0, d1) -> (0, 0, 0)>
module attributes {stable_mosaic.version = 14 : i64} {
  func.func @_prop(%arg0: i32, %arg1: i32, %arg2: memref<10240x128xf32, #tpu.memory_space<hbm>>, %arg3: memref<10240x128xf32, #tpu.memory_space<hbm>>, %arg4: memref<32x80x2x128xi32, #tpu.memory_space<hbm>>, %arg5: memref<2x10240x128xf32, #tpu.memory_space<hbm>>, %arg6: memref<2x2x128xi32, #tpu.memory_space<vmem>>, %arg7: memref<128x128xf32, #tpu.memory_space<vmem>>, %arg8: memref<128x128xf32, #tpu.memory_space<vmem>>, %arg9: memref<10240x128xf32, #tpu.memory_space<vmem_shared>>, %arg10: memref<!tpu.dma_semaphore, #tpu.memory_space<semaphore_mem>>, %arg11: memref<!tpu.dma_semaphore, #tpu.memory_space<semaphore_mem>>, %arg12: memref<!tpu.dma_semaphore, #tpu.memory_space<semaphore_mem>>, %arg13: memref<!tpu.dma_semaphore, #tpu.memory_space<semaphore_mem>>) attributes {dimension_semantics = [#tpu.dimension_semantics<core_parallel>, #tpu.dimension_semantics<subcore_parallel>], iteration_bounds = array<i64: 2, 16>, scalar_prefetch = 0 : i64, scratch_operands = 8 : i64, tpu.core_type = #tpu.core_type<sc_vector_subcore>, window_params = [{transform_indices = #map}, {transform_indices = #map}, {transform_indices = #map1}, {transform_indices = #map2}]} {
    %mul3A = arith.constant 16 : i32
    %mul3A_0 = arith.muli %arg0, %mul3A : i32
    %add3A = arith.addi %mul3A_0, %arg1 : i32
    %mul3A_1 = arith.constant 640 : i32
    %mul3A_2 = arith.muli %arg1, %mul3A_1 : i32
    %eq3A = arith.constant 0 : i32
    %eq3A_3 = arith.cmpi eq, %arg0, %eq3A : i32
    %convert_element_type3A = arith.extui %eq3A_3 : i1 to i32
    %cond3A = arith.constant 0 : i32
    %cond3A_4 = arith.cmpi ne, %convert_element_type3A, %cond3A : i32
    scf.if %cond3A_4 {
      "tpu.region"() ({
        %run_scoped3A = tpu.sem_alloc : memref<!tpu.dma_semaphore, #tpu.memory_space<semaphore_mem>>
        %dma_start3A_76 = arith.constant 0 : i32
        %dma_start3A_77 = tpu.memref_slice %arg9[%mul3A_2, %dma_start3A_76] : memref<10240x128xf32, #tpu.memory_space<vmem_shared>> -> memref<640x128xf32, #tpu.memory_space<vmem_shared>>
        %dma_start3A_78 = arith.constant 0 : i32
        %dma_start3A_79 = tpu.memref_slice %arg2[%mul3A_2, %dma_start3A_78] : memref<10240x128xf32, #tpu.memory_space<hbm>> -> memref<640x128xf32, #tpu.memory_space<hbm>>
        tpu.enqueue_dma source(%dma_start3A_79 : memref<640x128xf32, #tpu.memory_space<hbm>>) target(%dma_start3A_77 : memref<640x128xf32, #tpu.memory_space<vmem_shared>>) target_semaphore(%run_scoped3A : memref<!tpu.dma_semaphore, #tpu.memory_space<semaphore_mem>>)
        %dma_wait3A_80 = arith.constant 0 : i32
        %dma_wait3A_81 = tpu.memref_slice %arg9[%mul3A_2, %dma_wait3A_80] : memref<10240x128xf32, #tpu.memory_space<vmem_shared>> -> memref<640x128xf32, #tpu.memory_space<vmem_shared>>
        %dma_wait3A_82 = arith.constant 0 : i32
        %dma_wait3A_83 = tpu.memref_slice %arg2[%mul3A_2, %dma_wait3A_82] : memref<10240x128xf32, #tpu.memory_space<hbm>> -> memref<640x128xf32, #tpu.memory_space<hbm>>
        tpu.wait_dma2 semaphore(%run_scoped3A : memref<!tpu.dma_semaphore, #tpu.memory_space<semaphore_mem>>) src(%dma_wait3A_83 : memref<640x128xf32, #tpu.memory_space<hbm>>) dst(%dma_wait3A_81 : memref<640x128xf32, #tpu.memory_space<vmem_shared>>)
        tpu.yield
      }) : () -> ()
    } else {
    }
    %eq3A_5 = arith.constant 1 : i32
    %eq3A_6 = arith.cmpi eq, %arg0, %eq3A_5 : i32
    %convert_element_type3A_7 = arith.extui %eq3A_6 : i1 to i32
    %cond3A_8 = arith.constant 0 : i32
    %cond3A_9 = arith.cmpi ne, %convert_element_type3A_7, %cond3A_8 : i32
    scf.if %cond3A_9 {
      "tpu.region"() ({
        %run_scoped3A = tpu.sem_alloc : memref<!tpu.dma_semaphore, #tpu.memory_space<semaphore_mem>>
        %dma_start3A_76 = arith.constant 0 : i32
        %dma_start3A_77 = tpu.memref_slice %arg9[%mul3A_2, %dma_start3A_76] : memref<10240x128xf32, #tpu.memory_space<vmem_shared>> -> memref<640x128xf32, #tpu.memory_space<vmem_shared>>
        %dma_start3A_78 = arith.constant 0 : i32
        %dma_start3A_79 = tpu.memref_slice %arg3[%mul3A_2, %dma_start3A_78] : memref<10240x128xf32, #tpu.memory_space<hbm>> -> memref<640x128xf32, #tpu.memory_space<hbm>>
        tpu.enqueue_dma source(%dma_start3A_79 : memref<640x128xf32, #tpu.memory_space<hbm>>) target(%dma_start3A_77 : memref<640x128xf32, #tpu.memory_space<vmem_shared>>) target_semaphore(%run_scoped3A : memref<!tpu.dma_semaphore, #tpu.memory_space<semaphore_mem>>)
        %dma_wait3A_80 = arith.constant 0 : i32
        %dma_wait3A_81 = tpu.memref_slice %arg9[%mul3A_2, %dma_wait3A_80] : memref<10240x128xf32, #tpu.memory_space<vmem_shared>> -> memref<640x128xf32, #tpu.memory_space<vmem_shared>>
        %dma_wait3A_82 = arith.constant 0 : i32
        %dma_wait3A_83 = tpu.memref_slice %arg3[%mul3A_2, %dma_wait3A_82] : memref<10240x128xf32, #tpu.memory_space<hbm>> -> memref<640x128xf32, #tpu.memory_space<hbm>>
        tpu.wait_dma2 semaphore(%run_scoped3A : memref<!tpu.dma_semaphore, #tpu.memory_space<semaphore_mem>>) src(%dma_wait3A_83 : memref<640x128xf32, #tpu.memory_space<hbm>>) dst(%dma_wait3A_81 : memref<640x128xf32, #tpu.memory_space<vmem_shared>>)
        tpu.yield
      }) : () -> ()
    } else {
    }
    %dma_start3A = arith.constant 0 : i32
    %dma_start3A_10 = arith.constant 0 : i32
    %dma_start3A_11 = arith.constant 0 : i32
    %dma_start3A_12 = arith.constant 0 : i32
    %dma_start3A_13 = tpu.memref_slice %arg6[%dma_start3A_10, %dma_start3A_11, %dma_start3A_12] : memref<2x2x128xi32, #tpu.memory_space<vmem>> -> memref<1x2x128xi32, #tpu.memory_space<vmem>>
    %dma_start3A_14 = tpu.memref_squeeze %dma_start3A_13 : memref<1x2x128xi32, #tpu.memory_space<vmem>> -> memref<2x128xi32, #tpu.memory_space<vmem>>
    %dma_start3A_15 = arith.constant 0 : i32
    %dma_start3A_16 = arith.constant 0 : i32
    %dma_start3A_17 = tpu.memref_slice %arg4[%add3A, %dma_start3A, %dma_start3A_15, %dma_start3A_16] : memref<32x80x2x128xi32, #tpu.memory_space<hbm>> -> memref<1x1x2x128xi32, #tpu.memory_space<hbm>>
    %dma_start3A_18 = tpu.memref_squeeze %dma_start3A_17 : memref<1x1x2x128xi32, #tpu.memory_space<hbm>> -> memref<2x128xi32, #tpu.memory_space<hbm>>
    %dma_start3A_19 = arith.constant 0 : i32
    %dma_start3A_20 = arith.constant 0 : i32
    %dma_start3A_21 = tpu.memref_slice %arg6[%dma_start3A_10, %dma_start3A_19, %dma_start3A_20] : memref<2x2x128xi32, #tpu.memory_space<vmem>> -> memref<1x2x128xi32, #tpu.memory_space<vmem>>
    %dma_start3A_22 = tpu.memref_squeeze %dma_start3A_21 : memref<1x2x128xi32, #tpu.memory_space<vmem>> -> memref<2x128xi32, #tpu.memory_space<vmem>>
    %dma_start3A_23 = arith.constant 0 : i32
    %dma_start3A_24 = arith.constant 0 : i32
    %dma_start3A_25 = tpu.memref_slice %arg4[%add3A, %dma_start3A, %dma_start3A_23, %dma_start3A_24] : memref<32x80x2x128xi32, #tpu.memory_space<hbm>> -> memref<1x1x2x128xi32, #tpu.memory_space<hbm>>
    %dma_start3A_26 = tpu.memref_squeeze %dma_start3A_25 : memref<1x1x2x128xi32, #tpu.memory_space<hbm>> -> memref<2x128xi32, #tpu.memory_space<hbm>>
    tpu.enqueue_dma source(%dma_start3A_26 : memref<2x128xi32, #tpu.memory_space<hbm>>) target(%dma_start3A_22 : memref<2x128xi32, #tpu.memory_space<vmem>>) target_semaphore(%arg12 : memref<!tpu.dma_semaphore, #tpu.memory_space<semaphore_mem>>)
    %dma_start3A_27 = arith.constant 1 : i32
    %dma_start3A_28 = arith.constant 1 : i32
    %dma_start3A_29 = arith.constant 0 : i32
    %dma_start3A_30 = arith.constant 0 : i32
    %dma_start3A_31 = tpu.memref_slice %arg6[%dma_start3A_28, %dma_start3A_29, %dma_start3A_30] : memref<2x2x128xi32, #tpu.memory_space<vmem>> -> memref<1x2x128xi32, #tpu.memory_space<vmem>>
    %dma_start3A_32 = tpu.memref_squeeze %dma_start3A_31 : memref<1x2x128xi32, #tpu.memory_space<vmem>> -> memref<2x128xi32, #tpu.memory_space<vmem>>
    %dma_start3A_33 = arith.constant 0 : i32
    %dma_start3A_34 = arith.constant 0 : i32
    %dma_start3A_35 = tpu.memref_slice %arg4[%add3A, %dma_start3A_27, %dma_start3A_33, %dma_start3A_34] : memref<32x80x2x128xi32, #tpu.memory_space<hbm>> -> memref<1x1x2x128xi32, #tpu.memory_space<hbm>>
    %dma_start3A_36 = tpu.memref_squeeze %dma_start3A_35 : memref<1x1x2x128xi32, #tpu.memory_space<hbm>> -> memref<2x128xi32, #tpu.memory_space<hbm>>
    %dma_start3A_37 = arith.constant 0 : i32
    %dma_start3A_38 = arith.constant 0 : i32
    %dma_start3A_39 = tpu.memref_slice %arg6[%dma_start3A_28, %dma_start3A_37, %dma_start3A_38] : memref<2x2x128xi32, #tpu.memory_space<vmem>> -> memref<1x2x128xi32, #tpu.memory_space<vmem>>
    %dma_start3A_40 = tpu.memref_squeeze %dma_start3A_39 : memref<1x2x128xi32, #tpu.memory_space<vmem>> -> memref<2x128xi32, #tpu.memory_space<vmem>>
    %dma_start3A_41 = arith.constant 0 : i32
    %dma_start3A_42 = arith.constant 0 : i32
    %dma_start3A_43 = tpu.memref_slice %arg4[%add3A, %dma_start3A_27, %dma_start3A_41, %dma_start3A_42] : memref<32x80x2x128xi32, #tpu.memory_space<hbm>> -> memref<1x1x2x128xi32, #tpu.memory_space<hbm>>
    %dma_start3A_44 = tpu.memref_squeeze %dma_start3A_43 : memref<1x1x2x128xi32, #tpu.memory_space<hbm>> -> memref<2x128xi32, #tpu.memory_space<hbm>>
    tpu.enqueue_dma source(%dma_start3A_44 : memref<2x128xi32, #tpu.memory_space<hbm>>) target(%dma_start3A_40 : memref<2x128xi32, #tpu.memory_space<vmem>>) target_semaphore(%arg13 : memref<!tpu.dma_semaphore, #tpu.memory_space<semaphore_mem>>)
    %barrier3A = arith.constant 0 : index
    tpu.barrier barrier_id(%barrier3A)
    %dma_wait3A = arith.constant 0 : i32
    %dma_wait3A_45 = arith.constant 0 : i32
    %dma_wait3A_46 = arith.constant 0 : i32
    %dma_wait3A_47 = arith.constant 0 : i32
    %dma_wait3A_48 = tpu.memref_slice %arg6[%dma_wait3A_45, %dma_wait3A_46, %dma_wait3A_47] : memref<2x2x128xi32, #tpu.memory_space<vmem>> -> memref<1x2x128xi32, #tpu.memory_space<vmem>>
    %dma_wait3A_49 = tpu.memref_squeeze %dma_wait3A_48 : memref<1x2x128xi32, #tpu.memory_space<vmem>> -> memref<2x128xi32, #tpu.memory_space<vmem>>
    %dma_wait3A_50 = arith.constant 0 : i32
    %dma_wait3A_51 = arith.constant 0 : i32
    %dma_wait3A_52 = tpu.memref_slice %arg4[%add3A, %dma_wait3A, %dma_wait3A_50, %dma_wait3A_51] : memref<32x80x2x128xi32, #tpu.memory_space<hbm>> -> memref<1x1x2x128xi32, #tpu.memory_space<hbm>>
    %dma_wait3A_53 = tpu.memref_squeeze %dma_wait3A_52 : memref<1x1x2x128xi32, #tpu.memory_space<hbm>> -> memref<2x128xi32, #tpu.memory_space<hbm>>
    %dma_wait3A_54 = arith.constant 0 : i32
    %dma_wait3A_55 = arith.constant 0 : i32
    %dma_wait3A_56 = tpu.memref_slice %arg6[%dma_wait3A_45, %dma_wait3A_54, %dma_wait3A_55] : memref<2x2x128xi32, #tpu.memory_space<vmem>> -> memref<1x2x128xi32, #tpu.memory_space<vmem>>
    %dma_wait3A_57 = tpu.memref_squeeze %dma_wait3A_56 : memref<1x2x128xi32, #tpu.memory_space<vmem>> -> memref<2x128xi32, #tpu.memory_space<vmem>>
    %dma_wait3A_58 = arith.constant 0 : i32
    %dma_wait3A_59 = arith.constant 0 : i32
    %dma_wait3A_60 = tpu.memref_slice %arg4[%add3A, %dma_wait3A, %dma_wait3A_58, %dma_wait3A_59] : memref<32x80x2x128xi32, #tpu.memory_space<hbm>> -> memref<1x1x2x128xi32, #tpu.memory_space<hbm>>
    %dma_wait3A_61 = tpu.memref_squeeze %dma_wait3A_60 : memref<1x1x2x128xi32, #tpu.memory_space<hbm>> -> memref<2x128xi32, #tpu.memory_space<hbm>>
    tpu.wait_dma2 semaphore(%arg12 : memref<!tpu.dma_semaphore, #tpu.memory_space<semaphore_mem>>) src(%dma_wait3A_61 : memref<2x128xi32, #tpu.memory_space<hbm>>) dst(%dma_wait3A_57 : memref<2x128xi32, #tpu.memory_space<vmem>>)
    %dma_start3A_62 = arith.constant 0 : i32
    %dma_start3A_63 = arith.constant 0 : i32
    %dma_start3A_64 = arith.constant 0 : i32
    %dma_start3A_65 = tpu.memref_slice %arg6[%dma_start3A_62, %dma_start3A_63, %dma_start3A_64] : memref<2x2x128xi32, #tpu.memory_space<vmem>> -> memref<1x1x128xi32, #tpu.memory_space<vmem>>
    %dma_start3A_66 = tpu.memref_squeeze %dma_start3A_65 : memref<1x1x128xi32, #tpu.memory_space<vmem>> -> memref<128xi32, #tpu.memory_space<vmem>>
    %dma_start3A_67 = arith.constant 0 : i32
    %dma_start3A_68 = arith.constant 0 : i32
    %dma_start3A_69 = tpu.memref_slice %arg2[%dma_start3A_67, %dma_start3A_68] : memref<10240x128xf32, #tpu.memory_space<hbm>> -> memref<10240x128xf32, #tpu.memory_space<hbm>>
    tpu.enqueue_indirect_dma source(%dma_start3A_69 : memref<10240x128xf32, #tpu.memory_space<hbm>>) target(%arg7 : memref<128x128xf32, #tpu.memory_space<vmem>>) offsets(%dma_start3A_66 : memref<128xi32, #tpu.memory_space<vmem>>) semaphore(%arg10 : memref<!tpu.dma_semaphore, #tpu.memory_space<semaphore_mem>>)
    %scan3A = arith.constant 0 : i32
    %scan3A_70 = arith.constant 0 : i32
    %scan3A_71 = arith.constant 40 : i32
    %scan3A_72 = arith.addi %scan3A_70, %scan3A_71 : i32
    %scan3A_73 = arith.constant 1 : i32
    scf.for %scan3A_76 = %scan3A_70 to %scan3A_72 step %scan3A_73  : i32 {
      %mul3A_77 = arith.constant 2 : i32
      %mul3A_78 = arith.muli %mul3A_77, %scan3A_76 : i32
      %dma_wait3A_79 = arith.constant 0 : i32
      %dma_wait3A_80 = arith.constant 1 : i32
      %dma_wait3A_81 = arith.constant 0 : i32
      %dma_wait3A_82 = arith.constant 0 : i32
      %dma_wait3A_83 = tpu.memref_slice %arg6[%dma_wait3A_80, %dma_wait3A_81, %dma_wait3A_82] : memref<2x2x128xi32, #tpu.memory_space<vmem>> -> memref<1x2x128xi32, #tpu.memory_space<vmem>>
      %dma_wait3A_84 = tpu.memref_squeeze %dma_wait3A_83 : memref<1x2x128xi32, #tpu.memory_space<vmem>> -> memref<2x128xi32, #tpu.memory_space<vmem>>
      %dma_wait3A_85 = arith.constant 0 : i32
      %dma_wait3A_86 = arith.constant 0 : i32
      %dma_wait3A_87 = tpu.memref_slice %arg4[%add3A, %dma_wait3A_79, %dma_wait3A_85, %dma_wait3A_86] : memref<32x80x2x128xi32, #tpu.memory_space<hbm>> -> memref<1x1x2x128xi32, #tpu.memory_space<hbm>>
      %dma_wait3A_88 = tpu.memref_squeeze %dma_wait3A_87 : memref<1x1x2x128xi32, #tpu.memory_space<hbm>> -> memref<2x128xi32, #tpu.memory_space<hbm>>
      %dma_wait3A_89 = arith.constant 0 : i32
      %dma_wait3A_90 = arith.constant 0 : i32
      %dma_wait3A_91 = tpu.memref_slice %arg6[%dma_wait3A_80, %dma_wait3A_89, %dma_wait3A_90] : memref<2x2x128xi32, #tpu.memory_space<vmem>> -> memref<1x2x128xi32, #tpu.memory_space<vmem>>
      %dma_wait3A_92 = tpu.memref_squeeze %dma_wait3A_91 : memref<1x2x128xi32, #tpu.memory_space<vmem>> -> memref<2x128xi32, #tpu.memory_space<vmem>>
      %dma_wait3A_93 = arith.constant 0 : i32
      %dma_wait3A_94 = arith.constant 0 : i32
      %dma_wait3A_95 = tpu.memref_slice %arg4[%add3A, %dma_wait3A_79, %dma_wait3A_93, %dma_wait3A_94] : memref<32x80x2x128xi32, #tpu.memory_space<hbm>> -> memref<1x1x2x128xi32, #tpu.memory_space<hbm>>
      %dma_wait3A_96 = tpu.memref_squeeze %dma_wait3A_95 : memref<1x1x2x128xi32, #tpu.memory_space<hbm>> -> memref<2x128xi32, #tpu.memory_space<hbm>>
      tpu.wait_dma2 semaphore(%arg13 : memref<!tpu.dma_semaphore, #tpu.memory_space<semaphore_mem>>) src(%dma_wait3A_96 : memref<2x128xi32, #tpu.memory_space<hbm>>) dst(%dma_wait3A_92 : memref<2x128xi32, #tpu.memory_space<vmem>>)
      %dma_wait3A_97 = arith.constant 0 : i32
      %dma_wait3A_98 = arith.constant 0 : i32
      %dma_wait3A_99 = arith.constant 0 : i32
      %dma_wait3A_100 = tpu.memref_slice %arg6[%dma_wait3A_97, %dma_wait3A_98, %dma_wait3A_99] : memref<2x2x128xi32, #tpu.memory_space<vmem>> -> memref<1x1x128xi32, #tpu.memory_space<vmem>>
      %dma_wait3A_101 = tpu.memref_squeeze %dma_wait3A_100 : memref<1x1x128xi32, #tpu.memory_space<vmem>> -> memref<128xi32, #tpu.memory_space<vmem>>
      %dma_wait3A_102 = arith.constant 0 : i32
      %dma_wait3A_103 = arith.constant 0 : i32
      %dma_wait3A_104 = tpu.memref_slice %arg2[%dma_wait3A_102, %dma_wait3A_103] : memref<10240x128xf32, #tpu.memory_space<hbm>> -> memref<10240x128xf32, #tpu.memory_space<hbm>>
      tpu.wait_indirect_dma semaphore(%arg10 : memref<!tpu.dma_semaphore, #tpu.memory_space<semaphore_mem>>) src(%dma_wait3A_104 : memref<10240x128xf32, #tpu.memory_space<hbm>>) dst(%arg7 : memref<128x128xf32, #tpu.memory_space<vmem>>)
      %dma_start3A_105 = arith.constant 1 : i32
      %dma_start3A_106 = arith.constant 0 : i32
      %dma_start3A_107 = arith.constant 0 : i32
      %dma_start3A_108 = tpu.memref_slice %arg6[%dma_start3A_105, %dma_start3A_106, %dma_start3A_107] : memref<2x2x128xi32, #tpu.memory_space<vmem>> -> memref<1x1x128xi32, #tpu.memory_space<vmem>>
      %dma_start3A_109 = tpu.memref_squeeze %dma_start3A_108 : memref<1x1x128xi32, #tpu.memory_space<vmem>> -> memref<128xi32, #tpu.memory_space<vmem>>
      %dma_start3A_110 = arith.constant 0 : i32
      %dma_start3A_111 = arith.constant 0 : i32
      %dma_start3A_112 = tpu.memref_slice %arg2[%dma_start3A_110, %dma_start3A_111] : memref<10240x128xf32, #tpu.memory_space<hbm>> -> memref<10240x128xf32, #tpu.memory_space<hbm>>
      tpu.enqueue_indirect_dma source(%dma_start3A_112 : memref<10240x128xf32, #tpu.memory_space<hbm>>) target(%arg8 : memref<128x128xf32, #tpu.memory_space<vmem>>) offsets(%dma_start3A_109 : memref<128xi32, #tpu.memory_space<vmem>>) semaphore(%arg11 : memref<!tpu.dma_semaphore, #tpu.memory_space<semaphore_mem>>)
      %run_scoped3A = arith.constant 0 : i32
      %run_scoped3A_113 = arith.constant 1 : i32
      "tpu.region"() ({
        %run_scoped3A_138 = tpu.sem_alloc : memref<!tpu.dma_semaphore, #tpu.memory_space<semaphore_mem>>
        %dma_start3A_139 = arith.constant 0 : i32
        %dma_start3A_140 = tpu.memref_slice %arg6[%run_scoped3A, %run_scoped3A_113, %dma_start3A_139] : memref<2x2x128xi32, #tpu.memory_space<vmem>> -> memref<1x1x128xi32, #tpu.memory_space<vmem>>
        %dma_start3A_141 = tpu.memref_squeeze %dma_start3A_140 : memref<1x1x128xi32, #tpu.memory_space<vmem>> -> memref<128xi32, #tpu.memory_space<vmem>>
        %dma_start3A_142 = arith.constant 0 : i32
        %dma_start3A_143 = arith.constant 0 : i32
        %dma_start3A_144 = tpu.memref_slice %arg9[%dma_start3A_142, %dma_start3A_143] : memref<10240x128xf32, #tpu.memory_space<vmem_shared>> -> memref<10240x128xf32, #tpu.memory_space<vmem_shared>>
        tpu.enqueue_indirect_dma source(%arg7 : memref<128x128xf32, #tpu.memory_space<vmem>>) target(%dma_start3A_144 : memref<10240x128xf32, #tpu.memory_space<vmem_shared>>) offsets(%dma_start3A_141 : memref<128xi32, #tpu.memory_space<vmem>>) semaphore(%run_scoped3A_138 : memref<!tpu.dma_semaphore, #tpu.memory_space<semaphore_mem>>) {add = true}
        %dma_wait3A_145 = arith.constant 0 : i32
        %dma_wait3A_146 = tpu.memref_slice %arg6[%run_scoped3A, %run_scoped3A_113, %dma_wait3A_145] : memref<2x2x128xi32, #tpu.memory_space<vmem>> -> memref<1x1x128xi32, #tpu.memory_space<vmem>>
        %dma_wait3A_147 = tpu.memref_squeeze %dma_wait3A_146 : memref<1x1x128xi32, #tpu.memory_space<vmem>> -> memref<128xi32, #tpu.memory_space<vmem>>
        %dma_wait3A_148 = arith.constant 0 : i32
        %dma_wait3A_149 = arith.constant 0 : i32
        %dma_wait3A_150 = tpu.memref_slice %arg9[%dma_wait3A_148, %dma_wait3A_149] : memref<10240x128xf32, #tpu.memory_space<vmem_shared>> -> memref<10240x128xf32, #tpu.memory_space<vmem_shared>>
        tpu.wait_indirect_dma semaphore(%run_scoped3A_138 : memref<!tpu.dma_semaphore, #tpu.memory_space<semaphore_mem>>) src(%arg7 : memref<128x128xf32, #tpu.memory_space<vmem>>) dst(%dma_wait3A_150 : memref<10240x128xf32, #tpu.memory_space<vmem_shared>>)
        tpu.yield
      }) : () -> ()
      %lt3A = arith.constant 39 : i32
      %lt3A_114 = arith.cmpi slt, %scan3A_76, %lt3A : i32
      %convert_element_type3A_115 = arith.extui %lt3A_114 : i1 to i32
      %cond3A_116 = arith.constant 0 : i32
      %cond3A_117 = arith.cmpi ne, %convert_element_type3A_115, %cond3A_116 : i32
      scf.if %cond3A_117 {
        %add3A_138 = arith.constant 2 : i32
        %add3A_139 = arith.addi %mul3A_78, %add3A_138 : i32
        %dma_start3A_140 = arith.constant 0 : i32
        %dma_start3A_141 = arith.constant 0 : i32
        %dma_start3A_142 = arith.constant 0 : i32
        %dma_start3A_143 = tpu.memref_slice %arg6[%dma_start3A_140, %dma_start3A_141, %dma_start3A_142] : memref<2x2x128xi32, #tpu.memory_space<vmem>> -> memref<1x2x128xi32, #tpu.memory_space<vmem>>
        %dma_start3A_144 = tpu.memref_squeeze %dma_start3A_143 : memref<1x2x128xi32, #tpu.memory_space<vmem>> -> memref<2x128xi32, #tpu.memory_space<vmem>>
        %dma_start3A_145 = arith.constant 0 : i32
        %dma_start3A_146 = arith.constant 0 : i32
        %dma_start3A_147 = tpu.memref_slice %arg4[%add3A, %add3A_139, %dma_start3A_145, %dma_start3A_146] : memref<32x80x2x128xi32, #tpu.memory_space<hbm>> -> memref<1x1x2x128xi32, #tpu.memory_space<hbm>>
        %dma_start3A_148 = tpu.memref_squeeze %dma_start3A_147 : memref<1x1x2x128xi32, #tpu.memory_space<hbm>> -> memref<2x128xi32, #tpu.memory_space<hbm>>
        %dma_start3A_149 = arith.constant 0 : i32
        %dma_start3A_150 = arith.constant 0 : i32
        %dma_start3A_151 = tpu.memref_slice %arg6[%dma_start3A_140, %dma_start3A_149, %dma_start3A_150] : memref<2x2x128xi32, #tpu.memory_space<vmem>> -> memref<1x2x128xi32, #tpu.memory_space<vmem>>
        %dma_start3A_152 = tpu.memref_squeeze %dma_start3A_151 : memref<1x2x128xi32, #tpu.memory_space<vmem>> -> memref<2x128xi32, #tpu.memory_space<vmem>>
        %dma_start3A_153 = arith.constant 0 : i32
        %dma_start3A_154 = arith.constant 0 : i32
        %dma_start3A_155 = tpu.memref_slice %arg4[%add3A, %add3A_139, %dma_start3A_153, %dma_start3A_154] : memref<32x80x2x128xi32, #tpu.memory_space<hbm>> -> memref<1x1x2x128xi32, #tpu.memory_space<hbm>>
        %dma_start3A_156 = tpu.memref_squeeze %dma_start3A_155 : memref<1x1x2x128xi32, #tpu.memory_space<hbm>> -> memref<2x128xi32, #tpu.memory_space<hbm>>
        tpu.enqueue_dma source(%dma_start3A_156 : memref<2x128xi32, #tpu.memory_space<hbm>>) target(%dma_start3A_152 : memref<2x128xi32, #tpu.memory_space<vmem>>) target_semaphore(%arg12 : memref<!tpu.dma_semaphore, #tpu.memory_space<semaphore_mem>>)
      } else {
      }
      %dma_wait3A_118 = arith.constant 1 : i32
      %dma_wait3A_119 = arith.constant 0 : i32
      %dma_wait3A_120 = arith.constant 0 : i32
      %dma_wait3A_121 = tpu.memref_slice %arg6[%dma_wait3A_118, %dma_wait3A_119, %dma_wait3A_120] : memref<2x2x128xi32, #tpu.memory_space<vmem>> -> memref<1x1x128xi32, #tpu.memory_space<vmem>>
      %dma_wait3A_122 = tpu.memref_squeeze %dma_wait3A_121 : memref<1x1x128xi32, #tpu.memory_space<vmem>> -> memref<128xi32, #tpu.memory_space<vmem>>
      %dma_wait3A_123 = arith.constant 0 : i32
      %dma_wait3A_124 = arith.constant 0 : i32
      %dma_wait3A_125 = tpu.memref_slice %arg2[%dma_wait3A_123, %dma_wait3A_124] : memref<10240x128xf32, #tpu.memory_space<hbm>> -> memref<10240x128xf32, #tpu.memory_space<hbm>>
      tpu.wait_indirect_dma semaphore(%arg11 : memref<!tpu.dma_semaphore, #tpu.memory_space<semaphore_mem>>) src(%dma_wait3A_125 : memref<10240x128xf32, #tpu.memory_space<hbm>>) dst(%arg8 : memref<128x128xf32, #tpu.memory_space<vmem>>)
      %lt3A_126 = arith.constant 39 : i32
      %lt3A_127 = arith.cmpi slt, %scan3A_76, %lt3A_126 : i32
      %convert_element_type3A_128 = arith.extui %lt3A_127 : i1 to i32
      %cond3A_129 = arith.constant 0 : i32
      %cond3A_130 = arith.cmpi ne, %convert_element_type3A_128, %cond3A_129 : i32
      scf.if %cond3A_130 {
        %dma_wait3A_138 = arith.constant 0 : i32
        %dma_wait3A_139 = arith.constant 0 : i32
        %dma_wait3A_140 = arith.constant 0 : i32
        %dma_wait3A_141 = arith.constant 0 : i32
        %dma_wait3A_142 = tpu.memref_slice %arg6[%dma_wait3A_139, %dma_wait3A_140, %dma_wait3A_141] : memref<2x2x128xi32, #tpu.memory_space<vmem>> -> memref<1x2x128xi32, #tpu.memory_space<vmem>>
        %dma_wait3A_143 = tpu.memref_squeeze %dma_wait3A_142 : memref<1x2x128xi32, #tpu.memory_space<vmem>> -> memref<2x128xi32, #tpu.memory_space<vmem>>
        %dma_wait3A_144 = arith.constant 0 : i32
        %dma_wait3A_145 = arith.constant 0 : i32
        %dma_wait3A_146 = tpu.memref_slice %arg4[%add3A, %dma_wait3A_138, %dma_wait3A_144, %dma_wait3A_145] : memref<32x80x2x128xi32, #tpu.memory_space<hbm>> -> memref<1x1x2x128xi32, #tpu.memory_space<hbm>>
        %dma_wait3A_147 = tpu.memref_squeeze %dma_wait3A_146 : memref<1x1x2x128xi32, #tpu.memory_space<hbm>> -> memref<2x128xi32, #tpu.memory_space<hbm>>
        %dma_wait3A_148 = arith.constant 0 : i32
        %dma_wait3A_149 = arith.constant 0 : i32
        %dma_wait3A_150 = tpu.memref_slice %arg6[%dma_wait3A_139, %dma_wait3A_148, %dma_wait3A_149] : memref<2x2x128xi32, #tpu.memory_space<vmem>> -> memref<1x2x128xi32, #tpu.memory_space<vmem>>
        %dma_wait3A_151 = tpu.memref_squeeze %dma_wait3A_150 : memref<1x2x128xi32, #tpu.memory_space<vmem>> -> memref<2x128xi32, #tpu.memory_space<vmem>>
        %dma_wait3A_152 = arith.constant 0 : i32
        %dma_wait3A_153 = arith.constant 0 : i32
        %dma_wait3A_154 = tpu.memref_slice %arg4[%add3A, %dma_wait3A_138, %dma_wait3A_152, %dma_wait3A_153] : memref<32x80x2x128xi32, #tpu.memory_space<hbm>> -> memref<1x1x2x128xi32, #tpu.memory_space<hbm>>
        %dma_wait3A_155 = tpu.memref_squeeze %dma_wait3A_154 : memref<1x1x2x128xi32, #tpu.memory_space<hbm>> -> memref<2x128xi32, #tpu.memory_space<hbm>>
        tpu.wait_dma2 semaphore(%arg12 : memref<!tpu.dma_semaphore, #tpu.memory_space<semaphore_mem>>) src(%dma_wait3A_155 : memref<2x128xi32, #tpu.memory_space<hbm>>) dst(%dma_wait3A_151 : memref<2x128xi32, #tpu.memory_space<vmem>>)
        %dma_start3A_156 = arith.constant 0 : i32
        %dma_start3A_157 = arith.constant 0 : i32
        %dma_start3A_158 = arith.constant 0 : i32
        %dma_start3A_159 = tpu.memref_slice %arg6[%dma_start3A_156, %dma_start3A_157, %dma_start3A_158] : memref<2x2x128xi32, #tpu.memory_space<vmem>> -> memref<1x1x128xi32, #tpu.memory_space<vmem>>
        %dma_start3A_160 = tpu.memref_squeeze %dma_start3A_159 : memref<1x1x128xi32, #tpu.memory_space<vmem>> -> memref<128xi32, #tpu.memory_space<vmem>>
        %dma_start3A_161 = arith.constant 0 : i32
        %dma_start3A_162 = arith.constant 0 : i32
        %dma_start3A_163 = tpu.memref_slice %arg2[%dma_start3A_161, %dma_start3A_162] : memref<10240x128xf32, #tpu.memory_space<hbm>> -> memref<10240x128xf32, #tpu.memory_space<hbm>>
        tpu.enqueue_indirect_dma source(%dma_start3A_163 : memref<10240x128xf32, #tpu.memory_space<hbm>>) target(%arg7 : memref<128x128xf32, #tpu.memory_space<vmem>>) offsets(%dma_start3A_160 : memref<128xi32, #tpu.memory_space<vmem>>) semaphore(%arg10 : memref<!tpu.dma_semaphore, #tpu.memory_space<semaphore_mem>>)
      } else {
      }
      %run_scoped3A_131 = arith.constant 1 : i32
      %run_scoped3A_132 = arith.constant 1 : i32
      "tpu.region"() ({
        %run_scoped3A_138 = tpu.sem_alloc : memref<!tpu.dma_semaphore, #tpu.memory_space<semaphore_mem>>
        %dma_start3A_139 = arith.constant 0 : i32
        %dma_start3A_140 = tpu.memref_slice %arg6[%run_scoped3A_131, %run_scoped3A_132, %dma_start3A_139] : memref<2x2x128xi32, #tpu.memory_space<vmem>> -> memref<1x1x128xi32, #tpu.memory_space<vmem>>
        %dma_start3A_141 = tpu.memref_squeeze %dma_start3A_140 : memref<1x1x128xi32, #tpu.memory_space<vmem>> -> memref<128xi32, #tpu.memory_space<vmem>>
        %dma_start3A_142 = arith.constant 0 : i32
        %dma_start3A_143 = arith.constant 0 : i32
        %dma_start3A_144 = tpu.memref_slice %arg9[%dma_start3A_142, %dma_start3A_143] : memref<10240x128xf32, #tpu.memory_space<vmem_shared>> -> memref<10240x128xf32, #tpu.memory_space<vmem_shared>>
        tpu.enqueue_indirect_dma source(%arg8 : memref<128x128xf32, #tpu.memory_space<vmem>>) target(%dma_start3A_144 : memref<10240x128xf32, #tpu.memory_space<vmem_shared>>) offsets(%dma_start3A_141 : memref<128xi32, #tpu.memory_space<vmem>>) semaphore(%run_scoped3A_138 : memref<!tpu.dma_semaphore, #tpu.memory_space<semaphore_mem>>) {add = true}
        %dma_wait3A_145 = arith.constant 0 : i32
        %dma_wait3A_146 = tpu.memref_slice %arg6[%run_scoped3A_131, %run_scoped3A_132, %dma_wait3A_145] : memref<2x2x128xi32, #tpu.memory_space<vmem>> -> memref<1x1x128xi32, #tpu.memory_space<vmem>>
        %dma_wait3A_147 = tpu.memref_squeeze %dma_wait3A_146 : memref<1x1x128xi32, #tpu.memory_space<vmem>> -> memref<128xi32, #tpu.memory_space<vmem>>
        %dma_wait3A_148 = arith.constant 0 : i32
        %dma_wait3A_149 = arith.constant 0 : i32
        %dma_wait3A_150 = tpu.memref_slice %arg9[%dma_wait3A_148, %dma_wait3A_149] : memref<10240x128xf32, #tpu.memory_space<vmem_shared>> -> memref<10240x128xf32, #tpu.memory_space<vmem_shared>>
        tpu.wait_indirect_dma semaphore(%run_scoped3A_138 : memref<!tpu.dma_semaphore, #tpu.memory_space<semaphore_mem>>) src(%arg8 : memref<128x128xf32, #tpu.memory_space<vmem>>) dst(%dma_wait3A_150 : memref<10240x128xf32, #tpu.memory_space<vmem_shared>>)
        tpu.yield
      }) : () -> ()
      %lt3A_133 = arith.constant 39 : i32
      %lt3A_134 = arith.cmpi slt, %scan3A_76, %lt3A_133 : i32
      %convert_element_type3A_135 = arith.extui %lt3A_134 : i1 to i32
      %cond3A_136 = arith.constant 0 : i32
      %cond3A_137 = arith.cmpi ne, %convert_element_type3A_135, %cond3A_136 : i32
      scf.if %cond3A_137 {
        %add3A_138 = arith.constant 3 : i32
        %add3A_139 = arith.addi %mul3A_78, %add3A_138 : i32
        %dma_start3A_140 = arith.constant 1 : i32
        %dma_start3A_141 = arith.constant 0 : i32
        %dma_start3A_142 = arith.constant 0 : i32
        %dma_start3A_143 = tpu.memref_slice %arg6[%dma_start3A_140, %dma_start3A_141, %dma_start3A_142] : memref<2x2x128xi32, #tpu.memory_space<vmem>> -> memref<1x2x128xi32, #tpu.memory_space<vmem>>
        %dma_start3A_144 = tpu.memref_squeeze %dma_start3A_143 : memref<1x2x128xi32, #tpu.memory_space<vmem>> -> memref<2x128xi32, #tpu.memory_space<vmem>>
        %dma_start3A_145 = arith.constant 0 : i32
        %dma_start3A_146 = arith.constant 0 : i32
        %dma_start3A_147 = tpu.memref_slice %arg4[%add3A, %add3A_139, %dma_start3A_145, %dma_start3A_146] : memref<32x80x2x128xi32, #tpu.memory_space<hbm>> -> memref<1x1x2x128xi32, #tpu.memory_space<hbm>>
        %dma_start3A_148 = tpu.memref_squeeze %dma_start3A_147 : memref<1x1x2x128xi32, #tpu.memory_space<hbm>> -> memref<2x128xi32, #tpu.memory_space<hbm>>
        %dma_start3A_149 = arith.constant 0 : i32
        %dma_start3A_150 = arith.constant 0 : i32
        %dma_start3A_151 = tpu.memref_slice %arg6[%dma_start3A_140, %dma_start3A_149, %dma_start3A_150] : memref<2x2x128xi32, #tpu.memory_space<vmem>> -> memref<1x2x128xi32, #tpu.memory_space<vmem>>
        %dma_start3A_152 = tpu.memref_squeeze %dma_start3A_151 : memref<1x2x128xi32, #tpu.memory_space<vmem>> -> memref<2x128xi32, #tpu.memory_space<vmem>>
        %dma_start3A_153 = arith.constant 0 : i32
        %dma_start3A_154 = arith.constant 0 : i32
        %dma_start3A_155 = tpu.memref_slice %arg4[%add3A, %add3A_139, %dma_start3A_153, %dma_start3A_154] : memref<32x80x2x128xi32, #tpu.memory_space<hbm>> -> memref<1x1x2x128xi32, #tpu.memory_space<hbm>>
        %dma_start3A_156 = tpu.memref_squeeze %dma_start3A_155 : memref<1x1x2x128xi32, #tpu.memory_space<hbm>> -> memref<2x128xi32, #tpu.memory_space<hbm>>
        tpu.enqueue_dma source(%dma_start3A_156 : memref<2x128xi32, #tpu.memory_space<hbm>>) target(%dma_start3A_152 : memref<2x128xi32, #tpu.memory_space<vmem>>) target_semaphore(%arg13 : memref<!tpu.dma_semaphore, #tpu.memory_space<semaphore_mem>>)
      } else {
      }
    }
    %scan3A_74 = arith.constant 40 : i32
    %barrier3A_75 = arith.constant 0 : index
    tpu.barrier barrier_id(%barrier3A_75)
    "tpu.region"() ({
      %run_scoped3A = tpu.sem_alloc : memref<!tpu.dma_semaphore, #tpu.memory_space<semaphore_mem>>
      %dma_start3A_76 = arith.constant 0 : i32
      %dma_start3A_77 = tpu.memref_slice %arg5[%arg0, %mul3A_2, %dma_start3A_76] : memref<2x10240x128xf32, #tpu.memory_space<hbm>> -> memref<1x640x128xf32, #tpu.memory_space<hbm>>
      %dma_start3A_78 = tpu.memref_squeeze %dma_start3A_77 : memref<1x640x128xf32, #tpu.memory_space<hbm>> -> memref<640x128xf32, #tpu.memory_space<hbm>>
      %dma_start3A_79 = arith.constant 0 : i32
      %dma_start3A_80 = tpu.memref_slice %arg9[%mul3A_2, %dma_start3A_79] : memref<10240x128xf32, #tpu.memory_space<vmem_shared>> -> memref<640x128xf32, #tpu.memory_space<vmem_shared>>
      tpu.enqueue_dma source(%dma_start3A_80 : memref<640x128xf32, #tpu.memory_space<vmem_shared>>) target(%dma_start3A_78 : memref<640x128xf32, #tpu.memory_space<hbm>>) target_semaphore(%run_scoped3A : memref<!tpu.dma_semaphore, #tpu.memory_space<semaphore_mem>>)
      %dma_wait3A_81 = arith.constant 0 : i32
      %dma_wait3A_82 = tpu.memref_slice %arg5[%arg0, %mul3A_2, %dma_wait3A_81] : memref<2x10240x128xf32, #tpu.memory_space<hbm>> -> memref<1x640x128xf32, #tpu.memory_space<hbm>>
      %dma_wait3A_83 = tpu.memref_squeeze %dma_wait3A_82 : memref<1x640x128xf32, #tpu.memory_space<hbm>> -> memref<640x128xf32, #tpu.memory_space<hbm>>
      %dma_wait3A_84 = arith.constant 0 : i32
      %dma_wait3A_85 = tpu.memref_slice %arg9[%mul3A_2, %dma_wait3A_84] : memref<10240x128xf32, #tpu.memory_space<vmem_shared>> -> memref<640x128xf32, #tpu.memory_space<vmem_shared>>
      tpu.wait_dma2 semaphore(%run_scoped3A : memref<!tpu.dma_semaphore, #tpu.memory_space<semaphore_mem>>) src(%dma_wait3A_85 : memref<640x128xf32, #tpu.memory_space<vmem_shared>>) dst(%dma_wait3A_83 : memref<640x128xf32, #tpu.memory_space<hbm>>)
      tpu.yield
    }) : () -> ()
    return
  }
}

#map = affine_map<(d0, d1) -> (0, 0)>
#map1 = affine_map<(d0, d1) -> (0, 0, 0, 0)>
#map2 = affine_map<(d0, d1) -> (0, 0, 0)>
module attributes {stable_mosaic.version = 14 : i64} {
  func.func @_prop(%arg0: i32, %arg1: i32, %arg2: memref<10240x128xf32, #tpu.memory_space<hbm>>, %arg3: memref<10240x128xf32, #tpu.memory_space<hbm>>, %arg4: memref<32x80x2x128xi32, #tpu.memory_space<hbm>>, %arg5: memref<2x10240x128xf32, #tpu.memory_space<hbm>>, %arg6: memref<2x2x128xi32, #tpu.memory_space<vmem>>, %arg7: memref<128x128xf32, #tpu.memory_space<vmem>>, %arg8: memref<128x128xf32, #tpu.memory_space<vmem>>, %arg9: memref<10240x128xf32, #tpu.memory_space<vmem_shared>>, %arg10: memref<!tpu.dma_semaphore, #tpu.memory_space<semaphore_mem>>, %arg11: memref<!tpu.dma_semaphore, #tpu.memory_space<semaphore_mem>>, %arg12: memref<!tpu.dma_semaphore, #tpu.memory_space<semaphore_mem>>, %arg13: memref<!tpu.dma_semaphore, #tpu.memory_space<semaphore_mem>>) attributes {dimension_semantics = [#tpu.dimension_semantics<core_parallel>, #tpu.dimension_semantics<subcore_parallel>], iteration_bounds = array<i64: 2, 16>, scalar_prefetch = 0 : i64, scratch_operands = 8 : i64, tpu.core_type = #tpu.core_type<sc_vector_subcore>, window_params = [{transform_indices = #map}, {transform_indices = #map}, {transform_indices = #map1}, {transform_indices = #map2}]} {
    %mul3A = arith.constant 16 : i32
    %mul3A_0 = arith.muli %arg0, %mul3A : i32
    %add3A = arith.addi %mul3A_0, %arg1 : i32
    %mul3A_1 = arith.constant 640 : i32
    %mul3A_2 = arith.muli %arg1, %mul3A_1 : i32
    %eq3A = arith.constant 0 : i32
    %eq3A_3 = arith.cmpi eq, %arg0, %eq3A : i32
    %convert_element_type3A = arith.extui %eq3A_3 : i1 to i32
    %cond3A = arith.constant 0 : i32
    %cond3A_4 = arith.cmpi ne, %convert_element_type3A, %cond3A : i32
    scf.if %cond3A_4 {
      "tpu.region"() ({
        %run_scoped3A = tpu.sem_alloc : memref<!tpu.dma_semaphore, #tpu.memory_space<semaphore_mem>>
        %dma_start3A_76 = arith.constant 0 : i32
        %dma_start3A_77 = tpu.memref_slice %arg9[%mul3A_2, %dma_start3A_76] : memref<10240x128xf32, #tpu.memory_space<vmem_shared>> -> memref<640x128xf32, #tpu.memory_space<vmem_shared>>
        %dma_start3A_78 = arith.constant 0 : i32
        %dma_start3A_79 = tpu.memref_slice %arg2[%mul3A_2, %dma_start3A_78] : memref<10240x128xf32, #tpu.memory_space<hbm>> -> memref<640x128xf32, #tpu.memory_space<hbm>>
        tpu.enqueue_dma source(%dma_start3A_79 : memref<640x128xf32, #tpu.memory_space<hbm>>) target(%dma_start3A_77 : memref<640x128xf32, #tpu.memory_space<vmem_shared>>) target_semaphore(%run_scoped3A : memref<!tpu.dma_semaphore, #tpu.memory_space<semaphore_mem>>)
        %dma_wait3A_80 = arith.constant 0 : i32
        %dma_wait3A_81 = tpu.memref_slice %arg9[%mul3A_2, %dma_wait3A_80] : memref<10240x128xf32, #tpu.memory_space<vmem_shared>> -> memref<640x128xf32, #tpu.memory_space<vmem_shared>>
        %dma_wait3A_82 = arith.constant 0 : i32
        %dma_wait3A_83 = tpu.memref_slice %arg2[%mul3A_2, %dma_wait3A_82] : memref<10240x128xf32, #tpu.memory_space<hbm>> -> memref<640x128xf32, #tpu.memory_space<hbm>>
        tpu.wait_dma2 semaphore(%run_scoped3A : memref<!tpu.dma_semaphore, #tpu.memory_space<semaphore_mem>>) src(%dma_wait3A_83 : memref<640x128xf32, #tpu.memory_space<hbm>>) dst(%dma_wait3A_81 : memref<640x128xf32, #tpu.memory_space<vmem_shared>>)
        tpu.yield
      }) : () -> ()
    } else {
    }
    %eq3A_5 = arith.constant 1 : i32
    %eq3A_6 = arith.cmpi eq, %arg0, %eq3A_5 : i32
    %convert_element_type3A_7 = arith.extui %eq3A_6 : i1 to i32
    %cond3A_8 = arith.constant 0 : i32
    %cond3A_9 = arith.cmpi ne, %convert_element_type3A_7, %cond3A_8 : i32
    scf.if %cond3A_9 {
      "tpu.region"() ({
        %run_scoped3A = tpu.sem_alloc : memref<!tpu.dma_semaphore, #tpu.memory_space<semaphore_mem>>
        %dma_start3A_76 = arith.constant 0 : i32
        %dma_start3A_77 = tpu.memref_slice %arg9[%mul3A_2, %dma_start3A_76] : memref<10240x128xf32, #tpu.memory_space<vmem_shared>> -> memref<640x128xf32, #tpu.memory_space<vmem_shared>>
        %dma_start3A_78 = arith.constant 0 : i32
        %dma_start3A_79 = tpu.memref_slice %arg3[%mul3A_2, %dma_start3A_78] : memref<10240x128xf32, #tpu.memory_space<hbm>> -> memref<640x128xf32, #tpu.memory_space<hbm>>
        tpu.enqueue_dma source(%dma_start3A_79 : memref<640x128xf32, #tpu.memory_space<hbm>>) target(%dma_start3A_77 : memref<640x128xf32, #tpu.memory_space<vmem_shared>>) target_semaphore(%run_scoped3A : memref<!tpu.dma_semaphore, #tpu.memory_space<semaphore_mem>>)
        %dma_wait3A_80 = arith.constant 0 : i32
        %dma_wait3A_81 = tpu.memref_slice %arg9[%mul3A_2, %dma_wait3A_80] : memref<10240x128xf32, #tpu.memory_space<vmem_shared>> -> memref<640x128xf32, #tpu.memory_space<vmem_shared>>
        %dma_wait3A_82 = arith.constant 0 : i32
        %dma_wait3A_83 = tpu.memref_slice %arg3[%mul3A_2, %dma_wait3A_82] : memref<10240x128xf32, #tpu.memory_space<hbm>> -> memref<640x128xf32, #tpu.memory_space<hbm>>
        tpu.wait_dma2 semaphore(%run_scoped3A : memref<!tpu.dma_semaphore, #tpu.memory_space<semaphore_mem>>) src(%dma_wait3A_83 : memref<640x128xf32, #tpu.memory_space<hbm>>) dst(%dma_wait3A_81 : memref<640x128xf32, #tpu.memory_space<vmem_shared>>)
        tpu.yield
      }) : () -> ()
    } else {
    }
    %dma_start3A = arith.constant 0 : i32
    %dma_start3A_10 = arith.constant 0 : i32
    %dma_start3A_11 = arith.constant 0 : i32
    %dma_start3A_12 = arith.constant 0 : i32
    %dma_start3A_13 = tpu.memref_slice %arg6[%dma_start3A_10, %dma_start3A_11, %dma_start3A_12] : memref<2x2x128xi32, #tpu.memory_space<vmem>> -> memref<1x2x128xi32, #tpu.memory_space<vmem>>
    %dma_start3A_14 = tpu.memref_squeeze %dma_start3A_13 : memref<1x2x128xi32, #tpu.memory_space<vmem>> -> memref<2x128xi32, #tpu.memory_space<vmem>>
    %dma_start3A_15 = arith.constant 0 : i32
    %dma_start3A_16 = arith.constant 0 : i32
    %dma_start3A_17 = tpu.memref_slice %arg4[%add3A, %dma_start3A, %dma_start3A_15, %dma_start3A_16] : memref<32x80x2x128xi32, #tpu.memory_space<hbm>> -> memref<1x1x2x128xi32, #tpu.memory_space<hbm>>
    %dma_start3A_18 = tpu.memref_squeeze %dma_start3A_17 : memref<1x1x2x128xi32, #tpu.memory_space<hbm>> -> memref<2x128xi32, #tpu.memory_space<hbm>>
    %dma_start3A_19 = arith.constant 0 : i32
    %dma_start3A_20 = arith.constant 0 : i32
    %dma_start3A_21 = tpu.memref_slice %arg6[%dma_start3A_10, %dma_start3A_19, %dma_start3A_20] : memref<2x2x128xi32, #tpu.memory_space<vmem>> -> memref<1x2x128xi32, #tpu.memory_space<vmem>>
    %dma_start3A_22 = tpu.memref_squeeze %dma_start3A_21 : memref<1x2x128xi32, #tpu.memory_space<vmem>> -> memref<2x128xi32, #tpu.memory_space<vmem>>
    %dma_start3A_23 = arith.constant 0 : i32
    %dma_start3A_24 = arith.constant 0 : i32
    %dma_start3A_25 = tpu.memref_slice %arg4[%add3A, %dma_start3A, %dma_start3A_23, %dma_start3A_24] : memref<32x80x2x128xi32, #tpu.memory_space<hbm>> -> memref<1x1x2x128xi32, #tpu.memory_space<hbm>>
    %dma_start3A_26 = tpu.memref_squeeze %dma_start3A_25 : memref<1x1x2x128xi32, #tpu.memory_space<hbm>> -> memref<2x128xi32, #tpu.memory_space<hbm>>
    tpu.enqueue_dma source(%dma_start3A_26 : memref<2x128xi32, #tpu.memory_space<hbm>>) target(%dma_start3A_22 : memref<2x128xi32, #tpu.memory_space<vmem>>) target_semaphore(%arg12 : memref<!tpu.dma_semaphore, #tpu.memory_space<semaphore_mem>>)
    %dma_start3A_27 = arith.constant 1 : i32
    %dma_start3A_28 = arith.constant 1 : i32
    %dma_start3A_29 = arith.constant 0 : i32
    %dma_start3A_30 = arith.constant 0 : i32
    %dma_start3A_31 = tpu.memref_slice %arg6[%dma_start3A_28, %dma_start3A_29, %dma_start3A_30] : memref<2x2x128xi32, #tpu.memory_space<vmem>> -> memref<1x2x128xi32, #tpu.memory_space<vmem>>
    %dma_start3A_32 = tpu.memref_squeeze %dma_start3A_31 : memref<1x2x128xi32, #tpu.memory_space<vmem>> -> memref<2x128xi32, #tpu.memory_space<vmem>>
    %dma_start3A_33 = arith.constant 0 : i32
    %dma_start3A_34 = arith.constant 0 : i32
    %dma_start3A_35 = tpu.memref_slice %arg4[%add3A, %dma_start3A_27, %dma_start3A_33, %dma_start3A_34] : memref<32x80x2x128xi32, #tpu.memory_space<hbm>> -> memref<1x1x2x128xi32, #tpu.memory_space<hbm>>
    %dma_start3A_36 = tpu.memref_squeeze %dma_start3A_35 : memref<1x1x2x128xi32, #tpu.memory_space<hbm>> -> memref<2x128xi32, #tpu.memory_space<hbm>>
    %dma_start3A_37 = arith.constant 0 : i32
    %dma_start3A_38 = arith.constant 0 : i32
    %dma_start3A_39 = tpu.memref_slice %arg6[%dma_start3A_28, %dma_start3A_37, %dma_start3A_38] : memref<2x2x128xi32, #tpu.memory_space<vmem>> -> memref<1x2x128xi32, #tpu.memory_space<vmem>>
    %dma_start3A_40 = tpu.memref_squeeze %dma_start3A_39 : memref<1x2x128xi32, #tpu.memory_space<vmem>> -> memref<2x128xi32, #tpu.memory_space<vmem>>
    %dma_start3A_41 = arith.constant 0 : i32
    %dma_start3A_42 = arith.constant 0 : i32
    %dma_start3A_43 = tpu.memref_slice %arg4[%add3A, %dma_start3A_27, %dma_start3A_41, %dma_start3A_42] : memref<32x80x2x128xi32, #tpu.memory_space<hbm>> -> memref<1x1x2x128xi32, #tpu.memory_space<hbm>>
    %dma_start3A_44 = tpu.memref_squeeze %dma_start3A_43 : memref<1x1x2x128xi32, #tpu.memory_space<hbm>> -> memref<2x128xi32, #tpu.memory_space<hbm>>
    tpu.enqueue_dma source(%dma_start3A_44 : memref<2x128xi32, #tpu.memory_space<hbm>>) target(%dma_start3A_40 : memref<2x128xi32, #tpu.memory_space<vmem>>) target_semaphore(%arg13 : memref<!tpu.dma_semaphore, #tpu.memory_space<semaphore_mem>>)
    %barrier3A = arith.constant 0 : index
    tpu.barrier barrier_id(%barrier3A)
    %dma_wait3A = arith.constant 0 : i32
    %dma_wait3A_45 = arith.constant 0 : i32
    %dma_wait3A_46 = arith.constant 0 : i32
    %dma_wait3A_47 = arith.constant 0 : i32
    %dma_wait3A_48 = tpu.memref_slice %arg6[%dma_wait3A_45, %dma_wait3A_46, %dma_wait3A_47] : memref<2x2x128xi32, #tpu.memory_space<vmem>> -> memref<1x2x128xi32, #tpu.memory_space<vmem>>
    %dma_wait3A_49 = tpu.memref_squeeze %dma_wait3A_48 : memref<1x2x128xi32, #tpu.memory_space<vmem>> -> memref<2x128xi32, #tpu.memory_space<vmem>>
    %dma_wait3A_50 = arith.constant 0 : i32
    %dma_wait3A_51 = arith.constant 0 : i32
    %dma_wait3A_52 = tpu.memref_slice %arg4[%add3A, %dma_wait3A, %dma_wait3A_50, %dma_wait3A_51] : memref<32x80x2x128xi32, #tpu.memory_space<hbm>> -> memref<1x1x2x128xi32, #tpu.memory_space<hbm>>
    %dma_wait3A_53 = tpu.memref_squeeze %dma_wait3A_52 : memref<1x1x2x128xi32, #tpu.memory_space<hbm>> -> memref<2x128xi32, #tpu.memory_space<hbm>>
    %dma_wait3A_54 = arith.constant 0 : i32
    %dma_wait3A_55 = arith.constant 0 : i32
    %dma_wait3A_56 = tpu.memref_slice %arg6[%dma_wait3A_45, %dma_wait3A_54, %dma_wait3A_55] : memref<2x2x128xi32, #tpu.memory_space<vmem>> -> memref<1x2x128xi32, #tpu.memory_space<vmem>>
    %dma_wait3A_57 = tpu.memref_squeeze %dma_wait3A_56 : memref<1x2x128xi32, #tpu.memory_space<vmem>> -> memref<2x128xi32, #tpu.memory_space<vmem>>
    %dma_wait3A_58 = arith.constant 0 : i32
    %dma_wait3A_59 = arith.constant 0 : i32
    %dma_wait3A_60 = tpu.memref_slice %arg4[%add3A, %dma_wait3A, %dma_wait3A_58, %dma_wait3A_59] : memref<32x80x2x128xi32, #tpu.memory_space<hbm>> -> memref<1x1x2x128xi32, #tpu.memory_space<hbm>>
    %dma_wait3A_61 = tpu.memref_squeeze %dma_wait3A_60 : memref<1x1x2x128xi32, #tpu.memory_space<hbm>> -> memref<2x128xi32, #tpu.memory_space<hbm>>
    tpu.wait_dma2 semaphore(%arg12 : memref<!tpu.dma_semaphore, #tpu.memory_space<semaphore_mem>>) src(%dma_wait3A_61 : memref<2x128xi32, #tpu.memory_space<hbm>>) dst(%dma_wait3A_57 : memref<2x128xi32, #tpu.memory_space<vmem>>)
    %dma_start3A_62 = arith.constant 0 : i32
    %dma_start3A_63 = arith.constant 0 : i32
    %dma_start3A_64 = arith.constant 0 : i32
    %dma_start3A_65 = tpu.memref_slice %arg6[%dma_start3A_62, %dma_start3A_63, %dma_start3A_64] : memref<2x2x128xi32, #tpu.memory_space<vmem>> -> memref<1x1x128xi32, #tpu.memory_space<vmem>>
    %dma_start3A_66 = tpu.memref_squeeze %dma_start3A_65 : memref<1x1x128xi32, #tpu.memory_space<vmem>> -> memref<128xi32, #tpu.memory_space<vmem>>
    %dma_start3A_67 = arith.constant 0 : i32
    %dma_start3A_68 = arith.constant 0 : i32
    %dma_start3A_69 = tpu.memref_slice %arg2[%dma_start3A_67, %dma_start3A_68] : memref<10240x128xf32, #tpu.memory_space<hbm>> -> memref<10240x128xf32, #tpu.memory_space<hbm>>
    tpu.enqueue_indirect_dma source(%dma_start3A_69 : memref<10240x128xf32, #tpu.memory_space<hbm>>) target(%arg7 : memref<128x128xf32, #tpu.memory_space<vmem>>) offsets(%dma_start3A_66 : memref<128xi32, #tpu.memory_space<vmem>>) semaphore(%arg10 : memref<!tpu.dma_semaphore, #tpu.memory_space<semaphore_mem>>)
    %scan3A = arith.constant 0 : i32
    %scan3A_70 = arith.constant 0 : i32
    %scan3A_71 = arith.constant 40 : i32
    %scan3A_72 = arith.addi %scan3A_70, %scan3A_71 : i32
    %scan3A_73 = arith.constant 1 : i32
    scf.for %scan3A_76 = %scan3A_70 to %scan3A_72 step %scan3A_73  : i32 {
      %mul3A_77 = arith.constant 2 : i32
      %mul3A_78 = arith.muli %mul3A_77, %scan3A_76 : i32
      %dma_wait3A_79 = arith.constant 0 : i32
      %dma_wait3A_80 = arith.constant 1 : i32
      %dma_wait3A_81 = arith.constant 0 : i32
      %dma_wait3A_82 = arith.constant 0 : i32
      %dma_wait3A_83 = tpu.memref_slice %arg6[%dma_wait3A_80, %dma_wait3A_81, %dma_wait3A_82] : memref<2x2x128xi32, #tpu.memory_space<vmem>> -> memref<1x2x128xi32, #tpu.memory_space<vmem>>
      %dma_wait3A_84 = tpu.memref_squeeze %dma_wait3A_83 : memref<1x2x128xi32, #tpu.memory_space<vmem>> -> memref<2x128xi32, #tpu.memory_space<vmem>>
      %dma_wait3A_85 = arith.constant 0 : i32
      %dma_wait3A_86 = arith.constant 0 : i32
      %dma_wait3A_87 = tpu.memref_slice %arg4[%add3A, %dma_wait3A_79, %dma_wait3A_85, %dma_wait3A_86] : memref<32x80x2x128xi32, #tpu.memory_space<hbm>> -> memref<1x1x2x128xi32, #tpu.memory_space<hbm>>
      %dma_wait3A_88 = tpu.memref_squeeze %dma_wait3A_87 : memref<1x1x2x128xi32, #tpu.memory_space<hbm>> -> memref<2x128xi32, #tpu.memory_space<hbm>>
      %dma_wait3A_89 = arith.constant 0 : i32
      %dma_wait3A_90 = arith.constant 0 : i32
      %dma_wait3A_91 = tpu.memref_slice %arg6[%dma_wait3A_80, %dma_wait3A_89, %dma_wait3A_90] : memref<2x2x128xi32, #tpu.memory_space<vmem>> -> memref<1x2x128xi32, #tpu.memory_space<vmem>>
      %dma_wait3A_92 = tpu.memref_squeeze %dma_wait3A_91 : memref<1x2x128xi32, #tpu.memory_space<vmem>> -> memref<2x128xi32, #tpu.memory_space<vmem>>
      %dma_wait3A_93 = arith.constant 0 : i32
      %dma_wait3A_94 = arith.constant 0 : i32
      %dma_wait3A_95 = tpu.memref_slice %arg4[%add3A, %dma_wait3A_79, %dma_wait3A_93, %dma_wait3A_94] : memref<32x80x2x128xi32, #tpu.memory_space<hbm>> -> memref<1x1x2x128xi32, #tpu.memory_space<hbm>>
      %dma_wait3A_96 = tpu.memref_squeeze %dma_wait3A_95 : memref<1x1x2x128xi32, #tpu.memory_space<hbm>> -> memref<2x128xi32, #tpu.memory_space<hbm>>
      tpu.wait_dma2 semaphore(%arg13 : memref<!tpu.dma_semaphore, #tpu.memory_space<semaphore_mem>>) src(%dma_wait3A_96 : memref<2x128xi32, #tpu.memory_space<hbm>>) dst(%dma_wait3A_92 : memref<2x128xi32, #tpu.memory_space<vmem>>)
      %dma_wait3A_97 = arith.constant 0 : i32
      %dma_wait3A_98 = arith.constant 0 : i32
      %dma_wait3A_99 = arith.constant 0 : i32
      %dma_wait3A_100 = tpu.memref_slice %arg6[%dma_wait3A_97, %dma_wait3A_98, %dma_wait3A_99] : memref<2x2x128xi32, #tpu.memory_space<vmem>> -> memref<1x1x128xi32, #tpu.memory_space<vmem>>
      %dma_wait3A_101 = tpu.memref_squeeze %dma_wait3A_100 : memref<1x1x128xi32, #tpu.memory_space<vmem>> -> memref<128xi32, #tpu.memory_space<vmem>>
      %dma_wait3A_102 = arith.constant 0 : i32
      %dma_wait3A_103 = arith.constant 0 : i32
      %dma_wait3A_104 = tpu.memref_slice %arg2[%dma_wait3A_102, %dma_wait3A_103] : memref<10240x128xf32, #tpu.memory_space<hbm>> -> memref<10240x128xf32, #tpu.memory_space<hbm>>
      tpu.wait_indirect_dma semaphore(%arg10 : memref<!tpu.dma_semaphore, #tpu.memory_space<semaphore_mem>>) src(%dma_wait3A_104 : memref<10240x128xf32, #tpu.memory_space<hbm>>) dst(%arg7 : memref<128x128xf32, #tpu.memory_space<vmem>>)
      %dma_start3A_105 = arith.constant 1 : i32
      %dma_start3A_106 = arith.constant 0 : i32
      %dma_start3A_107 = arith.constant 0 : i32
      %dma_start3A_108 = tpu.memref_slice %arg6[%dma_start3A_105, %dma_start3A_106, %dma_start3A_107] : memref<2x2x128xi32, #tpu.memory_space<vmem>> -> memref<1x1x128xi32, #tpu.memory_space<vmem>>
      %dma_start3A_109 = tpu.memref_squeeze %dma_start3A_108 : memref<1x1x128xi32, #tpu.memory_space<vmem>> -> memref<128xi32, #tpu.memory_space<vmem>>
      %dma_start3A_110 = arith.constant 0 : i32
      %dma_start3A_111 = arith.constant 0 : i32
      %dma_start3A_112 = tpu.memref_slice %arg2[%dma_start3A_110, %dma_start3A_111] : memref<10240x128xf32, #tpu.memory_space<hbm>> -> memref<10240x128xf32, #tpu.memory_space<hbm>>
      tpu.enqueue_indirect_dma source(%dma_start3A_112 : memref<10240x128xf32, #tpu.memory_space<hbm>>) target(%arg8 : memref<128x128xf32, #tpu.memory_space<vmem>>) offsets(%dma_start3A_109 : memref<128xi32, #tpu.memory_space<vmem>>) semaphore(%arg11 : memref<!tpu.dma_semaphore, #tpu.memory_space<semaphore_mem>>)
      %run_scoped3A = arith.constant 0 : i32
      %run_scoped3A_113 = arith.constant 1 : i32
      "tpu.region"() ({
        %run_scoped3A_138 = tpu.sem_alloc : memref<!tpu.dma_semaphore, #tpu.memory_space<semaphore_mem>>
        %dma_start3A_139 = arith.constant 0 : i32
        %dma_start3A_140 = tpu.memref_slice %arg6[%run_scoped3A, %run_scoped3A_113, %dma_start3A_139] : memref<2x2x128xi32, #tpu.memory_space<vmem>> -> memref<1x1x128xi32, #tpu.memory_space<vmem>>
        %dma_start3A_141 = tpu.memref_squeeze %dma_start3A_140 : memref<1x1x128xi32, #tpu.memory_space<vmem>> -> memref<128xi32, #tpu.memory_space<vmem>>
        %dma_start3A_142 = arith.constant 0 : i32
        %dma_start3A_143 = arith.constant 0 : i32
        %dma_start3A_144 = tpu.memref_slice %arg9[%dma_start3A_142, %dma_start3A_143] : memref<10240x128xf32, #tpu.memory_space<vmem_shared>> -> memref<10240x128xf32, #tpu.memory_space<vmem_shared>>
        tpu.enqueue_indirect_dma source(%arg7 : memref<128x128xf32, #tpu.memory_space<vmem>>) target(%dma_start3A_144 : memref<10240x128xf32, #tpu.memory_space<vmem_shared>>) offsets(%dma_start3A_141 : memref<128xi32, #tpu.memory_space<vmem>>) semaphore(%run_scoped3A_138 : memref<!tpu.dma_semaphore, #tpu.memory_space<semaphore_mem>>) {add = true}
        %dma_wait3A_145 = arith.constant 0 : i32
        %dma_wait3A_146 = tpu.memref_slice %arg6[%run_scoped3A, %run_scoped3A_113, %dma_wait3A_145] : memref<2x2x128xi32, #tpu.memory_space<vmem>> -> memref<1x1x128xi32, #tpu.memory_space<vmem>>
        %dma_wait3A_147 = tpu.memref_squeeze %dma_wait3A_146 : memref<1x1x128xi32, #tpu.memory_space<vmem>> -> memref<128xi32, #tpu.memory_space<vmem>>
        %dma_wait3A_148 = arith.constant 0 : i32
        %dma_wait3A_149 = arith.constant 0 : i32
        %dma_wait3A_150 = tpu.memref_slice %arg9[%dma_wait3A_148, %dma_wait3A_149] : memref<10240x128xf32, #tpu.memory_space<vmem_shared>> -> memref<10240x128xf32, #tpu.memory_space<vmem_shared>>
        tpu.wait_indirect_dma semaphore(%run_scoped3A_138 : memref<!tpu.dma_semaphore, #tpu.memory_space<semaphore_mem>>) src(%arg7 : memref<128x128xf32, #tpu.memory_space<vmem>>) dst(%dma_wait3A_150 : memref<10240x128xf32, #tpu.memory_space<vmem_shared>>)
        tpu.yield
      }) : () -> ()
      %lt3A = arith.constant 39 : i32
      %lt3A_114 = arith.cmpi slt, %scan3A_76, %lt3A : i32
      %convert_element_type3A_115 = arith.extui %lt3A_114 : i1 to i32
      %cond3A_116 = arith.constant 0 : i32
      %cond3A_117 = arith.cmpi ne, %convert_element_type3A_115, %cond3A_116 : i32
      scf.if %cond3A_117 {
        %add3A_138 = arith.constant 2 : i32
        %add3A_139 = arith.addi %mul3A_78, %add3A_138 : i32
        %dma_start3A_140 = arith.constant 0 : i32
        %dma_start3A_141 = arith.constant 0 : i32
        %dma_start3A_142 = arith.constant 0 : i32
        %dma_start3A_143 = tpu.memref_slice %arg6[%dma_start3A_140, %dma_start3A_141, %dma_start3A_142] : memref<2x2x128xi32, #tpu.memory_space<vmem>> -> memref<1x2x128xi32, #tpu.memory_space<vmem>>
        %dma_start3A_144 = tpu.memref_squeeze %dma_start3A_143 : memref<1x2x128xi32, #tpu.memory_space<vmem>> -> memref<2x128xi32, #tpu.memory_space<vmem>>
        %dma_start3A_145 = arith.constant 0 : i32
        %dma_start3A_146 = arith.constant 0 : i32
        %dma_start3A_147 = tpu.memref_slice %arg4[%add3A, %add3A_139, %dma_start3A_145, %dma_start3A_146] : memref<32x80x2x128xi32, #tpu.memory_space<hbm>> -> memref<1x1x2x128xi32, #tpu.memory_space<hbm>>
        %dma_start3A_148 = tpu.memref_squeeze %dma_start3A_147 : memref<1x1x2x128xi32, #tpu.memory_space<hbm>> -> memref<2x128xi32, #tpu.memory_space<hbm>>
        %dma_start3A_149 = arith.constant 0 : i32
        %dma_start3A_150 = arith.constant 0 : i32
        %dma_start3A_151 = tpu.memref_slice %arg6[%dma_start3A_140, %dma_start3A_149, %dma_start3A_150] : memref<2x2x128xi32, #tpu.memory_space<vmem>> -> memref<1x2x128xi32, #tpu.memory_space<vmem>>
        %dma_start3A_152 = tpu.memref_squeeze %dma_start3A_151 : memref<1x2x128xi32, #tpu.memory_space<vmem>> -> memref<2x128xi32, #tpu.memory_space<vmem>>
        %dma_start3A_153 = arith.constant 0 : i32
        %dma_start3A_154 = arith.constant 0 : i32
        %dma_start3A_155 = tpu.memref_slice %arg4[%add3A, %add3A_139, %dma_start3A_153, %dma_start3A_154] : memref<32x80x2x128xi32, #tpu.memory_space<hbm>> -> memref<1x1x2x128xi32, #tpu.memory_space<hbm>>
        %dma_start3A_156 = tpu.memref_squeeze %dma_start3A_155 : memref<1x1x2x128xi32, #tpu.memory_space<hbm>> -> memref<2x128xi32, #tpu.memory_space<hbm>>
        tpu.enqueue_dma source(%dma_start3A_156 : memref<2x128xi32, #tpu.memory_space<hbm>>) target(%dma_start3A_152 : memref<2x128xi32, #tpu.memory_space<vmem>>) target_semaphore(%arg12 : memref<!tpu.dma_semaphore, #tpu.memory_space<semaphore_mem>>)
      } else {
      }
      %dma_wait3A_118 = arith.constant 1 : i32
      %dma_wait3A_119 = arith.constant 0 : i32
      %dma_wait3A_120 = arith.constant 0 : i32
      %dma_wait3A_121 = tpu.memref_slice %arg6[%dma_wait3A_118, %dma_wait3A_119, %dma_wait3A_120] : memref<2x2x128xi32, #tpu.memory_space<vmem>> -> memref<1x1x128xi32, #tpu.memory_space<vmem>>
      %dma_wait3A_122 = tpu.memref_squeeze %dma_wait3A_121 : memref<1x1x128xi32, #tpu.memory_space<vmem>> -> memref<128xi32, #tpu.memory_space<vmem>>
      %dma_wait3A_123 = arith.constant 0 : i32
      %dma_wait3A_124 = arith.constant 0 : i32
      %dma_wait3A_125 = tpu.memref_slice %arg2[%dma_wait3A_123, %dma_wait3A_124] : memref<10240x128xf32, #tpu.memory_space<hbm>> -> memref<10240x128xf32, #tpu.memory_space<hbm>>
      tpu.wait_indirect_dma semaphore(%arg11 : memref<!tpu.dma_semaphore, #tpu.memory_space<semaphore_mem>>) src(%dma_wait3A_125 : memref<10240x128xf32, #tpu.memory_space<hbm>>) dst(%arg8 : memref<128x128xf32, #tpu.memory_space<vmem>>)
      %lt3A_126 = arith.constant 39 : i32
      %lt3A_127 = arith.cmpi slt, %scan3A_76, %lt3A_126 : i32
      %convert_element_type3A_128 = arith.extui %lt3A_127 : i1 to i32
      %cond3A_129 = arith.constant 0 : i32
      %cond3A_130 = arith.cmpi ne, %convert_element_type3A_128, %cond3A_129 : i32
      scf.if %cond3A_130 {
        %dma_wait3A_138 = arith.constant 0 : i32
        %dma_wait3A_139 = arith.constant 0 : i32
        %dma_wait3A_140 = arith.constant 0 : i32
        %dma_wait3A_141 = arith.constant 0 : i32
        %dma_wait3A_142 = tpu.memref_slice %arg6[%dma_wait3A_139, %dma_wait3A_140, %dma_wait3A_141] : memref<2x2x128xi32, #tpu.memory_space<vmem>> -> memref<1x2x128xi32, #tpu.memory_space<vmem>>
        %dma_wait3A_143 = tpu.memref_squeeze %dma_wait3A_142 : memref<1x2x128xi32, #tpu.memory_space<vmem>> -> memref<2x128xi32, #tpu.memory_space<vmem>>
        %dma_wait3A_144 = arith.constant 0 : i32
        %dma_wait3A_145 = arith.constant 0 : i32
        %dma_wait3A_146 = tpu.memref_slice %arg4[%add3A, %dma_wait3A_138, %dma_wait3A_144, %dma_wait3A_145] : memref<32x80x2x128xi32, #tpu.memory_space<hbm>> -> memref<1x1x2x128xi32, #tpu.memory_space<hbm>>
        %dma_wait3A_147 = tpu.memref_squeeze %dma_wait3A_146 : memref<1x1x2x128xi32, #tpu.memory_space<hbm>> -> memref<2x128xi32, #tpu.memory_space<hbm>>
        %dma_wait3A_148 = arith.constant 0 : i32
        %dma_wait3A_149 = arith.constant 0 : i32
        %dma_wait3A_150 = tpu.memref_slice %arg6[%dma_wait3A_139, %dma_wait3A_148, %dma_wait3A_149] : memref<2x2x128xi32, #tpu.memory_space<vmem>> -> memref<1x2x128xi32, #tpu.memory_space<vmem>>
        %dma_wait3A_151 = tpu.memref_squeeze %dma_wait3A_150 : memref<1x2x128xi32, #tpu.memory_space<vmem>> -> memref<2x128xi32, #tpu.memory_space<vmem>>
        %dma_wait3A_152 = arith.constant 0 : i32
        %dma_wait3A_153 = arith.constant 0 : i32
        %dma_wait3A_154 = tpu.memref_slice %arg4[%add3A, %dma_wait3A_138, %dma_wait3A_152, %dma_wait3A_153] : memref<32x80x2x128xi32, #tpu.memory_space<hbm>> -> memref<1x1x2x128xi32, #tpu.memory_space<hbm>>
        %dma_wait3A_155 = tpu.memref_squeeze %dma_wait3A_154 : memref<1x1x2x128xi32, #tpu.memory_space<hbm>> -> memref<2x128xi32, #tpu.memory_space<hbm>>
        tpu.wait_dma2 semaphore(%arg12 : memref<!tpu.dma_semaphore, #tpu.memory_space<semaphore_mem>>) src(%dma_wait3A_155 : memref<2x128xi32, #tpu.memory_space<hbm>>) dst(%dma_wait3A_151 : memref<2x128xi32, #tpu.memory_space<vmem>>)
        %dma_start3A_156 = arith.constant 0 : i32
        %dma_start3A_157 = arith.constant 0 : i32
        %dma_start3A_158 = arith.constant 0 : i32
        %dma_start3A_159 = tpu.memref_slice %arg6[%dma_start3A_156, %dma_start3A_157, %dma_start3A_158] : memref<2x2x128xi32, #tpu.memory_space<vmem>> -> memref<1x1x128xi32, #tpu.memory_space<vmem>>
        %dma_start3A_160 = tpu.memref_squeeze %dma_start3A_159 : memref<1x1x128xi32, #tpu.memory_space<vmem>> -> memref<128xi32, #tpu.memory_space<vmem>>
        %dma_start3A_161 = arith.constant 0 : i32
        %dma_start3A_162 = arith.constant 0 : i32
        %dma_start3A_163 = tpu.memref_slice %arg2[%dma_start3A_161, %dma_start3A_162] : memref<10240x128xf32, #tpu.memory_space<hbm>> -> memref<10240x128xf32, #tpu.memory_space<hbm>>
        tpu.enqueue_indirect_dma source(%dma_start3A_163 : memref<10240x128xf32, #tpu.memory_space<hbm>>) target(%arg7 : memref<128x128xf32, #tpu.memory_space<vmem>>) offsets(%dma_start3A_160 : memref<128xi32, #tpu.memory_space<vmem>>) semaphore(%arg10 : memref<!tpu.dma_semaphore, #tpu.memory_space<semaphore_mem>>)
      } else {
      }
      %run_scoped3A_131 = arith.constant 1 : i32
      %run_scoped3A_132 = arith.constant 1 : i32
      "tpu.region"() ({
        %run_scoped3A_138 = tpu.sem_alloc : memref<!tpu.dma_semaphore, #tpu.memory_space<semaphore_mem>>
        %dma_start3A_139 = arith.constant 0 : i32
        %dma_start3A_140 = tpu.memref_slice %arg6[%run_scoped3A_131, %run_scoped3A_132, %dma_start3A_139] : memref<2x2x128xi32, #tpu.memory_space<vmem>> -> memref<1x1x128xi32, #tpu.memory_space<vmem>>
        %dma_start3A_141 = tpu.memref_squeeze %dma_start3A_140 : memref<1x1x128xi32, #tpu.memory_space<vmem>> -> memref<128xi32, #tpu.memory_space<vmem>>
        %dma_start3A_142 = arith.constant 0 : i32
        %dma_start3A_143 = arith.constant 0 : i32
        %dma_start3A_144 = tpu.memref_slice %arg9[%dma_start3A_142, %dma_start3A_143] : memref<10240x128xf32, #tpu.memory_space<vmem_shared>> -> memref<10240x128xf32, #tpu.memory_space<vmem_shared>>
        tpu.enqueue_indirect_dma source(%arg8 : memref<128x128xf32, #tpu.memory_space<vmem>>) target(%dma_start3A_144 : memref<10240x128xf32, #tpu.memory_space<vmem_shared>>) offsets(%dma_start3A_141 : memref<128xi32, #tpu.memory_space<vmem>>) semaphore(%run_scoped3A_138 : memref<!tpu.dma_semaphore, #tpu.memory_space<semaphore_mem>>) {add = true}
        %dma_wait3A_145 = arith.constant 0 : i32
        %dma_wait3A_146 = tpu.memref_slice %arg6[%run_scoped3A_131, %run_scoped3A_132, %dma_wait3A_145] : memref<2x2x128xi32, #tpu.memory_space<vmem>> -> memref<1x1x128xi32, #tpu.memory_space<vmem>>
        %dma_wait3A_147 = tpu.memref_squeeze %dma_wait3A_146 : memref<1x1x128xi32, #tpu.memory_space<vmem>> -> memref<128xi32, #tpu.memory_space<vmem>>
        %dma_wait3A_148 = arith.constant 0 : i32
        %dma_wait3A_149 = arith.constant 0 : i32
        %dma_wait3A_150 = tpu.memref_slice %arg9[%dma_wait3A_148, %dma_wait3A_149] : memref<10240x128xf32, #tpu.memory_space<vmem_shared>> -> memref<10240x128xf32, #tpu.memory_space<vmem_shared>>
        tpu.wait_indirect_dma semaphore(%run_scoped3A_138 : memref<!tpu.dma_semaphore, #tpu.memory_space<semaphore_mem>>) src(%arg8 : memref<128x128xf32, #tpu.memory_space<vmem>>) dst(%dma_wait3A_150 : memref<10240x128xf32, #tpu.memory_space<vmem_shared>>)
        tpu.yield
      }) : () -> ()
      %lt3A_133 = arith.constant 39 : i32
      %lt3A_134 = arith.cmpi slt, %scan3A_76, %lt3A_133 : i32
      %convert_element_type3A_135 = arith.extui %lt3A_134 : i1 to i32
      %cond3A_136 = arith.constant 0 : i32
      %cond3A_137 = arith.cmpi ne, %convert_element_type3A_135, %cond3A_136 : i32
      scf.if %cond3A_137 {
        %add3A_138 = arith.constant 3 : i32
        %add3A_139 = arith.addi %mul3A_78, %add3A_138 : i32
        %dma_start3A_140 = arith.constant 1 : i32
        %dma_start3A_141 = arith.constant 0 : i32
        %dma_start3A_142 = arith.constant 0 : i32
        %dma_start3A_143 = tpu.memref_slice %arg6[%dma_start3A_140, %dma_start3A_141, %dma_start3A_142] : memref<2x2x128xi32, #tpu.memory_space<vmem>> -> memref<1x2x128xi32, #tpu.memory_space<vmem>>
        %dma_start3A_144 = tpu.memref_squeeze %dma_start3A_143 : memref<1x2x128xi32, #tpu.memory_space<vmem>> -> memref<2x128xi32, #tpu.memory_space<vmem>>
        %dma_start3A_145 = arith.constant 0 : i32
        %dma_start3A_146 = arith.constant 0 : i32
        %dma_start3A_147 = tpu.memref_slice %arg4[%add3A, %add3A_139, %dma_start3A_145, %dma_start3A_146] : memref<32x80x2x128xi32, #tpu.memory_space<hbm>> -> memref<1x1x2x128xi32, #tpu.memory_space<hbm>>
        %dma_start3A_148 = tpu.memref_squeeze %dma_start3A_147 : memref<1x1x2x128xi32, #tpu.memory_space<hbm>> -> memref<2x128xi32, #tpu.memory_space<hbm>>
        %dma_start3A_149 = arith.constant 0 : i32
        %dma_start3A_150 = arith.constant 0 : i32
        %dma_start3A_151 = tpu.memref_slice %arg6[%dma_start3A_140, %dma_start3A_149, %dma_start3A_150] : memref<2x2x128xi32, #tpu.memory_space<vmem>> -> memref<1x2x128xi32, #tpu.memory_space<vmem>>
        %dma_start3A_152 = tpu.memref_squeeze %dma_start3A_151 : memref<1x2x128xi32, #tpu.memory_space<vmem>> -> memref<2x128xi32, #tpu.memory_space<vmem>>
        %dma_start3A_153 = arith.constant 0 : i32
        %dma_start3A_154 = arith.constant 0 : i32
        %dma_start3A_155 = tpu.memref_slice %arg4[%add3A, %add3A_139, %dma_start3A_153, %dma_start3A_154] : memref<32x80x2x128xi32, #tpu.memory_space<hbm>> -> memref<1x1x2x128xi32, #tpu.memory_space<hbm>>
        %dma_start3A_156 = tpu.memref_squeeze %dma_start3A_155 : memref<1x1x2x128xi32, #tpu.memory_space<hbm>> -> memref<2x128xi32, #tpu.memory_space<hbm>>
        tpu.enqueue_dma source(%dma_start3A_156 : memref<2x128xi32, #tpu.memory_space<hbm>>) target(%dma_start3A_152 : memref<2x128xi32, #tpu.memory_space<vmem>>) target_semaphore(%arg13 : memref<!tpu.dma_semaphore, #tpu.memory_space<semaphore_mem>>)
      } else {
      }
    }
    %scan3A_74 = arith.constant 40 : i32
    %barrier3A_75 = arith.constant 0 : index
    tpu.barrier barrier_id(%barrier3A_75)
    "tpu.region"() ({
      %run_scoped3A = tpu.sem_alloc : memref<!tpu.dma_semaphore, #tpu.memory_space<semaphore_mem>>
      %dma_start3A_76 = arith.constant 0 : i32
      %dma_start3A_77 = tpu.memref_slice %arg5[%arg0, %mul3A_2, %dma_start3A_76] : memref<2x10240x128xf32, #tpu.memory_space<hbm>> -> memref<1x640x128xf32, #tpu.memory_space<hbm>>
      %dma_start3A_78 = tpu.memref_squeeze %dma_start3A_77 : memref<1x640x128xf32, #tpu.memory_space<hbm>> -> memref<640x128xf32, #tpu.memory_space<hbm>>
      %dma_start3A_79 = arith.constant 0 : i32
      %dma_start3A_80 = tpu.memref_slice %arg9[%mul3A_2, %dma_start3A_79] : memref<10240x128xf32, #tpu.memory_space<vmem_shared>> -> memref<640x128xf32, #tpu.memory_space<vmem_shared>>
      tpu.enqueue_dma source(%dma_start3A_80 : memref<640x128xf32, #tpu.memory_space<vmem_shared>>) target(%dma_start3A_78 : memref<640x128xf32, #tpu.memory_space<hbm>>) target_semaphore(%run_scoped3A : memref<!tpu.dma_semaphore, #tpu.memory_space<semaphore_mem>>)
      %dma_wait3A_81 = arith.constant 0 : i32
      %dma_wait3A_82 = tpu.memref_slice %arg5[%arg0, %mul3A_2, %dma_wait3A_81] : memref<2x10240x128xf32, #tpu.memory_space<hbm>> -> memref<1x640x128xf32, #tpu.memory_space<hbm>>
      %dma_wait3A_83 = tpu.memref_squeeze %dma_wait3A_82 : memref<1x640x128xf32, #tpu.memory_space<hbm>> -> memref<640x128xf32, #tpu.memory_space<hbm>>
      %dma_wait3A_84 = arith.constant 0 : i32
      %dma_wait3A_85 = tpu.memref_slice %arg9[%mul3A_2, %dma_wait3A_84] : memref<10240x128xf32, #tpu.memory_space<vmem_shared>> -> memref<640x128xf32, #tpu.memory_space<vmem_shared>>
      tpu.wait_dma2 semaphore(%run_scoped3A : memref<!tpu.dma_semaphore, #tpu.memory_space<semaphore_mem>>) src(%dma_wait3A_85 : memref<640x128xf32, #tpu.memory_space<vmem_shared>>) dst(%dma_wait3A_83 : memref<640x128xf32, #tpu.memory_space<hbm>>)
      tpu.yield
    }) : () -> ()
    return
  }
}

#map = affine_map<(d0, d1) -> (0, 0)>
#map1 = affine_map<(d0, d1) -> (0, 0, 0, 0)>
#map2 = affine_map<(d0, d1) -> (0, 0, 0)>
module attributes {stable_mosaic.version = 14 : i64} {
  func.func @_prop(%arg0: i32, %arg1: i32, %arg2: memref<10240x128xf32, #tpu.memory_space<hbm>>, %arg3: memref<10240x128xf32, #tpu.memory_space<hbm>>, %arg4: memref<32x80x2x128xi32, #tpu.memory_space<hbm>>, %arg5: memref<2x10240x128xf32, #tpu.memory_space<hbm>>, %arg6: memref<2x2x128xi32, #tpu.memory_space<vmem>>, %arg7: memref<128x128xf32, #tpu.memory_space<vmem>>, %arg8: memref<128x128xf32, #tpu.memory_space<vmem>>, %arg9: memref<10240x128xf32, #tpu.memory_space<vmem_shared>>, %arg10: memref<!tpu.dma_semaphore, #tpu.memory_space<semaphore_mem>>, %arg11: memref<!tpu.dma_semaphore, #tpu.memory_space<semaphore_mem>>, %arg12: memref<!tpu.dma_semaphore, #tpu.memory_space<semaphore_mem>>, %arg13: memref<!tpu.dma_semaphore, #tpu.memory_space<semaphore_mem>>) attributes {dimension_semantics = [#tpu.dimension_semantics<core_parallel>, #tpu.dimension_semantics<subcore_parallel>], iteration_bounds = array<i64: 2, 16>, scalar_prefetch = 0 : i64, scratch_operands = 8 : i64, tpu.core_type = #tpu.core_type<sc_vector_subcore>, window_params = [{transform_indices = #map}, {transform_indices = #map}, {transform_indices = #map1}, {transform_indices = #map2}]} {
    %mul3A = arith.constant 16 : i32
    %mul3A_0 = arith.muli %arg0, %mul3A : i32
    %add3A = arith.addi %mul3A_0, %arg1 : i32
    %mul3A_1 = arith.constant 640 : i32
    %mul3A_2 = arith.muli %arg1, %mul3A_1 : i32
    %eq3A = arith.constant 0 : i32
    %eq3A_3 = arith.cmpi eq, %arg0, %eq3A : i32
    %convert_element_type3A = arith.extui %eq3A_3 : i1 to i32
    %cond3A = arith.constant 0 : i32
    %cond3A_4 = arith.cmpi ne, %convert_element_type3A, %cond3A : i32
    scf.if %cond3A_4 {
      "tpu.region"() ({
        %run_scoped3A = tpu.sem_alloc : memref<!tpu.dma_semaphore, #tpu.memory_space<semaphore_mem>>
        %dma_start3A_76 = arith.constant 0 : i32
        %dma_start3A_77 = tpu.memref_slice %arg9[%mul3A_2, %dma_start3A_76] : memref<10240x128xf32, #tpu.memory_space<vmem_shared>> -> memref<640x128xf32, #tpu.memory_space<vmem_shared>>
        %dma_start3A_78 = arith.constant 0 : i32
        %dma_start3A_79 = tpu.memref_slice %arg2[%mul3A_2, %dma_start3A_78] : memref<10240x128xf32, #tpu.memory_space<hbm>> -> memref<640x128xf32, #tpu.memory_space<hbm>>
        tpu.enqueue_dma source(%dma_start3A_79 : memref<640x128xf32, #tpu.memory_space<hbm>>) target(%dma_start3A_77 : memref<640x128xf32, #tpu.memory_space<vmem_shared>>) target_semaphore(%run_scoped3A : memref<!tpu.dma_semaphore, #tpu.memory_space<semaphore_mem>>)
        %dma_wait3A_80 = arith.constant 0 : i32
        %dma_wait3A_81 = tpu.memref_slice %arg9[%mul3A_2, %dma_wait3A_80] : memref<10240x128xf32, #tpu.memory_space<vmem_shared>> -> memref<640x128xf32, #tpu.memory_space<vmem_shared>>
        %dma_wait3A_82 = arith.constant 0 : i32
        %dma_wait3A_83 = tpu.memref_slice %arg2[%mul3A_2, %dma_wait3A_82] : memref<10240x128xf32, #tpu.memory_space<hbm>> -> memref<640x128xf32, #tpu.memory_space<hbm>>
        tpu.wait_dma2 semaphore(%run_scoped3A : memref<!tpu.dma_semaphore, #tpu.memory_space<semaphore_mem>>) src(%dma_wait3A_83 : memref<640x128xf32, #tpu.memory_space<hbm>>) dst(%dma_wait3A_81 : memref<640x128xf32, #tpu.memory_space<vmem_shared>>)
        tpu.yield
      }) : () -> ()
    } else {
    }
    %eq3A_5 = arith.constant 1 : i32
    %eq3A_6 = arith.cmpi eq, %arg0, %eq3A_5 : i32
    %convert_element_type3A_7 = arith.extui %eq3A_6 : i1 to i32
    %cond3A_8 = arith.constant 0 : i32
    %cond3A_9 = arith.cmpi ne, %convert_element_type3A_7, %cond3A_8 : i32
    scf.if %cond3A_9 {
      "tpu.region"() ({
        %run_scoped3A = tpu.sem_alloc : memref<!tpu.dma_semaphore, #tpu.memory_space<semaphore_mem>>
        %dma_start3A_76 = arith.constant 0 : i32
        %dma_start3A_77 = tpu.memref_slice %arg9[%mul3A_2, %dma_start3A_76] : memref<10240x128xf32, #tpu.memory_space<vmem_shared>> -> memref<640x128xf32, #tpu.memory_space<vmem_shared>>
        %dma_start3A_78 = arith.constant 0 : i32
        %dma_start3A_79 = tpu.memref_slice %arg3[%mul3A_2, %dma_start3A_78] : memref<10240x128xf32, #tpu.memory_space<hbm>> -> memref<640x128xf32, #tpu.memory_space<hbm>>
        tpu.enqueue_dma source(%dma_start3A_79 : memref<640x128xf32, #tpu.memory_space<hbm>>) target(%dma_start3A_77 : memref<640x128xf32, #tpu.memory_space<vmem_shared>>) target_semaphore(%run_scoped3A : memref<!tpu.dma_semaphore, #tpu.memory_space<semaphore_mem>>)
        %dma_wait3A_80 = arith.constant 0 : i32
        %dma_wait3A_81 = tpu.memref_slice %arg9[%mul3A_2, %dma_wait3A_80] : memref<10240x128xf32, #tpu.memory_space<vmem_shared>> -> memref<640x128xf32, #tpu.memory_space<vmem_shared>>
        %dma_wait3A_82 = arith.constant 0 : i32
        %dma_wait3A_83 = tpu.memref_slice %arg3[%mul3A_2, %dma_wait3A_82] : memref<10240x128xf32, #tpu.memory_space<hbm>> -> memref<640x128xf32, #tpu.memory_space<hbm>>
        tpu.wait_dma2 semaphore(%run_scoped3A : memref<!tpu.dma_semaphore, #tpu.memory_space<semaphore_mem>>) src(%dma_wait3A_83 : memref<640x128xf32, #tpu.memory_space<hbm>>) dst(%dma_wait3A_81 : memref<640x128xf32, #tpu.memory_space<vmem_shared>>)
        tpu.yield
      }) : () -> ()
    } else {
    }
    %dma_start3A = arith.constant 0 : i32
    %dma_start3A_10 = arith.constant 0 : i32
    %dma_start3A_11 = arith.constant 0 : i32
    %dma_start3A_12 = arith.constant 0 : i32
    %dma_start3A_13 = tpu.memref_slice %arg6[%dma_start3A_10, %dma_start3A_11, %dma_start3A_12] : memref<2x2x128xi32, #tpu.memory_space<vmem>> -> memref<1x2x128xi32, #tpu.memory_space<vmem>>
    %dma_start3A_14 = tpu.memref_squeeze %dma_start3A_13 : memref<1x2x128xi32, #tpu.memory_space<vmem>> -> memref<2x128xi32, #tpu.memory_space<vmem>>
    %dma_start3A_15 = arith.constant 0 : i32
    %dma_start3A_16 = arith.constant 0 : i32
    %dma_start3A_17 = tpu.memref_slice %arg4[%add3A, %dma_start3A, %dma_start3A_15, %dma_start3A_16] : memref<32x80x2x128xi32, #tpu.memory_space<hbm>> -> memref<1x1x2x128xi32, #tpu.memory_space<hbm>>
    %dma_start3A_18 = tpu.memref_squeeze %dma_start3A_17 : memref<1x1x2x128xi32, #tpu.memory_space<hbm>> -> memref<2x128xi32, #tpu.memory_space<hbm>>
    %dma_start3A_19 = arith.constant 0 : i32
    %dma_start3A_20 = arith.constant 0 : i32
    %dma_start3A_21 = tpu.memref_slice %arg6[%dma_start3A_10, %dma_start3A_19, %dma_start3A_20] : memref<2x2x128xi32, #tpu.memory_space<vmem>> -> memref<1x2x128xi32, #tpu.memory_space<vmem>>
    %dma_start3A_22 = tpu.memref_squeeze %dma_start3A_21 : memref<1x2x128xi32, #tpu.memory_space<vmem>> -> memref<2x128xi32, #tpu.memory_space<vmem>>
    %dma_start3A_23 = arith.constant 0 : i32
    %dma_start3A_24 = arith.constant 0 : i32
    %dma_start3A_25 = tpu.memref_slice %arg4[%add3A, %dma_start3A, %dma_start3A_23, %dma_start3A_24] : memref<32x80x2x128xi32, #tpu.memory_space<hbm>> -> memref<1x1x2x128xi32, #tpu.memory_space<hbm>>
    %dma_start3A_26 = tpu.memref_squeeze %dma_start3A_25 : memref<1x1x2x128xi32, #tpu.memory_space<hbm>> -> memref<2x128xi32, #tpu.memory_space<hbm>>
    tpu.enqueue_dma source(%dma_start3A_26 : memref<2x128xi32, #tpu.memory_space<hbm>>) target(%dma_start3A_22 : memref<2x128xi32, #tpu.memory_space<vmem>>) target_semaphore(%arg12 : memref<!tpu.dma_semaphore, #tpu.memory_space<semaphore_mem>>)
    %dma_start3A_27 = arith.constant 1 : i32
    %dma_start3A_28 = arith.constant 1 : i32
    %dma_start3A_29 = arith.constant 0 : i32
    %dma_start3A_30 = arith.constant 0 : i32
    %dma_start3A_31 = tpu.memref_slice %arg6[%dma_start3A_28, %dma_start3A_29, %dma_start3A_30] : memref<2x2x128xi32, #tpu.memory_space<vmem>> -> memref<1x2x128xi32, #tpu.memory_space<vmem>>
    %dma_start3A_32 = tpu.memref_squeeze %dma_start3A_31 : memref<1x2x128xi32, #tpu.memory_space<vmem>> -> memref<2x128xi32, #tpu.memory_space<vmem>>
    %dma_start3A_33 = arith.constant 0 : i32
    %dma_start3A_34 = arith.constant 0 : i32
    %dma_start3A_35 = tpu.memref_slice %arg4[%add3A, %dma_start3A_27, %dma_start3A_33, %dma_start3A_34] : memref<32x80x2x128xi32, #tpu.memory_space<hbm>> -> memref<1x1x2x128xi32, #tpu.memory_space<hbm>>
    %dma_start3A_36 = tpu.memref_squeeze %dma_start3A_35 : memref<1x1x2x128xi32, #tpu.memory_space<hbm>> -> memref<2x128xi32, #tpu.memory_space<hbm>>
    %dma_start3A_37 = arith.constant 0 : i32
    %dma_start3A_38 = arith.constant 0 : i32
    %dma_start3A_39 = tpu.memref_slice %arg6[%dma_start3A_28, %dma_start3A_37, %dma_start3A_38] : memref<2x2x128xi32, #tpu.memory_space<vmem>> -> memref<1x2x128xi32, #tpu.memory_space<vmem>>
    %dma_start3A_40 = tpu.memref_squeeze %dma_start3A_39 : memref<1x2x128xi32, #tpu.memory_space<vmem>> -> memref<2x128xi32, #tpu.memory_space<vmem>>
    %dma_start3A_41 = arith.constant 0 : i32
    %dma_start3A_42 = arith.constant 0 : i32
    %dma_start3A_43 = tpu.memref_slice %arg4[%add3A, %dma_start3A_27, %dma_start3A_41, %dma_start3A_42] : memref<32x80x2x128xi32, #tpu.memory_space<hbm>> -> memref<1x1x2x128xi32, #tpu.memory_space<hbm>>
    %dma_start3A_44 = tpu.memref_squeeze %dma_start3A_43 : memref<1x1x2x128xi32, #tpu.memory_space<hbm>> -> memref<2x128xi32, #tpu.memory_space<hbm>>
    tpu.enqueue_dma source(%dma_start3A_44 : memref<2x128xi32, #tpu.memory_space<hbm>>) target(%dma_start3A_40 : memref<2x128xi32, #tpu.memory_space<vmem>>) target_semaphore(%arg13 : memref<!tpu.dma_semaphore, #tpu.memory_space<semaphore_mem>>)
    %barrier3A = arith.constant 0 : index
    tpu.barrier barrier_id(%barrier3A)
    %dma_wait3A = arith.constant 0 : i32
    %dma_wait3A_45 = arith.constant 0 : i32
    %dma_wait3A_46 = arith.constant 0 : i32
    %dma_wait3A_47 = arith.constant 0 : i32
    %dma_wait3A_48 = tpu.memref_slice %arg6[%dma_wait3A_45, %dma_wait3A_46, %dma_wait3A_47] : memref<2x2x128xi32, #tpu.memory_space<vmem>> -> memref<1x2x128xi32, #tpu.memory_space<vmem>>
    %dma_wait3A_49 = tpu.memref_squeeze %dma_wait3A_48 : memref<1x2x128xi32, #tpu.memory_space<vmem>> -> memref<2x128xi32, #tpu.memory_space<vmem>>
    %dma_wait3A_50 = arith.constant 0 : i32
    %dma_wait3A_51 = arith.constant 0 : i32
    %dma_wait3A_52 = tpu.memref_slice %arg4[%add3A, %dma_wait3A, %dma_wait3A_50, %dma_wait3A_51] : memref<32x80x2x128xi32, #tpu.memory_space<hbm>> -> memref<1x1x2x128xi32, #tpu.memory_space<hbm>>
    %dma_wait3A_53 = tpu.memref_squeeze %dma_wait3A_52 : memref<1x1x2x128xi32, #tpu.memory_space<hbm>> -> memref<2x128xi32, #tpu.memory_space<hbm>>
    %dma_wait3A_54 = arith.constant 0 : i32
    %dma_wait3A_55 = arith.constant 0 : i32
    %dma_wait3A_56 = tpu.memref_slice %arg6[%dma_wait3A_45, %dma_wait3A_54, %dma_wait3A_55] : memref<2x2x128xi32, #tpu.memory_space<vmem>> -> memref<1x2x128xi32, #tpu.memory_space<vmem>>
    %dma_wait3A_57 = tpu.memref_squeeze %dma_wait3A_56 : memref<1x2x128xi32, #tpu.memory_space<vmem>> -> memref<2x128xi32, #tpu.memory_space<vmem>>
    %dma_wait3A_58 = arith.constant 0 : i32
    %dma_wait3A_59 = arith.constant 0 : i32
    %dma_wait3A_60 = tpu.memref_slice %arg4[%add3A, %dma_wait3A, %dma_wait3A_58, %dma_wait3A_59] : memref<32x80x2x128xi32, #tpu.memory_space<hbm>> -> memref<1x1x2x128xi32, #tpu.memory_space<hbm>>
    %dma_wait3A_61 = tpu.memref_squeeze %dma_wait3A_60 : memref<1x1x2x128xi32, #tpu.memory_space<hbm>> -> memref<2x128xi32, #tpu.memory_space<hbm>>
    tpu.wait_dma2 semaphore(%arg12 : memref<!tpu.dma_semaphore, #tpu.memory_space<semaphore_mem>>) src(%dma_wait3A_61 : memref<2x128xi32, #tpu.memory_space<hbm>>) dst(%dma_wait3A_57 : memref<2x128xi32, #tpu.memory_space<vmem>>)
    %dma_start3A_62 = arith.constant 0 : i32
    %dma_start3A_63 = arith.constant 0 : i32
    %dma_start3A_64 = arith.constant 0 : i32
    %dma_start3A_65 = tpu.memref_slice %arg6[%dma_start3A_62, %dma_start3A_63, %dma_start3A_64] : memref<2x2x128xi32, #tpu.memory_space<vmem>> -> memref<1x1x128xi32, #tpu.memory_space<vmem>>
    %dma_start3A_66 = tpu.memref_squeeze %dma_start3A_65 : memref<1x1x128xi32, #tpu.memory_space<vmem>> -> memref<128xi32, #tpu.memory_space<vmem>>
    %dma_start3A_67 = arith.constant 0 : i32
    %dma_start3A_68 = arith.constant 0 : i32
    %dma_start3A_69 = tpu.memref_slice %arg2[%dma_start3A_67, %dma_start3A_68] : memref<10240x128xf32, #tpu.memory_space<hbm>> -> memref<10240x128xf32, #tpu.memory_space<hbm>>
    tpu.enqueue_indirect_dma source(%dma_start3A_69 : memref<10240x128xf32, #tpu.memory_space<hbm>>) target(%arg7 : memref<128x128xf32, #tpu.memory_space<vmem>>) offsets(%dma_start3A_66 : memref<128xi32, #tpu.memory_space<vmem>>) semaphore(%arg10 : memref<!tpu.dma_semaphore, #tpu.memory_space<semaphore_mem>>)
    %scan3A = arith.constant 0 : i32
    %scan3A_70 = arith.constant 0 : i32
    %scan3A_71 = arith.constant 40 : i32
    %scan3A_72 = arith.addi %scan3A_70, %scan3A_71 : i32
    %scan3A_73 = arith.constant 1 : i32
    scf.for %scan3A_76 = %scan3A_70 to %scan3A_72 step %scan3A_73  : i32 {
      %mul3A_77 = arith.constant 2 : i32
      %mul3A_78 = arith.muli %mul3A_77, %scan3A_76 : i32
      %dma_wait3A_79 = arith.constant 0 : i32
      %dma_wait3A_80 = arith.constant 1 : i32
      %dma_wait3A_81 = arith.constant 0 : i32
      %dma_wait3A_82 = arith.constant 0 : i32
      %dma_wait3A_83 = tpu.memref_slice %arg6[%dma_wait3A_80, %dma_wait3A_81, %dma_wait3A_82] : memref<2x2x128xi32, #tpu.memory_space<vmem>> -> memref<1x2x128xi32, #tpu.memory_space<vmem>>
      %dma_wait3A_84 = tpu.memref_squeeze %dma_wait3A_83 : memref<1x2x128xi32, #tpu.memory_space<vmem>> -> memref<2x128xi32, #tpu.memory_space<vmem>>
      %dma_wait3A_85 = arith.constant 0 : i32
      %dma_wait3A_86 = arith.constant 0 : i32
      %dma_wait3A_87 = tpu.memref_slice %arg4[%add3A, %dma_wait3A_79, %dma_wait3A_85, %dma_wait3A_86] : memref<32x80x2x128xi32, #tpu.memory_space<hbm>> -> memref<1x1x2x128xi32, #tpu.memory_space<hbm>>
      %dma_wait3A_88 = tpu.memref_squeeze %dma_wait3A_87 : memref<1x1x2x128xi32, #tpu.memory_space<hbm>> -> memref<2x128xi32, #tpu.memory_space<hbm>>
      %dma_wait3A_89 = arith.constant 0 : i32
      %dma_wait3A_90 = arith.constant 0 : i32
      %dma_wait3A_91 = tpu.memref_slice %arg6[%dma_wait3A_80, %dma_wait3A_89, %dma_wait3A_90] : memref<2x2x128xi32, #tpu.memory_space<vmem>> -> memref<1x2x128xi32, #tpu.memory_space<vmem>>
      %dma_wait3A_92 = tpu.memref_squeeze %dma_wait3A_91 : memref<1x2x128xi32, #tpu.memory_space<vmem>> -> memref<2x128xi32, #tpu.memory_space<vmem>>
      %dma_wait3A_93 = arith.constant 0 : i32
      %dma_wait3A_94 = arith.constant 0 : i32
      %dma_wait3A_95 = tpu.memref_slice %arg4[%add3A, %dma_wait3A_79, %dma_wait3A_93, %dma_wait3A_94] : memref<32x80x2x128xi32, #tpu.memory_space<hbm>> -> memref<1x1x2x128xi32, #tpu.memory_space<hbm>>
      %dma_wait3A_96 = tpu.memref_squeeze %dma_wait3A_95 : memref<1x1x2x128xi32, #tpu.memory_space<hbm>> -> memref<2x128xi32, #tpu.memory_space<hbm>>
      tpu.wait_dma2 semaphore(%arg13 : memref<!tpu.dma_semaphore, #tpu.memory_space<semaphore_mem>>) src(%dma_wait3A_96 : memref<2x128xi32, #tpu.memory_space<hbm>>) dst(%dma_wait3A_92 : memref<2x128xi32, #tpu.memory_space<vmem>>)
      %dma_wait3A_97 = arith.constant 0 : i32
      %dma_wait3A_98 = arith.constant 0 : i32
      %dma_wait3A_99 = arith.constant 0 : i32
      %dma_wait3A_100 = tpu.memref_slice %arg6[%dma_wait3A_97, %dma_wait3A_98, %dma_wait3A_99] : memref<2x2x128xi32, #tpu.memory_space<vmem>> -> memref<1x1x128xi32, #tpu.memory_space<vmem>>
      %dma_wait3A_101 = tpu.memref_squeeze %dma_wait3A_100 : memref<1x1x128xi32, #tpu.memory_space<vmem>> -> memref<128xi32, #tpu.memory_space<vmem>>
      %dma_wait3A_102 = arith.constant 0 : i32
      %dma_wait3A_103 = arith.constant 0 : i32
      %dma_wait3A_104 = tpu.memref_slice %arg2[%dma_wait3A_102, %dma_wait3A_103] : memref<10240x128xf32, #tpu.memory_space<hbm>> -> memref<10240x128xf32, #tpu.memory_space<hbm>>
      tpu.wait_indirect_dma semaphore(%arg10 : memref<!tpu.dma_semaphore, #tpu.memory_space<semaphore_mem>>) src(%dma_wait3A_104 : memref<10240x128xf32, #tpu.memory_space<hbm>>) dst(%arg7 : memref<128x128xf32, #tpu.memory_space<vmem>>)
      %dma_start3A_105 = arith.constant 1 : i32
      %dma_start3A_106 = arith.constant 0 : i32
      %dma_start3A_107 = arith.constant 0 : i32
      %dma_start3A_108 = tpu.memref_slice %arg6[%dma_start3A_105, %dma_start3A_106, %dma_start3A_107] : memref<2x2x128xi32, #tpu.memory_space<vmem>> -> memref<1x1x128xi32, #tpu.memory_space<vmem>>
      %dma_start3A_109 = tpu.memref_squeeze %dma_start3A_108 : memref<1x1x128xi32, #tpu.memory_space<vmem>> -> memref<128xi32, #tpu.memory_space<vmem>>
      %dma_start3A_110 = arith.constant 0 : i32
      %dma_start3A_111 = arith.constant 0 : i32
      %dma_start3A_112 = tpu.memref_slice %arg2[%dma_start3A_110, %dma_start3A_111] : memref<10240x128xf32, #tpu.memory_space<hbm>> -> memref<10240x128xf32, #tpu.memory_space<hbm>>
      tpu.enqueue_indirect_dma source(%dma_start3A_112 : memref<10240x128xf32, #tpu.memory_space<hbm>>) target(%arg8 : memref<128x128xf32, #tpu.memory_space<vmem>>) offsets(%dma_start3A_109 : memref<128xi32, #tpu.memory_space<vmem>>) semaphore(%arg11 : memref<!tpu.dma_semaphore, #tpu.memory_space<semaphore_mem>>)
      %run_scoped3A = arith.constant 0 : i32
      %run_scoped3A_113 = arith.constant 1 : i32
      "tpu.region"() ({
        %run_scoped3A_138 = tpu.sem_alloc : memref<!tpu.dma_semaphore, #tpu.memory_space<semaphore_mem>>
        %dma_start3A_139 = arith.constant 0 : i32
        %dma_start3A_140 = tpu.memref_slice %arg6[%run_scoped3A, %run_scoped3A_113, %dma_start3A_139] : memref<2x2x128xi32, #tpu.memory_space<vmem>> -> memref<1x1x128xi32, #tpu.memory_space<vmem>>
        %dma_start3A_141 = tpu.memref_squeeze %dma_start3A_140 : memref<1x1x128xi32, #tpu.memory_space<vmem>> -> memref<128xi32, #tpu.memory_space<vmem>>
        %dma_start3A_142 = arith.constant 0 : i32
        %dma_start3A_143 = arith.constant 0 : i32
        %dma_start3A_144 = tpu.memref_slice %arg9[%dma_start3A_142, %dma_start3A_143] : memref<10240x128xf32, #tpu.memory_space<vmem_shared>> -> memref<10240x128xf32, #tpu.memory_space<vmem_shared>>
        tpu.enqueue_indirect_dma source(%arg7 : memref<128x128xf32, #tpu.memory_space<vmem>>) target(%dma_start3A_144 : memref<10240x128xf32, #tpu.memory_space<vmem_shared>>) offsets(%dma_start3A_141 : memref<128xi32, #tpu.memory_space<vmem>>) semaphore(%run_scoped3A_138 : memref<!tpu.dma_semaphore, #tpu.memory_space<semaphore_mem>>) {add = true}
        %dma_wait3A_145 = arith.constant 0 : i32
        %dma_wait3A_146 = tpu.memref_slice %arg6[%run_scoped3A, %run_scoped3A_113, %dma_wait3A_145] : memref<2x2x128xi32, #tpu.memory_space<vmem>> -> memref<1x1x128xi32, #tpu.memory_space<vmem>>
        %dma_wait3A_147 = tpu.memref_squeeze %dma_wait3A_146 : memref<1x1x128xi32, #tpu.memory_space<vmem>> -> memref<128xi32, #tpu.memory_space<vmem>>
        %dma_wait3A_148 = arith.constant 0 : i32
        %dma_wait3A_149 = arith.constant 0 : i32
        %dma_wait3A_150 = tpu.memref_slice %arg9[%dma_wait3A_148, %dma_wait3A_149] : memref<10240x128xf32, #tpu.memory_space<vmem_shared>> -> memref<10240x128xf32, #tpu.memory_space<vmem_shared>>
        tpu.wait_indirect_dma semaphore(%run_scoped3A_138 : memref<!tpu.dma_semaphore, #tpu.memory_space<semaphore_mem>>) src(%arg7 : memref<128x128xf32, #tpu.memory_space<vmem>>) dst(%dma_wait3A_150 : memref<10240x128xf32, #tpu.memory_space<vmem_shared>>)
        tpu.yield
      }) : () -> ()
      %lt3A = arith.constant 39 : i32
      %lt3A_114 = arith.cmpi slt, %scan3A_76, %lt3A : i32
      %convert_element_type3A_115 = arith.extui %lt3A_114 : i1 to i32
      %cond3A_116 = arith.constant 0 : i32
      %cond3A_117 = arith.cmpi ne, %convert_element_type3A_115, %cond3A_116 : i32
      scf.if %cond3A_117 {
        %add3A_138 = arith.constant 2 : i32
        %add3A_139 = arith.addi %mul3A_78, %add3A_138 : i32
        %dma_start3A_140 = arith.constant 0 : i32
        %dma_start3A_141 = arith.constant 0 : i32
        %dma_start3A_142 = arith.constant 0 : i32
        %dma_start3A_143 = tpu.memref_slice %arg6[%dma_start3A_140, %dma_start3A_141, %dma_start3A_142] : memref<2x2x128xi32, #tpu.memory_space<vmem>> -> memref<1x2x128xi32, #tpu.memory_space<vmem>>
        %dma_start3A_144 = tpu.memref_squeeze %dma_start3A_143 : memref<1x2x128xi32, #tpu.memory_space<vmem>> -> memref<2x128xi32, #tpu.memory_space<vmem>>
        %dma_start3A_145 = arith.constant 0 : i32
        %dma_start3A_146 = arith.constant 0 : i32
        %dma_start3A_147 = tpu.memref_slice %arg4[%add3A, %add3A_139, %dma_start3A_145, %dma_start3A_146] : memref<32x80x2x128xi32, #tpu.memory_space<hbm>> -> memref<1x1x2x128xi32, #tpu.memory_space<hbm>>
        %dma_start3A_148 = tpu.memref_squeeze %dma_start3A_147 : memref<1x1x2x128xi32, #tpu.memory_space<hbm>> -> memref<2x128xi32, #tpu.memory_space<hbm>>
        %dma_start3A_149 = arith.constant 0 : i32
        %dma_start3A_150 = arith.constant 0 : i32
        %dma_start3A_151 = tpu.memref_slice %arg6[%dma_start3A_140, %dma_start3A_149, %dma_start3A_150] : memref<2x2x128xi32, #tpu.memory_space<vmem>> -> memref<1x2x128xi32, #tpu.memory_space<vmem>>
        %dma_start3A_152 = tpu.memref_squeeze %dma_start3A_151 : memref<1x2x128xi32, #tpu.memory_space<vmem>> -> memref<2x128xi32, #tpu.memory_space<vmem>>
        %dma_start3A_153 = arith.constant 0 : i32
        %dma_start3A_154 = arith.constant 0 : i32
        %dma_start3A_155 = tpu.memref_slice %arg4[%add3A, %add3A_139, %dma_start3A_153, %dma_start3A_154] : memref<32x80x2x128xi32, #tpu.memory_space<hbm>> -> memref<1x1x2x128xi32, #tpu.memory_space<hbm>>
        %dma_start3A_156 = tpu.memref_squeeze %dma_start3A_155 : memref<1x1x2x128xi32, #tpu.memory_space<hbm>> -> memref<2x128xi32, #tpu.memory_space<hbm>>
        tpu.enqueue_dma source(%dma_start3A_156 : memref<2x128xi32, #tpu.memory_space<hbm>>) target(%dma_start3A_152 : memref<2x128xi32, #tpu.memory_space<vmem>>) target_semaphore(%arg12 : memref<!tpu.dma_semaphore, #tpu.memory_space<semaphore_mem>>)
      } else {
      }
      %dma_wait3A_118 = arith.constant 1 : i32
      %dma_wait3A_119 = arith.constant 0 : i32
      %dma_wait3A_120 = arith.constant 0 : i32
      %dma_wait3A_121 = tpu.memref_slice %arg6[%dma_wait3A_118, %dma_wait3A_119, %dma_wait3A_120] : memref<2x2x128xi32, #tpu.memory_space<vmem>> -> memref<1x1x128xi32, #tpu.memory_space<vmem>>
      %dma_wait3A_122 = tpu.memref_squeeze %dma_wait3A_121 : memref<1x1x128xi32, #tpu.memory_space<vmem>> -> memref<128xi32, #tpu.memory_space<vmem>>
      %dma_wait3A_123 = arith.constant 0 : i32
      %dma_wait3A_124 = arith.constant 0 : i32
      %dma_wait3A_125 = tpu.memref_slice %arg2[%dma_wait3A_123, %dma_wait3A_124] : memref<10240x128xf32, #tpu.memory_space<hbm>> -> memref<10240x128xf32, #tpu.memory_space<hbm>>
      tpu.wait_indirect_dma semaphore(%arg11 : memref<!tpu.dma_semaphore, #tpu.memory_space<semaphore_mem>>) src(%dma_wait3A_125 : memref<10240x128xf32, #tpu.memory_space<hbm>>) dst(%arg8 : memref<128x128xf32, #tpu.memory_space<vmem>>)
      %lt3A_126 = arith.constant 39 : i32
      %lt3A_127 = arith.cmpi slt, %scan3A_76, %lt3A_126 : i32
      %convert_element_type3A_128 = arith.extui %lt3A_127 : i1 to i32
      %cond3A_129 = arith.constant 0 : i32
      %cond3A_130 = arith.cmpi ne, %convert_element_type3A_128, %cond3A_129 : i32
      scf.if %cond3A_130 {
        %dma_wait3A_138 = arith.constant 0 : i32
        %dma_wait3A_139 = arith.constant 0 : i32
        %dma_wait3A_140 = arith.constant 0 : i32
        %dma_wait3A_141 = arith.constant 0 : i32
        %dma_wait3A_142 = tpu.memref_slice %arg6[%dma_wait3A_139, %dma_wait3A_140, %dma_wait3A_141] : memref<2x2x128xi32, #tpu.memory_space<vmem>> -> memref<1x2x128xi32, #tpu.memory_space<vmem>>
        %dma_wait3A_143 = tpu.memref_squeeze %dma_wait3A_142 : memref<1x2x128xi32, #tpu.memory_space<vmem>> -> memref<2x128xi32, #tpu.memory_space<vmem>>
        %dma_wait3A_144 = arith.constant 0 : i32
        %dma_wait3A_145 = arith.constant 0 : i32
        %dma_wait3A_146 = tpu.memref_slice %arg4[%add3A, %dma_wait3A_138, %dma_wait3A_144, %dma_wait3A_145] : memref<32x80x2x128xi32, #tpu.memory_space<hbm>> -> memref<1x1x2x128xi32, #tpu.memory_space<hbm>>
        %dma_wait3A_147 = tpu.memref_squeeze %dma_wait3A_146 : memref<1x1x2x128xi32, #tpu.memory_space<hbm>> -> memref<2x128xi32, #tpu.memory_space<hbm>>
        %dma_wait3A_148 = arith.constant 0 : i32
        %dma_wait3A_149 = arith.constant 0 : i32
        %dma_wait3A_150 = tpu.memref_slice %arg6[%dma_wait3A_139, %dma_wait3A_148, %dma_wait3A_149] : memref<2x2x128xi32, #tpu.memory_space<vmem>> -> memref<1x2x128xi32, #tpu.memory_space<vmem>>
        %dma_wait3A_151 = tpu.memref_squeeze %dma_wait3A_150 : memref<1x2x128xi32, #tpu.memory_space<vmem>> -> memref<2x128xi32, #tpu.memory_space<vmem>>
        %dma_wait3A_152 = arith.constant 0 : i32
        %dma_wait3A_153 = arith.constant 0 : i32
        %dma_wait3A_154 = tpu.memref_slice %arg4[%add3A, %dma_wait3A_138, %dma_wait3A_152, %dma_wait3A_153] : memref<32x80x2x128xi32, #tpu.memory_space<hbm>> -> memref<1x1x2x128xi32, #tpu.memory_space<hbm>>
        %dma_wait3A_155 = tpu.memref_squeeze %dma_wait3A_154 : memref<1x1x2x128xi32, #tpu.memory_space<hbm>> -> memref<2x128xi32, #tpu.memory_space<hbm>>
        tpu.wait_dma2 semaphore(%arg12 : memref<!tpu.dma_semaphore, #tpu.memory_space<semaphore_mem>>) src(%dma_wait3A_155 : memref<2x128xi32, #tpu.memory_space<hbm>>) dst(%dma_wait3A_151 : memref<2x128xi32, #tpu.memory_space<vmem>>)
        %dma_start3A_156 = arith.constant 0 : i32
        %dma_start3A_157 = arith.constant 0 : i32
        %dma_start3A_158 = arith.constant 0 : i32
        %dma_start3A_159 = tpu.memref_slice %arg6[%dma_start3A_156, %dma_start3A_157, %dma_start3A_158] : memref<2x2x128xi32, #tpu.memory_space<vmem>> -> memref<1x1x128xi32, #tpu.memory_space<vmem>>
        %dma_start3A_160 = tpu.memref_squeeze %dma_start3A_159 : memref<1x1x128xi32, #tpu.memory_space<vmem>> -> memref<128xi32, #tpu.memory_space<vmem>>
        %dma_start3A_161 = arith.constant 0 : i32
        %dma_start3A_162 = arith.constant 0 : i32
        %dma_start3A_163 = tpu.memref_slice %arg2[%dma_start3A_161, %dma_start3A_162] : memref<10240x128xf32, #tpu.memory_space<hbm>> -> memref<10240x128xf32, #tpu.memory_space<hbm>>
        tpu.enqueue_indirect_dma source(%dma_start3A_163 : memref<10240x128xf32, #tpu.memory_space<hbm>>) target(%arg7 : memref<128x128xf32, #tpu.memory_space<vmem>>) offsets(%dma_start3A_160 : memref<128xi32, #tpu.memory_space<vmem>>) semaphore(%arg10 : memref<!tpu.dma_semaphore, #tpu.memory_space<semaphore_mem>>)
      } else {
      }
      %run_scoped3A_131 = arith.constant 1 : i32
      %run_scoped3A_132 = arith.constant 1 : i32
      "tpu.region"() ({
        %run_scoped3A_138 = tpu.sem_alloc : memref<!tpu.dma_semaphore, #tpu.memory_space<semaphore_mem>>
        %dma_start3A_139 = arith.constant 0 : i32
        %dma_start3A_140 = tpu.memref_slice %arg6[%run_scoped3A_131, %run_scoped3A_132, %dma_start3A_139] : memref<2x2x128xi32, #tpu.memory_space<vmem>> -> memref<1x1x128xi32, #tpu.memory_space<vmem>>
        %dma_start3A_141 = tpu.memref_squeeze %dma_start3A_140 : memref<1x1x128xi32, #tpu.memory_space<vmem>> -> memref<128xi32, #tpu.memory_space<vmem>>
        %dma_start3A_142 = arith.constant 0 : i32
        %dma_start3A_143 = arith.constant 0 : i32
        %dma_start3A_144 = tpu.memref_slice %arg9[%dma_start3A_142, %dma_start3A_143] : memref<10240x128xf32, #tpu.memory_space<vmem_shared>> -> memref<10240x128xf32, #tpu.memory_space<vmem_shared>>
        tpu.enqueue_indirect_dma source(%arg8 : memref<128x128xf32, #tpu.memory_space<vmem>>) target(%dma_start3A_144 : memref<10240x128xf32, #tpu.memory_space<vmem_shared>>) offsets(%dma_start3A_141 : memref<128xi32, #tpu.memory_space<vmem>>) semaphore(%run_scoped3A_138 : memref<!tpu.dma_semaphore, #tpu.memory_space<semaphore_mem>>) {add = true}
        %dma_wait3A_145 = arith.constant 0 : i32
        %dma_wait3A_146 = tpu.memref_slice %arg6[%run_scoped3A_131, %run_scoped3A_132, %dma_wait3A_145] : memref<2x2x128xi32, #tpu.memory_space<vmem>> -> memref<1x1x128xi32, #tpu.memory_space<vmem>>
        %dma_wait3A_147 = tpu.memref_squeeze %dma_wait3A_146 : memref<1x1x128xi32, #tpu.memory_space<vmem>> -> memref<128xi32, #tpu.memory_space<vmem>>
        %dma_wait3A_148 = arith.constant 0 : i32
        %dma_wait3A_149 = arith.constant 0 : i32
        %dma_wait3A_150 = tpu.memref_slice %arg9[%dma_wait3A_148, %dma_wait3A_149] : memref<10240x128xf32, #tpu.memory_space<vmem_shared>> -> memref<10240x128xf32, #tpu.memory_space<vmem_shared>>
        tpu.wait_indirect_dma semaphore(%run_scoped3A_138 : memref<!tpu.dma_semaphore, #tpu.memory_space<semaphore_mem>>) src(%arg8 : memref<128x128xf32, #tpu.memory_space<vmem>>) dst(%dma_wait3A_150 : memref<10240x128xf32, #tpu.memory_space<vmem_shared>>)
        tpu.yield
      }) : () -> ()
      %lt3A_133 = arith.constant 39 : i32
      %lt3A_134 = arith.cmpi slt, %scan3A_76, %lt3A_133 : i32
      %convert_element_type3A_135 = arith.extui %lt3A_134 : i1 to i32
      %cond3A_136 = arith.constant 0 : i32
      %cond3A_137 = arith.cmpi ne, %convert_element_type3A_135, %cond3A_136 : i32
      scf.if %cond3A_137 {
        %add3A_138 = arith.constant 3 : i32
        %add3A_139 = arith.addi %mul3A_78, %add3A_138 : i32
        %dma_start3A_140 = arith.constant 1 : i32
        %dma_start3A_141 = arith.constant 0 : i32
        %dma_start3A_142 = arith.constant 0 : i32
        %dma_start3A_143 = tpu.memref_slice %arg6[%dma_start3A_140, %dma_start3A_141, %dma_start3A_142] : memref<2x2x128xi32, #tpu.memory_space<vmem>> -> memref<1x2x128xi32, #tpu.memory_space<vmem>>
        %dma_start3A_144 = tpu.memref_squeeze %dma_start3A_143 : memref<1x2x128xi32, #tpu.memory_space<vmem>> -> memref<2x128xi32, #tpu.memory_space<vmem>>
        %dma_start3A_145 = arith.constant 0 : i32
        %dma_start3A_146 = arith.constant 0 : i32
        %dma_start3A_147 = tpu.memref_slice %arg4[%add3A, %add3A_139, %dma_start3A_145, %dma_start3A_146] : memref<32x80x2x128xi32, #tpu.memory_space<hbm>> -> memref<1x1x2x128xi32, #tpu.memory_space<hbm>>
        %dma_start3A_148 = tpu.memref_squeeze %dma_start3A_147 : memref<1x1x2x128xi32, #tpu.memory_space<hbm>> -> memref<2x128xi32, #tpu.memory_space<hbm>>
        %dma_start3A_149 = arith.constant 0 : i32
        %dma_start3A_150 = arith.constant 0 : i32
        %dma_start3A_151 = tpu.memref_slice %arg6[%dma_start3A_140, %dma_start3A_149, %dma_start3A_150] : memref<2x2x128xi32, #tpu.memory_space<vmem>> -> memref<1x2x128xi32, #tpu.memory_space<vmem>>
        %dma_start3A_152 = tpu.memref_squeeze %dma_start3A_151 : memref<1x2x128xi32, #tpu.memory_space<vmem>> -> memref<2x128xi32, #tpu.memory_space<vmem>>
        %dma_start3A_153 = arith.constant 0 : i32
        %dma_start3A_154 = arith.constant 0 : i32
        %dma_start3A_155 = tpu.memref_slice %arg4[%add3A, %add3A_139, %dma_start3A_153, %dma_start3A_154] : memref<32x80x2x128xi32, #tpu.memory_space<hbm>> -> memref<1x1x2x128xi32, #tpu.memory_space<hbm>>
        %dma_start3A_156 = tpu.memref_squeeze %dma_start3A_155 : memref<1x1x2x128xi32, #tpu.memory_space<hbm>> -> memref<2x128xi32, #tpu.memory_space<hbm>>
        tpu.enqueue_dma source(%dma_start3A_156 : memref<2x128xi32, #tpu.memory_space<hbm>>) target(%dma_start3A_152 : memref<2x128xi32, #tpu.memory_space<vmem>>) target_semaphore(%arg13 : memref<!tpu.dma_semaphore, #tpu.memory_space<semaphore_mem>>)
      } else {
      }
    }
    %scan3A_74 = arith.constant 40 : i32
    %barrier3A_75 = arith.constant 0 : index
    tpu.barrier barrier_id(%barrier3A_75)
    "tpu.region"() ({
      %run_scoped3A = tpu.sem_alloc : memref<!tpu.dma_semaphore, #tpu.memory_space<semaphore_mem>>
      %dma_start3A_76 = arith.constant 0 : i32
      %dma_start3A_77 = tpu.memref_slice %arg5[%arg0, %mul3A_2, %dma_start3A_76] : memref<2x10240x128xf32, #tpu.memory_space<hbm>> -> memref<1x640x128xf32, #tpu.memory_space<hbm>>
      %dma_start3A_78 = tpu.memref_squeeze %dma_start3A_77 : memref<1x640x128xf32, #tpu.memory_space<hbm>> -> memref<640x128xf32, #tpu.memory_space<hbm>>
      %dma_start3A_79 = arith.constant 0 : i32
      %dma_start3A_80 = tpu.memref_slice %arg9[%mul3A_2, %dma_start3A_79] : memref<10240x128xf32, #tpu.memory_space<vmem_shared>> -> memref<640x128xf32, #tpu.memory_space<vmem_shared>>
      tpu.enqueue_dma source(%dma_start3A_80 : memref<640x128xf32, #tpu.memory_space<vmem_shared>>) target(%dma_start3A_78 : memref<640x128xf32, #tpu.memory_space<hbm>>) target_semaphore(%run_scoped3A : memref<!tpu.dma_semaphore, #tpu.memory_space<semaphore_mem>>)
      %dma_wait3A_81 = arith.constant 0 : i32
      %dma_wait3A_82 = tpu.memref_slice %arg5[%arg0, %mul3A_2, %dma_wait3A_81] : memref<2x10240x128xf32, #tpu.memory_space<hbm>> -> memref<1x640x128xf32, #tpu.memory_space<hbm>>
      %dma_wait3A_83 = tpu.memref_squeeze %dma_wait3A_82 : memref<1x640x128xf32, #tpu.memory_space<hbm>> -> memref<640x128xf32, #tpu.memory_space<hbm>>
      %dma_wait3A_84 = arith.constant 0 : i32
      %dma_wait3A_85 = tpu.memref_slice %arg9[%mul3A_2, %dma_wait3A_84] : memref<10240x128xf32, #tpu.memory_space<vmem_shared>> -> memref<640x128xf32, #tpu.memory_space<vmem_shared>>
      tpu.wait_dma2 semaphore(%run_scoped3A : memref<!tpu.dma_semaphore, #tpu.memory_space<semaphore_mem>>) src(%dma_wait3A_85 : memref<640x128xf32, #tpu.memory_space<vmem_shared>>) dst(%dma_wait3A_83 : memref<640x128xf32, #tpu.memory_space<hbm>>)
      tpu.yield
    }) : () -> ()
    return
  }
}

#map = affine_map<(d0, d1) -> (0, 0)>
#map1 = affine_map<(d0, d1) -> (0, 0, 0, 0)>
#map2 = affine_map<(d0, d1) -> (0, 0, 0)>
module attributes {stable_mosaic.version = 14 : i64} {
  func.func @_prop(%arg0: i32, %arg1: i32, %arg2: memref<10240x128xf32, #tpu.memory_space<hbm>>, %arg3: memref<10240x128xf32, #tpu.memory_space<hbm>>, %arg4: memref<32x80x2x128xi32, #tpu.memory_space<hbm>>, %arg5: memref<2x10240x128xf32, #tpu.memory_space<hbm>>, %arg6: memref<2x2x128xi32, #tpu.memory_space<vmem>>, %arg7: memref<128x128xf32, #tpu.memory_space<vmem>>, %arg8: memref<128x128xf32, #tpu.memory_space<vmem>>, %arg9: memref<10240x128xf32, #tpu.memory_space<vmem_shared>>, %arg10: memref<!tpu.dma_semaphore, #tpu.memory_space<semaphore_mem>>, %arg11: memref<!tpu.dma_semaphore, #tpu.memory_space<semaphore_mem>>, %arg12: memref<!tpu.dma_semaphore, #tpu.memory_space<semaphore_mem>>, %arg13: memref<!tpu.dma_semaphore, #tpu.memory_space<semaphore_mem>>) attributes {dimension_semantics = [#tpu.dimension_semantics<core_parallel>, #tpu.dimension_semantics<subcore_parallel>], iteration_bounds = array<i64: 2, 16>, scalar_prefetch = 0 : i64, scratch_operands = 8 : i64, tpu.core_type = #tpu.core_type<sc_vector_subcore>, window_params = [{transform_indices = #map}, {transform_indices = #map}, {transform_indices = #map1}, {transform_indices = #map2}]} {
    %mul3A = arith.constant 16 : i32
    %mul3A_0 = arith.muli %arg0, %mul3A : i32
    %add3A = arith.addi %mul3A_0, %arg1 : i32
    %mul3A_1 = arith.constant 640 : i32
    %mul3A_2 = arith.muli %arg1, %mul3A_1 : i32
    %eq3A = arith.constant 0 : i32
    %eq3A_3 = arith.cmpi eq, %arg0, %eq3A : i32
    %convert_element_type3A = arith.extui %eq3A_3 : i1 to i32
    %cond3A = arith.constant 0 : i32
    %cond3A_4 = arith.cmpi ne, %convert_element_type3A, %cond3A : i32
    scf.if %cond3A_4 {
      "tpu.region"() ({
        %run_scoped3A = tpu.sem_alloc : memref<!tpu.dma_semaphore, #tpu.memory_space<semaphore_mem>>
        %dma_start3A_76 = arith.constant 0 : i32
        %dma_start3A_77 = tpu.memref_slice %arg9[%mul3A_2, %dma_start3A_76] : memref<10240x128xf32, #tpu.memory_space<vmem_shared>> -> memref<640x128xf32, #tpu.memory_space<vmem_shared>>
        %dma_start3A_78 = arith.constant 0 : i32
        %dma_start3A_79 = tpu.memref_slice %arg2[%mul3A_2, %dma_start3A_78] : memref<10240x128xf32, #tpu.memory_space<hbm>> -> memref<640x128xf32, #tpu.memory_space<hbm>>
        tpu.enqueue_dma source(%dma_start3A_79 : memref<640x128xf32, #tpu.memory_space<hbm>>) target(%dma_start3A_77 : memref<640x128xf32, #tpu.memory_space<vmem_shared>>) target_semaphore(%run_scoped3A : memref<!tpu.dma_semaphore, #tpu.memory_space<semaphore_mem>>)
        %dma_wait3A_80 = arith.constant 0 : i32
        %dma_wait3A_81 = tpu.memref_slice %arg9[%mul3A_2, %dma_wait3A_80] : memref<10240x128xf32, #tpu.memory_space<vmem_shared>> -> memref<640x128xf32, #tpu.memory_space<vmem_shared>>
        %dma_wait3A_82 = arith.constant 0 : i32
        %dma_wait3A_83 = tpu.memref_slice %arg2[%mul3A_2, %dma_wait3A_82] : memref<10240x128xf32, #tpu.memory_space<hbm>> -> memref<640x128xf32, #tpu.memory_space<hbm>>
        tpu.wait_dma2 semaphore(%run_scoped3A : memref<!tpu.dma_semaphore, #tpu.memory_space<semaphore_mem>>) src(%dma_wait3A_83 : memref<640x128xf32, #tpu.memory_space<hbm>>) dst(%dma_wait3A_81 : memref<640x128xf32, #tpu.memory_space<vmem_shared>>)
        tpu.yield
      }) : () -> ()
    } else {
    }
    %eq3A_5 = arith.constant 1 : i32
    %eq3A_6 = arith.cmpi eq, %arg0, %eq3A_5 : i32
    %convert_element_type3A_7 = arith.extui %eq3A_6 : i1 to i32
    %cond3A_8 = arith.constant 0 : i32
    %cond3A_9 = arith.cmpi ne, %convert_element_type3A_7, %cond3A_8 : i32
    scf.if %cond3A_9 {
      "tpu.region"() ({
        %run_scoped3A = tpu.sem_alloc : memref<!tpu.dma_semaphore, #tpu.memory_space<semaphore_mem>>
        %dma_start3A_76 = arith.constant 0 : i32
        %dma_start3A_77 = tpu.memref_slice %arg9[%mul3A_2, %dma_start3A_76] : memref<10240x128xf32, #tpu.memory_space<vmem_shared>> -> memref<640x128xf32, #tpu.memory_space<vmem_shared>>
        %dma_start3A_78 = arith.constant 0 : i32
        %dma_start3A_79 = tpu.memref_slice %arg3[%mul3A_2, %dma_start3A_78] : memref<10240x128xf32, #tpu.memory_space<hbm>> -> memref<640x128xf32, #tpu.memory_space<hbm>>
        tpu.enqueue_dma source(%dma_start3A_79 : memref<640x128xf32, #tpu.memory_space<hbm>>) target(%dma_start3A_77 : memref<640x128xf32, #tpu.memory_space<vmem_shared>>) target_semaphore(%run_scoped3A : memref<!tpu.dma_semaphore, #tpu.memory_space<semaphore_mem>>)
        %dma_wait3A_80 = arith.constant 0 : i32
        %dma_wait3A_81 = tpu.memref_slice %arg9[%mul3A_2, %dma_wait3A_80] : memref<10240x128xf32, #tpu.memory_space<vmem_shared>> -> memref<640x128xf32, #tpu.memory_space<vmem_shared>>
        %dma_wait3A_82 = arith.constant 0 : i32
        %dma_wait3A_83 = tpu.memref_slice %arg3[%mul3A_2, %dma_wait3A_82] : memref<10240x128xf32, #tpu.memory_space<hbm>> -> memref<640x128xf32, #tpu.memory_space<hbm>>
        tpu.wait_dma2 semaphore(%run_scoped3A : memref<!tpu.dma_semaphore, #tpu.memory_space<semaphore_mem>>) src(%dma_wait3A_83 : memref<640x128xf32, #tpu.memory_space<hbm>>) dst(%dma_wait3A_81 : memref<640x128xf32, #tpu.memory_space<vmem_shared>>)
        tpu.yield
      }) : () -> ()
    } else {
    }
    %dma_start3A = arith.constant 0 : i32
    %dma_start3A_10 = arith.constant 0 : i32
    %dma_start3A_11 = arith.constant 0 : i32
    %dma_start3A_12 = arith.constant 0 : i32
    %dma_start3A_13 = tpu.memref_slice %arg6[%dma_start3A_10, %dma_start3A_11, %dma_start3A_12] : memref<2x2x128xi32, #tpu.memory_space<vmem>> -> memref<1x2x128xi32, #tpu.memory_space<vmem>>
    %dma_start3A_14 = tpu.memref_squeeze %dma_start3A_13 : memref<1x2x128xi32, #tpu.memory_space<vmem>> -> memref<2x128xi32, #tpu.memory_space<vmem>>
    %dma_start3A_15 = arith.constant 0 : i32
    %dma_start3A_16 = arith.constant 0 : i32
    %dma_start3A_17 = tpu.memref_slice %arg4[%add3A, %dma_start3A, %dma_start3A_15, %dma_start3A_16] : memref<32x80x2x128xi32, #tpu.memory_space<hbm>> -> memref<1x1x2x128xi32, #tpu.memory_space<hbm>>
    %dma_start3A_18 = tpu.memref_squeeze %dma_start3A_17 : memref<1x1x2x128xi32, #tpu.memory_space<hbm>> -> memref<2x128xi32, #tpu.memory_space<hbm>>
    %dma_start3A_19 = arith.constant 0 : i32
    %dma_start3A_20 = arith.constant 0 : i32
    %dma_start3A_21 = tpu.memref_slice %arg6[%dma_start3A_10, %dma_start3A_19, %dma_start3A_20] : memref<2x2x128xi32, #tpu.memory_space<vmem>> -> memref<1x2x128xi32, #tpu.memory_space<vmem>>
    %dma_start3A_22 = tpu.memref_squeeze %dma_start3A_21 : memref<1x2x128xi32, #tpu.memory_space<vmem>> -> memref<2x128xi32, #tpu.memory_space<vmem>>
    %dma_start3A_23 = arith.constant 0 : i32
    %dma_start3A_24 = arith.constant 0 : i32
    %dma_start3A_25 = tpu.memref_slice %arg4[%add3A, %dma_start3A, %dma_start3A_23, %dma_start3A_24] : memref<32x80x2x128xi32, #tpu.memory_space<hbm>> -> memref<1x1x2x128xi32, #tpu.memory_space<hbm>>
    %dma_start3A_26 = tpu.memref_squeeze %dma_start3A_25 : memref<1x1x2x128xi32, #tpu.memory_space<hbm>> -> memref<2x128xi32, #tpu.memory_space<hbm>>
    tpu.enqueue_dma source(%dma_start3A_26 : memref<2x128xi32, #tpu.memory_space<hbm>>) target(%dma_start3A_22 : memref<2x128xi32, #tpu.memory_space<vmem>>) target_semaphore(%arg12 : memref<!tpu.dma_semaphore, #tpu.memory_space<semaphore_mem>>)
    %dma_start3A_27 = arith.constant 1 : i32
    %dma_start3A_28 = arith.constant 1 : i32
    %dma_start3A_29 = arith.constant 0 : i32
    %dma_start3A_30 = arith.constant 0 : i32
    %dma_start3A_31 = tpu.memref_slice %arg6[%dma_start3A_28, %dma_start3A_29, %dma_start3A_30] : memref<2x2x128xi32, #tpu.memory_space<vmem>> -> memref<1x2x128xi32, #tpu.memory_space<vmem>>
    %dma_start3A_32 = tpu.memref_squeeze %dma_start3A_31 : memref<1x2x128xi32, #tpu.memory_space<vmem>> -> memref<2x128xi32, #tpu.memory_space<vmem>>
    %dma_start3A_33 = arith.constant 0 : i32
    %dma_start3A_34 = arith.constant 0 : i32
    %dma_start3A_35 = tpu.memref_slice %arg4[%add3A, %dma_start3A_27, %dma_start3A_33, %dma_start3A_34] : memref<32x80x2x128xi32, #tpu.memory_space<hbm>> -> memref<1x1x2x128xi32, #tpu.memory_space<hbm>>
    %dma_start3A_36 = tpu.memref_squeeze %dma_start3A_35 : memref<1x1x2x128xi32, #tpu.memory_space<hbm>> -> memref<2x128xi32, #tpu.memory_space<hbm>>
    %dma_start3A_37 = arith.constant 0 : i32
    %dma_start3A_38 = arith.constant 0 : i32
    %dma_start3A_39 = tpu.memref_slice %arg6[%dma_start3A_28, %dma_start3A_37, %dma_start3A_38] : memref<2x2x128xi32, #tpu.memory_space<vmem>> -> memref<1x2x128xi32, #tpu.memory_space<vmem>>
    %dma_start3A_40 = tpu.memref_squeeze %dma_start3A_39 : memref<1x2x128xi32, #tpu.memory_space<vmem>> -> memref<2x128xi32, #tpu.memory_space<vmem>>
    %dma_start3A_41 = arith.constant 0 : i32
    %dma_start3A_42 = arith.constant 0 : i32
    %dma_start3A_43 = tpu.memref_slice %arg4[%add3A, %dma_start3A_27, %dma_start3A_41, %dma_start3A_42] : memref<32x80x2x128xi32, #tpu.memory_space<hbm>> -> memref<1x1x2x128xi32, #tpu.memory_space<hbm>>
    %dma_start3A_44 = tpu.memref_squeeze %dma_start3A_43 : memref<1x1x2x128xi32, #tpu.memory_space<hbm>> -> memref<2x128xi32, #tpu.memory_space<hbm>>
    tpu.enqueue_dma source(%dma_start3A_44 : memref<2x128xi32, #tpu.memory_space<hbm>>) target(%dma_start3A_40 : memref<2x128xi32, #tpu.memory_space<vmem>>) target_semaphore(%arg13 : memref<!tpu.dma_semaphore, #tpu.memory_space<semaphore_mem>>)
    %barrier3A = arith.constant 0 : index
    tpu.barrier barrier_id(%barrier3A)
    %dma_wait3A = arith.constant 0 : i32
    %dma_wait3A_45 = arith.constant 0 : i32
    %dma_wait3A_46 = arith.constant 0 : i32
    %dma_wait3A_47 = arith.constant 0 : i32
    %dma_wait3A_48 = tpu.memref_slice %arg6[%dma_wait3A_45, %dma_wait3A_46, %dma_wait3A_47] : memref<2x2x128xi32, #tpu.memory_space<vmem>> -> memref<1x2x128xi32, #tpu.memory_space<vmem>>
    %dma_wait3A_49 = tpu.memref_squeeze %dma_wait3A_48 : memref<1x2x128xi32, #tpu.memory_space<vmem>> -> memref<2x128xi32, #tpu.memory_space<vmem>>
    %dma_wait3A_50 = arith.constant 0 : i32
    %dma_wait3A_51 = arith.constant 0 : i32
    %dma_wait3A_52 = tpu.memref_slice %arg4[%add3A, %dma_wait3A, %dma_wait3A_50, %dma_wait3A_51] : memref<32x80x2x128xi32, #tpu.memory_space<hbm>> -> memref<1x1x2x128xi32, #tpu.memory_space<hbm>>
    %dma_wait3A_53 = tpu.memref_squeeze %dma_wait3A_52 : memref<1x1x2x128xi32, #tpu.memory_space<hbm>> -> memref<2x128xi32, #tpu.memory_space<hbm>>
    %dma_wait3A_54 = arith.constant 0 : i32
    %dma_wait3A_55 = arith.constant 0 : i32
    %dma_wait3A_56 = tpu.memref_slice %arg6[%dma_wait3A_45, %dma_wait3A_54, %dma_wait3A_55] : memref<2x2x128xi32, #tpu.memory_space<vmem>> -> memref<1x2x128xi32, #tpu.memory_space<vmem>>
    %dma_wait3A_57 = tpu.memref_squeeze %dma_wait3A_56 : memref<1x2x128xi32, #tpu.memory_space<vmem>> -> memref<2x128xi32, #tpu.memory_space<vmem>>
    %dma_wait3A_58 = arith.constant 0 : i32
    %dma_wait3A_59 = arith.constant 0 : i32
    %dma_wait3A_60 = tpu.memref_slice %arg4[%add3A, %dma_wait3A, %dma_wait3A_58, %dma_wait3A_59] : memref<32x80x2x128xi32, #tpu.memory_space<hbm>> -> memref<1x1x2x128xi32, #tpu.memory_space<hbm>>
    %dma_wait3A_61 = tpu.memref_squeeze %dma_wait3A_60 : memref<1x1x2x128xi32, #tpu.memory_space<hbm>> -> memref<2x128xi32, #tpu.memory_space<hbm>>
    tpu.wait_dma2 semaphore(%arg12 : memref<!tpu.dma_semaphore, #tpu.memory_space<semaphore_mem>>) src(%dma_wait3A_61 : memref<2x128xi32, #tpu.memory_space<hbm>>) dst(%dma_wait3A_57 : memref<2x128xi32, #tpu.memory_space<vmem>>)
    %dma_start3A_62 = arith.constant 0 : i32
    %dma_start3A_63 = arith.constant 0 : i32
    %dma_start3A_64 = arith.constant 0 : i32
    %dma_start3A_65 = tpu.memref_slice %arg6[%dma_start3A_62, %dma_start3A_63, %dma_start3A_64] : memref<2x2x128xi32, #tpu.memory_space<vmem>> -> memref<1x1x128xi32, #tpu.memory_space<vmem>>
    %dma_start3A_66 = tpu.memref_squeeze %dma_start3A_65 : memref<1x1x128xi32, #tpu.memory_space<vmem>> -> memref<128xi32, #tpu.memory_space<vmem>>
    %dma_start3A_67 = arith.constant 0 : i32
    %dma_start3A_68 = arith.constant 0 : i32
    %dma_start3A_69 = tpu.memref_slice %arg2[%dma_start3A_67, %dma_start3A_68] : memref<10240x128xf32, #tpu.memory_space<hbm>> -> memref<10240x128xf32, #tpu.memory_space<hbm>>
    tpu.enqueue_indirect_dma source(%dma_start3A_69 : memref<10240x128xf32, #tpu.memory_space<hbm>>) target(%arg7 : memref<128x128xf32, #tpu.memory_space<vmem>>) offsets(%dma_start3A_66 : memref<128xi32, #tpu.memory_space<vmem>>) semaphore(%arg10 : memref<!tpu.dma_semaphore, #tpu.memory_space<semaphore_mem>>)
    %scan3A = arith.constant 0 : i32
    %scan3A_70 = arith.constant 0 : i32
    %scan3A_71 = arith.constant 40 : i32
    %scan3A_72 = arith.addi %scan3A_70, %scan3A_71 : i32
    %scan3A_73 = arith.constant 1 : i32
    scf.for %scan3A_76 = %scan3A_70 to %scan3A_72 step %scan3A_73  : i32 {
      %mul3A_77 = arith.constant 2 : i32
      %mul3A_78 = arith.muli %mul3A_77, %scan3A_76 : i32
      %dma_wait3A_79 = arith.constant 0 : i32
      %dma_wait3A_80 = arith.constant 1 : i32
      %dma_wait3A_81 = arith.constant 0 : i32
      %dma_wait3A_82 = arith.constant 0 : i32
      %dma_wait3A_83 = tpu.memref_slice %arg6[%dma_wait3A_80, %dma_wait3A_81, %dma_wait3A_82] : memref<2x2x128xi32, #tpu.memory_space<vmem>> -> memref<1x2x128xi32, #tpu.memory_space<vmem>>
      %dma_wait3A_84 = tpu.memref_squeeze %dma_wait3A_83 : memref<1x2x128xi32, #tpu.memory_space<vmem>> -> memref<2x128xi32, #tpu.memory_space<vmem>>
      %dma_wait3A_85 = arith.constant 0 : i32
      %dma_wait3A_86 = arith.constant 0 : i32
      %dma_wait3A_87 = tpu.memref_slice %arg4[%add3A, %dma_wait3A_79, %dma_wait3A_85, %dma_wait3A_86] : memref<32x80x2x128xi32, #tpu.memory_space<hbm>> -> memref<1x1x2x128xi32, #tpu.memory_space<hbm>>
      %dma_wait3A_88 = tpu.memref_squeeze %dma_wait3A_87 : memref<1x1x2x128xi32, #tpu.memory_space<hbm>> -> memref<2x128xi32, #tpu.memory_space<hbm>>
      %dma_wait3A_89 = arith.constant 0 : i32
      %dma_wait3A_90 = arith.constant 0 : i32
      %dma_wait3A_91 = tpu.memref_slice %arg6[%dma_wait3A_80, %dma_wait3A_89, %dma_wait3A_90] : memref<2x2x128xi32, #tpu.memory_space<vmem>> -> memref<1x2x128xi32, #tpu.memory_space<vmem>>
      %dma_wait3A_92 = tpu.memref_squeeze %dma_wait3A_91 : memref<1x2x128xi32, #tpu.memory_space<vmem>> -> memref<2x128xi32, #tpu.memory_space<vmem>>
      %dma_wait3A_93 = arith.constant 0 : i32
      %dma_wait3A_94 = arith.constant 0 : i32
      %dma_wait3A_95 = tpu.memref_slice %arg4[%add3A, %dma_wait3A_79, %dma_wait3A_93, %dma_wait3A_94] : memref<32x80x2x128xi32, #tpu.memory_space<hbm>> -> memref<1x1x2x128xi32, #tpu.memory_space<hbm>>
      %dma_wait3A_96 = tpu.memref_squeeze %dma_wait3A_95 : memref<1x1x2x128xi32, #tpu.memory_space<hbm>> -> memref<2x128xi32, #tpu.memory_space<hbm>>
      tpu.wait_dma2 semaphore(%arg13 : memref<!tpu.dma_semaphore, #tpu.memory_space<semaphore_mem>>) src(%dma_wait3A_96 : memref<2x128xi32, #tpu.memory_space<hbm>>) dst(%dma_wait3A_92 : memref<2x128xi32, #tpu.memory_space<vmem>>)
      %dma_wait3A_97 = arith.constant 0 : i32
      %dma_wait3A_98 = arith.constant 0 : i32
      %dma_wait3A_99 = arith.constant 0 : i32
      %dma_wait3A_100 = tpu.memref_slice %arg6[%dma_wait3A_97, %dma_wait3A_98, %dma_wait3A_99] : memref<2x2x128xi32, #tpu.memory_space<vmem>> -> memref<1x1x128xi32, #tpu.memory_space<vmem>>
      %dma_wait3A_101 = tpu.memref_squeeze %dma_wait3A_100 : memref<1x1x128xi32, #tpu.memory_space<vmem>> -> memref<128xi32, #tpu.memory_space<vmem>>
      %dma_wait3A_102 = arith.constant 0 : i32
      %dma_wait3A_103 = arith.constant 0 : i32
      %dma_wait3A_104 = tpu.memref_slice %arg2[%dma_wait3A_102, %dma_wait3A_103] : memref<10240x128xf32, #tpu.memory_space<hbm>> -> memref<10240x128xf32, #tpu.memory_space<hbm>>
      tpu.wait_indirect_dma semaphore(%arg10 : memref<!tpu.dma_semaphore, #tpu.memory_space<semaphore_mem>>) src(%dma_wait3A_104 : memref<10240x128xf32, #tpu.memory_space<hbm>>) dst(%arg7 : memref<128x128xf32, #tpu.memory_space<vmem>>)
      %dma_start3A_105 = arith.constant 1 : i32
      %dma_start3A_106 = arith.constant 0 : i32
      %dma_start3A_107 = arith.constant 0 : i32
      %dma_start3A_108 = tpu.memref_slice %arg6[%dma_start3A_105, %dma_start3A_106, %dma_start3A_107] : memref<2x2x128xi32, #tpu.memory_space<vmem>> -> memref<1x1x128xi32, #tpu.memory_space<vmem>>
      %dma_start3A_109 = tpu.memref_squeeze %dma_start3A_108 : memref<1x1x128xi32, #tpu.memory_space<vmem>> -> memref<128xi32, #tpu.memory_space<vmem>>
      %dma_start3A_110 = arith.constant 0 : i32
      %dma_start3A_111 = arith.constant 0 : i32
      %dma_start3A_112 = tpu.memref_slice %arg2[%dma_start3A_110, %dma_start3A_111] : memref<10240x128xf32, #tpu.memory_space<hbm>> -> memref<10240x128xf32, #tpu.memory_space<hbm>>
      tpu.enqueue_indirect_dma source(%dma_start3A_112 : memref<10240x128xf32, #tpu.memory_space<hbm>>) target(%arg8 : memref<128x128xf32, #tpu.memory_space<vmem>>) offsets(%dma_start3A_109 : memref<128xi32, #tpu.memory_space<vmem>>) semaphore(%arg11 : memref<!tpu.dma_semaphore, #tpu.memory_space<semaphore_mem>>)
      %run_scoped3A = arith.constant 0 : i32
      %run_scoped3A_113 = arith.constant 1 : i32
      "tpu.region"() ({
        %run_scoped3A_138 = tpu.sem_alloc : memref<!tpu.dma_semaphore, #tpu.memory_space<semaphore_mem>>
        %dma_start3A_139 = arith.constant 0 : i32
        %dma_start3A_140 = tpu.memref_slice %arg6[%run_scoped3A, %run_scoped3A_113, %dma_start3A_139] : memref<2x2x128xi32, #tpu.memory_space<vmem>> -> memref<1x1x128xi32, #tpu.memory_space<vmem>>
        %dma_start3A_141 = tpu.memref_squeeze %dma_start3A_140 : memref<1x1x128xi32, #tpu.memory_space<vmem>> -> memref<128xi32, #tpu.memory_space<vmem>>
        %dma_start3A_142 = arith.constant 0 : i32
        %dma_start3A_143 = arith.constant 0 : i32
        %dma_start3A_144 = tpu.memref_slice %arg9[%dma_start3A_142, %dma_start3A_143] : memref<10240x128xf32, #tpu.memory_space<vmem_shared>> -> memref<10240x128xf32, #tpu.memory_space<vmem_shared>>
        tpu.enqueue_indirect_dma source(%arg7 : memref<128x128xf32, #tpu.memory_space<vmem>>) target(%dma_start3A_144 : memref<10240x128xf32, #tpu.memory_space<vmem_shared>>) offsets(%dma_start3A_141 : memref<128xi32, #tpu.memory_space<vmem>>) semaphore(%run_scoped3A_138 : memref<!tpu.dma_semaphore, #tpu.memory_space<semaphore_mem>>) {add = true}
        %dma_wait3A_145 = arith.constant 0 : i32
        %dma_wait3A_146 = tpu.memref_slice %arg6[%run_scoped3A, %run_scoped3A_113, %dma_wait3A_145] : memref<2x2x128xi32, #tpu.memory_space<vmem>> -> memref<1x1x128xi32, #tpu.memory_space<vmem>>
        %dma_wait3A_147 = tpu.memref_squeeze %dma_wait3A_146 : memref<1x1x128xi32, #tpu.memory_space<vmem>> -> memref<128xi32, #tpu.memory_space<vmem>>
        %dma_wait3A_148 = arith.constant 0 : i32
        %dma_wait3A_149 = arith.constant 0 : i32
        %dma_wait3A_150 = tpu.memref_slice %arg9[%dma_wait3A_148, %dma_wait3A_149] : memref<10240x128xf32, #tpu.memory_space<vmem_shared>> -> memref<10240x128xf32, #tpu.memory_space<vmem_shared>>
        tpu.wait_indirect_dma semaphore(%run_scoped3A_138 : memref<!tpu.dma_semaphore, #tpu.memory_space<semaphore_mem>>) src(%arg7 : memref<128x128xf32, #tpu.memory_space<vmem>>) dst(%dma_wait3A_150 : memref<10240x128xf32, #tpu.memory_space<vmem_shared>>)
        tpu.yield
      }) : () -> ()
      %lt3A = arith.constant 39 : i32
      %lt3A_114 = arith.cmpi slt, %scan3A_76, %lt3A : i32
      %convert_element_type3A_115 = arith.extui %lt3A_114 : i1 to i32
      %cond3A_116 = arith.constant 0 : i32
      %cond3A_117 = arith.cmpi ne, %convert_element_type3A_115, %cond3A_116 : i32
      scf.if %cond3A_117 {
        %add3A_138 = arith.constant 2 : i32
        %add3A_139 = arith.addi %mul3A_78, %add3A_138 : i32
        %dma_start3A_140 = arith.constant 0 : i32
        %dma_start3A_141 = arith.constant 0 : i32
        %dma_start3A_142 = arith.constant 0 : i32
        %dma_start3A_143 = tpu.memref_slice %arg6[%dma_start3A_140, %dma_start3A_141, %dma_start3A_142] : memref<2x2x128xi32, #tpu.memory_space<vmem>> -> memref<1x2x128xi32, #tpu.memory_space<vmem>>
        %dma_start3A_144 = tpu.memref_squeeze %dma_start3A_143 : memref<1x2x128xi32, #tpu.memory_space<vmem>> -> memref<2x128xi32, #tpu.memory_space<vmem>>
        %dma_start3A_145 = arith.constant 0 : i32
        %dma_start3A_146 = arith.constant 0 : i32
        %dma_start3A_147 = tpu.memref_slice %arg4[%add3A, %add3A_139, %dma_start3A_145, %dma_start3A_146] : memref<32x80x2x128xi32, #tpu.memory_space<hbm>> -> memref<1x1x2x128xi32, #tpu.memory_space<hbm>>
        %dma_start3A_148 = tpu.memref_squeeze %dma_start3A_147 : memref<1x1x2x128xi32, #tpu.memory_space<hbm>> -> memref<2x128xi32, #tpu.memory_space<hbm>>
        %dma_start3A_149 = arith.constant 0 : i32
        %dma_start3A_150 = arith.constant 0 : i32
        %dma_start3A_151 = tpu.memref_slice %arg6[%dma_start3A_140, %dma_start3A_149, %dma_start3A_150] : memref<2x2x128xi32, #tpu.memory_space<vmem>> -> memref<1x2x128xi32, #tpu.memory_space<vmem>>
        %dma_start3A_152 = tpu.memref_squeeze %dma_start3A_151 : memref<1x2x128xi32, #tpu.memory_space<vmem>> -> memref<2x128xi32, #tpu.memory_space<vmem>>
        %dma_start3A_153 = arith.constant 0 : i32
        %dma_start3A_154 = arith.constant 0 : i32
        %dma_start3A_155 = tpu.memref_slice %arg4[%add3A, %add3A_139, %dma_start3A_153, %dma_start3A_154] : memref<32x80x2x128xi32, #tpu.memory_space<hbm>> -> memref<1x1x2x128xi32, #tpu.memory_space<hbm>>
        %dma_start3A_156 = tpu.memref_squeeze %dma_start3A_155 : memref<1x1x2x128xi32, #tpu.memory_space<hbm>> -> memref<2x128xi32, #tpu.memory_space<hbm>>
        tpu.enqueue_dma source(%dma_start3A_156 : memref<2x128xi32, #tpu.memory_space<hbm>>) target(%dma_start3A_152 : memref<2x128xi32, #tpu.memory_space<vmem>>) target_semaphore(%arg12 : memref<!tpu.dma_semaphore, #tpu.memory_space<semaphore_mem>>)
      } else {
      }
      %dma_wait3A_118 = arith.constant 1 : i32
      %dma_wait3A_119 = arith.constant 0 : i32
      %dma_wait3A_120 = arith.constant 0 : i32
      %dma_wait3A_121 = tpu.memref_slice %arg6[%dma_wait3A_118, %dma_wait3A_119, %dma_wait3A_120] : memref<2x2x128xi32, #tpu.memory_space<vmem>> -> memref<1x1x128xi32, #tpu.memory_space<vmem>>
      %dma_wait3A_122 = tpu.memref_squeeze %dma_wait3A_121 : memref<1x1x128xi32, #tpu.memory_space<vmem>> -> memref<128xi32, #tpu.memory_space<vmem>>
      %dma_wait3A_123 = arith.constant 0 : i32
      %dma_wait3A_124 = arith.constant 0 : i32
      %dma_wait3A_125 = tpu.memref_slice %arg2[%dma_wait3A_123, %dma_wait3A_124] : memref<10240x128xf32, #tpu.memory_space<hbm>> -> memref<10240x128xf32, #tpu.memory_space<hbm>>
      tpu.wait_indirect_dma semaphore(%arg11 : memref<!tpu.dma_semaphore, #tpu.memory_space<semaphore_mem>>) src(%dma_wait3A_125 : memref<10240x128xf32, #tpu.memory_space<hbm>>) dst(%arg8 : memref<128x128xf32, #tpu.memory_space<vmem>>)
      %lt3A_126 = arith.constant 39 : i32
      %lt3A_127 = arith.cmpi slt, %scan3A_76, %lt3A_126 : i32
      %convert_element_type3A_128 = arith.extui %lt3A_127 : i1 to i32
      %cond3A_129 = arith.constant 0 : i32
      %cond3A_130 = arith.cmpi ne, %convert_element_type3A_128, %cond3A_129 : i32
      scf.if %cond3A_130 {
        %dma_wait3A_138 = arith.constant 0 : i32
        %dma_wait3A_139 = arith.constant 0 : i32
        %dma_wait3A_140 = arith.constant 0 : i32
        %dma_wait3A_141 = arith.constant 0 : i32
        %dma_wait3A_142 = tpu.memref_slice %arg6[%dma_wait3A_139, %dma_wait3A_140, %dma_wait3A_141] : memref<2x2x128xi32, #tpu.memory_space<vmem>> -> memref<1x2x128xi32, #tpu.memory_space<vmem>>
        %dma_wait3A_143 = tpu.memref_squeeze %dma_wait3A_142 : memref<1x2x128xi32, #tpu.memory_space<vmem>> -> memref<2x128xi32, #tpu.memory_space<vmem>>
        %dma_wait3A_144 = arith.constant 0 : i32
        %dma_wait3A_145 = arith.constant 0 : i32
        %dma_wait3A_146 = tpu.memref_slice %arg4[%add3A, %dma_wait3A_138, %dma_wait3A_144, %dma_wait3A_145] : memref<32x80x2x128xi32, #tpu.memory_space<hbm>> -> memref<1x1x2x128xi32, #tpu.memory_space<hbm>>
        %dma_wait3A_147 = tpu.memref_squeeze %dma_wait3A_146 : memref<1x1x2x128xi32, #tpu.memory_space<hbm>> -> memref<2x128xi32, #tpu.memory_space<hbm>>
        %dma_wait3A_148 = arith.constant 0 : i32
        %dma_wait3A_149 = arith.constant 0 : i32
        %dma_wait3A_150 = tpu.memref_slice %arg6[%dma_wait3A_139, %dma_wait3A_148, %dma_wait3A_149] : memref<2x2x128xi32, #tpu.memory_space<vmem>> -> memref<1x2x128xi32, #tpu.memory_space<vmem>>
        %dma_wait3A_151 = tpu.memref_squeeze %dma_wait3A_150 : memref<1x2x128xi32, #tpu.memory_space<vmem>> -> memref<2x128xi32, #tpu.memory_space<vmem>>
        %dma_wait3A_152 = arith.constant 0 : i32
        %dma_wait3A_153 = arith.constant 0 : i32
        %dma_wait3A_154 = tpu.memref_slice %arg4[%add3A, %dma_wait3A_138, %dma_wait3A_152, %dma_wait3A_153] : memref<32x80x2x128xi32, #tpu.memory_space<hbm>> -> memref<1x1x2x128xi32, #tpu.memory_space<hbm>>
        %dma_wait3A_155 = tpu.memref_squeeze %dma_wait3A_154 : memref<1x1x2x128xi32, #tpu.memory_space<hbm>> -> memref<2x128xi32, #tpu.memory_space<hbm>>
        tpu.wait_dma2 semaphore(%arg12 : memref<!tpu.dma_semaphore, #tpu.memory_space<semaphore_mem>>) src(%dma_wait3A_155 : memref<2x128xi32, #tpu.memory_space<hbm>>) dst(%dma_wait3A_151 : memref<2x128xi32, #tpu.memory_space<vmem>>)
        %dma_start3A_156 = arith.constant 0 : i32
        %dma_start3A_157 = arith.constant 0 : i32
        %dma_start3A_158 = arith.constant 0 : i32
        %dma_start3A_159 = tpu.memref_slice %arg6[%dma_start3A_156, %dma_start3A_157, %dma_start3A_158] : memref<2x2x128xi32, #tpu.memory_space<vmem>> -> memref<1x1x128xi32, #tpu.memory_space<vmem>>
        %dma_start3A_160 = tpu.memref_squeeze %dma_start3A_159 : memref<1x1x128xi32, #tpu.memory_space<vmem>> -> memref<128xi32, #tpu.memory_space<vmem>>
        %dma_start3A_161 = arith.constant 0 : i32
        %dma_start3A_162 = arith.constant 0 : i32
        %dma_start3A_163 = tpu.memref_slice %arg2[%dma_start3A_161, %dma_start3A_162] : memref<10240x128xf32, #tpu.memory_space<hbm>> -> memref<10240x128xf32, #tpu.memory_space<hbm>>
        tpu.enqueue_indirect_dma source(%dma_start3A_163 : memref<10240x128xf32, #tpu.memory_space<hbm>>) target(%arg7 : memref<128x128xf32, #tpu.memory_space<vmem>>) offsets(%dma_start3A_160 : memref<128xi32, #tpu.memory_space<vmem>>) semaphore(%arg10 : memref<!tpu.dma_semaphore, #tpu.memory_space<semaphore_mem>>)
      } else {
      }
      %run_scoped3A_131 = arith.constant 1 : i32
      %run_scoped3A_132 = arith.constant 1 : i32
      "tpu.region"() ({
        %run_scoped3A_138 = tpu.sem_alloc : memref<!tpu.dma_semaphore, #tpu.memory_space<semaphore_mem>>
        %dma_start3A_139 = arith.constant 0 : i32
        %dma_start3A_140 = tpu.memref_slice %arg6[%run_scoped3A_131, %run_scoped3A_132, %dma_start3A_139] : memref<2x2x128xi32, #tpu.memory_space<vmem>> -> memref<1x1x128xi32, #tpu.memory_space<vmem>>
        %dma_start3A_141 = tpu.memref_squeeze %dma_start3A_140 : memref<1x1x128xi32, #tpu.memory_space<vmem>> -> memref<128xi32, #tpu.memory_space<vmem>>
        %dma_start3A_142 = arith.constant 0 : i32
        %dma_start3A_143 = arith.constant 0 : i32
        %dma_start3A_144 = tpu.memref_slice %arg9[%dma_start3A_142, %dma_start3A_143] : memref<10240x128xf32, #tpu.memory_space<vmem_shared>> -> memref<10240x128xf32, #tpu.memory_space<vmem_shared>>
        tpu.enqueue_indirect_dma source(%arg8 : memref<128x128xf32, #tpu.memory_space<vmem>>) target(%dma_start3A_144 : memref<10240x128xf32, #tpu.memory_space<vmem_shared>>) offsets(%dma_start3A_141 : memref<128xi32, #tpu.memory_space<vmem>>) semaphore(%run_scoped3A_138 : memref<!tpu.dma_semaphore, #tpu.memory_space<semaphore_mem>>) {add = true}
        %dma_wait3A_145 = arith.constant 0 : i32
        %dma_wait3A_146 = tpu.memref_slice %arg6[%run_scoped3A_131, %run_scoped3A_132, %dma_wait3A_145] : memref<2x2x128xi32, #tpu.memory_space<vmem>> -> memref<1x1x128xi32, #tpu.memory_space<vmem>>
        %dma_wait3A_147 = tpu.memref_squeeze %dma_wait3A_146 : memref<1x1x128xi32, #tpu.memory_space<vmem>> -> memref<128xi32, #tpu.memory_space<vmem>>
        %dma_wait3A_148 = arith.constant 0 : i32
        %dma_wait3A_149 = arith.constant 0 : i32
        %dma_wait3A_150 = tpu.memref_slice %arg9[%dma_wait3A_148, %dma_wait3A_149] : memref<10240x128xf32, #tpu.memory_space<vmem_shared>> -> memref<10240x128xf32, #tpu.memory_space<vmem_shared>>
        tpu.wait_indirect_dma semaphore(%run_scoped3A_138 : memref<!tpu.dma_semaphore, #tpu.memory_space<semaphore_mem>>) src(%arg8 : memref<128x128xf32, #tpu.memory_space<vmem>>) dst(%dma_wait3A_150 : memref<10240x128xf32, #tpu.memory_space<vmem_shared>>)
        tpu.yield
      }) : () -> ()
      %lt3A_133 = arith.constant 39 : i32
      %lt3A_134 = arith.cmpi slt, %scan3A_76, %lt3A_133 : i32
      %convert_element_type3A_135 = arith.extui %lt3A_134 : i1 to i32
      %cond3A_136 = arith.constant 0 : i32
      %cond3A_137 = arith.cmpi ne, %convert_element_type3A_135, %cond3A_136 : i32
      scf.if %cond3A_137 {
        %add3A_138 = arith.constant 3 : i32
        %add3A_139 = arith.addi %mul3A_78, %add3A_138 : i32
        %dma_start3A_140 = arith.constant 1 : i32
        %dma_start3A_141 = arith.constant 0 : i32
        %dma_start3A_142 = arith.constant 0 : i32
        %dma_start3A_143 = tpu.memref_slice %arg6[%dma_start3A_140, %dma_start3A_141, %dma_start3A_142] : memref<2x2x128xi32, #tpu.memory_space<vmem>> -> memref<1x2x128xi32, #tpu.memory_space<vmem>>
        %dma_start3A_144 = tpu.memref_squeeze %dma_start3A_143 : memref<1x2x128xi32, #tpu.memory_space<vmem>> -> memref<2x128xi32, #tpu.memory_space<vmem>>
        %dma_start3A_145 = arith.constant 0 : i32
        %dma_start3A_146 = arith.constant 0 : i32
        %dma_start3A_147 = tpu.memref_slice %arg4[%add3A, %add3A_139, %dma_start3A_145, %dma_start3A_146] : memref<32x80x2x128xi32, #tpu.memory_space<hbm>> -> memref<1x1x2x128xi32, #tpu.memory_space<hbm>>
        %dma_start3A_148 = tpu.memref_squeeze %dma_start3A_147 : memref<1x1x2x128xi32, #tpu.memory_space<hbm>> -> memref<2x128xi32, #tpu.memory_space<hbm>>
        %dma_start3A_149 = arith.constant 0 : i32
        %dma_start3A_150 = arith.constant 0 : i32
        %dma_start3A_151 = tpu.memref_slice %arg6[%dma_start3A_140, %dma_start3A_149, %dma_start3A_150] : memref<2x2x128xi32, #tpu.memory_space<vmem>> -> memref<1x2x128xi32, #tpu.memory_space<vmem>>
        %dma_start3A_152 = tpu.memref_squeeze %dma_start3A_151 : memref<1x2x128xi32, #tpu.memory_space<vmem>> -> memref<2x128xi32, #tpu.memory_space<vmem>>
        %dma_start3A_153 = arith.constant 0 : i32
        %dma_start3A_154 = arith.constant 0 : i32
        %dma_start3A_155 = tpu.memref_slice %arg4[%add3A, %add3A_139, %dma_start3A_153, %dma_start3A_154] : memref<32x80x2x128xi32, #tpu.memory_space<hbm>> -> memref<1x1x2x128xi32, #tpu.memory_space<hbm>>
        %dma_start3A_156 = tpu.memref_squeeze %dma_start3A_155 : memref<1x1x2x128xi32, #tpu.memory_space<hbm>> -> memref<2x128xi32, #tpu.memory_space<hbm>>
        tpu.enqueue_dma source(%dma_start3A_156 : memref<2x128xi32, #tpu.memory_space<hbm>>) target(%dma_start3A_152 : memref<2x128xi32, #tpu.memory_space<vmem>>) target_semaphore(%arg13 : memref<!tpu.dma_semaphore, #tpu.memory_space<semaphore_mem>>)
      } else {
      }
    }
    %scan3A_74 = arith.constant 40 : i32
    %barrier3A_75 = arith.constant 0 : index
    tpu.barrier barrier_id(%barrier3A_75)
    "tpu.region"() ({
      %run_scoped3A = tpu.sem_alloc : memref<!tpu.dma_semaphore, #tpu.memory_space<semaphore_mem>>
      %dma_start3A_76 = arith.constant 0 : i32
      %dma_start3A_77 = tpu.memref_slice %arg5[%arg0, %mul3A_2, %dma_start3A_76] : memref<2x10240x128xf32, #tpu.memory_space<hbm>> -> memref<1x640x128xf32, #tpu.memory_space<hbm>>
      %dma_start3A_78 = tpu.memref_squeeze %dma_start3A_77 : memref<1x640x128xf32, #tpu.memory_space<hbm>> -> memref<640x128xf32, #tpu.memory_space<hbm>>
      %dma_start3A_79 = arith.constant 0 : i32
      %dma_start3A_80 = tpu.memref_slice %arg9[%mul3A_2, %dma_start3A_79] : memref<10240x128xf32, #tpu.memory_space<vmem_shared>> -> memref<640x128xf32, #tpu.memory_space<vmem_shared>>
      tpu.enqueue_dma source(%dma_start3A_80 : memref<640x128xf32, #tpu.memory_space<vmem_shared>>) target(%dma_start3A_78 : memref<640x128xf32, #tpu.memory_space<hbm>>) target_semaphore(%run_scoped3A : memref<!tpu.dma_semaphore, #tpu.memory_space<semaphore_mem>>)
      %dma_wait3A_81 = arith.constant 0 : i32
      %dma_wait3A_82 = tpu.memref_slice %arg5[%arg0, %mul3A_2, %dma_wait3A_81] : memref<2x10240x128xf32, #tpu.memory_space<hbm>> -> memref<1x640x128xf32, #tpu.memory_space<hbm>>
      %dma_wait3A_83 = tpu.memref_squeeze %dma_wait3A_82 : memref<1x640x128xf32, #tpu.memory_space<hbm>> -> memref<640x128xf32, #tpu.memory_space<hbm>>
      %dma_wait3A_84 = arith.constant 0 : i32
      %dma_wait3A_85 = tpu.memref_slice %arg9[%mul3A_2, %dma_wait3A_84] : memref<10240x128xf32, #tpu.memory_space<vmem_shared>> -> memref<640x128xf32, #tpu.memory_space<vmem_shared>>
      tpu.wait_dma2 semaphore(%run_scoped3A : memref<!tpu.dma_semaphore, #tpu.memory_space<semaphore_mem>>) src(%dma_wait3A_85 : memref<640x128xf32, #tpu.memory_space<vmem_shared>>) dst(%dma_wait3A_83 : memref<640x128xf32, #tpu.memory_space<hbm>>)
      tpu.yield
    }) : () -> ()
    return
  }
}

#map = affine_map<(d0, d1) -> (0, 0)>
#map1 = affine_map<(d0, d1) -> (0, 0, 0, 0)>
#map2 = affine_map<(d0, d1) -> (0, 0, 0)>
module attributes {stable_mosaic.version = 14 : i64} {
  func.func @_prop(%arg0: i32, %arg1: i32, %arg2: memref<10240x128xf32, #tpu.memory_space<hbm>>, %arg3: memref<10240x128xf32, #tpu.memory_space<hbm>>, %arg4: memref<32x80x2x128xi32, #tpu.memory_space<hbm>>, %arg5: memref<2x10240x128xf32, #tpu.memory_space<hbm>>, %arg6: memref<2x2x128xi32, #tpu.memory_space<vmem>>, %arg7: memref<128x128xf32, #tpu.memory_space<vmem>>, %arg8: memref<128x128xf32, #tpu.memory_space<vmem>>, %arg9: memref<10240x128xf32, #tpu.memory_space<vmem_shared>>, %arg10: memref<!tpu.dma_semaphore, #tpu.memory_space<semaphore_mem>>, %arg11: memref<!tpu.dma_semaphore, #tpu.memory_space<semaphore_mem>>, %arg12: memref<!tpu.dma_semaphore, #tpu.memory_space<semaphore_mem>>, %arg13: memref<!tpu.dma_semaphore, #tpu.memory_space<semaphore_mem>>) attributes {dimension_semantics = [#tpu.dimension_semantics<core_parallel>, #tpu.dimension_semantics<subcore_parallel>], iteration_bounds = array<i64: 2, 16>, scalar_prefetch = 0 : i64, scratch_operands = 8 : i64, tpu.core_type = #tpu.core_type<sc_vector_subcore>, window_params = [{transform_indices = #map}, {transform_indices = #map}, {transform_indices = #map1}, {transform_indices = #map2}]} {
    %mul3A = arith.constant 16 : i32
    %mul3A_0 = arith.muli %arg0, %mul3A : i32
    %add3A = arith.addi %mul3A_0, %arg1 : i32
    %mul3A_1 = arith.constant 640 : i32
    %mul3A_2 = arith.muli %arg1, %mul3A_1 : i32
    %eq3A = arith.constant 0 : i32
    %eq3A_3 = arith.cmpi eq, %arg0, %eq3A : i32
    %convert_element_type3A = arith.extui %eq3A_3 : i1 to i32
    %cond3A = arith.constant 0 : i32
    %cond3A_4 = arith.cmpi ne, %convert_element_type3A, %cond3A : i32
    scf.if %cond3A_4 {
      "tpu.region"() ({
        %run_scoped3A = tpu.sem_alloc : memref<!tpu.dma_semaphore, #tpu.memory_space<semaphore_mem>>
        %dma_start3A_76 = arith.constant 0 : i32
        %dma_start3A_77 = tpu.memref_slice %arg9[%mul3A_2, %dma_start3A_76] : memref<10240x128xf32, #tpu.memory_space<vmem_shared>> -> memref<640x128xf32, #tpu.memory_space<vmem_shared>>
        %dma_start3A_78 = arith.constant 0 : i32
        %dma_start3A_79 = tpu.memref_slice %arg2[%mul3A_2, %dma_start3A_78] : memref<10240x128xf32, #tpu.memory_space<hbm>> -> memref<640x128xf32, #tpu.memory_space<hbm>>
        tpu.enqueue_dma source(%dma_start3A_79 : memref<640x128xf32, #tpu.memory_space<hbm>>) target(%dma_start3A_77 : memref<640x128xf32, #tpu.memory_space<vmem_shared>>) target_semaphore(%run_scoped3A : memref<!tpu.dma_semaphore, #tpu.memory_space<semaphore_mem>>)
        %dma_wait3A_80 = arith.constant 0 : i32
        %dma_wait3A_81 = tpu.memref_slice %arg9[%mul3A_2, %dma_wait3A_80] : memref<10240x128xf32, #tpu.memory_space<vmem_shared>> -> memref<640x128xf32, #tpu.memory_space<vmem_shared>>
        %dma_wait3A_82 = arith.constant 0 : i32
        %dma_wait3A_83 = tpu.memref_slice %arg2[%mul3A_2, %dma_wait3A_82] : memref<10240x128xf32, #tpu.memory_space<hbm>> -> memref<640x128xf32, #tpu.memory_space<hbm>>
        tpu.wait_dma2 semaphore(%run_scoped3A : memref<!tpu.dma_semaphore, #tpu.memory_space<semaphore_mem>>) src(%dma_wait3A_83 : memref<640x128xf32, #tpu.memory_space<hbm>>) dst(%dma_wait3A_81 : memref<640x128xf32, #tpu.memory_space<vmem_shared>>)
        tpu.yield
      }) : () -> ()
    } else {
    }
    %eq3A_5 = arith.constant 1 : i32
    %eq3A_6 = arith.cmpi eq, %arg0, %eq3A_5 : i32
    %convert_element_type3A_7 = arith.extui %eq3A_6 : i1 to i32
    %cond3A_8 = arith.constant 0 : i32
    %cond3A_9 = arith.cmpi ne, %convert_element_type3A_7, %cond3A_8 : i32
    scf.if %cond3A_9 {
      "tpu.region"() ({
        %run_scoped3A = tpu.sem_alloc : memref<!tpu.dma_semaphore, #tpu.memory_space<semaphore_mem>>
        %dma_start3A_76 = arith.constant 0 : i32
        %dma_start3A_77 = tpu.memref_slice %arg9[%mul3A_2, %dma_start3A_76] : memref<10240x128xf32, #tpu.memory_space<vmem_shared>> -> memref<640x128xf32, #tpu.memory_space<vmem_shared>>
        %dma_start3A_78 = arith.constant 0 : i32
        %dma_start3A_79 = tpu.memref_slice %arg3[%mul3A_2, %dma_start3A_78] : memref<10240x128xf32, #tpu.memory_space<hbm>> -> memref<640x128xf32, #tpu.memory_space<hbm>>
        tpu.enqueue_dma source(%dma_start3A_79 : memref<640x128xf32, #tpu.memory_space<hbm>>) target(%dma_start3A_77 : memref<640x128xf32, #tpu.memory_space<vmem_shared>>) target_semaphore(%run_scoped3A : memref<!tpu.dma_semaphore, #tpu.memory_space<semaphore_mem>>)
        %dma_wait3A_80 = arith.constant 0 : i32
        %dma_wait3A_81 = tpu.memref_slice %arg9[%mul3A_2, %dma_wait3A_80] : memref<10240x128xf32, #tpu.memory_space<vmem_shared>> -> memref<640x128xf32, #tpu.memory_space<vmem_shared>>
        %dma_wait3A_82 = arith.constant 0 : i32
        %dma_wait3A_83 = tpu.memref_slice %arg3[%mul3A_2, %dma_wait3A_82] : memref<10240x128xf32, #tpu.memory_space<hbm>> -> memref<640x128xf32, #tpu.memory_space<hbm>>
        tpu.wait_dma2 semaphore(%run_scoped3A : memref<!tpu.dma_semaphore, #tpu.memory_space<semaphore_mem>>) src(%dma_wait3A_83 : memref<640x128xf32, #tpu.memory_space<hbm>>) dst(%dma_wait3A_81 : memref<640x128xf32, #tpu.memory_space<vmem_shared>>)
        tpu.yield
      }) : () -> ()
    } else {
    }
    %dma_start3A = arith.constant 0 : i32
    %dma_start3A_10 = arith.constant 0 : i32
    %dma_start3A_11 = arith.constant 0 : i32
    %dma_start3A_12 = arith.constant 0 : i32
    %dma_start3A_13 = tpu.memref_slice %arg6[%dma_start3A_10, %dma_start3A_11, %dma_start3A_12] : memref<2x2x128xi32, #tpu.memory_space<vmem>> -> memref<1x2x128xi32, #tpu.memory_space<vmem>>
    %dma_start3A_14 = tpu.memref_squeeze %dma_start3A_13 : memref<1x2x128xi32, #tpu.memory_space<vmem>> -> memref<2x128xi32, #tpu.memory_space<vmem>>
    %dma_start3A_15 = arith.constant 0 : i32
    %dma_start3A_16 = arith.constant 0 : i32
    %dma_start3A_17 = tpu.memref_slice %arg4[%add3A, %dma_start3A, %dma_start3A_15, %dma_start3A_16] : memref<32x80x2x128xi32, #tpu.memory_space<hbm>> -> memref<1x1x2x128xi32, #tpu.memory_space<hbm>>
    %dma_start3A_18 = tpu.memref_squeeze %dma_start3A_17 : memref<1x1x2x128xi32, #tpu.memory_space<hbm>> -> memref<2x128xi32, #tpu.memory_space<hbm>>
    %dma_start3A_19 = arith.constant 0 : i32
    %dma_start3A_20 = arith.constant 0 : i32
    %dma_start3A_21 = tpu.memref_slice %arg6[%dma_start3A_10, %dma_start3A_19, %dma_start3A_20] : memref<2x2x128xi32, #tpu.memory_space<vmem>> -> memref<1x2x128xi32, #tpu.memory_space<vmem>>
    %dma_start3A_22 = tpu.memref_squeeze %dma_start3A_21 : memref<1x2x128xi32, #tpu.memory_space<vmem>> -> memref<2x128xi32, #tpu.memory_space<vmem>>
    %dma_start3A_23 = arith.constant 0 : i32
    %dma_start3A_24 = arith.constant 0 : i32
    %dma_start3A_25 = tpu.memref_slice %arg4[%add3A, %dma_start3A, %dma_start3A_23, %dma_start3A_24] : memref<32x80x2x128xi32, #tpu.memory_space<hbm>> -> memref<1x1x2x128xi32, #tpu.memory_space<hbm>>
    %dma_start3A_26 = tpu.memref_squeeze %dma_start3A_25 : memref<1x1x2x128xi32, #tpu.memory_space<hbm>> -> memref<2x128xi32, #tpu.memory_space<hbm>>
    tpu.enqueue_dma source(%dma_start3A_26 : memref<2x128xi32, #tpu.memory_space<hbm>>) target(%dma_start3A_22 : memref<2x128xi32, #tpu.memory_space<vmem>>) target_semaphore(%arg12 : memref<!tpu.dma_semaphore, #tpu.memory_space<semaphore_mem>>)
    %dma_start3A_27 = arith.constant 1 : i32
    %dma_start3A_28 = arith.constant 1 : i32
    %dma_start3A_29 = arith.constant 0 : i32
    %dma_start3A_30 = arith.constant 0 : i32
    %dma_start3A_31 = tpu.memref_slice %arg6[%dma_start3A_28, %dma_start3A_29, %dma_start3A_30] : memref<2x2x128xi32, #tpu.memory_space<vmem>> -> memref<1x2x128xi32, #tpu.memory_space<vmem>>
    %dma_start3A_32 = tpu.memref_squeeze %dma_start3A_31 : memref<1x2x128xi32, #tpu.memory_space<vmem>> -> memref<2x128xi32, #tpu.memory_space<vmem>>
    %dma_start3A_33 = arith.constant 0 : i32
    %dma_start3A_34 = arith.constant 0 : i32
    %dma_start3A_35 = tpu.memref_slice %arg4[%add3A, %dma_start3A_27, %dma_start3A_33, %dma_start3A_34] : memref<32x80x2x128xi32, #tpu.memory_space<hbm>> -> memref<1x1x2x128xi32, #tpu.memory_space<hbm>>
    %dma_start3A_36 = tpu.memref_squeeze %dma_start3A_35 : memref<1x1x2x128xi32, #tpu.memory_space<hbm>> -> memref<2x128xi32, #tpu.memory_space<hbm>>
    %dma_start3A_37 = arith.constant 0 : i32
    %dma_start3A_38 = arith.constant 0 : i32
    %dma_start3A_39 = tpu.memref_slice %arg6[%dma_start3A_28, %dma_start3A_37, %dma_start3A_38] : memref<2x2x128xi32, #tpu.memory_space<vmem>> -> memref<1x2x128xi32, #tpu.memory_space<vmem>>
    %dma_start3A_40 = tpu.memref_squeeze %dma_start3A_39 : memref<1x2x128xi32, #tpu.memory_space<vmem>> -> memref<2x128xi32, #tpu.memory_space<vmem>>
    %dma_start3A_41 = arith.constant 0 : i32
    %dma_start3A_42 = arith.constant 0 : i32
    %dma_start3A_43 = tpu.memref_slice %arg4[%add3A, %dma_start3A_27, %dma_start3A_41, %dma_start3A_42] : memref<32x80x2x128xi32, #tpu.memory_space<hbm>> -> memref<1x1x2x128xi32, #tpu.memory_space<hbm>>
    %dma_start3A_44 = tpu.memref_squeeze %dma_start3A_43 : memref<1x1x2x128xi32, #tpu.memory_space<hbm>> -> memref<2x128xi32, #tpu.memory_space<hbm>>
    tpu.enqueue_dma source(%dma_start3A_44 : memref<2x128xi32, #tpu.memory_space<hbm>>) target(%dma_start3A_40 : memref<2x128xi32, #tpu.memory_space<vmem>>) target_semaphore(%arg13 : memref<!tpu.dma_semaphore, #tpu.memory_space<semaphore_mem>>)
    %barrier3A = arith.constant 0 : index
    tpu.barrier barrier_id(%barrier3A)
    %dma_wait3A = arith.constant 0 : i32
    %dma_wait3A_45 = arith.constant 0 : i32
    %dma_wait3A_46 = arith.constant 0 : i32
    %dma_wait3A_47 = arith.constant 0 : i32
    %dma_wait3A_48 = tpu.memref_slice %arg6[%dma_wait3A_45, %dma_wait3A_46, %dma_wait3A_47] : memref<2x2x128xi32, #tpu.memory_space<vmem>> -> memref<1x2x128xi32, #tpu.memory_space<vmem>>
    %dma_wait3A_49 = tpu.memref_squeeze %dma_wait3A_48 : memref<1x2x128xi32, #tpu.memory_space<vmem>> -> memref<2x128xi32, #tpu.memory_space<vmem>>
    %dma_wait3A_50 = arith.constant 0 : i32
    %dma_wait3A_51 = arith.constant 0 : i32
    %dma_wait3A_52 = tpu.memref_slice %arg4[%add3A, %dma_wait3A, %dma_wait3A_50, %dma_wait3A_51] : memref<32x80x2x128xi32, #tpu.memory_space<hbm>> -> memref<1x1x2x128xi32, #tpu.memory_space<hbm>>
    %dma_wait3A_53 = tpu.memref_squeeze %dma_wait3A_52 : memref<1x1x2x128xi32, #tpu.memory_space<hbm>> -> memref<2x128xi32, #tpu.memory_space<hbm>>
    %dma_wait3A_54 = arith.constant 0 : i32
    %dma_wait3A_55 = arith.constant 0 : i32
    %dma_wait3A_56 = tpu.memref_slice %arg6[%dma_wait3A_45, %dma_wait3A_54, %dma_wait3A_55] : memref<2x2x128xi32, #tpu.memory_space<vmem>> -> memref<1x2x128xi32, #tpu.memory_space<vmem>>
    %dma_wait3A_57 = tpu.memref_squeeze %dma_wait3A_56 : memref<1x2x128xi32, #tpu.memory_space<vmem>> -> memref<2x128xi32, #tpu.memory_space<vmem>>
    %dma_wait3A_58 = arith.constant 0 : i32
    %dma_wait3A_59 = arith.constant 0 : i32
    %dma_wait3A_60 = tpu.memref_slice %arg4[%add3A, %dma_wait3A, %dma_wait3A_58, %dma_wait3A_59] : memref<32x80x2x128xi32, #tpu.memory_space<hbm>> -> memref<1x1x2x128xi32, #tpu.memory_space<hbm>>
    %dma_wait3A_61 = tpu.memref_squeeze %dma_wait3A_60 : memref<1x1x2x128xi32, #tpu.memory_space<hbm>> -> memref<2x128xi32, #tpu.memory_space<hbm>>
    tpu.wait_dma2 semaphore(%arg12 : memref<!tpu.dma_semaphore, #tpu.memory_space<semaphore_mem>>) src(%dma_wait3A_61 : memref<2x128xi32, #tpu.memory_space<hbm>>) dst(%dma_wait3A_57 : memref<2x128xi32, #tpu.memory_space<vmem>>)
    %dma_start3A_62 = arith.constant 0 : i32
    %dma_start3A_63 = arith.constant 0 : i32
    %dma_start3A_64 = arith.constant 0 : i32
    %dma_start3A_65 = tpu.memref_slice %arg6[%dma_start3A_62, %dma_start3A_63, %dma_start3A_64] : memref<2x2x128xi32, #tpu.memory_space<vmem>> -> memref<1x1x128xi32, #tpu.memory_space<vmem>>
    %dma_start3A_66 = tpu.memref_squeeze %dma_start3A_65 : memref<1x1x128xi32, #tpu.memory_space<vmem>> -> memref<128xi32, #tpu.memory_space<vmem>>
    %dma_start3A_67 = arith.constant 0 : i32
    %dma_start3A_68 = arith.constant 0 : i32
    %dma_start3A_69 = tpu.memref_slice %arg2[%dma_start3A_67, %dma_start3A_68] : memref<10240x128xf32, #tpu.memory_space<hbm>> -> memref<10240x128xf32, #tpu.memory_space<hbm>>
    tpu.enqueue_indirect_dma source(%dma_start3A_69 : memref<10240x128xf32, #tpu.memory_space<hbm>>) target(%arg7 : memref<128x128xf32, #tpu.memory_space<vmem>>) offsets(%dma_start3A_66 : memref<128xi32, #tpu.memory_space<vmem>>) semaphore(%arg10 : memref<!tpu.dma_semaphore, #tpu.memory_space<semaphore_mem>>)
    %scan3A = arith.constant 0 : i32
    %scan3A_70 = arith.constant 0 : i32
    %scan3A_71 = arith.constant 40 : i32
    %scan3A_72 = arith.addi %scan3A_70, %scan3A_71 : i32
    %scan3A_73 = arith.constant 1 : i32
    scf.for %scan3A_76 = %scan3A_70 to %scan3A_72 step %scan3A_73  : i32 {
      %mul3A_77 = arith.constant 2 : i32
      %mul3A_78 = arith.muli %mul3A_77, %scan3A_76 : i32
      %dma_wait3A_79 = arith.constant 0 : i32
      %dma_wait3A_80 = arith.constant 1 : i32
      %dma_wait3A_81 = arith.constant 0 : i32
      %dma_wait3A_82 = arith.constant 0 : i32
      %dma_wait3A_83 = tpu.memref_slice %arg6[%dma_wait3A_80, %dma_wait3A_81, %dma_wait3A_82] : memref<2x2x128xi32, #tpu.memory_space<vmem>> -> memref<1x2x128xi32, #tpu.memory_space<vmem>>
      %dma_wait3A_84 = tpu.memref_squeeze %dma_wait3A_83 : memref<1x2x128xi32, #tpu.memory_space<vmem>> -> memref<2x128xi32, #tpu.memory_space<vmem>>
      %dma_wait3A_85 = arith.constant 0 : i32
      %dma_wait3A_86 = arith.constant 0 : i32
      %dma_wait3A_87 = tpu.memref_slice %arg4[%add3A, %dma_wait3A_79, %dma_wait3A_85, %dma_wait3A_86] : memref<32x80x2x128xi32, #tpu.memory_space<hbm>> -> memref<1x1x2x128xi32, #tpu.memory_space<hbm>>
      %dma_wait3A_88 = tpu.memref_squeeze %dma_wait3A_87 : memref<1x1x2x128xi32, #tpu.memory_space<hbm>> -> memref<2x128xi32, #tpu.memory_space<hbm>>
      %dma_wait3A_89 = arith.constant 0 : i32
      %dma_wait3A_90 = arith.constant 0 : i32
      %dma_wait3A_91 = tpu.memref_slice %arg6[%dma_wait3A_80, %dma_wait3A_89, %dma_wait3A_90] : memref<2x2x128xi32, #tpu.memory_space<vmem>> -> memref<1x2x128xi32, #tpu.memory_space<vmem>>
      %dma_wait3A_92 = tpu.memref_squeeze %dma_wait3A_91 : memref<1x2x128xi32, #tpu.memory_space<vmem>> -> memref<2x128xi32, #tpu.memory_space<vmem>>
      %dma_wait3A_93 = arith.constant 0 : i32
      %dma_wait3A_94 = arith.constant 0 : i32
      %dma_wait3A_95 = tpu.memref_slice %arg4[%add3A, %dma_wait3A_79, %dma_wait3A_93, %dma_wait3A_94] : memref<32x80x2x128xi32, #tpu.memory_space<hbm>> -> memref<1x1x2x128xi32, #tpu.memory_space<hbm>>
      %dma_wait3A_96 = tpu.memref_squeeze %dma_wait3A_95 : memref<1x1x2x128xi32, #tpu.memory_space<hbm>> -> memref<2x128xi32, #tpu.memory_space<hbm>>
      tpu.wait_dma2 semaphore(%arg13 : memref<!tpu.dma_semaphore, #tpu.memory_space<semaphore_mem>>) src(%dma_wait3A_96 : memref<2x128xi32, #tpu.memory_space<hbm>>) dst(%dma_wait3A_92 : memref<2x128xi32, #tpu.memory_space<vmem>>)
      %dma_wait3A_97 = arith.constant 0 : i32
      %dma_wait3A_98 = arith.constant 0 : i32
      %dma_wait3A_99 = arith.constant 0 : i32
      %dma_wait3A_100 = tpu.memref_slice %arg6[%dma_wait3A_97, %dma_wait3A_98, %dma_wait3A_99] : memref<2x2x128xi32, #tpu.memory_space<vmem>> -> memref<1x1x128xi32, #tpu.memory_space<vmem>>
      %dma_wait3A_101 = tpu.memref_squeeze %dma_wait3A_100 : memref<1x1x128xi32, #tpu.memory_space<vmem>> -> memref<128xi32, #tpu.memory_space<vmem>>
      %dma_wait3A_102 = arith.constant 0 : i32
      %dma_wait3A_103 = arith.constant 0 : i32
      %dma_wait3A_104 = tpu.memref_slice %arg2[%dma_wait3A_102, %dma_wait3A_103] : memref<10240x128xf32, #tpu.memory_space<hbm>> -> memref<10240x128xf32, #tpu.memory_space<hbm>>
      tpu.wait_indirect_dma semaphore(%arg10 : memref<!tpu.dma_semaphore, #tpu.memory_space<semaphore_mem>>) src(%dma_wait3A_104 : memref<10240x128xf32, #tpu.memory_space<hbm>>) dst(%arg7 : memref<128x128xf32, #tpu.memory_space<vmem>>)
      %dma_start3A_105 = arith.constant 1 : i32
      %dma_start3A_106 = arith.constant 0 : i32
      %dma_start3A_107 = arith.constant 0 : i32
      %dma_start3A_108 = tpu.memref_slice %arg6[%dma_start3A_105, %dma_start3A_106, %dma_start3A_107] : memref<2x2x128xi32, #tpu.memory_space<vmem>> -> memref<1x1x128xi32, #tpu.memory_space<vmem>>
      %dma_start3A_109 = tpu.memref_squeeze %dma_start3A_108 : memref<1x1x128xi32, #tpu.memory_space<vmem>> -> memref<128xi32, #tpu.memory_space<vmem>>
      %dma_start3A_110 = arith.constant 0 : i32
      %dma_start3A_111 = arith.constant 0 : i32
      %dma_start3A_112 = tpu.memref_slice %arg2[%dma_start3A_110, %dma_start3A_111] : memref<10240x128xf32, #tpu.memory_space<hbm>> -> memref<10240x128xf32, #tpu.memory_space<hbm>>
      tpu.enqueue_indirect_dma source(%dma_start3A_112 : memref<10240x128xf32, #tpu.memory_space<hbm>>) target(%arg8 : memref<128x128xf32, #tpu.memory_space<vmem>>) offsets(%dma_start3A_109 : memref<128xi32, #tpu.memory_space<vmem>>) semaphore(%arg11 : memref<!tpu.dma_semaphore, #tpu.memory_space<semaphore_mem>>)
      %run_scoped3A = arith.constant 0 : i32
      %run_scoped3A_113 = arith.constant 1 : i32
      "tpu.region"() ({
        %run_scoped3A_138 = tpu.sem_alloc : memref<!tpu.dma_semaphore, #tpu.memory_space<semaphore_mem>>
        %dma_start3A_139 = arith.constant 0 : i32
        %dma_start3A_140 = tpu.memref_slice %arg6[%run_scoped3A, %run_scoped3A_113, %dma_start3A_139] : memref<2x2x128xi32, #tpu.memory_space<vmem>> -> memref<1x1x128xi32, #tpu.memory_space<vmem>>
        %dma_start3A_141 = tpu.memref_squeeze %dma_start3A_140 : memref<1x1x128xi32, #tpu.memory_space<vmem>> -> memref<128xi32, #tpu.memory_space<vmem>>
        %dma_start3A_142 = arith.constant 0 : i32
        %dma_start3A_143 = arith.constant 0 : i32
        %dma_start3A_144 = tpu.memref_slice %arg9[%dma_start3A_142, %dma_start3A_143] : memref<10240x128xf32, #tpu.memory_space<vmem_shared>> -> memref<10240x128xf32, #tpu.memory_space<vmem_shared>>
        tpu.enqueue_indirect_dma source(%arg7 : memref<128x128xf32, #tpu.memory_space<vmem>>) target(%dma_start3A_144 : memref<10240x128xf32, #tpu.memory_space<vmem_shared>>) offsets(%dma_start3A_141 : memref<128xi32, #tpu.memory_space<vmem>>) semaphore(%run_scoped3A_138 : memref<!tpu.dma_semaphore, #tpu.memory_space<semaphore_mem>>) {add = true}
        %dma_wait3A_145 = arith.constant 0 : i32
        %dma_wait3A_146 = tpu.memref_slice %arg6[%run_scoped3A, %run_scoped3A_113, %dma_wait3A_145] : memref<2x2x128xi32, #tpu.memory_space<vmem>> -> memref<1x1x128xi32, #tpu.memory_space<vmem>>
        %dma_wait3A_147 = tpu.memref_squeeze %dma_wait3A_146 : memref<1x1x128xi32, #tpu.memory_space<vmem>> -> memref<128xi32, #tpu.memory_space<vmem>>
        %dma_wait3A_148 = arith.constant 0 : i32
        %dma_wait3A_149 = arith.constant 0 : i32
        %dma_wait3A_150 = tpu.memref_slice %arg9[%dma_wait3A_148, %dma_wait3A_149] : memref<10240x128xf32, #tpu.memory_space<vmem_shared>> -> memref<10240x128xf32, #tpu.memory_space<vmem_shared>>
        tpu.wait_indirect_dma semaphore(%run_scoped3A_138 : memref<!tpu.dma_semaphore, #tpu.memory_space<semaphore_mem>>) src(%arg7 : memref<128x128xf32, #tpu.memory_space<vmem>>) dst(%dma_wait3A_150 : memref<10240x128xf32, #tpu.memory_space<vmem_shared>>)
        tpu.yield
      }) : () -> ()
      %lt3A = arith.constant 39 : i32
      %lt3A_114 = arith.cmpi slt, %scan3A_76, %lt3A : i32
      %convert_element_type3A_115 = arith.extui %lt3A_114 : i1 to i32
      %cond3A_116 = arith.constant 0 : i32
      %cond3A_117 = arith.cmpi ne, %convert_element_type3A_115, %cond3A_116 : i32
      scf.if %cond3A_117 {
        %add3A_138 = arith.constant 2 : i32
        %add3A_139 = arith.addi %mul3A_78, %add3A_138 : i32
        %dma_start3A_140 = arith.constant 0 : i32
        %dma_start3A_141 = arith.constant 0 : i32
        %dma_start3A_142 = arith.constant 0 : i32
        %dma_start3A_143 = tpu.memref_slice %arg6[%dma_start3A_140, %dma_start3A_141, %dma_start3A_142] : memref<2x2x128xi32, #tpu.memory_space<vmem>> -> memref<1x2x128xi32, #tpu.memory_space<vmem>>
        %dma_start3A_144 = tpu.memref_squeeze %dma_start3A_143 : memref<1x2x128xi32, #tpu.memory_space<vmem>> -> memref<2x128xi32, #tpu.memory_space<vmem>>
        %dma_start3A_145 = arith.constant 0 : i32
        %dma_start3A_146 = arith.constant 0 : i32
        %dma_start3A_147 = tpu.memref_slice %arg4[%add3A, %add3A_139, %dma_start3A_145, %dma_start3A_146] : memref<32x80x2x128xi32, #tpu.memory_space<hbm>> -> memref<1x1x2x128xi32, #tpu.memory_space<hbm>>
        %dma_start3A_148 = tpu.memref_squeeze %dma_start3A_147 : memref<1x1x2x128xi32, #tpu.memory_space<hbm>> -> memref<2x128xi32, #tpu.memory_space<hbm>>
        %dma_start3A_149 = arith.constant 0 : i32
        %dma_start3A_150 = arith.constant 0 : i32
        %dma_start3A_151 = tpu.memref_slice %arg6[%dma_start3A_140, %dma_start3A_149, %dma_start3A_150] : memref<2x2x128xi32, #tpu.memory_space<vmem>> -> memref<1x2x128xi32, #tpu.memory_space<vmem>>
        %dma_start3A_152 = tpu.memref_squeeze %dma_start3A_151 : memref<1x2x128xi32, #tpu.memory_space<vmem>> -> memref<2x128xi32, #tpu.memory_space<vmem>>
        %dma_start3A_153 = arith.constant 0 : i32
        %dma_start3A_154 = arith.constant 0 : i32
        %dma_start3A_155 = tpu.memref_slice %arg4[%add3A, %add3A_139, %dma_start3A_153, %dma_start3A_154] : memref<32x80x2x128xi32, #tpu.memory_space<hbm>> -> memref<1x1x2x128xi32, #tpu.memory_space<hbm>>
        %dma_start3A_156 = tpu.memref_squeeze %dma_start3A_155 : memref<1x1x2x128xi32, #tpu.memory_space<hbm>> -> memref<2x128xi32, #tpu.memory_space<hbm>>
        tpu.enqueue_dma source(%dma_start3A_156 : memref<2x128xi32, #tpu.memory_space<hbm>>) target(%dma_start3A_152 : memref<2x128xi32, #tpu.memory_space<vmem>>) target_semaphore(%arg12 : memref<!tpu.dma_semaphore, #tpu.memory_space<semaphore_mem>>)
      } else {
      }
      %dma_wait3A_118 = arith.constant 1 : i32
      %dma_wait3A_119 = arith.constant 0 : i32
      %dma_wait3A_120 = arith.constant 0 : i32
      %dma_wait3A_121 = tpu.memref_slice %arg6[%dma_wait3A_118, %dma_wait3A_119, %dma_wait3A_120] : memref<2x2x128xi32, #tpu.memory_space<vmem>> -> memref<1x1x128xi32, #tpu.memory_space<vmem>>
      %dma_wait3A_122 = tpu.memref_squeeze %dma_wait3A_121 : memref<1x1x128xi32, #tpu.memory_space<vmem>> -> memref<128xi32, #tpu.memory_space<vmem>>
      %dma_wait3A_123 = arith.constant 0 : i32
      %dma_wait3A_124 = arith.constant 0 : i32
      %dma_wait3A_125 = tpu.memref_slice %arg2[%dma_wait3A_123, %dma_wait3A_124] : memref<10240x128xf32, #tpu.memory_space<hbm>> -> memref<10240x128xf32, #tpu.memory_space<hbm>>
      tpu.wait_indirect_dma semaphore(%arg11 : memref<!tpu.dma_semaphore, #tpu.memory_space<semaphore_mem>>) src(%dma_wait3A_125 : memref<10240x128xf32, #tpu.memory_space<hbm>>) dst(%arg8 : memref<128x128xf32, #tpu.memory_space<vmem>>)
      %lt3A_126 = arith.constant 39 : i32
      %lt3A_127 = arith.cmpi slt, %scan3A_76, %lt3A_126 : i32
      %convert_element_type3A_128 = arith.extui %lt3A_127 : i1 to i32
      %cond3A_129 = arith.constant 0 : i32
      %cond3A_130 = arith.cmpi ne, %convert_element_type3A_128, %cond3A_129 : i32
      scf.if %cond3A_130 {
        %dma_wait3A_138 = arith.constant 0 : i32
        %dma_wait3A_139 = arith.constant 0 : i32
        %dma_wait3A_140 = arith.constant 0 : i32
        %dma_wait3A_141 = arith.constant 0 : i32
        %dma_wait3A_142 = tpu.memref_slice %arg6[%dma_wait3A_139, %dma_wait3A_140, %dma_wait3A_141] : memref<2x2x128xi32, #tpu.memory_space<vmem>> -> memref<1x2x128xi32, #tpu.memory_space<vmem>>
        %dma_wait3A_143 = tpu.memref_squeeze %dma_wait3A_142 : memref<1x2x128xi32, #tpu.memory_space<vmem>> -> memref<2x128xi32, #tpu.memory_space<vmem>>
        %dma_wait3A_144 = arith.constant 0 : i32
        %dma_wait3A_145 = arith.constant 0 : i32
        %dma_wait3A_146 = tpu.memref_slice %arg4[%add3A, %dma_wait3A_138, %dma_wait3A_144, %dma_wait3A_145] : memref<32x80x2x128xi32, #tpu.memory_space<hbm>> -> memref<1x1x2x128xi32, #tpu.memory_space<hbm>>
        %dma_wait3A_147 = tpu.memref_squeeze %dma_wait3A_146 : memref<1x1x2x128xi32, #tpu.memory_space<hbm>> -> memref<2x128xi32, #tpu.memory_space<hbm>>
        %dma_wait3A_148 = arith.constant 0 : i32
        %dma_wait3A_149 = arith.constant 0 : i32
        %dma_wait3A_150 = tpu.memref_slice %arg6[%dma_wait3A_139, %dma_wait3A_148, %dma_wait3A_149] : memref<2x2x128xi32, #tpu.memory_space<vmem>> -> memref<1x2x128xi32, #tpu.memory_space<vmem>>
        %dma_wait3A_151 = tpu.memref_squeeze %dma_wait3A_150 : memref<1x2x128xi32, #tpu.memory_space<vmem>> -> memref<2x128xi32, #tpu.memory_space<vmem>>
        %dma_wait3A_152 = arith.constant 0 : i32
        %dma_wait3A_153 = arith.constant 0 : i32
        %dma_wait3A_154 = tpu.memref_slice %arg4[%add3A, %dma_wait3A_138, %dma_wait3A_152, %dma_wait3A_153] : memref<32x80x2x128xi32, #tpu.memory_space<hbm>> -> memref<1x1x2x128xi32, #tpu.memory_space<hbm>>
        %dma_wait3A_155 = tpu.memref_squeeze %dma_wait3A_154 : memref<1x1x2x128xi32, #tpu.memory_space<hbm>> -> memref<2x128xi32, #tpu.memory_space<hbm>>
        tpu.wait_dma2 semaphore(%arg12 : memref<!tpu.dma_semaphore, #tpu.memory_space<semaphore_mem>>) src(%dma_wait3A_155 : memref<2x128xi32, #tpu.memory_space<hbm>>) dst(%dma_wait3A_151 : memref<2x128xi32, #tpu.memory_space<vmem>>)
        %dma_start3A_156 = arith.constant 0 : i32
        %dma_start3A_157 = arith.constant 0 : i32
        %dma_start3A_158 = arith.constant 0 : i32
        %dma_start3A_159 = tpu.memref_slice %arg6[%dma_start3A_156, %dma_start3A_157, %dma_start3A_158] : memref<2x2x128xi32, #tpu.memory_space<vmem>> -> memref<1x1x128xi32, #tpu.memory_space<vmem>>
        %dma_start3A_160 = tpu.memref_squeeze %dma_start3A_159 : memref<1x1x128xi32, #tpu.memory_space<vmem>> -> memref<128xi32, #tpu.memory_space<vmem>>
        %dma_start3A_161 = arith.constant 0 : i32
        %dma_start3A_162 = arith.constant 0 : i32
        %dma_start3A_163 = tpu.memref_slice %arg2[%dma_start3A_161, %dma_start3A_162] : memref<10240x128xf32, #tpu.memory_space<hbm>> -> memref<10240x128xf32, #tpu.memory_space<hbm>>
        tpu.enqueue_indirect_dma source(%dma_start3A_163 : memref<10240x128xf32, #tpu.memory_space<hbm>>) target(%arg7 : memref<128x128xf32, #tpu.memory_space<vmem>>) offsets(%dma_start3A_160 : memref<128xi32, #tpu.memory_space<vmem>>) semaphore(%arg10 : memref<!tpu.dma_semaphore, #tpu.memory_space<semaphore_mem>>)
      } else {
      }
      %run_scoped3A_131 = arith.constant 1 : i32
      %run_scoped3A_132 = arith.constant 1 : i32
      "tpu.region"() ({
        %run_scoped3A_138 = tpu.sem_alloc : memref<!tpu.dma_semaphore, #tpu.memory_space<semaphore_mem>>
        %dma_start3A_139 = arith.constant 0 : i32
        %dma_start3A_140 = tpu.memref_slice %arg6[%run_scoped3A_131, %run_scoped3A_132, %dma_start3A_139] : memref<2x2x128xi32, #tpu.memory_space<vmem>> -> memref<1x1x128xi32, #tpu.memory_space<vmem>>
        %dma_start3A_141 = tpu.memref_squeeze %dma_start3A_140 : memref<1x1x128xi32, #tpu.memory_space<vmem>> -> memref<128xi32, #tpu.memory_space<vmem>>
        %dma_start3A_142 = arith.constant 0 : i32
        %dma_start3A_143 = arith.constant 0 : i32
        %dma_start3A_144 = tpu.memref_slice %arg9[%dma_start3A_142, %dma_start3A_143] : memref<10240x128xf32, #tpu.memory_space<vmem_shared>> -> memref<10240x128xf32, #tpu.memory_space<vmem_shared>>
        tpu.enqueue_indirect_dma source(%arg8 : memref<128x128xf32, #tpu.memory_space<vmem>>) target(%dma_start3A_144 : memref<10240x128xf32, #tpu.memory_space<vmem_shared>>) offsets(%dma_start3A_141 : memref<128xi32, #tpu.memory_space<vmem>>) semaphore(%run_scoped3A_138 : memref<!tpu.dma_semaphore, #tpu.memory_space<semaphore_mem>>) {add = true}
        %dma_wait3A_145 = arith.constant 0 : i32
        %dma_wait3A_146 = tpu.memref_slice %arg6[%run_scoped3A_131, %run_scoped3A_132, %dma_wait3A_145] : memref<2x2x128xi32, #tpu.memory_space<vmem>> -> memref<1x1x128xi32, #tpu.memory_space<vmem>>
        %dma_wait3A_147 = tpu.memref_squeeze %dma_wait3A_146 : memref<1x1x128xi32, #tpu.memory_space<vmem>> -> memref<128xi32, #tpu.memory_space<vmem>>
        %dma_wait3A_148 = arith.constant 0 : i32
        %dma_wait3A_149 = arith.constant 0 : i32
        %dma_wait3A_150 = tpu.memref_slice %arg9[%dma_wait3A_148, %dma_wait3A_149] : memref<10240x128xf32, #tpu.memory_space<vmem_shared>> -> memref<10240x128xf32, #tpu.memory_space<vmem_shared>>
        tpu.wait_indirect_dma semaphore(%run_scoped3A_138 : memref<!tpu.dma_semaphore, #tpu.memory_space<semaphore_mem>>) src(%arg8 : memref<128x128xf32, #tpu.memory_space<vmem>>) dst(%dma_wait3A_150 : memref<10240x128xf32, #tpu.memory_space<vmem_shared>>)
        tpu.yield
      }) : () -> ()
      %lt3A_133 = arith.constant 39 : i32
      %lt3A_134 = arith.cmpi slt, %scan3A_76, %lt3A_133 : i32
      %convert_element_type3A_135 = arith.extui %lt3A_134 : i1 to i32
      %cond3A_136 = arith.constant 0 : i32
      %cond3A_137 = arith.cmpi ne, %convert_element_type3A_135, %cond3A_136 : i32
      scf.if %cond3A_137 {
        %add3A_138 = arith.constant 3 : i32
        %add3A_139 = arith.addi %mul3A_78, %add3A_138 : i32
        %dma_start3A_140 = arith.constant 1 : i32
        %dma_start3A_141 = arith.constant 0 : i32
        %dma_start3A_142 = arith.constant 0 : i32
        %dma_start3A_143 = tpu.memref_slice %arg6[%dma_start3A_140, %dma_start3A_141, %dma_start3A_142] : memref<2x2x128xi32, #tpu.memory_space<vmem>> -> memref<1x2x128xi32, #tpu.memory_space<vmem>>
        %dma_start3A_144 = tpu.memref_squeeze %dma_start3A_143 : memref<1x2x128xi32, #tpu.memory_space<vmem>> -> memref<2x128xi32, #tpu.memory_space<vmem>>
        %dma_start3A_145 = arith.constant 0 : i32
        %dma_start3A_146 = arith.constant 0 : i32
        %dma_start3A_147 = tpu.memref_slice %arg4[%add3A, %add3A_139, %dma_start3A_145, %dma_start3A_146] : memref<32x80x2x128xi32, #tpu.memory_space<hbm>> -> memref<1x1x2x128xi32, #tpu.memory_space<hbm>>
        %dma_start3A_148 = tpu.memref_squeeze %dma_start3A_147 : memref<1x1x2x128xi32, #tpu.memory_space<hbm>> -> memref<2x128xi32, #tpu.memory_space<hbm>>
        %dma_start3A_149 = arith.constant 0 : i32
        %dma_start3A_150 = arith.constant 0 : i32
        %dma_start3A_151 = tpu.memref_slice %arg6[%dma_start3A_140, %dma_start3A_149, %dma_start3A_150] : memref<2x2x128xi32, #tpu.memory_space<vmem>> -> memref<1x2x128xi32, #tpu.memory_space<vmem>>
        %dma_start3A_152 = tpu.memref_squeeze %dma_start3A_151 : memref<1x2x128xi32, #tpu.memory_space<vmem>> -> memref<2x128xi32, #tpu.memory_space<vmem>>
        %dma_start3A_153 = arith.constant 0 : i32
        %dma_start3A_154 = arith.constant 0 : i32
        %dma_start3A_155 = tpu.memref_slice %arg4[%add3A, %add3A_139, %dma_start3A_153, %dma_start3A_154] : memref<32x80x2x128xi32, #tpu.memory_space<hbm>> -> memref<1x1x2x128xi32, #tpu.memory_space<hbm>>
        %dma_start3A_156 = tpu.memref_squeeze %dma_start3A_155 : memref<1x1x2x128xi32, #tpu.memory_space<hbm>> -> memref<2x128xi32, #tpu.memory_space<hbm>>
        tpu.enqueue_dma source(%dma_start3A_156 : memref<2x128xi32, #tpu.memory_space<hbm>>) target(%dma_start3A_152 : memref<2x128xi32, #tpu.memory_space<vmem>>) target_semaphore(%arg13 : memref<!tpu.dma_semaphore, #tpu.memory_space<semaphore_mem>>)
      } else {
      }
    }
    %scan3A_74 = arith.constant 40 : i32
    %barrier3A_75 = arith.constant 0 : index
    tpu.barrier barrier_id(%barrier3A_75)
    "tpu.region"() ({
      %run_scoped3A = tpu.sem_alloc : memref<!tpu.dma_semaphore, #tpu.memory_space<semaphore_mem>>
      %dma_start3A_76 = arith.constant 0 : i32
      %dma_start3A_77 = tpu.memref_slice %arg5[%arg0, %mul3A_2, %dma_start3A_76] : memref<2x10240x128xf32, #tpu.memory_space<hbm>> -> memref<1x640x128xf32, #tpu.memory_space<hbm>>
      %dma_start3A_78 = tpu.memref_squeeze %dma_start3A_77 : memref<1x640x128xf32, #tpu.memory_space<hbm>> -> memref<640x128xf32, #tpu.memory_space<hbm>>
      %dma_start3A_79 = arith.constant 0 : i32
      %dma_start3A_80 = tpu.memref_slice %arg9[%mul3A_2, %dma_start3A_79] : memref<10240x128xf32, #tpu.memory_space<vmem_shared>> -> memref<640x128xf32, #tpu.memory_space<vmem_shared>>
      tpu.enqueue_dma source(%dma_start3A_80 : memref<640x128xf32, #tpu.memory_space<vmem_shared>>) target(%dma_start3A_78 : memref<640x128xf32, #tpu.memory_space<hbm>>) target_semaphore(%run_scoped3A : memref<!tpu.dma_semaphore, #tpu.memory_space<semaphore_mem>>)
      %dma_wait3A_81 = arith.constant 0 : i32
      %dma_wait3A_82 = tpu.memref_slice %arg5[%arg0, %mul3A_2, %dma_wait3A_81] : memref<2x10240x128xf32, #tpu.memory_space<hbm>> -> memref<1x640x128xf32, #tpu.memory_space<hbm>>
      %dma_wait3A_83 = tpu.memref_squeeze %dma_wait3A_82 : memref<1x640x128xf32, #tpu.memory_space<hbm>> -> memref<640x128xf32, #tpu.memory_space<hbm>>
      %dma_wait3A_84 = arith.constant 0 : i32
      %dma_wait3A_85 = tpu.memref_slice %arg9[%mul3A_2, %dma_wait3A_84] : memref<10240x128xf32, #tpu.memory_space<vmem_shared>> -> memref<640x128xf32, #tpu.memory_space<vmem_shared>>
      tpu.wait_dma2 semaphore(%run_scoped3A : memref<!tpu.dma_semaphore, #tpu.memory_space<semaphore_mem>>) src(%dma_wait3A_85 : memref<640x128xf32, #tpu.memory_space<vmem_shared>>) dst(%dma_wait3A_83 : memref<640x128xf32, #tpu.memory_space<hbm>>)
      tpu.yield
    }) : () -> ()
    return
  }
}

module attributes {stable_mosaic.version = 14 : i64} {
  func.func @_t0_body(%arg0: i32, %arg1: memref<1x640x1xf32, #tpu.memory_space<vmem>>, %arg2: memref<1x640x1xf32, #tpu.memory_space<vmem>>, %arg3: memref<640x128xf32, #tpu.memory_space<vmem>>, %arg4: memref<128x128xf32, #tpu.memory_space<vmem>>, %arg5: memref<1x128xf32, #tpu.memory_space<vmem>>, %arg6: memref<640x128xf32, #tpu.memory_space<vmem>>, %arg7: memref<640x128xf32, #tpu.memory_space<vmem>>, %arg8: memref<640x1xf32, #tpu.memory_space<vmem>>) attributes {dimension_semantics = [#tpu.dimension_semantics<arbitrary>], iteration_bounds = array<i64: 16>, scalar_prefetch = 0 : i64, scratch_operands = 0 : i64, tpu.core_type = #tpu.core_type<tc>, window_params = [{transform_indices = @transform_0, window_bounds = array<i64: 1, 640, 1>}, {transform_indices = @transform_1, window_bounds = array<i64: 1, 640, 1>}, {transform_indices = @transform_2, window_bounds = array<i64: 640, 128>}, {pipeline_mode = #tpu.pipeline_mode<synchronous>, transform_indices = @transform_3, window_bounds = array<i64: 128, 128>}, {pipeline_mode = #tpu.pipeline_mode<synchronous>, transform_indices = @transform_4, window_bounds = array<i64: 1, 128>}, {transform_indices = @transform_5, window_bounds = array<i64: 640, 128>}, {transform_indices = @transform_6, window_bounds = array<i64: 640, 128>}, {transform_indices = @transform_7, window_bounds = array<i64: 640, 1>}]} {
    %get3A = arith.constant 0 : index
    %get3A_0 = arith.constant 0 : index
    %get3A_1 = arith.constant 0 : index
    %get3A_2 = vector.load %arg1[%get3A, %get3A_0, %get3A_1] : memref<1x640x1xf32, #tpu.memory_space<vmem>>, vector<1x640x1xf32>
    %get3A_3 = vector.shape_cast %get3A_2 : vector<1x640x1xf32> to vector<640x1xf32>
    %get3A_4 = arith.constant 0 : index
    %get3A_5 = arith.constant 0 : index
    %get3A_6 = arith.constant 0 : index
    %get3A_7 = vector.load %arg2[%get3A_4, %get3A_5, %get3A_6] : memref<1x640x1xf32, #tpu.memory_space<vmem>>, vector<1x640x1xf32>
    %get3A_8 = vector.shape_cast %get3A_7 : vector<1x640x1xf32> to vector<640x1xf32>
    %add3A = arith.addf %get3A_3, %get3A_8 : vector<640x1xf32>
    %add3A_9 = arith.constant 1.000000e+00 : f32
    %add3A_10 = vector.broadcast %add3A_9 : f32 to vector<640x1xf32>
    %add3A_11 = arith.addf %add3A, %add3A_10 : vector<640x1xf32>
    %rsqrt3A = math.rsqrt %add3A_11 : vector<640x1xf32>
    %swap3A = arith.constant 0 : index
    %swap3A_12 = arith.constant 0 : index
    %swap3A_13 = vector.load %arg8[%swap3A, %swap3A_12] : memref<640x1xf32, #tpu.memory_space<vmem>>, vector<640x1xf32>
    tpu.vector_store %arg8[%swap3A, %swap3A_12], %rsqrt3A {strides = array<i32>} : memref<640x1xf32, #tpu.memory_space<vmem>>, vector<640x1xf32>,
    %get3A_14 = arith.constant 0 : index
    %get3A_15 = arith.constant 0 : index
    %get3A_16 = vector.load %arg3[%get3A_14, %get3A_15] : memref<640x128xf32, #tpu.memory_space<vmem>>, vector<640x128xf32>
    %get3A_17 = arith.constant 0 : index
    %get3A_18 = arith.constant 0 : index
    %get3A_19 = vector.load %arg4[%get3A_17, %get3A_18] : memref<128x128xf32, #tpu.memory_space<vmem>>, vector<128x128xf32>
    %dot_general3A = arith.constant dense<0.000000e+00> : vector<640x128xf32>
    %dot_general3A_20 = tpu.matmul %get3A_16, %get3A_19, %dot_general3A {dimension_numbers = #tpu.dot_dimension_numbers<[1], [0], [0], [1], [0, 0, 1, 1], [], []>, precision = #tpu.contract_precision<fp32>, transpose_lhs_hint = false} : vector<640x128xf32>, vector<128x128xf32>, vector<640x128xf32> -> vector<640x128xf32>
    %get3A_21 = arith.constant 0 : index
    %get3A_22 = arith.constant 0 : index
    %get3A_23 = vector.load %arg5[%get3A_21, %get3A_22] : memref<1x128xf32, #tpu.memory_space<vmem>>, vector<1x128xf32>
    %add3A_24 = vector.broadcast %get3A_23 : vector<1x128xf32> to vector<640x128xf32>
    %add3A_25 = arith.addf %dot_general3A_20, %add3A_24 : vector<640x128xf32>
    %swap3A_26 = arith.constant 0 : index
    %swap3A_27 = arith.constant 0 : index
    %swap3A_28 = vector.load %arg6[%swap3A_26, %swap3A_27] : memref<640x128xf32, #tpu.memory_space<vmem>>, vector<640x128xf32>
    tpu.vector_store %arg6[%swap3A_26, %swap3A_27], %add3A_25 {strides = array<i32>} : memref<640x128xf32, #tpu.memory_space<vmem>>, vector<640x128xf32>,
    %get3A_29 = arith.constant 0 : index
    %get3A_30 = arith.constant 0 : index
    %get3A_31 = vector.load %arg3[%get3A_29, %get3A_30] : memref<640x128xf32, #tpu.memory_space<vmem>>, vector<640x128xf32>
    %mul3A = vector.broadcast %rsqrt3A : vector<640x1xf32> to vector<640x128xf32>
    %mul3A_32 = arith.mulf %get3A_31, %mul3A : vector<640x128xf32>
    %swap3A_33 = arith.constant 0 : index
    %swap3A_34 = arith.constant 0 : index
    %swap3A_35 = vector.load %arg7[%swap3A_33, %swap3A_34] : memref<640x128xf32, #tpu.memory_space<vmem>>, vector<640x128xf32>
    tpu.vector_store %arg7[%swap3A_33, %swap3A_34], %mul3A_32 {strides = array<i32>} : memref<640x128xf32, #tpu.memory_space<vmem>>, vector<640x128xf32>,
    return
  }
  func.func @transform_0(%arg0: i32) -> (i32, i32, i32) {
    %c0_i32 = arith.constant 0 : i32
    %c0_i32_0 = arith.constant 0 : i32
    %c0_i32_1 = arith.constant 0 : i32
    return %c0_i32, %arg0, %c0_i32_0 : i32, i32, i32
  }
  func.func @transform_1(%arg0: i32) -> (i32, i32, i32) {
    %c1_i32 = arith.constant 1 : i32
    %c0_i32 = arith.constant 0 : i32
    %c0_i32_0 = arith.constant 0 : i32
    return %c1_i32, %arg0, %c0_i32 : i32, i32, i32
  }
  func.func @transform_2(%arg0: i32) -> (i32, i32) {
    %c0_i32 = arith.constant 0 : i32
    %c0_i32_0 = arith.constant 0 : i32
    return %arg0, %c0_i32 : i32, i32
  }
  func.func @transform_3(%arg0: i32) -> (i32, i32) {
    %c0_i32 = arith.constant 0 : i32
    %c0_i32_0 = arith.constant 0 : i32
    %c0_i32_1 = arith.constant 0 : i32
    return %c0_i32, %c0_i32_0 : i32, i32
  }
  func.func @transform_4(%arg0: i32) -> (i32, i32) {
    %c0_i32 = arith.constant 0 : i32
    %c0_i32_0 = arith.constant 0 : i32
    %c0_i32_1 = arith.constant 0 : i32
    return %c0_i32, %c0_i32_0 : i32, i32
  }
  func.func @transform_5(%arg0: i32) -> (i32, i32) {
    %c0_i32 = arith.constant 0 : i32
    %c0_i32_0 = arith.constant 0 : i32
    return %arg0, %c0_i32 : i32, i32
  }
  func.func @transform_6(%arg0: i32) -> (i32, i32) {
    %c0_i32 = arith.constant 0 : i32
    %c0_i32_0 = arith.constant 0 : i32
    return %arg0, %c0_i32 : i32, i32
  }
  func.func @transform_7(%arg0: i32) -> (i32, i32) {
    %c0_i32 = arith.constant 0 : i32
    %c0_i32_0 = arith.constant 0 : i32
    return %arg0, %c0_i32 : i32, i32
  }
}

module attributes {stable_mosaic.version = 14 : i64} {
  func.func @_t1l0_body(%arg0: i32, %arg1: memref<1x640x128xf32, #tpu.memory_space<vmem>>, %arg2: memref<1x640x128xf32, #tpu.memory_space<vmem>>, %arg3: memref<640x1xf32, #tpu.memory_space<vmem>>, %arg4: memref<128x128xf32, #tpu.memory_space<vmem>>, %arg5: memref<1x128xf32, #tpu.memory_space<vmem>>, %arg6: memref<640x128xf32, #tpu.memory_space<vmem>>, %arg7: memref<640x128xf32, #tpu.memory_space<vmem>>) attributes {dimension_semantics = [#tpu.dimension_semantics<arbitrary>], iteration_bounds = array<i64: 16>, scalar_prefetch = 0 : i64, scratch_operands = 0 : i64, tpu.core_type = #tpu.core_type<tc>, window_params = [{transform_indices = @transform_0, window_bounds = array<i64: 1, 640, 128>}, {transform_indices = @transform_1, window_bounds = array<i64: 1, 640, 128>}, {transform_indices = @transform_2, window_bounds = array<i64: 640, 1>}, {pipeline_mode = #tpu.pipeline_mode<synchronous>, transform_indices = @transform_3, window_bounds = array<i64: 128, 128>}, {pipeline_mode = #tpu.pipeline_mode<synchronous>, transform_indices = @transform_4, window_bounds = array<i64: 1, 128>}, {transform_indices = @transform_5, window_bounds = array<i64: 640, 128>}, {transform_indices = @transform_6, window_bounds = array<i64: 640, 128>}]} {
    %get3A = arith.constant 0 : index
    %get3A_0 = arith.constant 0 : index
    %get3A_1 = vector.load %arg3[%get3A, %get3A_0] : memref<640x1xf32, #tpu.memory_space<vmem>>, vector<640x1xf32>
    %get3A_2 = arith.constant 0 : index
    %get3A_3 = arith.constant 0 : index
    %get3A_4 = arith.constant 0 : index
    %get3A_5 = vector.load %arg1[%get3A_2, %get3A_3, %get3A_4] : memref<1x640x128xf32, #tpu.memory_space<vmem>>, vector<1x640x128xf32>
    %get3A_6 = vector.shape_cast %get3A_5 : vector<1x640x128xf32> to vector<640x128xf32>
    %get3A_7 = arith.constant 0 : index
    %get3A_8 = arith.constant 0 : index
    %get3A_9 = arith.constant 0 : index
    %get3A_10 = vector.load %arg2[%get3A_7, %get3A_8, %get3A_9] : memref<1x640x128xf32, #tpu.memory_space<vmem>>, vector<1x640x128xf32>
    %get3A_11 = vector.shape_cast %get3A_10 : vector<1x640x128xf32> to vector<640x128xf32>
    %add3A = arith.addf %get3A_6, %get3A_11 : vector<640x128xf32>
    %mul3A = vector.broadcast %get3A_1 : vector<640x1xf32> to vector<640x128xf32>
    %mul3A_12 = arith.mulf %add3A, %mul3A : vector<640x128xf32>
    %get3A_13 = arith.constant 0 : index
    %get3A_14 = arith.constant 0 : index
    %get3A_15 = vector.load %arg4[%get3A_13, %get3A_14] : memref<128x128xf32, #tpu.memory_space<vmem>>, vector<128x128xf32>
    %dot_general3A = arith.constant dense<0.000000e+00> : vector<640x128xf32>
    %dot_general3A_16 = tpu.matmul %mul3A_12, %get3A_15, %dot_general3A {dimension_numbers = #tpu.dot_dimension_numbers<[1], [0], [0], [1], [0, 0, 1, 1], [], []>, precision = #tpu.contract_precision<fp32>, transpose_lhs_hint = false} : vector<640x128xf32>, vector<128x128xf32>, vector<640x128xf32> -> vector<640x128xf32>
    %get3A_17 = arith.constant 0 : index
    %get3A_18 = arith.constant 0 : index
    %get3A_19 = vector.load %arg5[%get3A_17, %get3A_18] : memref<1x128xf32, #tpu.memory_space<vmem>>, vector<1x128xf32>
    %add3A_20 = vector.broadcast %get3A_19 : vector<1x128xf32> to vector<640x128xf32>
    %add3A_21 = arith.addf %dot_general3A_16, %add3A_20 : vector<640x128xf32>
    %swap3A = arith.constant 0 : index
    %swap3A_22 = arith.constant 0 : index
    %swap3A_23 = vector.load %arg6[%swap3A, %swap3A_22] : memref<640x128xf32, #tpu.memory_space<vmem>>, vector<640x128xf32>
    tpu.vector_store %arg6[%swap3A, %swap3A_22], %add3A_21 {strides = array<i32>} : memref<640x128xf32, #tpu.memory_space<vmem>>, vector<640x128xf32>,
    %mul3A_24 = arith.mulf %get3A_1, %get3A_1 : vector<640x1xf32>
    %mul3A_25 = vector.broadcast %mul3A_24 : vector<640x1xf32> to vector<640x128xf32>
    %mul3A_26 = arith.mulf %add3A, %mul3A_25 : vector<640x128xf32>
    %swap3A_27 = arith.constant 0 : index
    %swap3A_28 = arith.constant 0 : index
    %swap3A_29 = vector.load %arg7[%swap3A_27, %swap3A_28] : memref<640x128xf32, #tpu.memory_space<vmem>>, vector<640x128xf32>
    tpu.vector_store %arg7[%swap3A_27, %swap3A_28], %mul3A_26 {strides = array<i32>} : memref<640x128xf32, #tpu.memory_space<vmem>>, vector<640x128xf32>,
    return
  }
  func.func @transform_0(%arg0: i32) -> (i32, i32, i32) {
    %c0_i32 = arith.constant 0 : i32
    %c0_i32_0 = arith.constant 0 : i32
    %c0_i32_1 = arith.constant 0 : i32
    return %c0_i32, %arg0, %c0_i32_0 : i32, i32, i32
  }
  func.func @transform_1(%arg0: i32) -> (i32, i32, i32) {
    %c1_i32 = arith.constant 1 : i32
    %c0_i32 = arith.constant 0 : i32
    %c0_i32_0 = arith.constant 0 : i32
    return %c1_i32, %arg0, %c0_i32 : i32, i32, i32
  }
  func.func @transform_2(%arg0: i32) -> (i32, i32) {
    %c0_i32 = arith.constant 0 : i32
    %c0_i32_0 = arith.constant 0 : i32
    return %arg0, %c0_i32 : i32, i32
  }
  func.func @transform_3(%arg0: i32) -> (i32, i32) {
    %c0_i32 = arith.constant 0 : i32
    %c0_i32_0 = arith.constant 0 : i32
    %c0_i32_1 = arith.constant 0 : i32
    return %c0_i32, %c0_i32_0 : i32, i32
  }
  func.func @transform_4(%arg0: i32) -> (i32, i32) {
    %c0_i32 = arith.constant 0 : i32
    %c0_i32_0 = arith.constant 0 : i32
    %c0_i32_1 = arith.constant 0 : i32
    return %c0_i32, %c0_i32_0 : i32, i32
  }
  func.func @transform_5(%arg0: i32) -> (i32, i32) {
    %c0_i32 = arith.constant 0 : i32
    %c0_i32_0 = arith.constant 0 : i32
    return %arg0, %c0_i32 : i32, i32
  }
  func.func @transform_6(%arg0: i32) -> (i32, i32) {
    %c0_i32 = arith.constant 0 : i32
    %c0_i32_0 = arith.constant 0 : i32
    return %arg0, %c0_i32 : i32, i32
  }
}

module attributes {stable_mosaic.version = 14 : i64} {
  func.func @_t2a_body(%arg0: i32, %arg1: memref<1x640x128xf32, #tpu.memory_space<vmem>>, %arg2: memref<1x640x128xf32, #tpu.memory_space<vmem>>, %arg3: memref<640x1xf32, #tpu.memory_space<vmem>>, %arg4: memref<640x128xf32, #tpu.memory_space<vmem>>, %arg5: memref<640x128xf32, #tpu.memory_space<vmem>>, %arg6: memref<128x128xf32, #tpu.memory_space<vmem>>, %arg7: memref<1x128xf32, #tpu.memory_space<vmem>>, %arg8: memref<384x128xf32, #tpu.memory_space<vmem>>, %arg9: memref<1x128xf32, #tpu.memory_space<vmem>>, %arg10: memref<640x128xf32, #tpu.memory_space<vmem>>, %arg11: memref<640x128xf32, #tpu.memory_space<vmem>>, %arg12: memref<640x128xf32, #tpu.memory_space<vmem>>, %arg13: memref<640x128xf32, #tpu.memory_space<vmem>>) attributes {dimension_semantics = [#tpu.dimension_semantics<arbitrary>], iteration_bounds = array<i64: 16>, scalar_prefetch = 0 : i64, scratch_operands = 0 : i64, tpu.core_type = #tpu.core_type<tc>, window_params = [{transform_indices = @transform_0, window_bounds = array<i64: 1, 640, 128>}, {transform_indices = @transform_1, window_bounds = array<i64: 1, 640, 128>}, {transform_indices = @transform_2, window_bounds = array<i64: 640, 1>}, {transform_indices = @transform_3, window_bounds = array<i64: 640, 128>}, {transform_indices = @transform_4, window_bounds = array<i64: 640, 128>}, {pipeline_mode = #tpu.pipeline_mode<synchronous>, transform_indices = @transform_5, window_bounds = array<i64: 128, 128>}, {pipeline_mode = #tpu.pipeline_mode<synchronous>, transform_indices = @transform_6, window_bounds = array<i64: 1, 128>}, {pipeline_mode = #tpu.pipeline_mode<synchronous>, transform_indices = @transform_7, window_bounds = array<i64: 384, 128>}, {pipeline_mode = #tpu.pipeline_mode<synchronous>, transform_indices = @transform_8, window_bounds = array<i64: 1, 128>}, {transform_indices = @transform_9, window_bounds = array<i64: 640, 128>}, {transform_indices = @transform_10, window_bounds = array<i64: 640, 128>}, {transform_indices = @transform_11, window_bounds = array<i64: 640, 128>}, {transform_indices = @transform_12, window_bounds = array<i64: 640, 128>}]} {
    %get3A = arith.constant 0 : index
    %get3A_0 = arith.constant 0 : index
    %get3A_1 = vector.load %arg3[%get3A, %get3A_0] : memref<640x1xf32, #tpu.memory_space<vmem>>, vector<640x1xf32>
    %get3A_2 = arith.constant 0 : index
    %get3A_3 = arith.constant 0 : index
    %get3A_4 = arith.constant 0 : index
    %get3A_5 = vector.load %arg1[%get3A_2, %get3A_3, %get3A_4] : memref<1x640x128xf32, #tpu.memory_space<vmem>>, vector<1x640x128xf32>
    %get3A_6 = vector.shape_cast %get3A_5 : vector<1x640x128xf32> to vector<640x128xf32>
    %get3A_7 = arith.constant 0 : index
    %get3A_8 = arith.constant 0 : index
    %get3A_9 = arith.constant 0 : index
    %get3A_10 = vector.load %arg2[%get3A_7, %get3A_8, %get3A_9] : memref<1x640x128xf32, #tpu.memory_space<vmem>>, vector<1x640x128xf32>
    %get3A_11 = vector.shape_cast %get3A_10 : vector<1x640x128xf32> to vector<640x128xf32>
    %add3A = arith.addf %get3A_6, %get3A_11 : vector<640x128xf32>
    %mul3A = vector.broadcast %get3A_1 : vector<640x1xf32> to vector<640x128xf32>
    %mul3A_12 = arith.mulf %add3A, %mul3A : vector<640x128xf32>
    %get3A_13 = arith.constant 0 : index
    %get3A_14 = arith.constant 0 : index
    %get3A_15 = vector.load %arg6[%get3A_13, %get3A_14] : memref<128x128xf32, #tpu.memory_space<vmem>>, vector<128x128xf32>
    %dot_general3A = arith.constant dense<0.000000e+00> : vector<640x128xf32>
    %dot_general3A_16 = tpu.matmul %mul3A_12, %get3A_15, %dot_general3A {dimension_numbers = #tpu.dot_dimension_numbers<[1], [0], [0], [1], [0, 0, 1, 1], [], []>, precision = #tpu.contract_precision<fp32>, transpose_lhs_hint = false} : vector<640x128xf32>, vector<128x128xf32>, vector<640x128xf32> -> vector<640x128xf32>
    %get3A_17 = arith.constant 0 : index
    %get3A_18 = arith.constant 0 : index
    %get3A_19 = vector.load %arg7[%get3A_17, %get3A_18] : memref<1x128xf32, #tpu.memory_space<vmem>>, vector<1x128xf32>
    %add3A_20 = vector.broadcast %get3A_19 : vector<1x128xf32> to vector<640x128xf32>
    %add3A_21 = arith.addf %dot_general3A_16, %add3A_20 : vector<640x128xf32>
    %get3A_22 = arith.constant 0 : index
    %get3A_23 = arith.constant 0 : index
    %get3A_24 = vector.load %arg4[%get3A_22, %get3A_23] : memref<640x128xf32, #tpu.memory_space<vmem>>, vector<640x128xf32>
    %get3A_25 = arith.constant 0 : index
    %get3A_26 = arith.constant 0 : index
    %get3A_27 = vector.load %arg5[%get3A_25, %get3A_26] : memref<640x128xf32, #tpu.memory_space<vmem>>, vector<640x128xf32>
    %concatenate3A = tpu.concatenate %get3A_24, %get3A_27, %add3A_21 in 1 : vector<640x128xf32>, vector<640x128xf32>, vector<640x128xf32> -> vector<640x384xf32>
    %max3A = arith.constant 0.000000e+00 : f32
    %max3A_28 = vector.broadcast %max3A : f32 to vector<640x384xf32>
    %max3A_29 = arith.maximumf %concatenate3A, %max3A_28 : vector<640x384xf32>
    %get3A_30 = arith.constant 0 : index
    %get3A_31 = arith.constant 0 : index
    %get3A_32 = vector.load %arg8[%get3A_30, %get3A_31] : memref<384x128xf32, #tpu.memory_space<vmem>>, vector<384x128xf32>
    %dot_general3A_33 = arith.constant dense<0.000000e+00> : vector<640x128xf32>
    %dot_general3A_34 = tpu.matmul %max3A_29, %get3A_32, %dot_general3A_33 {dimension_numbers = #tpu.dot_dimension_numbers<[1], [0], [0], [1], [0, 0, 1, 1], [], []>, precision = #tpu.contract_precision<fp32>, transpose_lhs_hint = false} : vector<640x384xf32>, vector<384x128xf32>, vector<640x128xf32> -> vector<640x128xf32>
    %get3A_35 = arith.constant 0 : index
    %get3A_36 = arith.constant 0 : index
    %get3A_37 = vector.load %arg9[%get3A_35, %get3A_36] : memref<1x128xf32, #tpu.memory_space<vmem>>, vector<1x128xf32>
    %add3A_38 = vector.broadcast %get3A_37 : vector<1x128xf32> to vector<640x128xf32>
    %add3A_39 = arith.addf %dot_general3A_34, %add3A_38 : vector<640x128xf32>
    %swap3A = arith.constant 0 : index
    %swap3A_40 = arith.constant 0 : index
    %swap3A_41 = vector.load %arg10[%swap3A, %swap3A_40] : memref<640x128xf32, #tpu.memory_space<vmem>>, vector<640x128xf32>
    tpu.vector_store %arg10[%swap3A, %swap3A_40], %add3A_39 {strides = array<i32>} : memref<640x128xf32, #tpu.memory_space<vmem>>, vector<640x128xf32>,
    %slice3A = vector.extract_strided_slice %max3A_29 {offsets = [0, 0], sizes = [640, 128], strides = [1, 1]} : vector<640x384xf32> to vector<640x128xf32>
    %mul3A_42 = vector.broadcast %get3A_1 : vector<640x1xf32> to vector<640x128xf32>
    %mul3A_43 = arith.mulf %slice3A, %mul3A_42 : vector<640x128xf32>
    %swap3A_44 = arith.constant 0 : index
    %swap3A_45 = arith.constant 0 : index
    %swap3A_46 = vector.load %arg11[%swap3A_44, %swap3A_45] : memref<640x128xf32, #tpu.memory_space<vmem>>, vector<640x128xf32>
    tpu.vector_store %arg11[%swap3A_44, %swap3A_45], %mul3A_43 {strides = array<i32>} : memref<640x128xf32, #tpu.memory_space<vmem>>, vector<640x128xf32>,
    %slice3A_47 = vector.extract_strided_slice %max3A_29 {offsets = [0, 128], sizes = [640, 128], strides = [1, 1]} : vector<640x384xf32> to vector<640x128xf32>
    %mul3A_48 = vector.broadcast %get3A_1 : vector<640x1xf32> to vector<640x128xf32>
    %mul3A_49 = arith.mulf %slice3A_47, %mul3A_48 : vector<640x128xf32>
    %swap3A_50 = arith.constant 0 : index
    %swap3A_51 = arith.constant 0 : index
    %swap3A_52 = vector.load %arg12[%swap3A_50, %swap3A_51] : memref<640x128xf32, #tpu.memory_space<vmem>>, vector<640x128xf32>
    tpu.vector_store %arg12[%swap3A_50, %swap3A_51], %mul3A_49 {strides = array<i32>} : memref<640x128xf32, #tpu.memory_space<vmem>>, vector<640x128xf32>,
    %slice3A_53 = vector.extract_strided_slice %max3A_29 {offsets = [0, 256], sizes = [640, 128], strides = [1, 1]} : vector<640x384xf32> to vector<640x128xf32>
    %mul3A_54 = vector.broadcast %get3A_1 : vector<640x1xf32> to vector<640x128xf32>
    %mul3A_55 = arith.mulf %slice3A_53, %mul3A_54 : vector<640x128xf32>
    %swap3A_56 = arith.constant 0 : index
    %swap3A_57 = arith.constant 0 : index
    %swap3A_58 = vector.load %arg13[%swap3A_56, %swap3A_57] : memref<640x128xf32, #tpu.memory_space<vmem>>, vector<640x128xf32>
    tpu.vector_store %arg13[%swap3A_56, %swap3A_57], %mul3A_55 {strides = array<i32>} : memref<640x128xf32, #tpu.memory_space<vmem>>, vector<640x128xf32>,
    return
  }
  func.func @transform_0(%arg0: i32) -> (i32, i32, i32) {
    %c0_i32 = arith.constant 0 : i32
    %c0_i32_0 = arith.constant 0 : i32
    %c0_i32_1 = arith.constant 0 : i32
    return %c0_i32, %arg0, %c0_i32_0 : i32, i32, i32
  }
  func.func @transform_1(%arg0: i32) -> (i32, i32, i32) {
    %c1_i32 = arith.constant 1 : i32
    %c0_i32 = arith.constant 0 : i32
    %c0_i32_0 = arith.constant 0 : i32
    return %c1_i32, %arg0, %c0_i32 : i32, i32, i32
  }
  func.func @transform_2(%arg0: i32) -> (i32, i32) {
    %c0_i32 = arith.constant 0 : i32
    %c0_i32_0 = arith.constant 0 : i32
    return %arg0, %c0_i32 : i32, i32
  }
  func.func @transform_3(%arg0: i32) -> (i32, i32) {
    %c0_i32 = arith.constant 0 : i32
    %c0_i32_0 = arith.constant 0 : i32
    return %arg0, %c0_i32 : i32, i32
  }
  func.func @transform_4(%arg0: i32) -> (i32, i32) {
    %c0_i32 = arith.constant 0 : i32
    %c0_i32_0 = arith.constant 0 : i32
    return %arg0, %c0_i32 : i32, i32
  }
  func.func @transform_5(%arg0: i32) -> (i32, i32) {
    %c0_i32 = arith.constant 0 : i32
    %c0_i32_0 = arith.constant 0 : i32
    %c0_i32_1 = arith.constant 0 : i32
    return %c0_i32, %c0_i32_0 : i32, i32
  }
  func.func @transform_6(%arg0: i32) -> (i32, i32) {
    %c0_i32 = arith.constant 0 : i32
    %c0_i32_0 = arith.constant 0 : i32
    %c0_i32_1 = arith.constant 0 : i32
    return %c0_i32, %c0_i32_0 : i32, i32
  }
  func.func @transform_7(%arg0: i32) -> (i32, i32) {
    %c0_i32 = arith.constant 0 : i32
    %c0_i32_0 = arith.constant 0 : i32
    %c0_i32_1 = arith.constant 0 : i32
    return %c0_i32, %c0_i32_0 : i32, i32
  }
  func.func @transform_8(%arg0: i32) -> (i32, i32) {
    %c0_i32 = arith.constant 0 : i32
    %c0_i32_0 = arith.constant 0 : i32
    %c0_i32_1 = arith.constant 0 : i32
    return %c0_i32, %c0_i32_0 : i32, i32
  }
  func.func @transform_9(%arg0: i32) -> (i32, i32) {
    %c0_i32 = arith.constant 0 : i32
    %c0_i32_0 = arith.constant 0 : i32
    return %arg0, %c0_i32 : i32, i32
  }
  func.func @transform_10(%arg0: i32) -> (i32, i32) {
    %c0_i32 = arith.constant 0 : i32
    %c0_i32_0 = arith.constant 0 : i32
    return %arg0, %c0_i32 : i32, i32
  }
  func.func @transform_11(%arg0: i32) -> (i32, i32) {
    %c0_i32 = arith.constant 0 : i32
    %c0_i32_0 = arith.constant 0 : i32
    return %arg0, %c0_i32 : i32, i32
  }
  func.func @transform_12(%arg0: i32) -> (i32, i32) {
    %c0_i32 = arith.constant 0 : i32
    %c0_i32_0 = arith.constant 0 : i32
    return %arg0, %c0_i32 : i32, i32
  }
}

module attributes {stable_mosaic.version = 14 : i64} {
  func.func @_t1l1_body(%arg0: i32, %arg1: memref<1x640x128xf32, #tpu.memory_space<vmem>>, %arg2: memref<1x640x128xf32, #tpu.memory_space<vmem>>, %arg3: memref<1x640x128xf32, #tpu.memory_space<vmem>>, %arg4: memref<1x640x128xf32, #tpu.memory_space<vmem>>, %arg5: memref<1x640x128xf32, #tpu.memory_space<vmem>>, %arg6: memref<1x640x128xf32, #tpu.memory_space<vmem>>, %arg7: memref<640x1xf32, #tpu.memory_space<vmem>>, %arg8: memref<384x128xf32, #tpu.memory_space<vmem>>, %arg9: memref<1x128xf32, #tpu.memory_space<vmem>>, %arg10: memref<640x128xf32, #tpu.memory_space<vmem>>, %arg11: memref<640x128xf32, #tpu.memory_space<vmem>>, %arg12: memref<640x128xf32, #tpu.memory_space<vmem>>, %arg13: memref<640x128xf32, #tpu.memory_space<vmem>>) attributes {dimension_semantics = [#tpu.dimension_semantics<arbitrary>], iteration_bounds = array<i64: 16>, scalar_prefetch = 0 : i64, scratch_operands = 0 : i64, tpu.core_type = #tpu.core_type<tc>, window_params = [{transform_indices = @transform_0, window_bounds = array<i64: 1, 640, 128>}, {transform_indices = @transform_1, window_bounds = array<i64: 1, 640, 128>}, {transform_indices = @transform_2, window_bounds = array<i64: 1, 640, 128>}, {transform_indices = @transform_3, window_bounds = array<i64: 1, 640, 128>}, {transform_indices = @transform_4, window_bounds = array<i64: 1, 640, 128>}, {transform_indices = @transform_5, window_bounds = array<i64: 1, 640, 128>}, {transform_indices = @transform_6, window_bounds = array<i64: 640, 1>}, {pipeline_mode = #tpu.pipeline_mode<synchronous>, transform_indices = @transform_7, window_bounds = array<i64: 384, 128>}, {pipeline_mode = #tpu.pipeline_mode<synchronous>, transform_indices = @transform_8, window_bounds = array<i64: 1, 128>}, {transform_indices = @transform_9, window_bounds = array<i64: 640, 128>}, {transform_indices = @transform_10, window_bounds = array<i64: 640, 128>}, {transform_indices = @transform_11, window_bounds = array<i64: 640, 128>}, {transform_indices = @transform_12, window_bounds = array<i64: 640, 128>}]} {
    %get3A = arith.constant 0 : index
    %get3A_0 = arith.constant 0 : index
    %get3A_1 = vector.load %arg7[%get3A, %get3A_0] : memref<640x1xf32, #tpu.memory_space<vmem>>, vector<640x1xf32>
    %get3A_2 = arith.constant 0 : index
    %get3A_3 = arith.constant 0 : index
    %get3A_4 = arith.constant 0 : index
    %get3A_5 = vector.load %arg1[%get3A_2, %get3A_3, %get3A_4] : memref<1x640x128xf32, #tpu.memory_space<vmem>>, vector<1x640x128xf32>
    %get3A_6 = vector.shape_cast %get3A_5 : vector<1x640x128xf32> to vector<640x128xf32>
    %get3A_7 = arith.constant 0 : index
    %get3A_8 = arith.constant 0 : index
    %get3A_9 = arith.constant 0 : index
    %get3A_10 = vector.load %arg2[%get3A_7, %get3A_8, %get3A_9] : memref<1x640x128xf32, #tpu.memory_space<vmem>>, vector<1x640x128xf32>
    %get3A_11 = vector.shape_cast %get3A_10 : vector<1x640x128xf32> to vector<640x128xf32>
    %add3A = arith.addf %get3A_6, %get3A_11 : vector<640x128xf32>
    %get3A_12 = arith.constant 0 : index
    %get3A_13 = arith.constant 0 : index
    %get3A_14 = arith.constant 0 : index
    %get3A_15 = vector.load %arg3[%get3A_12, %get3A_13, %get3A_14] : memref<1x640x128xf32, #tpu.memory_space<vmem>>, vector<1x640x128xf32>
    %get3A_16 = vector.shape_cast %get3A_15 : vector<1x640x128xf32> to vector<640x128xf32>
    %get3A_17 = arith.constant 0 : index
    %get3A_18 = arith.constant 0 : index
    %get3A_19 = arith.constant 0 : index
    %get3A_20 = vector.load %arg4[%get3A_17, %get3A_18, %get3A_19] : memref<1x640x128xf32, #tpu.memory_space<vmem>>, vector<1x640x128xf32>
    %get3A_21 = vector.shape_cast %get3A_20 : vector<1x640x128xf32> to vector<640x128xf32>
    %add3A_22 = arith.addf %get3A_16, %get3A_21 : vector<640x128xf32>
    %get3A_23 = arith.constant 0 : index
    %get3A_24 = arith.constant 0 : index
    %get3A_25 = arith.constant 0 : index
    %get3A_26 = vector.load %arg5[%get3A_23, %get3A_24, %get3A_25] : memref<1x640x128xf32, #tpu.memory_space<vmem>>, vector<1x640x128xf32>
    %get3A_27 = vector.shape_cast %get3A_26 : vector<1x640x128xf32> to vector<640x128xf32>
    %get3A_28 = arith.constant 0 : index
    %get3A_29 = arith.constant 0 : index
    %get3A_30 = arith.constant 0 : index
    %get3A_31 = vector.load %arg6[%get3A_28, %get3A_29, %get3A_30] : memref<1x640x128xf32, #tpu.memory_space<vmem>>, vector<1x640x128xf32>
    %get3A_32 = vector.shape_cast %get3A_31 : vector<1x640x128xf32> to vector<640x128xf32>
    %add3A_33 = arith.addf %get3A_27, %get3A_32 : vector<640x128xf32>
    %mul3A = vector.broadcast %get3A_1 : vector<640x1xf32> to vector<640x128xf32>
    %mul3A_34 = arith.mulf %add3A, %mul3A : vector<640x128xf32>
    %mul3A_35 = vector.broadcast %get3A_1 : vector<640x1xf32> to vector<640x128xf32>
    %mul3A_36 = arith.mulf %add3A_22, %mul3A_35 : vector<640x128xf32>
    %mul3A_37 = vector.broadcast %get3A_1 : vector<640x1xf32> to vector<640x128xf32>
    %mul3A_38 = arith.mulf %add3A_33, %mul3A_37 : vector<640x128xf32>
    %concatenate3A = tpu.concatenate %mul3A_34, %mul3A_36, %mul3A_38 in 1 : vector<640x128xf32>, vector<640x128xf32>, vector<640x128xf32> -> vector<640x384xf32>
    %get3A_39 = arith.constant 0 : index
    %get3A_40 = arith.constant 0 : index
    %get3A_41 = vector.load %arg8[%get3A_39, %get3A_40] : memref<384x128xf32, #tpu.memory_space<vmem>>, vector<384x128xf32>
    %dot_general3A = arith.constant dense<0.000000e+00> : vector<640x128xf32>
    %dot_general3A_42 = tpu.matmul %concatenate3A, %get3A_41, %dot_general3A {dimension_numbers = #tpu.dot_dimension_numbers<[1], [0], [0], [1], [0, 0, 1, 1], [], []>, precision = #tpu.contract_precision<fp32>, transpose_lhs_hint = false} : vector<640x384xf32>, vector<384x128xf32>, vector<640x128xf32> -> vector<640x128xf32>
    %get3A_43 = arith.constant 0 : index
    %get3A_44 = arith.constant 0 : index
    %get3A_45 = vector.load %arg9[%get3A_43, %get3A_44] : memref<1x128xf32, #tpu.memory_space<vmem>>, vector<1x128xf32>
    %add3A_46 = vector.broadcast %get3A_45 : vector<1x128xf32> to vector<640x128xf32>
    %add3A_47 = arith.addf %dot_general3A_42, %add3A_46 : vector<640x128xf32>
    %swap3A = arith.constant 0 : index
    %swap3A_48 = arith.constant 0 : index
    %swap3A_49 = vector.load %arg10[%swap3A, %swap3A_48] : memref<640x128xf32, #tpu.memory_space<vmem>>, vector<640x128xf32>
    tpu.vector_store %arg10[%swap3A, %swap3A_48], %add3A_47 {strides = array<i32>} : memref<640x128xf32, #tpu.memory_space<vmem>>, vector<640x128xf32>,
    %mul3A_50 = arith.mulf %get3A_1, %get3A_1 : vector<640x1xf32>
    %mul3A_51 = vector.broadcast %mul3A_50 : vector<640x1xf32> to vector<640x128xf32>
    %mul3A_52 = arith.mulf %add3A, %mul3A_51 : vector<640x128xf32>
    %swap3A_53 = arith.constant 0 : index
    %swap3A_54 = arith.constant 0 : index
    %swap3A_55 = vector.load %arg11[%swap3A_53, %swap3A_54] : memref<640x128xf32, #tpu.memory_space<vmem>>, vector<640x128xf32>
    tpu.vector_store %arg11[%swap3A_53, %swap3A_54], %mul3A_52 {strides = array<i32>} : memref<640x128xf32, #tpu.memory_space<vmem>>, vector<640x128xf32>,
    %mul3A_56 = arith.mulf %get3A_1, %get3A_1 : vector<640x1xf32>
    %mul3A_57 = vector.broadcast %mul3A_56 : vector<640x1xf32> to vector<640x128xf32>
    %mul3A_58 = arith.mulf %add3A_22, %mul3A_57 : vector<640x128xf32>
    %swap3A_59 = arith.constant 0 : index
    %swap3A_60 = arith.constant 0 : index
    %swap3A_61 = vector.load %arg12[%swap3A_59, %swap3A_60] : memref<640x128xf32, #tpu.memory_space<vmem>>, vector<640x128xf32>
    tpu.vector_store %arg12[%swap3A_59, %swap3A_60], %mul3A_58 {strides = array<i32>} : memref<640x128xf32, #tpu.memory_space<vmem>>, vector<640x128xf32>,
    %mul3A_62 = arith.mulf %get3A_1, %get3A_1 : vector<640x1xf32>
    %mul3A_63 = vector.broadcast %mul3A_62 : vector<640x1xf32> to vector<640x128xf32>
    %mul3A_64 = arith.mulf %add3A_33, %mul3A_63 : vector<640x128xf32>
    %swap3A_65 = arith.constant 0 : index
    %swap3A_66 = arith.constant 0 : index
    %swap3A_67 = vector.load %arg13[%swap3A_65, %swap3A_66] : memref<640x128xf32, #tpu.memory_space<vmem>>, vector<640x128xf32>
    tpu.vector_store %arg13[%swap3A_65, %swap3A_66], %mul3A_64 {strides = array<i32>} : memref<640x128xf32, #tpu.memory_space<vmem>>, vector<640x128xf32>,
    return
  }
  func.func @transform_0(%arg0: i32) -> (i32, i32, i32) {
    %c0_i32 = arith.constant 0 : i32
    %c0_i32_0 = arith.constant 0 : i32
    %c0_i32_1 = arith.constant 0 : i32
    return %c0_i32, %arg0, %c0_i32_0 : i32, i32, i32
  }
  func.func @transform_1(%arg0: i32) -> (i32, i32, i32) {
    %c1_i32 = arith.constant 1 : i32
    %c0_i32 = arith.constant 0 : i32
    %c0_i32_0 = arith.constant 0 : i32
    return %c1_i32, %arg0, %c0_i32 : i32, i32, i32
  }
  func.func @transform_2(%arg0: i32) -> (i32, i32, i32) {
    %c0_i32 = arith.constant 0 : i32
    %c0_i32_0 = arith.constant 0 : i32
    %c0_i32_1 = arith.constant 0 : i32
    return %c0_i32, %arg0, %c0_i32_0 : i32, i32, i32
  }
  func.func @transform_3(%arg0: i32) -> (i32, i32, i32) {
    %c1_i32 = arith.constant 1 : i32
    %c0_i32 = arith.constant 0 : i32
    %c0_i32_0 = arith.constant 0 : i32
    return %c1_i32, %arg0, %c0_i32 : i32, i32, i32
  }
  func.func @transform_4(%arg0: i32) -> (i32, i32, i32) {
    %c0_i32 = arith.constant 0 : i32
    %c0_i32_0 = arith.constant 0 : i32
    %c0_i32_1 = arith.constant 0 : i32
    return %c0_i32, %arg0, %c0_i32_0 : i32, i32, i32
  }
  func.func @transform_5(%arg0: i32) -> (i32, i32, i32) {
    %c1_i32 = arith.constant 1 : i32
    %c0_i32 = arith.constant 0 : i32
    %c0_i32_0 = arith.constant 0 : i32
    return %c1_i32, %arg0, %c0_i32 : i32, i32, i32
  }
  func.func @transform_6(%arg0: i32) -> (i32, i32) {
    %c0_i32 = arith.constant 0 : i32
    %c0_i32_0 = arith.constant 0 : i32
    return %arg0, %c0_i32 : i32, i32
  }
  func.func @transform_7(%arg0: i32) -> (i32, i32) {
    %c0_i32 = arith.constant 0 : i32
    %c0_i32_0 = arith.constant 0 : i32
    %c0_i32_1 = arith.constant 0 : i32
    return %c0_i32, %c0_i32_0 : i32, i32
  }
  func.func @transform_8(%arg0: i32) -> (i32, i32) {
    %c0_i32 = arith.constant 0 : i32
    %c0_i32_0 = arith.constant 0 : i32
    %c0_i32_1 = arith.constant 0 : i32
    return %c0_i32, %c0_i32_0 : i32, i32
  }
  func.func @transform_9(%arg0: i32) -> (i32, i32) {
    %c0_i32 = arith.constant 0 : i32
    %c0_i32_0 = arith.constant 0 : i32
    return %arg0, %c0_i32 : i32, i32
  }
  func.func @transform_10(%arg0: i32) -> (i32, i32) {
    %c0_i32 = arith.constant 0 : i32
    %c0_i32_0 = arith.constant 0 : i32
    return %arg0, %c0_i32 : i32, i32
  }
  func.func @transform_11(%arg0: i32) -> (i32, i32) {
    %c0_i32 = arith.constant 0 : i32
    %c0_i32_0 = arith.constant 0 : i32
    return %arg0, %c0_i32 : i32, i32
  }
  func.func @transform_12(%arg0: i32) -> (i32, i32) {
    %c0_i32 = arith.constant 0 : i32
    %c0_i32_0 = arith.constant 0 : i32
    return %arg0, %c0_i32 : i32, i32
  }
}

module attributes {stable_mosaic.version = 14 : i64} {
  func.func @_t2b_body(%arg0: i32, %arg1: memref<1x640x128xf32, #tpu.memory_space<vmem>>, %arg2: memref<1x640x128xf32, #tpu.memory_space<vmem>>, %arg3: memref<1x640x128xf32, #tpu.memory_space<vmem>>, %arg4: memref<1x640x128xf32, #tpu.memory_space<vmem>>, %arg5: memref<1x640x128xf32, #tpu.memory_space<vmem>>, %arg6: memref<1x640x128xf32, #tpu.memory_space<vmem>>, %arg7: memref<640x1xf32, #tpu.memory_space<vmem>>, %arg8: memref<640x128xf32, #tpu.memory_space<vmem>>, %arg9: memref<640x128xf32, #tpu.memory_space<vmem>>, %arg10: memref<384x128xf32, #tpu.memory_space<vmem>>, %arg11: memref<1x128xf32, #tpu.memory_space<vmem>>, %arg12: memref<640x384xf32, #tpu.memory_space<vmem>>) attributes {dimension_semantics = [#tpu.dimension_semantics<arbitrary>], iteration_bounds = array<i64: 16>, scalar_prefetch = 0 : i64, scratch_operands = 0 : i64, tpu.core_type = #tpu.core_type<tc>, window_params = [{transform_indices = @transform_0, window_bounds = array<i64: 1, 640, 128>}, {transform_indices = @transform_1, window_bounds = array<i64: 1, 640, 128>}, {transform_indices = @transform_2, window_bounds = array<i64: 1, 640, 128>}, {transform_indices = @transform_3, window_bounds = array<i64: 1, 640, 128>}, {transform_indices = @transform_4, window_bounds = array<i64: 1, 640, 128>}, {transform_indices = @transform_5, window_bounds = array<i64: 1, 640, 128>}, {transform_indices = @transform_6, window_bounds = array<i64: 640, 1>}, {transform_indices = @transform_7, window_bounds = array<i64: 640, 128>}, {transform_indices = @transform_8, window_bounds = array<i64: 640, 128>}, {pipeline_mode = #tpu.pipeline_mode<synchronous>, transform_indices = @transform_9, window_bounds = array<i64: 384, 128>}, {pipeline_mode = #tpu.pipeline_mode<synchronous>, transform_indices = @transform_10, window_bounds = array<i64: 1, 128>}, {transform_indices = @transform_11, window_bounds = array<i64: 640, 384>}]} {
    %get3A = arith.constant 0 : index
    %get3A_0 = arith.constant 0 : index
    %get3A_1 = vector.load %arg7[%get3A, %get3A_0] : memref<640x1xf32, #tpu.memory_space<vmem>>, vector<640x1xf32>
    %get3A_2 = arith.constant 0 : index
    %get3A_3 = arith.constant 0 : index
    %get3A_4 = arith.constant 0 : index
    %get3A_5 = vector.load %arg1[%get3A_2, %get3A_3, %get3A_4] : memref<1x640x128xf32, #tpu.memory_space<vmem>>, vector<1x640x128xf32>
    %get3A_6 = vector.shape_cast %get3A_5 : vector<1x640x128xf32> to vector<640x128xf32>
    %get3A_7 = arith.constant 0 : index
    %get3A_8 = arith.constant 0 : index
    %get3A_9 = arith.constant 0 : index
    %get3A_10 = vector.load %arg2[%get3A_7, %get3A_8, %get3A_9] : memref<1x640x128xf32, #tpu.memory_space<vmem>>, vector<1x640x128xf32>
    %get3A_11 = vector.shape_cast %get3A_10 : vector<1x640x128xf32> to vector<640x128xf32>
    %add3A = arith.addf %get3A_6, %get3A_11 : vector<640x128xf32>
    %mul3A = vector.broadcast %get3A_1 : vector<640x1xf32> to vector<640x128xf32>
    %mul3A_12 = arith.mulf %add3A, %mul3A : vector<640x128xf32>
    %get3A_13 = arith.constant 0 : index
    %get3A_14 = arith.constant 0 : index
    %get3A_15 = arith.constant 0 : index
    %get3A_16 = vector.load %arg3[%get3A_13, %get3A_14, %get3A_15] : memref<1x640x128xf32, #tpu.memory_space<vmem>>, vector<1x640x128xf32>
    %get3A_17 = vector.shape_cast %get3A_16 : vector<1x640x128xf32> to vector<640x128xf32>
    %get3A_18 = arith.constant 0 : index
    %get3A_19 = arith.constant 0 : index
    %get3A_20 = arith.constant 0 : index
    %get3A_21 = vector.load %arg4[%get3A_18, %get3A_19, %get3A_20] : memref<1x640x128xf32, #tpu.memory_space<vmem>>, vector<1x640x128xf32>
    %get3A_22 = vector.shape_cast %get3A_21 : vector<1x640x128xf32> to vector<640x128xf32>
    %add3A_23 = arith.addf %get3A_17, %get3A_22 : vector<640x128xf32>
    %mul3A_24 = vector.broadcast %get3A_1 : vector<640x1xf32> to vector<640x128xf32>
    %mul3A_25 = arith.mulf %add3A_23, %mul3A_24 : vector<640x128xf32>
    %get3A_26 = arith.constant 0 : index
    %get3A_27 = arith.constant 0 : index
    %get3A_28 = arith.constant 0 : index
    %get3A_29 = vector.load %arg5[%get3A_26, %get3A_27, %get3A_28] : memref<1x640x128xf32, #tpu.memory_space<vmem>>, vector<1x640x128xf32>
    %get3A_30 = vector.shape_cast %get3A_29 : vector<1x640x128xf32> to vector<640x128xf32>
    %get3A_31 = arith.constant 0 : index
    %get3A_32 = arith.constant 0 : index
    %get3A_33 = arith.constant 0 : index
    %get3A_34 = vector.load %arg6[%get3A_31, %get3A_32, %get3A_33] : memref<1x640x128xf32, #tpu.memory_space<vmem>>, vector<1x640x128xf32>
    %get3A_35 = vector.shape_cast %get3A_34 : vector<1x640x128xf32> to vector<640x128xf32>
    %add3A_36 = arith.addf %get3A_30, %get3A_35 : vector<640x128xf32>
    %mul3A_37 = vector.broadcast %get3A_1 : vector<640x1xf32> to vector<640x128xf32>
    %mul3A_38 = arith.mulf %add3A_36, %mul3A_37 : vector<640x128xf32>
    %concatenate3A = tpu.concatenate %mul3A_12, %mul3A_25, %mul3A_38 in 1 : vector<640x128xf32>, vector<640x128xf32>, vector<640x128xf32> -> vector<640x384xf32>
    %get3A_39 = arith.constant 0 : index
    %get3A_40 = arith.constant 0 : index
    %get3A_41 = vector.load %arg10[%get3A_39, %get3A_40] : memref<384x128xf32, #tpu.memory_space<vmem>>, vector<384x128xf32>
    %dot_general3A = arith.constant dense<0.000000e+00> : vector<640x128xf32>
    %dot_general3A_42 = tpu.matmul %concatenate3A, %get3A_41, %dot_general3A {dimension_numbers = #tpu.dot_dimension_numbers<[1], [0], [0], [1], [0, 0, 1, 1], [], []>, precision = #tpu.contract_precision<fp32>, transpose_lhs_hint = false} : vector<640x384xf32>, vector<384x128xf32>, vector<640x128xf32> -> vector<640x128xf32>
    %get3A_43 = arith.constant 0 : index
    %get3A_44 = arith.constant 0 : index
    %get3A_45 = vector.load %arg11[%get3A_43, %get3A_44] : memref<1x128xf32, #tpu.memory_space<vmem>>, vector<1x128xf32>
    %add3A_46 = vector.broadcast %get3A_45 : vector<1x128xf32> to vector<640x128xf32>
    %add3A_47 = arith.addf %dot_general3A_42, %add3A_46 : vector<640x128xf32>
    %get3A_48 = arith.constant 0 : index
    %get3A_49 = arith.constant 0 : index
    %get3A_50 = vector.load %arg8[%get3A_48, %get3A_49] : memref<640x128xf32, #tpu.memory_space<vmem>>, vector<640x128xf32>
    %get3A_51 = arith.constant 0 : index
    %get3A_52 = arith.constant 0 : index
    %get3A_53 = vector.load %arg9[%get3A_51, %get3A_52] : memref<640x128xf32, #tpu.memory_space<vmem>>, vector<640x128xf32>
    %concatenate3A_54 = tpu.concatenate %get3A_50, %get3A_53, %add3A_47 in 1 : vector<640x128xf32>, vector<640x128xf32>, vector<640x128xf32> -> vector<640x384xf32>
    %max3A = arith.constant 0.000000e+00 : f32
    %max3A_55 = vector.broadcast %max3A : f32 to vector<640x384xf32>
    %max3A_56 = arith.maximumf %concatenate3A_54, %max3A_55 : vector<640x384xf32>
    %swap3A = arith.constant 0 : index
    %swap3A_57 = arith.constant 0 : index
    %swap3A_58 = vector.load %arg12[%swap3A, %swap3A_57] : memref<640x384xf32, #tpu.memory_space<vmem>>, vector<640x384xf32>
    tpu.vector_store %arg12[%swap3A, %swap3A_57], %max3A_56 {strides = array<i32>} : memref<640x384xf32, #tpu.memory_space<vmem>>, vector<640x384xf32>,
    return
  }
  func.func @transform_0(%arg0: i32) -> (i32, i32, i32) {
    %c0_i32 = arith.constant 0 : i32
    %c0_i32_0 = arith.constant 0 : i32
    %c0_i32_1 = arith.constant 0 : i32
    return %c0_i32, %arg0, %c0_i32_0 : i32, i32, i32
  }
  func.func @transform_1(%arg0: i32) -> (i32, i32, i32) {
    %c1_i32 = arith.constant 1 : i32
    %c0_i32 = arith.constant 0 : i32
    %c0_i32_0 = arith.constant 0 : i32
    return %c1_i32, %arg0, %c0_i32 : i32, i32, i32
  }
  func.func @transform_2(%arg0: i32) -> (i32, i32, i32) {
    %c0_i32 = arith.constant 0 : i32
    %c0_i32_0 = arith.constant 0 : i32
    %c0_i32_1 = arith.constant 0 : i32
    return %c0_i32, %arg0, %c0_i32_0 : i32, i32, i32
  }
  func.func @transform_3(%arg0: i32) -> (i32, i32, i32) {
    %c1_i32 = arith.constant 1 : i32
    %c0_i32 = arith.constant 0 : i32
    %c0_i32_0 = arith.constant 0 : i32
    return %c1_i32, %arg0, %c0_i32 : i32, i32, i32
  }
  func.func @transform_4(%arg0: i32) -> (i32, i32, i32) {
    %c0_i32 = arith.constant 0 : i32
    %c0_i32_0 = arith.constant 0 : i32
    %c0_i32_1 = arith.constant 0 : i32
    return %c0_i32, %arg0, %c0_i32_0 : i32, i32, i32
  }
  func.func @transform_5(%arg0: i32) -> (i32, i32, i32) {
    %c1_i32 = arith.constant 1 : i32
    %c0_i32 = arith.constant 0 : i32
    %c0_i32_0 = arith.constant 0 : i32
    return %c1_i32, %arg0, %c0_i32 : i32, i32, i32
  }
  func.func @transform_6(%arg0: i32) -> (i32, i32) {
    %c0_i32 = arith.constant 0 : i32
    %c0_i32_0 = arith.constant 0 : i32
    return %arg0, %c0_i32 : i32, i32
  }
  func.func @transform_7(%arg0: i32) -> (i32, i32) {
    %c0_i32 = arith.constant 0 : i32
    %c0_i32_0 = arith.constant 0 : i32
    return %arg0, %c0_i32 : i32, i32
  }
  func.func @transform_8(%arg0: i32) -> (i32, i32) {
    %c0_i32 = arith.constant 0 : i32
    %c0_i32_0 = arith.constant 0 : i32
    return %arg0, %c0_i32 : i32, i32
  }
  func.func @transform_9(%arg0: i32) -> (i32, i32) {
    %c0_i32 = arith.constant 0 : i32
    %c0_i32_0 = arith.constant 0 : i32
    %c0_i32_1 = arith.constant 0 : i32
    return %c0_i32, %c0_i32_0 : i32, i32
  }
  func.func @transform_10(%arg0: i32) -> (i32, i32) {
    %c0_i32 = arith.constant 0 : i32
    %c0_i32_0 = arith.constant 0 : i32
    %c0_i32_1 = arith.constant 0 : i32
    return %c0_i32, %c0_i32_0 : i32, i32
  }
  func.func @transform_11(%arg0: i32) -> (i32, i32) {
    %c0_i32 = arith.constant 0 : i32
    %c0_i32_0 = arith.constant 0 : i32
    return %arg0, %c0_i32 : i32, i32
  }
}

</mosaic_0001>

<sc_bundles>
// kernel: kernel.16.cloned.1.call-start
scs
__scs_entry_jumppad:
0x0: {  	(pc) =	sbr.rel $0x88, $3  }
0x1: {  	(tag) =	ssettag $0x0;
	lr =	simm.s32 $0x1  }
0x2: {  	[smem:$0x3F93] =	sst lr;
	_ =	strace $0xD0000000  }
0x3: {  	_ = 	snop  }
0x4: {  	_ = 	snop  }
0x5: {  	_ = 	snop  }
0x6: {  	_ = 	snop  }
0x7: {  	_ = 	snop  }
__scs_overlays_trampoline_lowered:
0x8: {  	[smem:$0x3FA2] =	sst s0  }
0x9: {  	[smem:$0x3FA3] =	sst s1  }
0xa: {  	[smem:$0x3FA4] =	sst s2  }
0xb: {  	[smem:$0x3FA5] =	sst s3  }
0xc: {  	[smem:$0x3FA6] =	sst s4  }
0xd: {  	[smem:$0x3FA7] =	sst s5  }
0xe: {  	[smem:$0x3FA8] =	sst s6  }
0xf: {  	[smem:$0x3FA9] =	sst s7  }
0x10: {  	[smem:$0x3FAA] =	sst s8  }
0x11: {  	[smem:$0x3FAB] =	sst s9;
	s0 =	simm.s32 @!p0 $0x0  }
0x12: {  	s1 =	sld [smem:$0x3F91];
	s0 =	simm.s32 @p0 $0x1  }
0x13: {  	[smem:$0x3FAC] =	sst s0;
	s0 =	simm.s32 @!p1 $0x0  }
0x14: {  	s2 =	sld [smem:$0x3F90];
	s0 =	simm.s32 @p1 $0x1  }
0x15: {  	[smem:$0x3FAD] =	sst s0;
	s0 =	simm.s32 @!p2 $0x0  }
0x16: {  	s3 =	sld [smem:$0x3FDB];
	s0 =	simm.s32 @p2 $0x1  }
0x17: {  	s4 =	simm.s32 $0x1BF5;
	[smem:$0x3FAF] =	sst s0  }
0x18: {  	s0 =	sld [smem:$0x3F92];
	_ =	swait.ge [sflag:s4], $0x0  }
0x19: {  	s7 =	sld [smem:$0x3F93]  }
0x1a: {  	s8 =	sadd.s32 $0xFFFFE003, lr  }
0x1b: {  	s9 =	sadd.s32 $0xFFFFFEF7, lr;
	s5 =	simm.s32 $0xFFFFFFFF;
	p2 =	slt.u32 s8, $0xFFFFF086  }
0x1c: {  	p1 =	slt.u32 s9, $0xF7A;
	s5 =	simm.s32 @!p2 $0x0  }
0x1d: {  	s5 =	simm.s32 @p1 $0x1;
	p0 =	seq.s32 s7, s2  }
0x1e: {  	s7 =	smul.u32 @!p0 $0xF7A, s2;
	p2 =	seq.s32 @!p0 s5, $0x0  }
0x1f: {  	s9 =	smul.u32 $0xF7A, s1;
	s8 =	simm.s32 @!p0 $0x1BF5;
	p2 =	por !p2, p0  }
0x20: {  	[sflag:s8] =	ssyncset.s32 @!p0 $0xFFFFF086;
	s6 =	sadd.s32 @!p0 s3, s7;
	s7 =	simm.s32 @!p0 $0x108  }
0x21: {  	s3 =	sadd.s32 s3, s9;
	s6 =	sadd.s32 @!p0 $0x88, s6;
	s7 =	simm.s32 @p2 $0x1082  }
0x22: {  	[simem:s7], [sflag:s8] =	dma.local @!p0 [hbm:s6], $0xF7A  }
0x23: {  	s9 =	sor.u32 $0xD0000000, s2;
	s6 =	simm.s32 $0x108;
	_ =	swait.ge @!p0 [sflag:s8], $0x0  }
0x24: {  	s3 =	sadd.s32 $0x88, s3;
	s6 =	simm.s32 @!p1 $0x1082;
	[sflag:s4] =	ssyncset.s32 $0xFFFFF086  }
0x25: {  	[simem:s6], [sflag:s4] =	dma.local [hbm:s3], $0xF7A  }
0x26: {  	[smem:$0x3F93] =	sst s1;
	(tag) =	ssettag s2;
	_ =	strace s9  }
0x27: {  	s1 =	sld [smem:$0x3FA3]  }
0x28: {  	s2 =	sld [smem:$0x3FA4]  }
0x29: {  	s4 =	sld [smem:$0x3FA6]  }
0x2a: {  	p0 =	seq.s32 s5, $0x0;
	s5 =	sld [smem:$0x3FA7]  }
0x2b: {  	s6 =	sld [smem:$0x3FA8]  }
0x2c: {  	s7 =	sld [smem:$0x3FA9]  }
0x2d: {  	s3 =	simm.s32 $0x108;
	s8 =	sld [smem:$0x3FAA]  }
0x2e: {  	s3 =	simm.s32 @!p0 $0x1082;
	s9 =	sld [smem:$0x3FAB]  }
0x2f: {  	lr =	sadd.s32 s0, s3;
	s0 =	sld [smem:$0x3FA2]  }
0x30: {  	s3 =	sld [smem:$0x3FA5]  }
0x31: {  	[smem:$0x3FAE] =	sst s10  }
0x32: {  	s10 =	sld [smem:$0x3FAC];
	_ =	sdelay $0x3  }
0x33: {  	p0 =	seq.s32 s10, $0x1;
	s10 =	sld [smem:$0x3FAE];
	_ =	sdelay $0x3  }
0x34: {  	[smem:$0x3FAE] =	sst s10  }
0x35: {  	s10 =	sld [smem:$0x3FAD];
	_ =	sdelay $0x3  }
0x36: {  	p1 =	seq.s32 s10, $0x1;
	s10 =	sld [smem:$0x3FAE];
	_ =	sdelay $0x3  }
0x37: {  	[smem:$0x3FAE] =	sst s10  }
0x38: {  	s10 =	sld [smem:$0x3FAF]  }
0x39: {  	_ = 	snop;
	(pc) =	sbr.ind lr, $3  }
0x3a: {  	_ = 	snop  }
0x3b: {  	_ = 	snop  }
0x3c: {  	p2 =	seq.s32 s10, $0x1;
	s10 =	sld [smem:$0x3FAE]  }
0x3d: {  	_ =	shalt  }
0x3e: {  	_ =	shalt  }
0x3f: {  	_ =	shalt  }
0x40: {  	_ =	shalt  }
0x41: {  	_ =	shalt  }
0x42: {  	_ =	shalt  }
0x43: {  	_ =	shalt  }
0x44: {  	_ =	shalt  }
0x45: {  	_ =	shalt  }
0x46: {  	_ =	shalt  }
0x47: {  	_ =	shalt  }
0x48: {  	_ =	shalt  }
0x49: {  	_ =	shalt  }
0x4a: {  	_ =	shalt  }
0x4b: {  	_ =	shalt  }
0x4c: {  	_ =	shalt  }
0x4d: {  	_ =	shalt  }
0x4e: {  	_ =	shalt  }
0x4f: {  	_ =	shalt  }
0x50: {  	_ =	shalt  }
0x51: {  	_ =	shalt  }
0x52: {  	_ =	shalt  }
0x53: {  	_ =	shalt  }
0x54: {  	_ =	shalt  }
0x55: {  	_ =	shalt  }
0x56: {  	_ =	shalt  }
0x57: {  	_ =	shalt  }
0x58: {  	_ =	shalt  }
0x59: {  	_ =	shalt  }
0x5a: {  	_ =	shalt  }
0x5b: {  	_ =	shalt  }
0x5c: {  	_ =	shalt  }
0x5d: {  	_ =	shalt  }
0x5e: {  	_ =	shalt  }
0x5f: {  	_ =	shalt  }
0x60: {  	_ =	shalt  }
0x61: {  	_ =	shalt  }
0x62: {  	_ =	shalt  }
0x63: {  	_ =	shalt  }
0x64: {  	_ =	shalt  }
0x65: {  	_ =	shalt  }
0x66: {  	_ =	shalt  }
0x67: {  	_ =	shalt  }
0x68: {  	_ =	shalt  }
0x69: {  	_ =	shalt  }
0x6a: {  	_ =	shalt  }
0x6b: {  	_ =	shalt  }
0x6c: {  	_ =	shalt  }
0x6d: {  	_ =	shalt  }
0x6e: {  	_ =	shalt  }
0x6f: {  	_ =	shalt  }
0x70: {  	_ =	shalt  }
0x71: {  	_ =	shalt  }
0x72: {  	_ =	shalt  }
0x73: {  	_ =	shalt  }
0x74: {  	_ =	shalt  }
0x75: {  	_ =	shalt  }
0x76: {  	_ =	shalt  }
0x77: {  	_ =	shalt  }
0x78: {  	_ =	shalt  }
0x79: {  	_ =	shalt  }
0x7a: {  	_ =	shalt  }
0x7b: {  	_ =	shalt  }
0x7c: {  	_ =	shalt  }
0x7d: {  	_ =	shalt  }
0x7e: {  	_ =	shalt  }
0x7f: {  	_ =	shalt  }
0x80: {  	_ =	shalt  }
0x81: {  	_ =	shalt  }
0x82: {  	_ =	shalt  }
0x83: {  	_ =	shalt  }
0x84: {  	_ =	shalt  }
0x85: {  	_ =	shalt  }
0x86: {  	_ =	shalt  }
0x87: {  	_ =	shalt  }
.Lfunc_end0:
.L_simem_size_0:
called_computation_lowered:
.L_overlay_start_0:
0x88: {  	s2 =	sld [smem:$0x3FD9]  }
0x89: {  	s3 =	sld [smem:$0x3FFE];
	_ =	sdelay $0x1  }
0x8a: {  	s1 =	srdreg.scid  }
0x8b: {  	s0 =	sand.u32 $0x1, s1  }
0x8c: {  	s17 =	sshll.u32 s0, $0xA;
	s2 =	sadd.s32 s3, s2  }
0x8d: {  	s2 =	sadd.s32 s2, s17  }
0x8e: {  	[smem:$0x3FBA] =	sst s2  }
0x8f: {  	_ = 	snop  }
0x90: {  	s2 =	sld [smem:$0x3FD0];
	(tm) =	ssettm $0x1  }
0x91: {  	s18 =	sld [smem:$0x3FFB];
	_ =	sdelay $0x3  }
0x92: {  	_ =	strace s18  }
0x93: {  	s3 =	sld [smem:$0x3FFC];
	_ =	sdelay $0x3  }
0x94: {  	_ =	strace s3  }
0x95: {  	s3 =	sld [smem:$0x3FFD];
	_ =	sdelay $0x3  }
0x96: {  	_ =	strace s3  }
0x97: {  	_ =	strace $0x8FFFFFFF  }
0x98: {  	s19 =	sld [smem:$0x3FDB];
	_ =	sdelay $0x1  }
0x99: {  	s4 =	simm.s32 $_scs_section_size  }
0x9a: {  	s5 =	simm.s32 $_size__tile_overlayer_lowered;
	s6 =	simm.s32 $_tile_overlayer_lowered  }
0x9b: {  	s22 =	simm.s32 $0x1BFF;
	s21 =	sshll.u32 s6, $0x1;
	s3 =	sadd.s32 s4, s19  }
0x9c: {  	s7 =	simm.s32 $0x0;
	s20 =	sshll.u32 s5, $0x1;
	s5 =	sadd.s32 s21, s3  }
0x9d: {  	[timem:s7], [sflag:s22] =	dma.local [hbm:s5], s20  }
0x9e: {  	_ =	swait.ge [sflag:s22], s20  }
0x9f: {  	s4 =	ssub.s32 $0x0, s20;
	[sflag:s22] =	ssyncset.done $0x0  }
0xa0: {  	[sflag:s22] =	ssyncadd.s32 s4;
	_ =	sdelay $0x1  }
0xa1: {  	s23 =	simm.s32 $0x1B8B  }
0xa2: {  	_ =	swait.ge [sflag:s23], $0x1  }
0xa3: {  	[sflag:s23] =	ssyncset.done $0x0  }
0xa4: {  	s25 =	simm.s32 $0x1B8E;
	s24 =	sld [smem:$0x3FFE];
	[sflag:s23] =	ssyncadd.s32 $0xFFFFFFFF  }
0xa5: {  	s26 =	simm.s32 $execute0_lowered;
	[smem:$0x3FD2] =	sst s25  }
0xa6: {  	s5 =	sshll.u32 s26, $0x1;
	_ =	strace $0x80000046;
	[dreg:$0x1] =	wrdreg $0xFFFFFFFF  }
0xa7: {  	s28 =	simm.s32 $_size_execute0_lowered;
	s3 =	sadd.s32 s3, s5;
	[dreg:$0x0] =	wrdreg $0x0  }
0xa8: {  	s5 =	sshll.u32 s28, $0x1;
	[dreg:$0x2] =	wrdreg s3  }
0xa9: {  	[dreg:$0x3] =	wrdreg s5  }
0xaa: {  	[dreg:$0x4] =	wrdreg $0xC0  }
0xab: {  	_ =	task [dreg:s7], $0x5FFFF  }
0xac: {  	[dreg:$0x1] =	wrdreg $0xFFFFFFFF  }
0xad: {  	[dreg:$0x0] =	wrdreg $0x60  }
0xae: {  	[dreg:$0x2] =	wrdreg s2  }
0xaf: {  	[dreg:$0x3] =	wrdreg s24  }
0xb0: {  	[dreg:$0x4] =	wrdreg $0x28800  }
0xb1: {  	[dreg:$0x5] =	wrdreg $0x9  }
0xb2: {  	_ =	task.clear_ibuf [dreg:s7], $0x6FFFF;
	_ =	strace $0x90000046  }
0xb3: {  	s29 =	simm.s32 $0x9;
	_ =	strace $0x80000048  }
0xb4: {  	_ =	swait.ge [sflag:s29], $0x1  }
0xb5: {  	[sflag:s29] =	ssyncadd.s32 $0xFFFFFFFF  }
0xb6: {  	_ =	strace $0x90000048  }
0xb7: {  	_ =	sfence  }
0xb8: {  	s30 =	sld [smem:$0x0];
	_ =	sdelay $0x2  }
0xb9: {  	s31 =	sshll.u32 s1, $0xD;
	s1 =	sshrl.u32 s1, $0x2  }
0xba: {  	s3 =	sand.u32 $0x4000, s31;
	s1 =	sadd.s32 s1, s30  }
0xbb: {  	s0 =	sor.u32 s3, s0;
	s1 =	sshll.u32 s1, $0x11  }
0xbc: {  	s0 =	sor.u32 s1, s0  }
0xbd: {  	s0 =	sadd.s32 $0x8F2B, s0  }
0xbe: {  	[sflag:s0] =	ssyncadd.remote.s32 $0x1  }
0xbf: {  	_ =	sfence.sel $0xFFFF  }
0xc0: {  	[dreg:$0x0] =	wrdreg $0xFFFFFFFF;
	(pc) =	sbr.abs _section_cstart, $3  }
0xc1: {  	[dreg:$0x1] =	wrdreg $0xFFFFFFFF  }
0xc2: {  	_ =	task.clear_ibuf [dreg:s7], $0x2FFFF;
	_ =	strace $0x9FFFFFFF  }
0xc3: {  	(tm) =	ssettm $0x7FFFFFFF  }
tec
execute0_lowered:
.L_overlay_start_1:
0x0: {  	(tag) =	ssettag $0x1  }
0x1: {  	s4 =	rddreg [dreg:$0x0]  }
0x2: {  	s5 =	rddreg [dreg:$0x1]  }
0x3: {  	s2 =	rddreg [dreg:$0x2]  }
0x4: {  	s0 =	rddreg [dreg:$0x3];
	s1 =	stileid.u32  }
0x5: {  	s3 =	simm.s32 $0x0;
	s7 =	srdreg.scid;
	s12 =	simm.s32 $0x2800  }
0x6: {  	s13 =	simm.s32 $0x20;
	s14 =	simm.s32 $0x10;
	s15 =	simm.s32 $0x0  }
0x7: {  	s6 =	smul.u32 $0x280, s1;
	[smem:$0x7FF] =	sst s3;
	s7 =	sand.u32 $0x1, s7  }
0x8: {  	s8 =	smul.u32 $0x500, s1;
	s31 =	sshll.u32 s1, $0x6;
	_ =	strace $0x80000047  }
0x9: {  	s9 =	sshll.u32 s7, $0x7;
	s10 =	sshll.u32 s7, $0x4;
	s7 =	ssub.s32 $0x2, s7  }
0xa: {  	s11 =	sshrl.u32 s6, $0x3;
	s8 =	sor.u32 s9, s8;
	s26 =	sor.u32 s1, s10  }
0xb: {  	s29 =	sshrl.u32 s7, $0x1;
	s30 =	sadd.s32 s6, s2;
	s8 =	sshrl.u32 s8, $0x3  }
0xc: {  	s9 =	smul.u32 $0x500, s26;
	s28 =	sadd.s32 s11, s5;
	s7 =	ssub.s32 s7, s29  }
0xd: {  	s10 =	sshrl.u32 s30, $0x3;
	s11 =	simm.s32 $0x80;
	s8 =	sadd.s32 s8, s5  }
0xe: {  	s5 =	sadd.s32 $0x6800, s28;
	s7 =	smax.u32 s7, $0x1;
	s4 =	sadd.s32 s4, s9  }
0xf: {  	v0 =	vimm.f32 $1.000000000e+00;
	s6 =	sadd.s32 $0x6E00, s8;
	s8 =	simm.s32 $0x1;
	s9 =	sor.u32 $0x1C01, s31  }
.LBB2_1:
0x10: {  	[tilespmem:s3], [sflag:$0x1] =	stream.linear.gather [hbm4b:s4+s3], $0x2800, $0x38;
	[tilespmem:$0x2B00] =	vst v63  }
0x11: {  	_ =	swait.ge [sflag:s8], $0x2800  }
0x12: {  	[sflag:s8] =	ssyncset.done $0x0  }
0x13: {  	[sflag:s8] =	ssyncadd.s32 $0xFFFFD800  }
0x14: {  	[tilespmem:$0x2800] =	vst v0  }
0x15: {  	[tilespmem:$0x2810] =	vst v0  }
0x16: {  	[tilespmem:$0x2820] =	vst v0  }
0x17: {  	[tilespmem:$0x2830] =	vst v0  }
0x18: {  	[tilespmem:$0x2840] =	vst v0  }
0x19: {  	[tilespmem:$0x2850] =	vst v0  }
0x1a: {  	[tilespmem:$0x2860] =	vst v0  }
0x1b: {  	[tilespmem:$0x2870] =	vst v0  }
0x1c: {  	[spmem:s10], [sflag:s9] =	dma.local [hbm:s5], $0x50  }
0x1d: {  	_ =	swait.ge [sflag:s8], $0x50  }
0x1e: {  	[sflag:s8] =	ssyncset.done $0x0  }
0x1f: {  	[sflag:s8] =	ssyncadd.s32 $0xFFFFFFB0  }
0x20: {  	s16 =	simm.s32 $0x0;
	[bflag:$0x0] =	sbarrier.arrive $0xFFFF  }
0x21: {  	[spmem:s2] =	stream.indirect.scatter.add.f32 [tilespmem:s12], [sflag:$0x1], $0x1, s16, s11, $0xb8;
	[tilespmem:$0x2B00] =	vst v63  }
0x22: {  	_ =	swait.ge [sflag:s8], $0x80  }
0x23: {  	s16 =	simm.s32 $0x200;
	[sflag:s8] =	ssyncset.done $0x0  }
.LBB2_2:
0x24: {  	s17 =	sshra.s32 s16, $0x2;
	[sflag:s8] =	ssyncadd.s32 $0xFFFFFF80;
	p0 =	sne.s32 s16, $0x9E00  }
0x25: {  	[spmem:s2] =	stream.indirect.scatter.add.f32 [tilespmem:s12], [sflag:$0x1], $0x1, s17, s11, $0xb8;
	[tilespmem:$0x2B00] =	vst v63  }
.Ltmp0:
0x26: {  	_ = 	snop;
	(pc) =	sbr.rel @p0 .LBB2_2-.Ltmp0, $4  }
0x27: {  	_ = 	snop  }
0x28: {  	s16 =	sadd.s32 $0x200, s16  }
0x29: {  	_ =	swait.ge [sflag:s8], $0x80  }
0x2a: {  	[sflag:s8] =	ssyncset.done $0x0  }
0x2b: {  	s15 =	sadd.s32 $0x1, s15  }
0x2c: {  	[sflag:s8] =	ssyncadd.s32 $0xFFFFFF80;
	p0 =	sne.s32 s15, s7  }
.Ltmp1:
0x2d: {  	[bflag:$0x0] =	sbarrier.arrive $0xFFFF;
	(pc) =	sbr.rel @p0 .LBB2_1-.Ltmp1, $4  }
0x2e: {  	[hbm:s6@s13], [sflag:s9] =	dma.strided [spmem:s10@s14], $0x50, s8, $0x10   }
0x2f: {  	_ =	swait.ge [sflag:s8], $0x50  }
0x30: {  	[sflag:s8] =	ssyncset.done $0x0  }
0x31: {  	[sflag:s8] =	ssyncadd.s32 $0xFFFFFFB0  }
0x32: {  	_ =	sfence.sel $0x180000  }
0x33: {  	[bflag:$0x0] =	sbarrier.arrive $0xFFFF  }
0x34: {  	p0 =	sne.s32 s1, $0x0;
	_ =	strace $0x90000047  }
0x35: {  	s0 =	sadd.s32 @!p0 $0x100000, s0;
	[bflag:$0x2] =	sbarrier.arrive $0xFFFF  }
0x36: {  	[sflag:s0] =	ssyncadd.tile.s32 @!p0 $0x1;
	_ =	shalt  }
.Lfunc_end2:
_tile_overlayer_lowered:
.L_overlay_start_2:
0x37: {  	(tag) =	ssettag $0x2  }
0x38: {  	s0 =	rddreg [dreg:$0x0];
	s2 =	stileid.u32  }
0x39: {  	s1 =	rddreg [dreg:$0x1];
	p0 =	sne.s32 s2, $0x0  }
0x3a: {  	s3 =	rddreg [dreg:$0x2];
	[bflag:$0x3] =	sbarrier.arrive $0xFFFF;
	s2 =	simm.s32 @!p0 $0x1C01  }
0x3b: {  	[timem:s3], [sflag:s2] =	dma.local @!p0 [hbm:s0], s1  }
0x3c: {  	s0 =	simm.s32 @!p0 $0x1  }
0x3d: {  	_ =	swait.ge @!p0 [sflag:s0], s1  }
0x3e: {  	s1 =	ssub.s32 @!p0 $0x0, s1;
	[sflag:s0] =	ssyncset.done @!p0 $0x0  }
0x3f: {  	[sflag:s0] =	ssyncadd.s32 @!p0 s1  }
0x40: {  	[bflag:$0x3] =	sbarrier.arrive $0xFFFF  }
0x41: {  	_ =	shalt  }

// kernel: kernel.19.cloned.1.call-start
scs
__scs_entry_jumppad:
0x0: {  	(pc) =	sbr.rel $0x88, $3  }
0x1: {  	(tag) =	ssettag $0x0;
	lr =	simm.s32 $0x1  }
0x2: {  	[smem:$0x3F93] =	sst lr;
	_ =	strace $0xD0000000  }
0x3: {  	_ = 	snop  }
0x4: {  	_ = 	snop  }
0x5: {  	_ = 	snop  }
0x6: {  	_ = 	snop  }
0x7: {  	_ = 	snop  }
__scs_overlays_trampoline_lowered:
0x8: {  	[smem:$0x3FA2] =	sst s0  }
0x9: {  	[smem:$0x3FA3] =	sst s1  }
0xa: {  	[smem:$0x3FA4] =	sst s2  }
0xb: {  	[smem:$0x3FA5] =	sst s3  }
0xc: {  	[smem:$0x3FA6] =	sst s4  }
0xd: {  	[smem:$0x3FA7] =	sst s5  }
0xe: {  	[smem:$0x3FA8] =	sst s6  }
0xf: {  	[smem:$0x3FA9] =	sst s7  }
0x10: {  	[smem:$0x3FAA] =	sst s8  }
0x11: {  	[smem:$0x3FAB] =	sst s9;
	s0 =	simm.s32 @!p0 $0x0  }
0x12: {  	s1 =	sld [smem:$0x3F91];
	s0 =	simm.s32 @p0 $0x1  }
0x13: {  	[smem:$0x3FAC] =	sst s0;
	s0 =	simm.s32 @!p1 $0x0  }
0x14: {  	s2 =	sld [smem:$0x3F90];
	s0 =	simm.s32 @p1 $0x1  }
0x15: {  	[smem:$0x3FAD] =	sst s0;
	s0 =	simm.s32 @!p2 $0x0  }
0x16: {  	s3 =	sld [smem:$0x3FDB];
	s0 =	simm.s32 @p2 $0x1  }
0x17: {  	s4 =	simm.s32 $0x1BF5;
	[smem:$0x3FAF] =	sst s0  }
0x18: {  	s0 =	sld [smem:$0x3F92];
	_ =	swait.ge [sflag:s4], $0x0  }
0x19: {  	s7 =	sld [smem:$0x3F93]  }
0x1a: {  	s8 =	sadd.s32 $0xFFFFE003, lr  }
0x1b: {  	s9 =	sadd.s32 $0xFFFFFEF7, lr;
	s5 =	simm.s32 $0xFFFFFFFF;
	p2 =	slt.u32 s8, $0xFFFFF086  }
0x1c: {  	p1 =	slt.u32 s9, $0xF7A;
	s5 =	simm.s32 @!p2 $0x0  }
0x1d: {  	s5 =	simm.s32 @p1 $0x1;
	p0 =	seq.s32 s7, s2  }
0x1e: {  	s7 =	smul.u32 @!p0 $0xF7A, s2;
	p2 =	seq.s32 @!p0 s5, $0x0  }
0x1f: {  	s9 =	smul.u32 $0xF7A, s1;
	s8 =	simm.s32 @!p0 $0x1BF5;
	p2 =	por !p2, p0  }
0x20: {  	[sflag:s8] =	ssyncset.s32 @!p0 $0xFFFFF086;
	s6 =	sadd.s32 @!p0 s3, s7;
	s7 =	simm.s32 @!p0 $0x108  }
0x21: {  	s3 =	sadd.s32 s3, s9;
	s6 =	sadd.s32 @!p0 $0x88, s6;
	s7 =	simm.s32 @p2 $0x1082  }
0x22: {  	[simem:s7], [sflag:s8] =	dma.local @!p0 [hbm:s6], $0xF7A  }
0x23: {  	s9 =	sor.u32 $0xD0000000, s2;
	s6 =	simm.s32 $0x108;
	_ =	swait.ge @!p0 [sflag:s8], $0x0  }
0x24: {  	s3 =	sadd.s32 $0x88, s3;
	s6 =	simm.s32 @!p1 $0x1082;
	[sflag:s4] =	ssyncset.s32 $0xFFFFF086  }
0x25: {  	[simem:s6], [sflag:s4] =	dma.local [hbm:s3], $0xF7A  }
0x26: {  	[smem:$0x3F93] =	sst s1;
	(tag) =	ssettag s2;
	_ =	strace s9  }
0x27: {  	s1 =	sld [smem:$0x3FA3]  }
0x28: {  	s2 =	sld [smem:$0x3FA4]  }
0x29: {  	s4 =	sld [smem:$0x3FA6]  }
0x2a: {  	p0 =	seq.s32 s5, $0x0;
	s5 =	sld [smem:$0x3FA7]  }
0x2b: {  	s6 =	sld [smem:$0x3FA8]  }
0x2c: {  	s7 =	sld [smem:$0x3FA9]  }
0x2d: {  	s3 =	simm.s32 $0x108;
	s8 =	sld [smem:$0x3FAA]  }
0x2e: {  	s3 =	simm.s32 @!p0 $0x1082;
	s9 =	sld [smem:$0x3FAB]  }
0x2f: {  	lr =	sadd.s32 s0, s3;
	s0 =	sld [smem:$0x3FA2]  }
0x30: {  	s3 =	sld [smem:$0x3FA5]  }
0x31: {  	[smem:$0x3FAE] =	sst s10  }
0x32: {  	s10 =	sld [smem:$0x3FAC];
	_ =	sdelay $0x3  }
0x33: {  	p0 =	seq.s32 s10, $0x1;
	s10 =	sld [smem:$0x3FAE];
	_ =	sdelay $0x3  }
0x34: {  	[smem:$0x3FAE] =	sst s10  }
0x35: {  	s10 =	sld [smem:$0x3FAD];
	_ =	sdelay $0x3  }
0x36: {  	p1 =	seq.s32 s10, $0x1;
	s10 =	sld [smem:$0x3FAE];
	_ =	sdelay $0x3  }
0x37: {  	[smem:$0x3FAE] =	sst s10  }
0x38: {  	s10 =	sld [smem:$0x3FAF]  }
0x39: {  	_ = 	snop;
	(pc) =	sbr.ind lr, $3  }
0x3a: {  	_ = 	snop  }
0x3b: {  	_ = 	snop  }
0x3c: {  	p2 =	seq.s32 s10, $0x1;
	s10 =	sld [smem:$0x3FAE]  }
0x3d: {  	_ =	shalt  }
0x3e: {  	_ =	shalt  }
0x3f: {  	_ =	shalt  }
0x40: {  	_ =	shalt  }
0x41: {  	_ =	shalt  }
0x42: {  	_ =	shalt  }
0x43: {  	_ =	shalt  }
0x44: {  	_ =	shalt  }
0x45: {  	_ =	shalt  }
0x46: {  	_ =	shalt  }
0x47: {  	_ =	shalt  }
0x48: {  	_ =	shalt  }
0x49: {  	_ =	shalt  }
0x4a: {  	_ =	shalt  }
0x4b: {  	_ =	shalt  }
0x4c: {  	_ =	shalt  }
0x4d: {  	_ =	shalt  }
0x4e: {  	_ =	shalt  }
0x4f: {  	_ =	shalt  }
0x50: {  	_ =	shalt  }
0x51: {  	_ =	shalt  }
0x52: {  	_ =	shalt  }
0x53: {  	_ =	shalt  }
0x54: {  	_ =	shalt  }
0x55: {  	_ =	shalt  }
0x56: {  	_ =	shalt  }
0x57: {  	_ =	shalt  }
0x58: {  	_ =	shalt  }
0x59: {  	_ =	shalt  }
0x5a: {  	_ =	shalt  }
0x5b: {  	_ =	shalt  }
0x5c: {  	_ =	shalt  }
0x5d: {  	_ =	shalt  }
0x5e: {  	_ =	shalt  }
0x5f: {  	_ =	shalt  }
0x60: {  	_ =	shalt  }
0x61: {  	_ =	shalt  }
0x62: {  	_ =	shalt  }
0x63: {  	_ =	shalt  }
0x64: {  	_ =	shalt  }
0x65: {  	_ =	shalt  }
0x66: {  	_ =	shalt  }
0x67: {  	_ =	shalt  }
0x68: {  	_ =	shalt  }
0x69: {  	_ =	shalt  }
0x6a: {  	_ =	shalt  }
0x6b: {  	_ =	shalt  }
0x6c: {  	_ =	shalt  }
0x6d: {  	_ =	shalt  }
0x6e: {  	_ =	shalt  }
0x6f: {  	_ =	shalt  }
0x70: {  	_ =	shalt  }
0x71: {  	_ =	shalt  }
0x72: {  	_ =	shalt  }
0x73: {  	_ =	shalt  }
0x74: {  	_ =	shalt  }
0x75: {  	_ =	shalt  }
0x76: {  	_ =	shalt  }
0x77: {  	_ =	shalt  }
0x78: {  	_ =	shalt  }
0x79: {  	_ =	shalt  }
0x7a: {  	_ =	shalt  }
0x7b: {  	_ =	shalt  }
0x7c: {  	_ =	shalt  }
0x7d: {  	_ =	shalt  }
0x7e: {  	_ =	shalt  }
0x7f: {  	_ =	shalt  }
0x80: {  	_ =	shalt  }
0x81: {  	_ =	shalt  }
0x82: {  	_ =	shalt  }
0x83: {  	_ =	shalt  }
0x84: {  	_ =	shalt  }
0x85: {  	_ =	shalt  }
0x86: {  	_ =	shalt  }
0x87: {  	_ =	shalt  }
.Lfunc_end0:
.L_simem_size_0:
called_computation.1_lowered:
.L_overlay_start_0:
0x88: {  	s2 =	sld [smem:$0x3FD9]  }
0x89: {  	s3 =	sld [smem:$0x3FFE];
	_ =	sdelay $0x1  }
0x8a: {  	s1 =	srdreg.scid  }
0x8b: {  	s0 =	sand.u32 $0x1, s1  }
0x8c: {  	s17 =	sshll.u32 s0, $0xA;
	s2 =	sadd.s32 s3, s2  }
0x8d: {  	s2 =	sadd.s32 s2, s17  }
0x8e: {  	[smem:$0x3FBA] =	sst s2  }
0x8f: {  	_ = 	snop  }
0x90: {  	s2 =	sld [smem:$0x3FD0];
	(tm) =	ssettm $0x1  }
0x91: {  	s18 =	sld [smem:$0x3FFB];
	_ =	sdelay $0x3  }
0x92: {  	_ =	strace s18  }
0x93: {  	s3 =	sld [smem:$0x3FFC];
	_ =	sdelay $0x3  }
0x94: {  	_ =	strace s3  }
0x95: {  	s3 =	sld [smem:$0x3FFD];
	_ =	sdelay $0x3  }
0x96: {  	_ =	strace s3  }
0x97: {  	_ =	strace $0x8FFFFFFF  }
0x98: {  	s19 =	sld [smem:$0x3FDB];
	_ =	sdelay $0x1  }
0x99: {  	s4 =	simm.s32 $_scs_section_size  }
0x9a: {  	s5 =	simm.s32 $_size__tile_overlayer_lowered;
	s6 =	simm.s32 $_tile_overlayer_lowered  }
0x9b: {  	s22 =	simm.s32 $0x1BFF;
	s21 =	sshll.u32 s6, $0x1;
	s3 =	sadd.s32 s4, s19  }
0x9c: {  	s7 =	simm.s32 $0x0;
	s20 =	sshll.u32 s5, $0x1;
	s5 =	sadd.s32 s21, s3  }
0x9d: {  	[timem:s7], [sflag:s22] =	dma.local [hbm:s5], s20  }
0x9e: {  	_ =	swait.ge [sflag:s22], s20  }
0x9f: {  	s4 =	ssub.s32 $0x0, s20;
	[sflag:s22] =	ssyncset.done $0x0  }
0xa0: {  	[sflag:s22] =	ssyncadd.s32 s4;
	_ =	sdelay $0x1  }
0xa1: {  	s23 =	simm.s32 $0x1B8B  }
0xa2: {  	_ =	swait.ge [sflag:s23], $0x1  }
0xa3: {  	[sflag:s23] =	ssyncset.done $0x0  }
0xa4: {  	s25 =	simm.s32 $0x1B8E;
	s24 =	sld [smem:$0x3FFE];
	[sflag:s23] =	ssyncadd.s32 $0xFFFFFFFF  }
0xa5: {  	s26 =	simm.s32 $execute0_lowered;
	[smem:$0x3FD2] =	sst s25  }
0xa6: {  	s5 =	sshll.u32 s26, $0x1;
	_ =	strace $0x80000049;
	[dreg:$0x1] =	wrdreg $0xFFFFFFFF  }
0xa7: {  	s28 =	simm.s32 $_size_execute0_lowered;
	s3 =	sadd.s32 s3, s5;
	[dreg:$0x0] =	wrdreg $0x0  }
0xa8: {  	s5 =	sshll.u32 s28, $0x1;
	[dreg:$0x2] =	wrdreg s3  }
0xa9: {  	[dreg:$0x3] =	wrdreg s5  }
0xaa: {  	[dreg:$0x4] =	wrdreg $0xC0  }
0xab: {  	_ =	task [dreg:s7], $0x5FFFF  }
0xac: {  	[dreg:$0x1] =	wrdreg $0xFFFFFFFF  }
0xad: {  	[dreg:$0x0] =	wrdreg $0x60  }
0xae: {  	[dreg:$0x2] =	wrdreg s24  }
0xaf: {  	[dreg:$0x3] =	wrdreg s2  }
0xb0: {  	[dreg:$0x4] =	wrdreg $0x82000  }
0xb1: {  	[dreg:$0x5] =	wrdreg $0x9  }
0xb2: {  	_ =	task.clear_ibuf [dreg:s7], $0x6FFFF;
	_ =	strace $0x90000049  }
0xb3: {  	s29 =	simm.s32 $0x9;
	_ =	strace $0x8000004B  }
0xb4: {  	_ =	swait.ge [sflag:s29], $0x1  }
0xb5: {  	[sflag:s29] =	ssyncadd.s32 $0xFFFFFFFF  }
0xb6: {  	_ =	strace $0x9000004B  }
0xb7: {  	_ =	sfence  }
0xb8: {  	s30 =	sld [smem:$0x0];
	_ =	sdelay $0x2  }
0xb9: {  	s31 =	sshll.u32 s1, $0xD;
	s1 =	sshrl.u32 s1, $0x2  }
0xba: {  	s3 =	sand.u32 $0x4000, s31;
	s1 =	sadd.s32 s1, s30  }
0xbb: {  	s0 =	sor.u32 s3, s0;
	s1 =	sshll.u32 s1, $0x11  }
0xbc: {  	s0 =	sor.u32 s1, s0  }
0xbd: {  	s0 =	sadd.s32 $0x8F2B, s0  }
0xbe: {  	[sflag:s0] =	ssyncadd.remote.s32 $0x1  }
0xbf: {  	_ =	sfence.sel $0xFFFF  }
0xc0: {  	[dreg:$0x0] =	wrdreg $0xFFFFFFFF;
	(pc) =	sbr.abs _section_cstart, $3  }
0xc1: {  	[dreg:$0x1] =	wrdreg $0xFFFFFFFF  }
0xc2: {  	_ =	task.clear_ibuf [dreg:s7], $0x2FFFF;
	_ =	strace $0x9FFFFFFF  }
0xc3: {  	(tm) =	ssettm $0x7FFFFFFF  }
tec
execute0_lowered:
.L_overlay_start_1:
0x0: {  	(tag) =	ssettag $0x1  }
0x1: {  	s5 =	rddreg [dreg:$0x0]  }
0x2: {  	s7 =	rddreg [dreg:$0x1]  }
0x3: {  	s1 =	rddreg [dreg:$0x2]  }
0x4: {  	s2 =	srdreg.scid;
	s0 =	rddreg [dreg:$0x3]  }
0x5: {  	s3 =	simm.s32 $0x0;
	s6 =	sand.u32 $0x1, s2;
	s2 =	stileid.u32  }
0x6: {  	s17 =	simm.s32 $0x80;
	s18 =	simm.s32 $0x200;
	s9 =	smul.u32 $0x50000, s2  }
0x7: {  	s19 =	simm.s32 $0x4;
	s20 =	simm.s32 $0x1;
	s11 =	smul.u32 $0x140000, s6  }
0x8: {  	s21 =	simm.s32 $0x4200;
	[smem:$0x7FF] =	sst s3;
	s14 =	smul.u32 $0x14000, s2  }
0x9: {  	s10 =	sadd.s32 $0x93800, s5;
	s12 =	sadd.s32 $0x7800, s5;
	s25 =	smul.u32 $0x50000, s6  }
0xa: {  	s4 =	sshll.u32 s6, $0x4;
	_ =	strace $0x8000004A;
	s26 =	smul.u32 $0x5000, s2  }
0xb: {  	s22 =	ssub.s32 $0x2, s6;
	p0 =	seq.s32 s6, $0x1;
	s28 =	smul.u32 $0x2800, s2  }
0xc: {  	s30 =	sshll.u32 s2, $0x6;
	s8 =	sor.u32 s2, s4;
	s4 =	sadd.s32 $0x1B800, s5  }
0xd: {  	s13 =	sshrl.u32 s22, $0x1;
	s8 =	smul.u32 $0x5000, s8;
	s9 =	sshrl.u32 s9, $0x2  }
0xe: {  	s13 =	ssub.s32 s22, s13;
	s24 =	sadd.s32 s14, s11;
	s16 =	smov.u32 s4  }
0xf: {  	s29 =	sadd.s32 s26, s25;
	s14 =	simm.s32 $0x5;
	s22 =	simm.s32 $0x2  }
0x10: {  	s15 =	sadd.s32 s9, s1;
	s16 =	smov.u32 @p0 s10;
	s11 =	sor.u32 $0x300, s29  }
0x11: {  	s10 =	sor.u32 $0x200, s29;
	s23 =	sshrl.u32 s8, $0x3;
	s8 =	sshrl.u32 s24, $0x3  }
0x12: {  	s9 =	sadd.s32 s16, s28;
	s11 =	sshrl.u32 s11, $0x3;
	s31 =	sshrl.u32 s10, $0x3  }
0x13: {  	s10 =	sor.u32 $0x1C05, s30;
	s16 =	simm.s32 $0x3;
	s24 =	simm.s32 $0x0  }
0x14: {  	s5 =	sadd.s32 s12, s23;
	s7 =	sadd.s32 s7, s8;
	s8 =	smax.u32 s13, $0x1  }
0x15: {  	s11 =	sadd.s32 s11, s12;
	s12 =	sadd.s32 s31, s12;
	s13 =	sshrl.u32 s15, $0x3  }
0x16: {  	s15 =	simm.s32 $0x100;
	s23 =	simm.s32 $0x180;
	s6 =	sadd.s32 $0x20, s5  }
.LBB2_1:
0x17: {  	[spmem:s13], [sflag:s10] =	dma.local [hbm:s9], $0x2800  }
0x18: {  	_ =	swait.ge [sflag:s14], $0x2800  }
0x19: {  	[sflag:s14] =	ssyncset.done $0x0  }
0x1a: {  	[sflag:s14] =	ssyncadd.s32 $0xFFFFD800  }
0x1b: {  	[tilespmem:s3], [sflag:$0x3] =	stream.linear.gather [hbm4b:s5+s3], $0x100, $0x38;
	[tilespmem:$0x1C200] =	vst v63  }
0x1c: {  	_ = 	snop  }
0x1d: {  	[tilespmem:s15], [sflag:$0x4] =	stream.linear.gather [hbm4b:s6+s3], $0x100, $0x38;
	[tilespmem:$0x1C200] =	vst v63  }
0x1e: {  	[bflag:$0x0] =	sbarrier.arrive $0xFFFF  }
0x1f: {  	_ =	swait.ge [sflag:s16], $0x100  }
0x20: {  	[sflag:s16] =	ssyncset.done $0x0  }
0x21: {  	[sflag:s16] =	ssyncadd.s32 $0xFFFFFF00  }
0x22: {  	[tilespmem:s18], [sflag:$0x1] =	stream.indirect.gather [hbm4b:s4+s17], $0x80, s3, s17, $0xb8;
	[tilespmem:$0x1C200] =	vst v63  }
0x23: {  	_ =	swait.ge [sflag:s19], $0x100  }
0x24: {  	[sflag:s19] =	ssyncset.done $0x0  }
0x25: {  	[sflag:s19] =	ssyncadd.s32 $0xFFFFFF00  }
0x26: {  	_ =	swait.ge [sflag:s20], $0x4000  }
0x27: {  	[sflag:s20] =	ssyncset.done $0x0  }
0x28: {  	[sflag:s20] =	ssyncadd.s32 $0xFFFFC000  }
0x29: {  	[tilespmem:s21], [sflag:$0x2] =	stream.indirect.gather [hbm4b:s4+s17], $0x80, s15, s17, $0xb8;
	[tilespmem:$0x1C200] =	vst v63  }
0x2a: {  	_ = 	snop  }
0x2b: {  	[spmem:s1] =	stream.indirect.scatter.add.f32 [tilespmem:s18], [sflag:$0x5], $0x80, s17, s17, $0xb8;
	[tilespmem:$0x1C200] =	vst v63  }
0x2c: {  	_ =	swait.ge [sflag:s14], $0x4000  }
0x2d: {  	[sflag:s14] =	ssyncset.done $0x0  }
0x2e: {  	s25 =	sadd.s32 $0x0, s12;
	[sflag:s14] =	ssyncadd.s32 $0xFFFFC000  }
0x2f: {  	[tilespmem:s3], [sflag:$0x3] =	stream.linear.gather [hbm4b:s25+s3], $0x100, $0x38;
	[tilespmem:$0x1C200] =	vst v63  }
0x30: {  	_ =	swait.ge [sflag:s22], $0x4000  }
0x31: {  	[sflag:s22] =	ssyncset.done $0x0  }
0x32: {  	[sflag:s22] =	ssyncadd.s32 $0xFFFFC000  }
0x33: {  	_ =	swait.ge [sflag:s16], $0x100  }
0x34: {  	[sflag:s16] =	ssyncset.done $0x0  }
0x35: {  	[sflag:s16] =	ssyncadd.s32 $0xFFFFFF00  }
0x36: {  	[tilespmem:s18], [sflag:$0x1] =	stream.indirect.gather [hbm4b:s4+s17], $0x80, s3, s17, $0xb8;
	[tilespmem:$0x1C200] =	vst v63  }
0x37: {  	_ = 	snop  }
0x38: {  	[spmem:s1] =	stream.indirect.scatter.add.f32 [tilespmem:s21], [sflag:$0x5], $0x80, s23, s17, $0xb8;
	[tilespmem:$0x1C200] =	vst v63  }
0x39: {  	_ =	swait.ge [sflag:s14], $0x4000  }
0x3a: {  	[sflag:s14] =	ssyncset.done $0x0  }
0x3b: {  	s26 =	sadd.s32 $0x0, s11;
	s25 =	simm.s32 $0x40;
	[sflag:s14] =	ssyncadd.s32 $0xFFFFC000  }
.LBB2_2:
0x3c: {  	[tilespmem:s15], [sflag:$0x4] =	stream.linear.gather [hbm4b:s26+s3], $0x100, $0x38;
	[tilespmem:$0x1C200] =	vst v63  }
0x3d: {  	s26 =	smov.u32 s25  }
0x3e: {  	p0 =	sne.s32 s25, $0x980;
	s25 =	sadd.s32 $0x40, s25;
	_ =	swait.ge [sflag:s19], $0x100  }
0x3f: {  	[sflag:s19] =	ssyncset.done $0x0  }
0x40: {  	[sflag:s19] =	ssyncadd.s32 $0xFFFFFF00  }
0x41: {  	_ =	swait.ge [sflag:s20], $0x4000  }
0x42: {  	[sflag:s20] =	ssyncset.done $0x0  }
0x43: {  	[sflag:s20] =	ssyncadd.s32 $0xFFFFC000  }
0x44: {  	[tilespmem:s21], [sflag:$0x2] =	stream.indirect.gather [hbm4b:s4+s17], $0x80, s15, s17, $0xb8;
	[tilespmem:$0x1C200] =	vst v63  }
0x45: {  	_ = 	snop  }
0x46: {  	[spmem:s1] =	stream.indirect.scatter.add.f32 [tilespmem:s18], [sflag:$0x5], $0x80, s17, s17, $0xb8;
	[tilespmem:$0x1C200] =	vst v63  }
0x47: {  	_ =	swait.ge [sflag:s14], $0x4000  }
0x48: {  	[sflag:s14] =	ssyncset.done $0x0  }
0x49: {  	s28 =	sadd.s32 s26, s12;
	[sflag:s14] =	ssyncadd.s32 $0xFFFFC000  }
0x4a: {  	[tilespmem:s3], [sflag:$0x3] =	stream.linear.gather [hbm4b:s28+s3], $0x100, $0x38;
	[tilespmem:$0x1C200] =	vst v63  }
0x4b: {  	_ =	swait.ge [sflag:s22], $0x4000  }
0x4c: {  	[sflag:s22] =	ssyncset.done $0x0  }
0x4d: {  	[sflag:s22] =	ssyncadd.s32 $0xFFFFC000  }
0x4e: {  	_ =	swait.ge [sflag:s16], $0x100  }
0x4f: {  	[sflag:s16] =	ssyncset.done $0x0  }
0x50: {  	[sflag:s16] =	ssyncadd.s32 $0xFFFFFF00  }
0x51: {  	[tilespmem:s18], [sflag:$0x1] =	stream.indirect.gather [hbm4b:s4+s17], $0x80, s3, s17, $0xb8;
	[tilespmem:$0x1C200] =	vst v63  }
.Ltmp0:
0x52: {  	(pc) =	sbr.rel @p0 .LBB2_2-.Ltmp0, $4  }
0x53: {  	[spmem:s1] =	stream.indirect.scatter.add.f32 [tilespmem:s21], [sflag:$0x5], $0x80, s23, s17, $0xb8;
	[tilespmem:$0x1C200] =	vst v63  }
0x54: {  	_ =	swait.ge [sflag:s14], $0x4000  }
0x55: {  	[sflag:s14] =	ssyncset.done $0x0  }
0x56: {  	s26 =	sadd.s32 s26, s11;
	[sflag:s14] =	ssyncadd.s32 $0xFFFFC000  }
0x57: {  	[tilespmem:s15], [sflag:$0x4] =	stream.linear.gather [hbm4b:s26+s3], $0x100, $0x38;
	[tilespmem:$0x1C200] =	vst v63  }
0x58: {  	_ =	swait.ge [sflag:s19], $0x100  }
0x59: {  	[sflag:s19] =	ssyncset.done $0x0  }
0x5a: {  	[sflag:s19] =	ssyncadd.s32 $0xFFFFFF00  }
0x5b: {  	_ =	swait.ge [sflag:s20], $0x4000  }
0x5c: {  	[sflag:s20] =	ssyncset.done $0x0  }
0x5d: {  	[sflag:s20] =	ssyncadd.s32 $0xFFFFC000  }
0x5e: {  	[tilespmem:s21], [sflag:$0x2] =	stream.indirect.gather [hbm4b:s4+s17], $0x80, s15, s17, $0xb8;
	[tilespmem:$0x1C200] =	vst v63  }
0x5f: {  	_ = 	snop  }
0x60: {  	[spmem:s1] =	stream.indirect.scatter.add.f32 [tilespmem:s18], [sflag:$0x5], $0x80, s17, s17, $0xb8;
	[tilespmem:$0x1C200] =	vst v63  }
0x61: {  	_ =	swait.ge [sflag:s14], $0x4000  }
0x62: {  	[sflag:s14] =	ssyncset.done $0x0  }
0x63: {  	[sflag:s14] =	ssyncadd.s32 $0xFFFFC000  }
0x64: {  	_ =	swait.ge [sflag:s22], $0x4000  }
0x65: {  	[sflag:s22] =	ssyncset.done $0x0  }
0x66: {  	[sflag:s22] =	ssyncadd.s32 $0xFFFFC000  }
0x67: {  	[spmem:s1] =	stream.indirect.scatter.add.f32 [tilespmem:s21], [sflag:$0x5], $0x80, s23, s17, $0xb8;
	[tilespmem:$0x1C200] =	vst v63  }
0x68: {  	_ =	swait.ge [sflag:s14], $0x4000  }
0x69: {  	s24 =	sadd.s32 $0x1, s24;
	[sflag:s14] =	ssyncset.done $0x0  }
0x6a: {  	p0 =	sne.s32 s24, s8;
	[sflag:s14] =	ssyncadd.s32 $0xFFFFC000  }
.Ltmp1:
0x6b: {  	[bflag:$0x0] =	sbarrier.arrive $0xFFFF;
	(pc) =	sbr.rel @p0 .LBB2_1-.Ltmp1, $4  }
0x6c: {  	[hbm:s7], [sflag:s10] =	dma.local [spmem:s13], $0x2800  }
0x6d: {  	_ =	swait.ge [sflag:s14], $0x2800  }
0x6e: {  	[sflag:s14] =	ssyncset.done $0x0  }
0x6f: {  	[sflag:s14] =	ssyncadd.s32 $0xFFFFD800  }
0x70: {  	_ =	sfence.sel $0x180000  }
0x71: {  	[bflag:$0x0] =	sbarrier.arrive $0xFFFF  }
0x72: {  	p0 =	sne.s32 s2, $0x0;
	_ =	strace $0x9000004A  }
0x73: {  	s0 =	sadd.s32 @!p0 $0x100000, s0;
	[bflag:$0x2] =	sbarrier.arrive $0xFFFF  }
0x74: {  	[sflag:s0] =	ssyncadd.tile.s32 @!p0 $0x1;
	_ =	shalt  }
.Lfunc_end2:
_tile_overlayer_lowered:
.L_overlay_start_2:
0x75: {  	(tag) =	ssettag $0x2  }
0x76: {  	s0 =	rddreg [dreg:$0x0];
	s2 =	stileid.u32  }
0x77: {  	s1 =	rddreg [dreg:$0x1];
	p0 =	sne.s32 s2, $0x0  }
0x78: {  	s3 =	rddreg [dreg:$0x2];
	[bflag:$0x3] =	sbarrier.arrive $0xFFFF;
	s2 =	simm.s32 @!p0 $0x1C05  }
0x79: {  	[timem:s3], [sflag:s2] =	dma.local @!p0 [hbm:s0], s1  }
0x7a: {  	s0 =	simm.s32 @!p0 $0x5  }
0x7b: {  	_ =	swait.ge @!p0 [sflag:s0], s1  }
0x7c: {  	s1 =	ssub.s32 @!p0 $0x0, s1;
	[sflag:s0] =	ssyncset.done @!p0 $0x0  }
0x7d: {  	[sflag:s0] =	ssyncadd.s32 @!p0 s1  }
0x7e: {  	[bflag:$0x3] =	sbarrier.arrive $0xFFFF  }
0x7f: {  	_ =	shalt  }

// kernel: kernel.22.cloned.1.call-start
scs
__scs_entry_jumppad:
0x0: {  	(pc) =	sbr.rel $0x88, $3  }
0x1: {  	(tag) =	ssettag $0x0;
	lr =	simm.s32 $0x1  }
0x2: {  	[smem:$0x3F93] =	sst lr;
	_ =	strace $0xD0000000  }
0x3: {  	_ = 	snop  }
0x4: {  	_ = 	snop  }
0x5: {  	_ = 	snop  }
0x6: {  	_ = 	snop  }
0x7: {  	_ = 	snop  }
__scs_overlays_trampoline_lowered:
0x8: {  	[smem:$0x3FA2] =	sst s0  }
0x9: {  	[smem:$0x3FA3] =	sst s1  }
0xa: {  	[smem:$0x3FA4] =	sst s2  }
0xb: {  	[smem:$0x3FA5] =	sst s3  }
0xc: {  	[smem:$0x3FA6] =	sst s4  }
0xd: {  	[smem:$0x3FA7] =	sst s5  }
0xe: {  	[smem:$0x3FA8] =	sst s6  }
0xf: {  	[smem:$0x3FA9] =	sst s7  }
0x10: {  	[smem:$0x3FAA] =	sst s8  }
0x11: {  	[smem:$0x3FAB] =	sst s9;
	s0 =	simm.s32 @!p0 $0x0  }
0x12: {  	s1 =	sld [smem:$0x3F91];
	s0 =	simm.s32 @p0 $0x1  }
0x13: {  	[smem:$0x3FAC] =	sst s0;
	s0 =	simm.s32 @!p1 $0x0  }
0x14: {  	s2 =	sld [smem:$0x3F90];
	s0 =	simm.s32 @p1 $0x1  }
0x15: {  	[smem:$0x3FAD] =	sst s0;
	s0 =	simm.s32 @!p2 $0x0  }
0x16: {  	s3 =	sld [smem:$0x3FDB];
	s0 =	simm.s32 @p2 $0x1  }
0x17: {  	s4 =	simm.s32 $0x1BF5;
	[smem:$0x3FAF] =	sst s0  }
0x18: {  	s0 =	sld [smem:$0x3F92];
	_ =	swait.ge [sflag:s4], $0x0  }
0x19: {  	s7 =	sld [smem:$0x3F93]  }
0x1a: {  	s8 =	sadd.s32 $0xFFFFE003, lr  }
0x1b: {  	s9 =	sadd.s32 $0xFFFFFEF7, lr;
	s5 =	simm.s32 $0xFFFFFFFF;
	p2 =	slt.u32 s8, $0xFFFFF086  }
0x1c: {  	p1 =	slt.u32 s9, $0xF7A;
	s5 =	simm.s32 @!p2 $0x0  }
0x1d: {  	s5 =	simm.s32 @p1 $0x1;
	p0 =	seq.s32 s7, s2  }
0x1e: {  	s7 =	smul.u32 @!p0 $0xF7A, s2;
	p2 =	seq.s32 @!p0 s5, $0x0  }
0x1f: {  	s9 =	smul.u32 $0xF7A, s1;
	s8 =	simm.s32 @!p0 $0x1BF5;
	p2 =	por !p2, p0  }
0x20: {  	[sflag:s8] =	ssyncset.s32 @!p0 $0xFFFFF086;
	s6 =	sadd.s32 @!p0 s3, s7;
	s7 =	simm.s32 @!p0 $0x108  }
0x21: {  	s3 =	sadd.s32 s3, s9;
	s6 =	sadd.s32 @!p0 $0x88, s6;
	s7 =	simm.s32 @p2 $0x1082  }
0x22: {  	[simem:s7], [sflag:s8] =	dma.local @!p0 [hbm:s6], $0xF7A  }
0x23: {  	s9 =	sor.u32 $0xD0000000, s2;
	s6 =	simm.s32 $0x108;
	_ =	swait.ge @!p0 [sflag:s8], $0x0  }
0x24: {  	s3 =	sadd.s32 $0x88, s3;
	s6 =	simm.s32 @!p1 $0x1082;
	[sflag:s4] =	ssyncset.s32 $0xFFFFF086  }
0x25: {  	[simem:s6], [sflag:s4] =	dma.local [hbm:s3], $0xF7A  }
0x26: {  	[smem:$0x3F93] =	sst s1;
	(tag) =	ssettag s2;
	_ =	strace s9  }
0x27: {  	s1 =	sld [smem:$0x3FA3]  }
0x28: {  	s2 =	sld [smem:$0x3FA4]  }
0x29: {  	s4 =	sld [smem:$0x3FA6]  }
0x2a: {  	p0 =	seq.s32 s5, $0x0;
	s5 =	sld [smem:$0x3FA7]  }
0x2b: {  	s6 =	sld [smem:$0x3FA8]  }
0x2c: {  	s7 =	sld [smem:$0x3FA9]  }
0x2d: {  	s3 =	simm.s32 $0x108;
	s8 =	sld [smem:$0x3FAA]  }
0x2e: {  	s3 =	simm.s32 @!p0 $0x1082;
	s9 =	sld [smem:$0x3FAB]  }
0x2f: {  	lr =	sadd.s32 s0, s3;
	s0 =	sld [smem:$0x3FA2]  }
0x30: {  	s3 =	sld [smem:$0x3FA5]  }
0x31: {  	[smem:$0x3FAE] =	sst s10  }
0x32: {  	s10 =	sld [smem:$0x3FAC];
	_ =	sdelay $0x3  }
0x33: {  	p0 =	seq.s32 s10, $0x1;
	s10 =	sld [smem:$0x3FAE];
	_ =	sdelay $0x3  }
0x34: {  	[smem:$0x3FAE] =	sst s10  }
0x35: {  	s10 =	sld [smem:$0x3FAD];
	_ =	sdelay $0x3  }
0x36: {  	p1 =	seq.s32 s10, $0x1;
	s10 =	sld [smem:$0x3FAE];
	_ =	sdelay $0x3  }
0x37: {  	[smem:$0x3FAE] =	sst s10  }
0x38: {  	s10 =	sld [smem:$0x3FAF]  }
0x39: {  	_ = 	snop;
	(pc) =	sbr.ind lr, $3  }
0x3a: {  	_ = 	snop  }
0x3b: {  	_ = 	snop  }
0x3c: {  	p2 =	seq.s32 s10, $0x1;
	s10 =	sld [smem:$0x3FAE]  }
0x3d: {  	_ =	shalt  }
0x3e: {  	_ =	shalt  }
0x3f: {  	_ =	shalt  }
0x40: {  	_ =	shalt  }
0x41: {  	_ =	shalt  }
0x42: {  	_ =	shalt  }
0x43: {  	_ =	shalt  }
0x44: {  	_ =	shalt  }
0x45: {  	_ =	shalt  }
0x46: {  	_ =	shalt  }
0x47: {  	_ =	shalt  }
0x48: {  	_ =	shalt  }
0x49: {  	_ =	shalt  }
0x4a: {  	_ =	shalt  }
0x4b: {  	_ =	shalt  }
0x4c: {  	_ =	shalt  }
0x4d: {  	_ =	shalt  }
0x4e: {  	_ =	shalt  }
0x4f: {  	_ =	shalt  }
0x50: {  	_ =	shalt  }
0x51: {  	_ =	shalt  }
0x52: {  	_ =	shalt  }
0x53: {  	_ =	shalt  }
0x54: {  	_ =	shalt  }
0x55: {  	_ =	shalt  }
0x56: {  	_ =	shalt  }
0x57: {  	_ =	shalt  }
0x58: {  	_ =	shalt  }
0x59: {  	_ =	shalt  }
0x5a: {  	_ =	shalt  }
0x5b: {  	_ =	shalt  }
0x5c: {  	_ =	shalt  }
0x5d: {  	_ =	shalt  }
0x5e: {  	_ =	shalt  }
0x5f: {  	_ =	shalt  }
0x60: {  	_ =	shalt  }
0x61: {  	_ =	shalt  }
0x62: {  	_ =	shalt  }
0x63: {  	_ =	shalt  }
0x64: {  	_ =	shalt  }
0x65: {  	_ =	shalt  }
0x66: {  	_ =	shalt  }
0x67: {  	_ =	shalt  }
0x68: {  	_ =	shalt  }
0x69: {  	_ =	shalt  }
0x6a: {  	_ =	shalt  }
0x6b: {  	_ =	shalt  }
0x6c: {  	_ =	shalt  }
0x6d: {  	_ =	shalt  }
0x6e: {  	_ =	shalt  }
0x6f: {  	_ =	shalt  }
0x70: {  	_ =	shalt  }
0x71: {  	_ =	shalt  }
0x72: {  	_ =	shalt  }
0x73: {  	_ =	shalt  }
0x74: {  	_ =	shalt  }
0x75: {  	_ =	shalt  }
0x76: {  	_ =	shalt  }
0x77: {  	_ =	shalt  }
0x78: {  	_ =	shalt  }
0x79: {  	_ =	shalt  }
0x7a: {  	_ =	shalt  }
0x7b: {  	_ =	shalt  }
0x7c: {  	_ =	shalt  }
0x7d: {  	_ =	shalt  }
0x7e: {  	_ =	shalt  }
0x7f: {  	_ =	shalt  }
0x80: {  	_ =	shalt  }
0x81: {  	_ =	shalt  }
0x82: {  	_ =	shalt  }
0x83: {  	_ =	shalt  }
0x84: {  	_ =	shalt  }
0x85: {  	_ =	shalt  }
0x86: {  	_ =	shalt  }
0x87: {  	_ =	shalt  }
.Lfunc_end0:
.L_simem_size_0:
called_computation.2_lowered:
.L_overlay_start_0:
0x88: {  	s2 =	sld [smem:$0x3FD9]  }
0x89: {  	s3 =	sld [smem:$0x3FFE];
	_ =	sdelay $0x1  }
0x8a: {  	s1 =	srdreg.scid  }
0x8b: {  	s0 =	sand.u32 $0x1, s1  }
0x8c: {  	s17 =	sshll.u32 s0, $0xA;
	s2 =	sadd.s32 s3, s2  }
0x8d: {  	s2 =	sadd.s32 s2, s17  }
0x8e: {  	[smem:$0x3FBA] =	sst s2  }
0x8f: {  	_ = 	snop  }
0x90: {  	s2 =	sld [smem:$0x3FD0];
	(tm) =	ssettm $0x1  }
0x91: {  	s18 =	sld [smem:$0x3FFB];
	_ =	sdelay $0x3  }
0x92: {  	_ =	strace s18  }
0x93: {  	s3 =	sld [smem:$0x3FFC];
	_ =	sdelay $0x3  }
0x94: {  	_ =	strace s3  }
0x95: {  	s3 =	sld [smem:$0x3FFD];
	_ =	sdelay $0x3  }
0x96: {  	_ =	strace s3  }
0x97: {  	_ =	strace $0x8FFFFFFF  }
0x98: {  	s19 =	sld [smem:$0x3FDB];
	_ =	sdelay $0x1  }
0x99: {  	s4 =	simm.s32 $_scs_section_size  }
0x9a: {  	s5 =	simm.s32 $_size__tile_overlayer_lowered;
	s6 =	simm.s32 $_tile_overlayer_lowered  }
0x9b: {  	s22 =	simm.s32 $0x1BFF;
	s21 =	sshll.u32 s6, $0x1;
	s3 =	sadd.s32 s4, s19  }
0x9c: {  	s7 =	simm.s32 $0x0;
	s20 =	sshll.u32 s5, $0x1;
	s5 =	sadd.s32 s21, s3  }
0x9d: {  	[timem:s7], [sflag:s22] =	dma.local [hbm:s5], s20  }
0x9e: {  	_ =	swait.ge [sflag:s22], s20  }
0x9f: {  	s4 =	ssub.s32 $0x0, s20;
	[sflag:s22] =	ssyncset.done $0x0  }
0xa0: {  	[sflag:s22] =	ssyncadd.s32 s4;
	_ =	sdelay $0x1  }
0xa1: {  	s23 =	simm.s32 $0x1B8B  }
0xa2: {  	_ =	swait.ge [sflag:s23], $0x1  }
0xa3: {  	[sflag:s23] =	ssyncset.done $0x0  }
0xa4: {  	s25 =	simm.s32 $0x1B8E;
	s24 =	sld [smem:$0x3FFE];
	[sflag:s23] =	ssyncadd.s32 $0xFFFFFFFF  }
0xa5: {  	s26 =	simm.s32 $execute0_lowered;
	[smem:$0x3FD2] =	sst s25  }
0xa6: {  	s5 =	sshll.u32 s26, $0x1;
	_ =	strace $0x8000004C;
	[dreg:$0x1] =	wrdreg $0xFFFFFFFF  }
0xa7: {  	s28 =	simm.s32 $_size_execute0_lowered;
	s3 =	sadd.s32 s3, s5;
	[dreg:$0x0] =	wrdreg $0x0  }
0xa8: {  	s5 =	sshll.u32 s28, $0x1;
	[dreg:$0x2] =	wrdreg s3  }
0xa9: {  	[dreg:$0x3] =	wrdreg s5  }
0xaa: {  	[dreg:$0x4] =	wrdreg $0xC0  }
0xab: {  	_ =	task [dreg:s7], $0x5FFFF  }
0xac: {  	[dreg:$0x1] =	wrdreg $0xFFFFFFFF  }
0xad: {  	[dreg:$0x0] =	wrdreg $0x60  }
0xae: {  	[dreg:$0x2] =	wrdreg s24  }
0xaf: {  	[dreg:$0x3] =	wrdreg s2  }
0xb0: {  	[dreg:$0x4] =	wrdreg $0x82000  }
0xb1: {  	[dreg:$0x5] =	wrdreg $0x9  }
0xb2: {  	_ =	task.clear_ibuf [dreg:s7], $0x6FFFF;
	_ =	strace $0x9000004C  }
0xb3: {  	s29 =	simm.s32 $0x9;
	_ =	strace $0x8000004E  }
0xb4: {  	_ =	swait.ge [sflag:s29], $0x1  }
0xb5: {  	[sflag:s29] =	ssyncadd.s32 $0xFFFFFFFF  }
0xb6: {  	_ =	strace $0x9000004E  }
0xb7: {  	_ =	sfence  }
0xb8: {  	s30 =	sld [smem:$0x0];
	_ =	sdelay $0x2  }
0xb9: {  	s31 =	sshll.u32 s1, $0xD;
	s1 =	sshrl.u32 s1, $0x2  }
0xba: {  	s3 =	sand.u32 $0x4000, s31;
	s1 =	sadd.s32 s1, s30  }
0xbb: {  	s0 =	sor.u32 s3, s0;
	s1 =	sshll.u32 s1, $0x11  }
0xbc: {  	s0 =	sor.u32 s1, s0  }
0xbd: {  	s0 =	sadd.s32 $0x8F2B, s0  }
0xbe: {  	[sflag:s0] =	ssyncadd.remote.s32 $0x1  }
0xbf: {  	_ =	sfence.sel $0xFFFF  }
0xc0: {  	[dreg:$0x0] =	wrdreg $0xFFFFFFFF;
	(pc) =	sbr.abs _section_cstart, $3  }
0xc1: {  	[dreg:$0x1] =	wrdreg $0xFFFFFFFF  }
0xc2: {  	_ =	task.clear_ibuf [dreg:s7], $0x2FFFF;
	_ =	strace $0x9FFFFFFF  }
0xc3: {  	(tm) =	ssettm $0x7FFFFFFF  }
tec
execute0_lowered:
.L_overlay_start_1:
0x0: {  	(tag) =	ssettag $0x1  }
0x1: {  	s5 =	rddreg [dreg:$0x0]  }
0x2: {  	s7 =	rddreg [dreg:$0x1]  }
0x3: {  	s1 =	rddreg [dreg:$0x2]  }
0x4: {  	s2 =	srdreg.scid;
	s0 =	rddreg [dreg:$0x3]  }
0x5: {  	s3 =	simm.s32 $0x0;
	s6 =	sand.u32 $0x1, s2;
	s2 =	stileid.u32  }
0x6: {  	s17 =	simm.s32 $0x80;
	s18 =	simm.s32 $0x200;
	s9 =	smul.u32 $0x50000, s2  }
0x7: {  	s19 =	simm.s32 $0x4;
	s20 =	simm.s32 $0x1;
	s11 =	smul.u32 $0x140000, s6  }
0x8: {  	s21 =	simm.s32 $0x4200;
	[smem:$0x7FF] =	sst s3;
	s14 =	smul.u32 $0x14000, s2  }
0x9: {  	s10 =	sadd.s32 $0x93800, s5;
	s12 =	sadd.s32 $0x7800, s5;
	s25 =	smul.u32 $0x50000, s6  }
0xa: {  	s4 =	sshll.u32 s6, $0x4;
	_ =	strace $0x8000004D;
	s26 =	smul.u32 $0x5000, s2  }
0xb: {  	s22 =	ssub.s32 $0x2, s6;
	p0 =	seq.s32 s6, $0x1;
	s28 =	smul.u32 $0x2800, s2  }
0xc: {  	s30 =	sshll.u32 s2, $0x6;
	s8 =	sor.u32 s2, s4;
	s4 =	sadd.s32 $0x1B800, s5  }
0xd: {  	s13 =	sshrl.u32 s22, $0x1;
	s8 =	smul.u32 $0x5000, s8;
	s9 =	sshrl.u32 s9, $0x2  }
0xe: {  	s13 =	ssub.s32 s22, s13;
	s24 =	sadd.s32 s14, s11;
	s16 =	smov.u32 s4  }
0xf: {  	s29 =	sadd.s32 s26, s25;
	s14 =	simm.s32 $0x5;
	s22 =	simm.s32 $0x2  }
0x10: {  	s15 =	sadd.s32 s9, s1;
	s16 =	smov.u32 @p0 s10;
	s11 =	sor.u32 $0x300, s29  }
0x11: {  	s10 =	sor.u32 $0x200, s29;
	s23 =	sshrl.u32 s8, $0x3;
	s8 =	sshrl.u32 s24, $0x3  }
0x12: {  	s9 =	sadd.s32 s16, s28;
	s11 =	sshrl.u32 s11, $0x3;
	s31 =	sshrl.u32 s10, $0x3  }
0x13: {  	s10 =	sor.u32 $0x1C05, s30;
	s16 =	simm.s32 $0x3;
	s24 =	simm.s32 $0x0  }
0x14: {  	s5 =	sadd.s32 s12, s23;
	s7 =	sadd.s32 s7, s8;
	s8 =	smax.u32 s13, $0x1  }
0x15: {  	s11 =	sadd.s32 s11, s12;
	s12 =	sadd.s32 s31, s12;
	s13 =	sshrl.u32 s15, $0x3  }
0x16: {  	s15 =	simm.s32 $0x100;
	s23 =	simm.s32 $0x180;
	s6 =	sadd.s32 $0x20, s5  }
.LBB2_1:
0x17: {  	[spmem:s13], [sflag:s10] =	dma.local [hbm:s9], $0x2800  }
0x18: {  	_ =	swait.ge [sflag:s14], $0x2800  }
0x19: {  	[sflag:s14] =	ssyncset.done $0x0  }
0x1a: {  	[sflag:s14] =	ssyncadd.s32 $0xFFFFD800  }
0x1b: {  	[tilespmem:s3], [sflag:$0x3] =	stream.linear.gather [hbm4b:s5+s3], $0x100, $0x38;
	[tilespmem:$0x1C200] =	vst v63  }
0x1c: {  	_ = 	snop  }
0x1d: {  	[tilespmem:s15], [sflag:$0x4] =	stream.linear.gather [hbm4b:s6+s3], $0x100, $0x38;
	[tilespmem:$0x1C200] =	vst v63  }
0x1e: {  	[bflag:$0x0] =	sbarrier.arrive $0xFFFF  }
0x1f: {  	_ =	swait.ge [sflag:s16], $0x100  }
0x20: {  	[sflag:s16] =	ssyncset.done $0x0  }
0x21: {  	[sflag:s16] =	ssyncadd.s32 $0xFFFFFF00  }
0x22: {  	[tilespmem:s18], [sflag:$0x1] =	stream.indirect.gather [hbm4b:s4+s17], $0x80, s3, s17, $0xb8;
	[tilespmem:$0x1C200] =	vst v63  }
0x23: {  	_ =	swait.ge [sflag:s19], $0x100  }
0x24: {  	[sflag:s19] =	ssyncset.done $0x0  }
0x25: {  	[sflag:s19] =	ssyncadd.s32 $0xFFFFFF00  }
0x26: {  	_ =	swait.ge [sflag:s20], $0x4000  }
0x27: {  	[sflag:s20] =	ssyncset.done $0x0  }
0x28: {  	[sflag:s20] =	ssyncadd.s32 $0xFFFFC000  }
0x29: {  	[tilespmem:s21], [sflag:$0x2] =	stream.indirect.gather [hbm4b:s4+s17], $0x80, s15, s17, $0xb8;
	[tilespmem:$0x1C200] =	vst v63  }
0x2a: {  	_ = 	snop  }
0x2b: {  	[spmem:s1] =	stream.indirect.scatter.add.f32 [tilespmem:s18], [sflag:$0x5], $0x80, s17, s17, $0xb8;
	[tilespmem:$0x1C200] =	vst v63  }
0x2c: {  	_ =	swait.ge [sflag:s14], $0x4000  }
0x2d: {  	[sflag:s14] =	ssyncset.done $0x0  }
0x2e: {  	s25 =	sadd.s32 $0x0, s12;
	[sflag:s14] =	ssyncadd.s32 $0xFFFFC000  }
0x2f: {  	[tilespmem:s3], [sflag:$0x3] =	stream.linear.gather [hbm4b:s25+s3], $0x100, $0x38;
	[tilespmem:$0x1C200] =	vst v63  }
0x30: {  	_ =	swait.ge [sflag:s22], $0x4000  }
0x31: {  	[sflag:s22] =	ssyncset.done $0x0  }
0x32: {  	[sflag:s22] =	ssyncadd.s32 $0xFFFFC000  }
0x33: {  	_ =	swait.ge [sflag:s16], $0x100  }
0x34: {  	[sflag:s16] =	ssyncset.done $0x0  }
0x35: {  	[sflag:s16] =	ssyncadd.s32 $0xFFFFFF00  }
0x36: {  	[tilespmem:s18], [sflag:$0x1] =	stream.indirect.gather [hbm4b:s4+s17], $0x80, s3, s17, $0xb8;
	[tilespmem:$0x1C200] =	vst v63  }
0x37: {  	_ = 	snop  }
0x38: {  	[spmem:s1] =	stream.indirect.scatter.add.f32 [tilespmem:s21], [sflag:$0x5], $0x80, s23, s17, $0xb8;
	[tilespmem:$0x1C200] =	vst v63  }
0x39: {  	_ =	swait.ge [sflag:s14], $0x4000  }
0x3a: {  	[sflag:s14] =	ssyncset.done $0x0  }
0x3b: {  	s26 =	sadd.s32 $0x0, s11;
	s25 =	simm.s32 $0x40;
	[sflag:s14] =	ssyncadd.s32 $0xFFFFC000  }
.LBB2_2:
0x3c: {  	[tilespmem:s15], [sflag:$0x4] =	stream.linear.gather [hbm4b:s26+s3], $0x100, $0x38;
	[tilespmem:$0x1C200] =	vst v63  }
0x3d: {  	s26 =	smov.u32 s25  }
0x3e: {  	p0 =	sne.s32 s25, $0x980;
	s25 =	sadd.s32 $0x40, s25;
	_ =	swait.ge [sflag:s19], $0x100  }
0x3f: {  	[sflag:s19] =	ssyncset.done $0x0  }
0x40: {  	[sflag:s19] =	ssyncadd.s32 $0xFFFFFF00  }
0x41: {  	_ =	swait.ge [sflag:s20], $0x4000  }
0x42: {  	[sflag:s20] =	ssyncset.done $0x0  }
0x43: {  	[sflag:s20] =	ssyncadd.s32 $0xFFFFC000  }
0x44: {  	[tilespmem:s21], [sflag:$0x2] =	stream.indirect.gather [hbm4b:s4+s17], $0x80, s15, s17, $0xb8;
	[tilespmem:$0x1C200] =	vst v63  }
0x45: {  	_ = 	snop  }
0x46: {  	[spmem:s1] =	stream.indirect.scatter.add.f32 [tilespmem:s18], [sflag:$0x5], $0x80, s17, s17, $0xb8;
	[tilespmem:$0x1C200] =	vst v63  }
0x47: {  	_ =	swait.ge [sflag:s14], $0x4000  }
0x48: {  	[sflag:s14] =	ssyncset.done $0x0  }
0x49: {  	s28 =	sadd.s32 s26, s12;
	[sflag:s14] =	ssyncadd.s32 $0xFFFFC000  }
0x4a: {  	[tilespmem:s3], [sflag:$0x3] =	stream.linear.gather [hbm4b:s28+s3], $0x100, $0x38;
	[tilespmem:$0x1C200] =	vst v63  }
0x4b: {  	_ =	swait.ge [sflag:s22], $0x4000  }
0x4c: {  	[sflag:s22] =	ssyncset.done $0x0  }
0x4d: {  	[sflag:s22] =	ssyncadd.s32 $0xFFFFC000  }
0x4e: {  	_ =	swait.ge [sflag:s16], $0x100  }
0x4f: {  	[sflag:s16] =	ssyncset.done $0x0  }
0x50: {  	[sflag:s16] =	ssyncadd.s32 $0xFFFFFF00  }
0x51: {  	[tilespmem:s18], [sflag:$0x1] =	stream.indirect.gather [hbm4b:s4+s17], $0x80, s3, s17, $0xb8;
	[tilespmem:$0x1C200] =	vst v63  }
.Ltmp0:
0x52: {  	(pc) =	sbr.rel @p0 .LBB2_2-.Ltmp0, $4  }
0x53: {  	[spmem:s1] =	stream.indirect.scatter.add.f32 [tilespmem:s21], [sflag:$0x5], $0x80, s23, s17, $0xb8;
	[tilespmem:$0x1C200] =	vst v63  }
0x54: {  	_ =	swait.ge [sflag:s14], $0x4000  }
0x55: {  	[sflag:s14] =	ssyncset.done $0x0  }
0x56: {  	s26 =	sadd.s32 s26, s11;
	[sflag:s14] =	ssyncadd.s32 $0xFFFFC000  }
0x57: {  	[tilespmem:s15], [sflag:$0x4] =	stream.linear.gather [hbm4b:s26+s3], $0x100, $0x38;
	[tilespmem:$0x1C200] =	vst v63  }
0x58: {  	_ =	swait.ge [sflag:s19], $0x100  }
0x59: {  	[sflag:s19] =	ssyncset.done $0x0  }
0x5a: {  	[sflag:s19] =	ssyncadd.s32 $0xFFFFFF00  }
0x5b: {  	_ =	swait.ge [sflag:s20], $0x4000  }
0x5c: {  	[sflag:s20] =	ssyncset.done $0x0  }
0x5d: {  	[sflag:s20] =	ssyncadd.s32 $0xFFFFC000  }
0x5e: {  	[tilespmem:s21], [sflag:$0x2] =	stream.indirect.gather [hbm4b:s4+s17], $0x80, s15, s17, $0xb8;
	[tilespmem:$0x1C200] =	vst v63  }
0x5f: {  	_ = 	snop  }
0x60: {  	[spmem:s1] =	stream.indirect.scatter.add.f32 [tilespmem:s18], [sflag:$0x5], $0x80, s17, s17, $0xb8;
	[tilespmem:$0x1C200] =	vst v63  }
0x61: {  	_ =	swait.ge [sflag:s14], $0x4000  }
0x62: {  	[sflag:s14] =	ssyncset.done $0x0  }
0x63: {  	[sflag:s14] =	ssyncadd.s32 $0xFFFFC000  }
0x64: {  	_ =	swait.ge [sflag:s22], $0x4000  }
0x65: {  	[sflag:s22] =	ssyncset.done $0x0  }
0x66: {  	[sflag:s22] =	ssyncadd.s32 $0xFFFFC000  }
0x67: {  	[spmem:s1] =	stream.indirect.scatter.add.f32 [tilespmem:s21], [sflag:$0x5], $0x80, s23, s17, $0xb8;
	[tilespmem:$0x1C200] =	vst v63  }
0x68: {  	_ =	swait.ge [sflag:s14], $0x4000  }
0x69: {  	s24 =	sadd.s32 $0x1, s24;
	[sflag:s14] =	ssyncset.done $0x0  }
0x6a: {  	p0 =	sne.s32 s24, s8;
	[sflag:s14] =	ssyncadd.s32 $0xFFFFC000  }
.Ltmp1:
0x6b: {  	[bflag:$0x0] =	sbarrier.arrive $0xFFFF;
	(pc) =	sbr.rel @p0 .LBB2_1-.Ltmp1, $4  }
0x6c: {  	[hbm:s7], [sflag:s10] =	dma.local [spmem:s13], $0x2800  }
0x6d: {  	_ =	swait.ge [sflag:s14], $0x2800  }
0x6e: {  	[sflag:s14] =	ssyncset.done $0x0  }
0x6f: {  	[sflag:s14] =	ssyncadd.s32 $0xFFFFD800  }
0x70: {  	_ =	sfence.sel $0x180000  }
0x71: {  	[bflag:$0x0] =	sbarrier.arrive $0xFFFF  }
0x72: {  	p0 =	sne.s32 s2, $0x0;
	_ =	strace $0x9000004D  }
0x73: {  	s0 =	sadd.s32 @!p0 $0x100000, s0;
	[bflag:$0x2] =	sbarrier.arrive $0xFFFF  }
0x74: {  	[sflag:s0] =	ssyncadd.tile.s32 @!p0 $0x1;
	_ =	shalt  }
.Lfunc_end2:
_tile_overlayer_lowered:
.L_overlay_start_2:
0x75: {  	(tag) =	ssettag $0x2  }
0x76: {  	s0 =	rddreg [dreg:$0x0];
	s2 =	stileid.u32  }
0x77: {  	s1 =	rddreg [dreg:$0x1];
	p0 =	sne.s32 s2, $0x0  }
0x78: {  	s3 =	rddreg [dreg:$0x2];
	[bflag:$0x3] =	sbarrier.arrive $0xFFFF;
	s2 =	simm.s32 @!p0 $0x1C05  }
0x79: {  	[timem:s3], [sflag:s2] =	dma.local @!p0 [hbm:s0], s1  }
0x7a: {  	s0 =	simm.s32 @!p0 $0x5  }
0x7b: {  	_ =	swait.ge @!p0 [sflag:s0], s1  }
0x7c: {  	s1 =	ssub.s32 @!p0 $0x0, s1;
	[sflag:s0] =	ssyncset.done @!p0 $0x0  }
0x7d: {  	[sflag:s0] =	ssyncadd.s32 @!p0 s1  }
0x7e: {  	[bflag:$0x3] =	sbarrier.arrive $0xFFFF  }
0x7f: {  	_ =	shalt  }

// kernel: kernel.25.cloned.1.call-start
scs
__scs_entry_jumppad:
0x0: {  	(pc) =	sbr.rel $0x88, $3  }
0x1: {  	(tag) =	ssettag $0x0;
	lr =	simm.s32 $0x1  }
0x2: {  	[smem:$0x3F93] =	sst lr;
	_ =	strace $0xD0000000  }
0x3: {  	_ = 	snop  }
0x4: {  	_ = 	snop  }
0x5: {  	_ = 	snop  }
0x6: {  	_ = 	snop  }
0x7: {  	_ = 	snop  }
__scs_overlays_trampoline_lowered:
0x8: {  	[smem:$0x3FA2] =	sst s0  }
0x9: {  	[smem:$0x3FA3] =	sst s1  }
0xa: {  	[smem:$0x3FA4] =	sst s2  }
0xb: {  	[smem:$0x3FA5] =	sst s3  }
0xc: {  	[smem:$0x3FA6] =	sst s4  }
0xd: {  	[smem:$0x3FA7] =	sst s5  }
0xe: {  	[smem:$0x3FA8] =	sst s6  }
0xf: {  	[smem:$0x3FA9] =	sst s7  }
0x10: {  	[smem:$0x3FAA] =	sst s8  }
0x11: {  	[smem:$0x3FAB] =	sst s9;
	s0 =	simm.s32 @!p0 $0x0  }
0x12: {  	s1 =	sld [smem:$0x3F91];
	s0 =	simm.s32 @p0 $0x1  }
0x13: {  	[smem:$0x3FAC] =	sst s0;
	s0 =	simm.s32 @!p1 $0x0  }
0x14: {  	s2 =	sld [smem:$0x3F90];
	s0 =	simm.s32 @p1 $0x1  }
0x15: {  	[smem:$0x3FAD] =	sst s0;
	s0 =	simm.s32 @!p2 $0x0  }
0x16: {  	s3 =	sld [smem:$0x3FDB];
	s0 =	simm.s32 @p2 $0x1  }
0x17: {  	s4 =	simm.s32 $0x1BF5;
	[smem:$0x3FAF] =	sst s0  }
0x18: {  	s0 =	sld [smem:$0x3F92];
	_ =	swait.ge [sflag:s4], $0x0  }
0x19: {  	s7 =	sld [smem:$0x3F93]  }
0x1a: {  	s8 =	sadd.s32 $0xFFFFE003, lr  }
0x1b: {  	s9 =	sadd.s32 $0xFFFFFEF7, lr;
	s5 =	simm.s32 $0xFFFFFFFF;
	p2 =	slt.u32 s8, $0xFFFFF086  }
0x1c: {  	p1 =	slt.u32 s9, $0xF7A;
	s5 =	simm.s32 @!p2 $0x0  }
0x1d: {  	s5 =	simm.s32 @p1 $0x1;
	p0 =	seq.s32 s7, s2  }
0x1e: {  	s7 =	smul.u32 @!p0 $0xF7A, s2;
	p2 =	seq.s32 @!p0 s5, $0x0  }
0x1f: {  	s9 =	smul.u32 $0xF7A, s1;
	s8 =	simm.s32 @!p0 $0x1BF5;
	p2 =	por !p2, p0  }
0x20: {  	[sflag:s8] =	ssyncset.s32 @!p0 $0xFFFFF086;
	s6 =	sadd.s32 @!p0 s3, s7;
	s7 =	simm.s32 @!p0 $0x108  }
0x21: {  	s3 =	sadd.s32 s3, s9;
	s6 =	sadd.s32 @!p0 $0x88, s6;
	s7 =	simm.s32 @p2 $0x1082  }
0x22: {  	[simem:s7], [sflag:s8] =	dma.local @!p0 [hbm:s6], $0xF7A  }
0x23: {  	s9 =	sor.u32 $0xD0000000, s2;
	s6 =	simm.s32 $0x108;
	_ =	swait.ge @!p0 [sflag:s8], $0x0  }
0x24: {  	s3 =	sadd.s32 $0x88, s3;
	s6 =	simm.s32 @!p1 $0x1082;
	[sflag:s4] =	ssyncset.s32 $0xFFFFF086  }
0x25: {  	[simem:s6], [sflag:s4] =	dma.local [hbm:s3], $0xF7A  }
0x26: {  	[smem:$0x3F93] =	sst s1;
	(tag) =	ssettag s2;
	_ =	strace s9  }
0x27: {  	s1 =	sld [smem:$0x3FA3]  }
0x28: {  	s2 =	sld [smem:$0x3FA4]  }
0x29: {  	s4 =	sld [smem:$0x3FA6]  }
0x2a: {  	p0 =	seq.s32 s5, $0x0;
	s5 =	sld [smem:$0x3FA7]  }
0x2b: {  	s6 =	sld [smem:$0x3FA8]  }
0x2c: {  	s7 =	sld [smem:$0x3FA9]  }
0x2d: {  	s3 =	simm.s32 $0x108;
	s8 =	sld [smem:$0x3FAA]  }
0x2e: {  	s3 =	simm.s32 @!p0 $0x1082;
	s9 =	sld [smem:$0x3FAB]  }
0x2f: {  	lr =	sadd.s32 s0, s3;
	s0 =	sld [smem:$0x3FA2]  }
0x30: {  	s3 =	sld [smem:$0x3FA5]  }
0x31: {  	[smem:$0x3FAE] =	sst s10  }
0x32: {  	s10 =	sld [smem:$0x3FAC];
	_ =	sdelay $0x3  }
0x33: {  	p0 =	seq.s32 s10, $0x1;
	s10 =	sld [smem:$0x3FAE];
	_ =	sdelay $0x3  }
0x34: {  	[smem:$0x3FAE] =	sst s10  }
0x35: {  	s10 =	sld [smem:$0x3FAD];
	_ =	sdelay $0x3  }
0x36: {  	p1 =	seq.s32 s10, $0x1;
	s10 =	sld [smem:$0x3FAE];
	_ =	sdelay $0x3  }
0x37: {  	[smem:$0x3FAE] =	sst s10  }
0x38: {  	s10 =	sld [smem:$0x3FAF]  }
0x39: {  	_ = 	snop;
	(pc) =	sbr.ind lr, $3  }
0x3a: {  	_ = 	snop  }
0x3b: {  	_ = 	snop  }
0x3c: {  	p2 =	seq.s32 s10, $0x1;
	s10 =	sld [smem:$0x3FAE]  }
0x3d: {  	_ =	shalt  }
0x3e: {  	_ =	shalt  }
0x3f: {  	_ =	shalt  }
0x40: {  	_ =	shalt  }
0x41: {  	_ =	shalt  }
0x42: {  	_ =	shalt  }
0x43: {  	_ =	shalt  }
0x44: {  	_ =	shalt  }
0x45: {  	_ =	shalt  }
0x46: {  	_ =	shalt  }
0x47: {  	_ =	shalt  }
0x48: {  	_ =	shalt  }
0x49: {  	_ =	shalt  }
0x4a: {  	_ =	shalt  }
0x4b: {  	_ =	shalt  }
0x4c: {  	_ =	shalt  }
0x4d: {  	_ =	shalt  }
0x4e: {  	_ =	shalt  }
0x4f: {  	_ =	shalt  }
0x50: {  	_ =	shalt  }
0x51: {  	_ =	shalt  }
0x52: {  	_ =	shalt  }
0x53: {  	_ =	shalt  }
0x54: {  	_ =	shalt  }
0x55: {  	_ =	shalt  }
0x56: {  	_ =	shalt  }
0x57: {  	_ =	shalt  }
0x58: {  	_ =	shalt  }
0x59: {  	_ =	shalt  }
0x5a: {  	_ =	shalt  }
0x5b: {  	_ =	shalt  }
0x5c: {  	_ =	shalt  }
0x5d: {  	_ =	shalt  }
0x5e: {  	_ =	shalt  }
0x5f: {  	_ =	shalt  }
0x60: {  	_ =	shalt  }
0x61: {  	_ =	shalt  }
0x62: {  	_ =	shalt  }
0x63: {  	_ =	shalt  }
0x64: {  	_ =	shalt  }
0x65: {  	_ =	shalt  }
0x66: {  	_ =	shalt  }
0x67: {  	_ =	shalt  }
0x68: {  	_ =	shalt  }
0x69: {  	_ =	shalt  }
0x6a: {  	_ =	shalt  }
0x6b: {  	_ =	shalt  }
0x6c: {  	_ =	shalt  }
0x6d: {  	_ =	shalt  }
0x6e: {  	_ =	shalt  }
0x6f: {  	_ =	shalt  }
0x70: {  	_ =	shalt  }
0x71: {  	_ =	shalt  }
0x72: {  	_ =	shalt  }
0x73: {  	_ =	shalt  }
0x74: {  	_ =	shalt  }
0x75: {  	_ =	shalt  }
0x76: {  	_ =	shalt  }
0x77: {  	_ =	shalt  }
0x78: {  	_ =	shalt  }
0x79: {  	_ =	shalt  }
0x7a: {  	_ =	shalt  }
0x7b: {  	_ =	shalt  }
0x7c: {  	_ =	shalt  }
0x7d: {  	_ =	shalt  }
0x7e: {  	_ =	shalt  }
0x7f: {  	_ =	shalt  }
0x80: {  	_ =	shalt  }
0x81: {  	_ =	shalt  }
0x82: {  	_ =	shalt  }
0x83: {  	_ =	shalt  }
0x84: {  	_ =	shalt  }
0x85: {  	_ =	shalt  }
0x86: {  	_ =	shalt  }
0x87: {  	_ =	shalt  }
.Lfunc_end0:
.L_simem_size_0:
called_computation.3_lowered:
.L_overlay_start_0:
0x88: {  	s2 =	sld [smem:$0x3FD9]  }
0x89: {  	s3 =	sld [smem:$0x3FFE];
	_ =	sdelay $0x1  }
0x8a: {  	s1 =	srdreg.scid  }
0x8b: {  	s0 =	sand.u32 $0x1, s1  }
0x8c: {  	s16 =	sshll.u32 s0, $0xA;
	s2 =	sadd.s32 s3, s2  }
0x8d: {  	s2 =	sadd.s32 s2, s16  }
0x8e: {  	[smem:$0x3FBA] =	sst s2  }
0x8f: {  	_ = 	snop  }
0x90: {  	(tm) =	ssettm $0x1  }
0x91: {  	s17 =	sld [smem:$0x3FFB];
	_ =	sdelay $0x3  }
0x92: {  	_ =	strace s17  }
0x93: {  	s2 =	sld [smem:$0x3FFC];
	_ =	sdelay $0x3  }
0x94: {  	_ =	strace s2  }
0x95: {  	s2 =	sld [smem:$0x3FFD];
	_ =	sdelay $0x3  }
0x96: {  	_ =	strace s2  }
0x97: {  	_ =	strace $0x8FFFFFFF  }
0x98: {  	s18 =	sld [smem:$0x3FDB];
	_ =	sdelay $0x1  }
0x99: {  	s19 =	simm.s32 $_scs_section_size  }
0x9a: {  	s4 =	simm.s32 $_size__tile_overlayer_lowered;
	s5 =	simm.s32 $_tile_overlayer_lowered  }
0x9b: {  	s22 =	simm.s32 $0x1BFF;
	s21 =	sshll.u32 s5, $0x1;
	s2 =	sadd.s32 s19, s18  }
0x9c: {  	s6 =	simm.s32 $0x0;
	s20 =	sshll.u32 s4, $0x1;
	s4 =	sadd.s32 s21, s2  }
0x9d: {  	[timem:s6], [sflag:s22] =	dma.local [hbm:s4], s20  }
0x9e: {  	_ =	swait.ge [sflag:s22], s20  }
0x9f: {  	s3 =	ssub.s32 $0x0, s20;
	[sflag:s22] =	ssyncset.done $0x0  }
0xa0: {  	[sflag:s22] =	ssyncadd.s32 s3;
	_ =	sdelay $0x1  }
0xa1: {  	s23 =	simm.s32 $0x1B8B  }
0xa2: {  	_ =	swait.ge [sflag:s23], $0x1  }
0xa3: {  	[sflag:s23] =	ssyncset.done $0x0  }
0xa4: {  	s25 =	simm.s32 $0x1B8E;
	s24 =	sld [smem:$0x3FFE];
	[sflag:s23] =	ssyncadd.s32 $0xFFFFFFFF  }
0xa5: {  	s26 =	simm.s32 $execute0_lowered;
	[smem:$0x3FD2] =	sst s25  }
0xa6: {  	s4 =	sshll.u32 s26, $0x1;
	_ =	strace $0x8000004F;
	[dreg:$0x1] =	wrdreg $0xFFFFFFFF  }
0xa7: {  	s28 =	simm.s32 $_size_execute0_lowered;
	s2 =	sadd.s32 s2, s4;
	[dreg:$0x0] =	wrdreg $0x0  }
0xa8: {  	s4 =	sshll.u32 s28, $0x1;
	[dreg:$0x2] =	wrdreg s2  }
0xa9: {  	[dreg:$0x3] =	wrdreg s4  }
0xaa: {  	[dreg:$0x4] =	wrdreg $0xC0  }
0xab: {  	_ =	task [dreg:s6], $0x5FFFF  }
0xac: {  	[dreg:$0x1] =	wrdreg $0xFFFFFFFF  }
0xad: {  	[dreg:$0x0] =	wrdreg $0x60  }
0xae: {  	[dreg:$0x2] =	wrdreg s24  }
0xaf: {  	[dreg:$0x3] =	wrdreg $0x82000  }
0xb0: {  	[dreg:$0x4] =	wrdreg $0x9  }
0xb1: {  	_ =	task.clear_ibuf [dreg:s6], $0x5FFFF;
	_ =	strace $0x9000004F  }
0xb2: {  	s29 =	simm.s32 $0x9;
	_ =	strace $0x80000051  }
0xb3: {  	_ =	swait.ge [sflag:s29], $0x1  }
0xb4: {  	[sflag:s29] =	ssyncadd.s32 $0xFFFFFFFF  }
0xb5: {  	_ =	strace $0x90000051  }
0xb6: {  	_ =	sfence  }
0xb7: {  	s30 =	sld [smem:$0x0];
	_ =	sdelay $0x2  }
0xb8: {  	s31 =	sshll.u32 s1, $0xD;
	s1 =	sshrl.u32 s1, $0x2  }
0xb9: {  	s3 =	sand.u32 $0x4000, s31;
	s1 =	sadd.s32 s1, s30  }
0xba: {  	s0 =	sor.u32 s3, s0;
	s1 =	sshll.u32 s1, $0x11  }
0xbb: {  	s0 =	sor.u32 s1, s0  }
0xbc: {  	s0 =	sadd.s32 $0x8F2B, s0  }
0xbd: {  	[sflag:s0] =	ssyncadd.remote.s32 $0x1  }
0xbe: {  	_ =	sfence.sel $0xFFFF  }
0xbf: {  	[dreg:$0x0] =	wrdreg $0xFFFFFFFF;
	(pc) =	sbr.abs _section_cstart, $3  }
0xc0: {  	[dreg:$0x1] =	wrdreg $0xFFFFFFFF  }
0xc1: {  	_ =	task.clear_ibuf [dreg:s6], $0x2FFFF;
	_ =	strace $0x9FFFFFFF  }
0xc2: {  	(tm) =	ssettm $0x7FFFFFFF  }
0xc3: {  	_ =	shalt  }
tec
execute0_lowered:
.L_overlay_start_1:
0x0: {  	(tag) =	ssettag $0x1  }
0x1: {  	s5 =	rddreg [dreg:$0x0]  }
0x2: {  	s1 =	rddreg [dreg:$0x1]  }
0x3: {  	s2 =	srdreg.scid;
	s0 =	rddreg [dreg:$0x2];
	s3 =	simm.s32 $0x0  }
0x4: {  	s17 =	simm.s32 $0x80;
	s18 =	simm.s32 $0x200;
	s19 =	simm.s32 $0x4  }
0x5: {  	s20 =	simm.s32 $0x1;
	s21 =	simm.s32 $0x4200;
	s6 =	sand.u32 $0x1, s2  }
0x6: {  	s22 =	simm.s32 $0x2;
	s2 =	stileid.u32;
	s7 =	smul.u32 $0x140000, s6  }
0x7: {  	s23 =	simm.s32 $0x180;
	[smem:$0x7FF] =	sst s3;
	s8 =	smul.u32 $0x14000, s2  }
0x8: {  	s4 =	sadd.s32 $0x1B800, s5;
	s9 =	sadd.s32 $0x93800, s5;
	s11 =	smul.u32 $0x50000, s2  }
0x9: {  	s12 =	sadd.s32 $0x7800, s5;
	_ =	strace $0x80000050;
	s26 =	smul.u32 $0x50000, s6  }
0xa: {  	s24 =	sshll.u32 s6, $0x4;
	s10 =	ssub.s32 $0x2, s6;
	s14 =	smul.u32 $0x5000, s2  }
0xb: {  	p0 =	seq.s32 s6, $0x1;
	s15 =	smul.u32 $0x2800, s2;
	s16 =	smov.u32 s4  }
0xc: {  	s30 =	sshll.u32 s2, $0x6;
	s13 =	sshrl.u32 s10, $0x1;
	s16 =	smov.u32 @p0 s9  }
0xd: {  	s7 =	sadd.s32 s8, s7;
	s8 =	sor.u32 s2, s24;
	s10 =	ssub.s32 s10, s13  }
0xe: {  	s25 =	sshrl.u32 s11, $0x2;
	s29 =	sadd.s32 s14, s26;
	s9 =	sadd.s32 s16, s15  }
0xf: {  	s14 =	simm.s32 $0x5;
	s15 =	simm.s32 $0x100;
	s16 =	simm.s32 $0x3  }
0x10: {  	s24 =	simm.s32 $0x0;
	s7 =	sshrl.u32 s7, $0x3;
	s8 =	smul.u32 $0x5000, s8  }
0x11: {  	s28 =	sadd.s32 s25, s1;
	s11 =	sor.u32 $0x300, s29;
	s7 =	sadd.s32 s7, s5  }
0x12: {  	s11 =	sshrl.u32 s11, $0x3;
	s13 =	sshrl.u32 s28, $0x3;
	s8 =	sshrl.u32 s8, $0x3  }
0x13: {  	s5 =	sadd.s32 s12, s8;
	s8 =	smax.u32 s10, $0x1;
	s10 =	sor.u32 $0x200, s29  }
0x14: {  	s7 =	sadd.s32 $0x10B800, s7;
	s11 =	sadd.s32 s11, s12;
	s31 =	sshrl.u32 s10, $0x3  }
0x15: {  	s6 =	sadd.s32 $0x20, s5;
	s10 =	sor.u32 $0x1C05, s30;
	s12 =	sadd.s32 s31, s12  }
.LBB2_1:
0x16: {  	[spmem:s13], [sflag:s10] =	dma.local [hbm:s9], $0x2800  }
0x17: {  	_ =	swait.ge [sflag:s14], $0x2800  }
0x18: {  	[sflag:s14] =	ssyncset.done $0x0  }
0x19: {  	[sflag:s14] =	ssyncadd.s32 $0xFFFFD800  }
0x1a: {  	[tilespmem:s3], [sflag:$0x3] =	stream.linear.gather [hbm4b:s5+s3], $0x100, $0x38;
	[tilespmem:$0x1C200] =	vst v63  }
0x1b: {  	_ = 	snop  }
0x1c: {  	[tilespmem:s15], [sflag:$0x4] =	stream.linear.gather [hbm4b:s6+s3], $0x100, $0x38;
	[tilespmem:$0x1C200] =	vst v63  }
0x1d: {  	[bflag:$0x0] =	sbarrier.arrive $0xFFFF  }
0x1e: {  	_ =	swait.ge [sflag:s16], $0x100  }
0x1f: {  	[sflag:s16] =	ssyncset.done $0x0  }
0x20: {  	[sflag:s16] =	ssyncadd.s32 $0xFFFFFF00  }
0x21: {  	[tilespmem:s18], [sflag:$0x1] =	stream.indirect.gather [hbm4b:s4+s17], $0x80, s3, s17, $0xb8;
	[tilespmem:$0x1C200] =	vst v63  }
0x22: {  	_ =	swait.ge [sflag:s19], $0x100  }
0x23: {  	[sflag:s19] =	ssyncset.done $0x0  }
0x24: {  	[sflag:s19] =	ssyncadd.s32 $0xFFFFFF00  }
0x25: {  	_ =	swait.ge [sflag:s20], $0x4000  }
0x26: {  	[sflag:s20] =	ssyncset.done $0x0  }
0x27: {  	[sflag:s20] =	ssyncadd.s32 $0xFFFFC000  }
0x28: {  	[tilespmem:s21], [sflag:$0x2] =	stream.indirect.gather [hbm4b:s4+s17], $0x80, s15, s17, $0xb8;
	[tilespmem:$0x1C200] =	vst v63  }
0x29: {  	_ = 	snop  }
0x2a: {  	[spmem:s1] =	stream.indirect.scatter.add.f32 [tilespmem:s18], [sflag:$0x5], $0x80, s17, s17, $0xb8;
	[tilespmem:$0x1C200] =	vst v63  }
0x2b: {  	_ =	swait.ge [sflag:s14], $0x4000  }
0x2c: {  	[sflag:s14] =	ssyncset.done $0x0  }
0x2d: {  	s25 =	sadd.s32 $0x0, s12;
	[sflag:s14] =	ssyncadd.s32 $0xFFFFC000  }
0x2e: {  	[tilespmem:s3], [sflag:$0x3] =	stream.linear.gather [hbm4b:s25+s3], $0x100, $0x38;
	[tilespmem:$0x1C200] =	vst v63  }
0x2f: {  	_ =	swait.ge [sflag:s22], $0x4000  }
0x30: {  	[sflag:s22] =	ssyncset.done $0x0  }
0x31: {  	[sflag:s22] =	ssyncadd.s32 $0xFFFFC000  }
0x32: {  	_ =	swait.ge [sflag:s16], $0x100  }
0x33: {  	[sflag:s16] =	ssyncset.done $0x0  }
0x34: {  	[sflag:s16] =	ssyncadd.s32 $0xFFFFFF00  }
0x35: {  	[tilespmem:s18], [sflag:$0x1] =	stream.indirect.gather [hbm4b:s4+s17], $0x80, s3, s17, $0xb8;
	[tilespmem:$0x1C200] =	vst v63  }
0x36: {  	_ = 	snop  }
0x37: {  	[spmem:s1] =	stream.indirect.scatter.add.f32 [tilespmem:s21], [sflag:$0x5], $0x80, s23, s17, $0xb8;
	[tilespmem:$0x1C200] =	vst v63  }
0x38: {  	_ =	swait.ge [sflag:s14], $0x4000  }
0x39: {  	[sflag:s14] =	ssyncset.done $0x0  }
0x3a: {  	s26 =	sadd.s32 $0x0, s11;
	s25 =	simm.s32 $0x40;
	[sflag:s14] =	ssyncadd.s32 $0xFFFFC000  }
.LBB2_2:
0x3b: {  	[tilespmem:s15], [sflag:$0x4] =	stream.linear.gather [hbm4b:s26+s3], $0x100, $0x38;
	[tilespmem:$0x1C200] =	vst v63  }
0x3c: {  	s26 =	smov.u32 s25  }
0x3d: {  	p0 =	sne.s32 s25, $0x980;
	s25 =	sadd.s32 $0x40, s25;
	_ =	swait.ge [sflag:s19], $0x100  }
0x3e: {  	[sflag:s19] =	ssyncset.done $0x0  }
0x3f: {  	[sflag:s19] =	ssyncadd.s32 $0xFFFFFF00  }
0x40: {  	_ =	swait.ge [sflag:s20], $0x4000  }
0x41: {  	[sflag:s20] =	ssyncset.done $0x0  }
0x42: {  	[sflag:s20] =	ssyncadd.s32 $0xFFFFC000  }
0x43: {  	[tilespmem:s21], [sflag:$0x2] =	stream.indirect.gather [hbm4b:s4+s17], $0x80, s15, s17, $0xb8;
	[tilespmem:$0x1C200] =	vst v63  }
0x44: {  	_ = 	snop  }
0x45: {  	[spmem:s1] =	stream.indirect.scatter.add.f32 [tilespmem:s18], [sflag:$0x5], $0x80, s17, s17, $0xb8;
	[tilespmem:$0x1C200] =	vst v63  }
0x46: {  	_ =	swait.ge [sflag:s14], $0x4000  }
0x47: {  	[sflag:s14] =	ssyncset.done $0x0  }
0x48: {  	s28 =	sadd.s32 s26, s12;
	[sflag:s14] =	ssyncadd.s32 $0xFFFFC000  }
0x49: {  	[tilespmem:s3], [sflag:$0x3] =	stream.linear.gather [hbm4b:s28+s3], $0x100, $0x38;
	[tilespmem:$0x1C200] =	vst v63  }
0x4a: {  	_ =	swait.ge [sflag:s22], $0x4000  }
0x4b: {  	[sflag:s22] =	ssyncset.done $0x0  }
0x4c: {  	[sflag:s22] =	ssyncadd.s32 $0xFFFFC000  }
0x4d: {  	_ =	swait.ge [sflag:s16], $0x100  }
0x4e: {  	[sflag:s16] =	ssyncset.done $0x0  }
0x4f: {  	[sflag:s16] =	ssyncadd.s32 $0xFFFFFF00  }
0x50: {  	[tilespmem:s18], [sflag:$0x1] =	stream.indirect.gather [hbm4b:s4+s17], $0x80, s3, s17, $0xb8;
	[tilespmem:$0x1C200] =	vst v63  }
.Ltmp0:
0x51: {  	(pc) =	sbr.rel @p0 .LBB2_2-.Ltmp0, $4  }
0x52: {  	[spmem:s1] =	stream.indirect.scatter.add.f32 [tilespmem:s21], [sflag:$0x5], $0x80, s23, s17, $0xb8;
	[tilespmem:$0x1C200] =	vst v63  }
0x53: {  	_ =	swait.ge [sflag:s14], $0x4000  }
0x54: {  	[sflag:s14] =	ssyncset.done $0x0  }
0x55: {  	s26 =	sadd.s32 s26, s11;
	[sflag:s14] =	ssyncadd.s32 $0xFFFFC000  }
0x56: {  	[tilespmem:s15], [sflag:$0x4] =	stream.linear.gather [hbm4b:s26+s3], $0x100, $0x38;
	[tilespmem:$0x1C200] =	vst v63  }
0x57: {  	_ =	swait.ge [sflag:s19], $0x100  }
0x58: {  	[sflag:s19] =	ssyncset.done $0x0  }
0x59: {  	[sflag:s19] =	ssyncadd.s32 $0xFFFFFF00  }
0x5a: {  	_ =	swait.ge [sflag:s20], $0x4000  }
0x5b: {  	[sflag:s20] =	ssyncset.done $0x0  }
0x5c: {  	[sflag:s20] =	ssyncadd.s32 $0xFFFFC000  }
0x5d: {  	[tilespmem:s21], [sflag:$0x2] =	stream.indirect.gather [hbm4b:s4+s17], $0x80, s15, s17, $0xb8;
	[tilespmem:$0x1C200] =	vst v63  }
0x5e: {  	_ = 	snop  }
0x5f: {  	[spmem:s1] =	stream.indirect.scatter.add.f32 [tilespmem:s18], [sflag:$0x5], $0x80, s17, s17, $0xb8;
	[tilespmem:$0x1C200] =	vst v63  }
0x60: {  	_ =	swait.ge [sflag:s14], $0x4000  }
0x61: {  	[sflag:s14] =	ssyncset.done $0x0  }
0x62: {  	[sflag:s14] =	ssyncadd.s32 $0xFFFFC000  }
0x63: {  	_ =	swait.ge [sflag:s22], $0x4000  }
0x64: {  	[sflag:s22] =	ssyncset.done $0x0  }
0x65: {  	[sflag:s22] =	ssyncadd.s32 $0xFFFFC000  }
0x66: {  	[spmem:s1] =	stream.indirect.scatter.add.f32 [tilespmem:s21], [sflag:$0x5], $0x80, s23, s17, $0xb8;
	[tilespmem:$0x1C200] =	vst v63  }
0x67: {  	_ =	swait.ge [sflag:s14], $0x4000  }
0x68: {  	s24 =	sadd.s32 $0x1, s24;
	[sflag:s14] =	ssyncset.done $0x0  }
0x69: {  	p0 =	sne.s32 s24, s8;
	[sflag:s14] =	ssyncadd.s32 $0xFFFFC000  }
.Ltmp1:
0x6a: {  	[bflag:$0x0] =	sbarrier.arrive $0xFFFF;
	(pc) =	sbr.rel @p0 .LBB2_1-.Ltmp1, $4  }
0x6b: {  	[hbm:s7], [sflag:s10] =	dma.local [spmem:s13], $0x2800  }
0x6c: {  	_ =	swait.ge [sflag:s14], $0x2800  }
0x6d: {  	[sflag:s14] =	ssyncset.done $0x0  }
0x6e: {  	[sflag:s14] =	ssyncadd.s32 $0xFFFFD800  }
0x6f: {  	_ =	sfence.sel $0x180000  }
0x70: {  	[bflag:$0x0] =	sbarrier.arrive $0xFFFF  }
0x71: {  	p0 =	sne.s32 s2, $0x0;
	_ =	strace $0x90000050  }
0x72: {  	s0 =	sadd.s32 @!p0 $0x100000, s0;
	[bflag:$0x2] =	sbarrier.arrive $0xFFFF  }
0x73: {  	[sflag:s0] =	ssyncadd.tile.s32 @!p0 $0x1;
	_ =	shalt  }
.Lfunc_end2:
_tile_overlayer_lowered:
.L_overlay_start_2:
0x74: {  	(tag) =	ssettag $0x2  }
0x75: {  	s0 =	rddreg [dreg:$0x0];
	s2 =	stileid.u32  }
0x76: {  	s1 =	rddreg [dreg:$0x1];
	p0 =	sne.s32 s2, $0x0  }
0x77: {  	s3 =	rddreg [dreg:$0x2];
	[bflag:$0x3] =	sbarrier.arrive $0xFFFF;
	s2 =	simm.s32 @!p0 $0x1C05  }
0x78: {  	[timem:s3], [sflag:s2] =	dma.local @!p0 [hbm:s0], s1  }
0x79: {  	s0 =	simm.s32 @!p0 $0x5  }
0x7a: {  	_ =	swait.ge @!p0 [sflag:s0], s1  }
0x7b: {  	s1 =	ssub.s32 @!p0 $0x0, s1;
	[sflag:s0] =	ssyncset.done @!p0 $0x0  }
0x7c: {  	[sflag:s0] =	ssyncadd.s32 @!p0 s1  }
0x7d: {  	[bflag:$0x3] =	sbarrier.arrive $0xFFFF  }
0x7e: {  	_ =	shalt  }

// kernel: kernel.28.cloned.1.call-start
scs
__scs_entry_jumppad:
0x0: {  	(pc) =	sbr.rel $0x88, $3  }
0x1: {  	(tag) =	ssettag $0x0;
	lr =	simm.s32 $0x1  }
0x2: {  	[smem:$0x3F93] =	sst lr;
	_ =	strace $0xD0000000  }
0x3: {  	_ = 	snop  }
0x4: {  	_ = 	snop  }
0x5: {  	_ = 	snop  }
0x6: {  	_ = 	snop  }
0x7: {  	_ = 	snop  }
__scs_overlays_trampoline_lowered:
0x8: {  	[smem:$0x3FA2] =	sst s0  }
0x9: {  	[smem:$0x3FA3] =	sst s1  }
0xa: {  	[smem:$0x3FA4] =	sst s2  }
0xb: {  	[smem:$0x3FA5] =	sst s3  }
0xc: {  	[smem:$0x3FA6] =	sst s4  }
0xd: {  	[smem:$0x3FA7] =	sst s5  }
0xe: {  	[smem:$0x3FA8] =	sst s6  }
0xf: {  	[smem:$0x3FA9] =	sst s7  }
0x10: {  	[smem:$0x3FAA] =	sst s8  }
0x11: {  	[smem:$0x3FAB] =	sst s9;
	s0 =	simm.s32 @!p0 $0x0  }
0x12: {  	s1 =	sld [smem:$0x3F91];
	s0 =	simm.s32 @p0 $0x1  }
0x13: {  	[smem:$0x3FAC] =	sst s0;
	s0 =	simm.s32 @!p1 $0x0  }
0x14: {  	s2 =	sld [smem:$0x3F90];
	s0 =	simm.s32 @p1 $0x1  }
0x15: {  	[smem:$0x3FAD] =	sst s0;
	s0 =	simm.s32 @!p2 $0x0  }
0x16: {  	s3 =	sld [smem:$0x3FDB];
	s0 =	simm.s32 @p2 $0x1  }
0x17: {  	s4 =	simm.s32 $0x1BF5;
	[smem:$0x3FAF] =	sst s0  }
0x18: {  	s0 =	sld [smem:$0x3F92];
	_ =	swait.ge [sflag:s4], $0x0  }
0x19: {  	s7 =	sld [smem:$0x3F93]  }
0x1a: {  	s8 =	sadd.s32 $0xFFFFE003, lr  }
0x1b: {  	s9 =	sadd.s32 $0xFFFFFEF7, lr;
	s5 =	simm.s32 $0xFFFFFFFF;
	p2 =	slt.u32 s8, $0xFFFFF086  }
0x1c: {  	p1 =	slt.u32 s9, $0xF7A;
	s5 =	simm.s32 @!p2 $0x0  }
0x1d: {  	s5 =	simm.s32 @p1 $0x1;
	p0 =	seq.s32 s7, s2  }
0x1e: {  	s7 =	smul.u32 @!p0 $0xF7A, s2;
	p2 =	seq.s32 @!p0 s5, $0x0  }
0x1f: {  	s9 =	smul.u32 $0xF7A, s1;
	s8 =	simm.s32 @!p0 $0x1BF5;
	p2 =	por !p2, p0  }
0x20: {  	[sflag:s8] =	ssyncset.s32 @!p0 $0xFFFFF086;
	s6 =	sadd.s32 @!p0 s3, s7;
	s7 =	simm.s32 @!p0 $0x108  }
0x21: {  	s3 =	sadd.s32 s3, s9;
	s6 =	sadd.s32 @!p0 $0x88, s6;
	s7 =	simm.s32 @p2 $0x1082  }
0x22: {  	[simem:s7], [sflag:s8] =	dma.local @!p0 [hbm:s6], $0xF7A  }
0x23: {  	s9 =	sor.u32 $0xD0000000, s2;
	s6 =	simm.s32 $0x108;
	_ =	swait.ge @!p0 [sflag:s8], $0x0  }
0x24: {  	s3 =	sadd.s32 $0x88, s3;
	s6 =	simm.s32 @!p1 $0x1082;
	[sflag:s4] =	ssyncset.s32 $0xFFFFF086  }
0x25: {  	[simem:s6], [sflag:s4] =	dma.local [hbm:s3], $0xF7A  }
0x26: {  	[smem:$0x3F93] =	sst s1;
	(tag) =	ssettag s2;
	_ =	strace s9  }
0x27: {  	s1 =	sld [smem:$0x3FA3]  }
0x28: {  	s2 =	sld [smem:$0x3FA4]  }
0x29: {  	s4 =	sld [smem:$0x3FA6]  }
0x2a: {  	p0 =	seq.s32 s5, $0x0;
	s5 =	sld [smem:$0x3FA7]  }
0x2b: {  	s6 =	sld [smem:$0x3FA8]  }
0x2c: {  	s7 =	sld [smem:$0x3FA9]  }
0x2d: {  	s3 =	simm.s32 $0x108;
	s8 =	sld [smem:$0x3FAA]  }
0x2e: {  	s3 =	simm.s32 @!p0 $0x1082;
	s9 =	sld [smem:$0x3FAB]  }
0x2f: {  	lr =	sadd.s32 s0, s3;
	s0 =	sld [smem:$0x3FA2]  }
0x30: {  	s3 =	sld [smem:$0x3FA5]  }
0x31: {  	[smem:$0x3FAE] =	sst s10  }
0x32: {  	s10 =	sld [smem:$0x3FAC];
	_ =	sdelay $0x3  }
0x33: {  	p0 =	seq.s32 s10, $0x1;
	s10 =	sld [smem:$0x3FAE];
	_ =	sdelay $0x3  }
0x34: {  	[smem:$0x3FAE] =	sst s10  }
0x35: {  	s10 =	sld [smem:$0x3FAD];
	_ =	sdelay $0x3  }
0x36: {  	p1 =	seq.s32 s10, $0x1;
	s10 =	sld [smem:$0x3FAE];
	_ =	sdelay $0x3  }
0x37: {  	[smem:$0x3FAE] =	sst s10  }
0x38: {  	s10 =	sld [smem:$0x3FAF]  }
0x39: {  	_ = 	snop;
	(pc) =	sbr.ind lr, $3  }
0x3a: {  	_ = 	snop  }
0x3b: {  	_ = 	snop  }
0x3c: {  	p2 =	seq.s32 s10, $0x1;
	s10 =	sld [smem:$0x3FAE]  }
0x3d: {  	_ =	shalt  }
0x3e: {  	_ =	shalt  }
0x3f: {  	_ =	shalt  }
0x40: {  	_ =	shalt  }
0x41: {  	_ =	shalt  }
0x42: {  	_ =	shalt  }
0x43: {  	_ =	shalt  }
0x44: {  	_ =	shalt  }
0x45: {  	_ =	shalt  }
0x46: {  	_ =	shalt  }
0x47: {  	_ =	shalt  }
0x48: {  	_ =	shalt  }
0x49: {  	_ =	shalt  }
0x4a: {  	_ =	shalt  }
0x4b: {  	_ =	shalt  }
0x4c: {  	_ =	shalt  }
0x4d: {  	_ =	shalt  }
0x4e: {  	_ =	shalt  }
0x4f: {  	_ =	shalt  }
0x50: {  	_ =	shalt  }
0x51: {  	_ =	shalt  }
0x52: {  	_ =	shalt  }
0x53: {  	_ =	shalt  }
0x54: {  	_ =	shalt  }
0x55: {  	_ =	shalt  }
0x56: {  	_ =	shalt  }
0x57: {  	_ =	shalt  }
0x58: {  	_ =	shalt  }
0x59: {  	_ =	shalt  }
0x5a: {  	_ =	shalt  }
0x5b: {  	_ =	shalt  }
0x5c: {  	_ =	shalt  }
0x5d: {  	_ =	shalt  }
0x5e: {  	_ =	shalt  }
0x5f: {  	_ =	shalt  }
0x60: {  	_ =	shalt  }
0x61: {  	_ =	shalt  }
0x62: {  	_ =	shalt  }
0x63: {  	_ =	shalt  }
0x64: {  	_ =	shalt  }
0x65: {  	_ =	shalt  }
0x66: {  	_ =	shalt  }
0x67: {  	_ =	shalt  }
0x68: {  	_ =	shalt  }
0x69: {  	_ =	shalt  }
0x6a: {  	_ =	shalt  }
0x6b: {  	_ =	shalt  }
0x6c: {  	_ =	shalt  }
0x6d: {  	_ =	shalt  }
0x6e: {  	_ =	shalt  }
0x6f: {  	_ =	shalt  }
0x70: {  	_ =	shalt  }
0x71: {  	_ =	shalt  }
0x72: {  	_ =	shalt  }
0x73: {  	_ =	shalt  }
0x74: {  	_ =	shalt  }
0x75: {  	_ =	shalt  }
0x76: {  	_ =	shalt  }
0x77: {  	_ =	shalt  }
0x78: {  	_ =	shalt  }
0x79: {  	_ =	shalt  }
0x7a: {  	_ =	shalt  }
0x7b: {  	_ =	shalt  }
0x7c: {  	_ =	shalt  }
0x7d: {  	_ =	shalt  }
0x7e: {  	_ =	shalt  }
0x7f: {  	_ =	shalt  }
0x80: {  	_ =	shalt  }
0x81: {  	_ =	shalt  }
0x82: {  	_ =	shalt  }
0x83: {  	_ =	shalt  }
0x84: {  	_ =	shalt  }
0x85: {  	_ =	shalt  }
0x86: {  	_ =	shalt  }
0x87: {  	_ =	shalt  }
.Lfunc_end0:
.L_simem_size_0:
called_computation.4_lowered:
.L_overlay_start_0:
0x88: {  	s2 =	sld [smem:$0x3FD9]  }
0x89: {  	s3 =	sld [smem:$0x3FFE];
	_ =	sdelay $0x1  }
0x8a: {  	s1 =	srdreg.scid  }
0x8b: {  	s0 =	sand.u32 $0x1, s1  }
0x8c: {  	s17 =	sshll.u32 s0, $0xA;
	s2 =	sadd.s32 s3, s2  }
0x8d: {  	s2 =	sadd.s32 s2, s17  }
0x8e: {  	[smem:$0x3FBA] =	sst s2  }
0x8f: {  	_ = 	snop  }
0x90: {  	(tm) =	ssettm $0x1  }
0x91: {  	s18 =	sld [smem:$0x3FFB];
	_ =	sdelay $0x3  }
0x92: {  	_ =	strace s18  }
0x93: {  	s2 =	sld [smem:$0x3FFC];
	_ =	sdelay $0x3  }
0x94: {  	_ =	strace s2  }
0x95: {  	s2 =	sld [smem:$0x3FFD];
	_ =	sdelay $0x3  }
0x96: {  	_ =	strace s2  }
0x97: {  	_ =	strace $0x8FFFFFFF  }
0x98: {  	s19 =	sld [smem:$0x3FDB];
	_ =	sdelay $0x1  }
0x99: {  	s20 =	simm.s32 $_scs_section_size  }
0x9a: {  	s4 =	simm.s32 $_size__tile_overlayer_lowered;
	s5 =	simm.s32 $_tile_overlayer_lowered  }
0x9b: {  	s6 =	simm.s32 $0x1BFF;
	s21 =	sshll.u32 s5, $0x1;
	s3 =	sadd.s32 s20, s19  }
0x9c: {  	s22 =	simm.s32 $0x0;
	s4 =	sshll.u32 s4, $0x1;
	s5 =	sadd.s32 s21, s3  }
0x9d: {  	[timem:s22], [sflag:s6] =	dma.local [hbm:s5], s4  }
0x9e: {  	_ =	swait.ge [sflag:s6], s4  }
0x9f: {  	s4 =	ssub.s32 $0x0, s4;
	[sflag:s6] =	ssyncset.done $0x0  }
0xa0: {  	[sflag:s6] =	ssyncadd.s32 s4;
	_ =	sdelay $0x1  }
0xa1: {  	s23 =	simm.s32 $0x1B8B  }
0xa2: {  	_ =	swait.ge [sflag:s23], $0x1  }
0xa3: {  	[sflag:s23] =	ssyncset.done $0x0  }
0xa4: {  	[sflag:s23] =	ssyncadd.s32 $0xFFFFFFFF  }
0xa5: {  	s4 =	sld [smem:$0x0]  }
0xa6: {  	s5 =	sand.u32 $0xFFFFFFFE, s1  }
0xa7: {  	p0 =	sne.s32 s1, s5  }
0xa8: {  	s5 =	sshll.u32 @p0 s5, $0xE  }
0xa9: {  	s5 =	sadd.s32 @p0 $0x11B8D, s5;
	s6 =	sshll.u32 @p0 s4, $0x11  }
0xaa: {  	s5 =	sor.u32 @p0 s6, s5  }
0xab: {  	[sflag:s5] =	ssyncadd.remote.s32 @p0 $0x1;
	_ =	sdelay $0x1  }
0xac: {  	s5 =	simm.s32 @p0 $0x1B8D  }
0xad: {  	_ =	swait.eq @p0 [sflag:s5], $0x1  }
0xae: {  	[sflag:s5] =	ssyncadd.s32 @p0 $0xFFFFFFFF  }
0xaf: {  	s6 =	sshll.u32 @!p0 s1, $0xE  }
0xb0: {  	s6 =	sor.u32 @!p0 $0x4000, s6;
	s5 =	simm.s32 @!p0 $0x1B8D  }
0xb1: {  	s4 =	sshll.u32 @!p0 s4, $0x11;
	s6 =	sadd.s32 @!p0 $0x11B8D, s6;
	_ =	swait.eq @!p0 [sflag:s5], $0x1  }
0xb2: {  	s4 =	sor.u32 @!p0 s4, s6;
	[sflag:s5] =	ssyncadd.s32 @!p0 $0xFFFFFFFF  }
0xb3: {  	s25 =	simm.s32 $0x1B8E;
	s24 =	sld [smem:$0x3FFE];
	[sflag:s4] =	ssyncadd.remote.s32 @!p0 $0x1  }
0xb4: {  	s26 =	simm.s32 $execute0_lowered;
	[smem:$0x3FD2] =	sst s25  }
0xb5: {  	s5 =	sshll.u32 s26, $0x1;
	_ =	strace $0x80000052;
	[dreg:$0x1] =	wrdreg $0xFFFFFFFF  }
0xb6: {  	s28 =	simm.s32 $_size_execute0_lowered;
	s3 =	sadd.s32 s3, s5;
	[dreg:$0x0] =	wrdreg $0x0  }
0xb7: {  	s5 =	sshll.u32 s28, $0x1;
	[dreg:$0x2] =	wrdreg s3  }
0xb8: {  	[dreg:$0x3] =	wrdreg s5  }
0xb9: {  	[dreg:$0x4] =	wrdreg $0xC0  }
0xba: {  	_ =	task [dreg:s22], $0x5FFFF  }
0xbb: {  	[dreg:$0x1] =	wrdreg $0xFFFFFFFF  }
0xbc: {  	[dreg:$0x0] =	wrdreg $0x60  }
0xbd: {  	[dreg:$0x2] =	wrdreg s24  }
0xbe: {  	[dreg:$0x3] =	wrdreg $0x82000  }
0xbf: {  	[dreg:$0x4] =	wrdreg $0xA  }
0xc0: {  	_ =	task.clear_ibuf [dreg:s22], $0x5FFFF;
	_ =	strace $0x90000052  }
0xc1: {  	s29 =	simm.s32 $0xA;
	_ =	strace $0x80000054  }
0xc2: {  	_ =	swait.ge [sflag:s29], $0x1  }
0xc3: {  	[sflag:s29] =	ssyncadd.s32 $0xFFFFFFFF  }
0xc4: {  	_ =	strace $0x90000054  }
0xc5: {  	_ =	sfence  }
0xc6: {  	s30 =	sld [smem:$0x0];
	_ =	sdelay $0x2  }
0xc7: {  	s31 =	sshll.u32 s1, $0xD;
	s1 =	sshrl.u32 s1, $0x2  }
0xc8: {  	s4 =	sand.u32 $0x4000, s31;
	s1 =	sadd.s32 s1, s30  }
0xc9: {  	s0 =	sor.u32 s4, s0;
	s1 =	sshll.u32 s1, $0x11  }
0xca: {  	s0 =	sor.u32 s1, s0  }
0xcb: {  	s0 =	sadd.s32 $0x8F2B, s0  }
0xcc: {  	[sflag:s0] =	ssyncadd.remote.s32 $0x1  }
0xcd: {  	_ =	sfence.sel $0xFFFF  }
0xce: {  	[dreg:$0x0] =	wrdreg $0xFFFFFFFF;
	(pc) =	sbr.abs _section_cstart, $3  }
0xcf: {  	[dreg:$0x1] =	wrdreg $0xFFFFFFFF  }
0xd0: {  	_ =	task.clear_ibuf [dreg:s22], $0x2FFFF;
	_ =	strace $0x9FFFFFFF  }
0xd1: {  	(tm) =	ssettm $0x7FFFFFFF  }
tec
execute0_lowered:
.L_overlay_start_1:
0x0: {  	(tag) =	ssettag $0x1  }
0x1: {  	s5 =	rddreg [dreg:$0x0]  }
0x2: {  	s1 =	rddreg [dreg:$0x1]  }
0x3: {  	s2 =	srdreg.scid;
	s0 =	rddreg [dreg:$0x2];
	s3 =	simm.s32 $0x0  }
0x4: {  	s17 =	simm.s32 $0x80;
	s18 =	simm.s32 $0x200;
	s19 =	simm.s32 $0x4  }
0x5: {  	s20 =	simm.s32 $0x1;
	s21 =	simm.s32 $0x4200;
	s6 =	sand.u32 $0x1, s2  }
0x6: {  	s22 =	simm.s32 $0x2;
	s2 =	stileid.u32;
	s7 =	smul.u32 $0x140000, s6  }
0x7: {  	s23 =	simm.s32 $0x180;
	[smem:$0x7FF] =	sst s3;
	s8 =	smul.u32 $0x14000, s2  }
0x8: {  	s4 =	sadd.s32 $0xBB800, s5;
	s9 =	sadd.s32 $0x93800, s5;
	s11 =	smul.u32 $0x50000, s2  }
0x9: {  	s12 =	sadd.s32 $0x7800, s5;
	_ =	strace $0x80000053;
	s26 =	smul.u32 $0x50000, s6  }
0xa: {  	s24 =	sshll.u32 s6, $0x4;
	s10 =	ssub.s32 $0x2, s6;
	s14 =	smul.u32 $0x5000, s2  }
0xb: {  	p0 =	seq.s32 s6, $0x1;
	s15 =	smul.u32 $0x2800, s2;
	s16 =	smov.u32 s4  }
0xc: {  	s30 =	sshll.u32 s2, $0x6;
	s13 =	sshrl.u32 s10, $0x1;
	s16 =	smov.u32 @p0 s9  }
0xd: {  	s7 =	sadd.s32 s8, s7;
	s8 =	sor.u32 s2, s24;
	s10 =	ssub.s32 s10, s13  }
0xe: {  	s25 =	sshrl.u32 s11, $0x2;
	s29 =	sadd.s32 s14, s26;
	s9 =	sadd.s32 s16, s15  }
0xf: {  	s14 =	simm.s32 $0x5;
	s15 =	simm.s32 $0x100;
	s16 =	simm.s32 $0x3  }
0x10: {  	s24 =	simm.s32 $0x0;
	s7 =	sshrl.u32 s7, $0x3;
	s8 =	smul.u32 $0x5000, s8  }
0x11: {  	s28 =	sadd.s32 s25, s1;
	s11 =	sor.u32 $0x300, s29;
	s7 =	sadd.s32 s7, s5  }
0x12: {  	s11 =	sshrl.u32 s11, $0x3;
	s13 =	sshrl.u32 s28, $0x3;
	s8 =	sshrl.u32 s8, $0x3  }
0x13: {  	s5 =	sadd.s32 s12, s8;
	s8 =	smax.u32 s10, $0x1;
	s10 =	sor.u32 $0x200, s29  }
0x14: {  	s7 =	sadd.s32 $0x15B800, s7;
	s11 =	sadd.s32 s11, s12;
	s31 =	sshrl.u32 s10, $0x3  }
0x15: {  	s6 =	sadd.s32 $0x20, s5;
	s10 =	sor.u32 $0x1C05, s30;
	s12 =	sadd.s32 s31, s12  }
.LBB2_1:
0x16: {  	[spmem:s13], [sflag:s10] =	dma.local [hbm:s9], $0x2800  }
0x17: {  	_ =	swait.ge [sflag:s14], $0x2800  }
0x18: {  	[sflag:s14] =	ssyncset.done $0x0  }
0x19: {  	[sflag:s14] =	ssyncadd.s32 $0xFFFFD800  }
0x1a: {  	[tilespmem:s3], [sflag:$0x3] =	stream.linear.gather [hbm4b:s5+s3], $0x100, $0x38;
	[tilespmem:$0x1C200] =	vst v63  }
0x1b: {  	_ = 	snop  }
0x1c: {  	[tilespmem:s15], [sflag:$0x4] =	stream.linear.gather [hbm4b:s6+s3], $0x100, $0x38;
	[tilespmem:$0x1C200] =	vst v63  }
0x1d: {  	[bflag:$0x0] =	sbarrier.arrive $0xFFFF  }
0x1e: {  	_ =	swait.ge [sflag:s16], $0x100  }
0x1f: {  	[sflag:s16] =	ssyncset.done $0x0  }
0x20: {  	[sflag:s16] =	ssyncadd.s32 $0xFFFFFF00  }
0x21: {  	[tilespmem:s18], [sflag:$0x1] =	stream.indirect.gather [hbm4b:s4+s17], $0x80, s3, s17, $0xb8;
	[tilespmem:$0x1C200] =	vst v63  }
0x22: {  	_ =	swait.ge [sflag:s19], $0x100  }
0x23: {  	[sflag:s19] =	ssyncset.done $0x0  }
0x24: {  	[sflag:s19] =	ssyncadd.s32 $0xFFFFFF00  }
0x25: {  	_ =	swait.ge [sflag:s20], $0x4000  }
0x26: {  	[sflag:s20] =	ssyncset.done $0x0  }
0x27: {  	[sflag:s20] =	ssyncadd.s32 $0xFFFFC000  }
0x28: {  	[tilespmem:s21], [sflag:$0x2] =	stream.indirect.gather [hbm4b:s4+s17], $0x80, s15, s17, $0xb8;
	[tilespmem:$0x1C200] =	vst v63  }
0x29: {  	_ = 	snop  }
0x2a: {  	[spmem:s1] =	stream.indirect.scatter.add.f32 [tilespmem:s18], [sflag:$0x5], $0x80, s17, s17, $0xb8;
	[tilespmem:$0x1C200] =	vst v63  }
0x2b: {  	_ =	swait.ge [sflag:s14], $0x4000  }
0x2c: {  	[sflag:s14] =	ssyncset.done $0x0  }
0x2d: {  	s25 =	sadd.s32 $0x0, s12;
	[sflag:s14] =	ssyncadd.s32 $0xFFFFC000  }
0x2e: {  	[tilespmem:s3], [sflag:$0x3] =	stream.linear.gather [hbm4b:s25+s3], $0x100, $0x38;
	[tilespmem:$0x1C200] =	vst v63  }
0x2f: {  	_ =	swait.ge [sflag:s22], $0x4000  }
0x30: {  	[sflag:s22] =	ssyncset.done $0x0  }
0x31: {  	[sflag:s22] =	ssyncadd.s32 $0xFFFFC000  }
0x32: {  	_ =	swait.ge [sflag:s16], $0x100  }
0x33: {  	[sflag:s16] =	ssyncset.done $0x0  }
0x34: {  	[sflag:s16] =	ssyncadd.s32 $0xFFFFFF00  }
0x35: {  	[tilespmem:s18], [sflag:$0x1] =	stream.indirect.gather [hbm4b:s4+s17], $0x80, s3, s17, $0xb8;
	[tilespmem:$0x1C200] =	vst v63  }
0x36: {  	_ = 	snop  }
0x37: {  	[spmem:s1] =	stream.indirect.scatter.add.f32 [tilespmem:s21], [sflag:$0x5], $0x80, s23, s17, $0xb8;
	[tilespmem:$0x1C200] =	vst v63  }
0x38: {  	_ =	swait.ge [sflag:s14], $0x4000  }
0x39: {  	[sflag:s14] =	ssyncset.done $0x0  }
0x3a: {  	s26 =	sadd.s32 $0x0, s11;
	s25 =	simm.s32 $0x40;
	[sflag:s14] =	ssyncadd.s32 $0xFFFFC000  }
.LBB2_2:
0x3b: {  	[tilespmem:s15], [sflag:$0x4] =	stream.linear.gather [hbm4b:s26+s3], $0x100, $0x38;
	[tilespmem:$0x1C200] =	vst v63  }
0x3c: {  	s26 =	smov.u32 s25  }
0x3d: {  	p0 =	sne.s32 s25, $0x980;
	s25 =	sadd.s32 $0x40, s25;
	_ =	swait.ge [sflag:s19], $0x100  }
0x3e: {  	[sflag:s19] =	ssyncset.done $0x0  }
0x3f: {  	[sflag:s19] =	ssyncadd.s32 $0xFFFFFF00  }
0x40: {  	_ =	swait.ge [sflag:s20], $0x4000  }
0x41: {  	[sflag:s20] =	ssyncset.done $0x0  }
0x42: {  	[sflag:s20] =	ssyncadd.s32 $0xFFFFC000  }
0x43: {  	[tilespmem:s21], [sflag:$0x2] =	stream.indirect.gather [hbm4b:s4+s17], $0x80, s15, s17, $0xb8;
	[tilespmem:$0x1C200] =	vst v63  }
0x44: {  	_ = 	snop  }
0x45: {  	[spmem:s1] =	stream.indirect.scatter.add.f32 [tilespmem:s18], [sflag:$0x5], $0x80, s17, s17, $0xb8;
	[tilespmem:$0x1C200] =	vst v63  }
0x46: {  	_ =	swait.ge [sflag:s14], $0x4000  }
0x47: {  	[sflag:s14] =	ssyncset.done $0x0  }
0x48: {  	s28 =	sadd.s32 s26, s12;
	[sflag:s14] =	ssyncadd.s32 $0xFFFFC000  }
0x49: {  	[tilespmem:s3], [sflag:$0x3] =	stream.linear.gather [hbm4b:s28+s3], $0x100, $0x38;
	[tilespmem:$0x1C200] =	vst v63  }
0x4a: {  	_ =	swait.ge [sflag:s22], $0x4000  }
0x4b: {  	[sflag:s22] =	ssyncset.done $0x0  }
0x4c: {  	[sflag:s22] =	ssyncadd.s32 $0xFFFFC000  }
0x4d: {  	_ =	swait.ge [sflag:s16], $0x100  }
0x4e: {  	[sflag:s16] =	ssyncset.done $0x0  }
0x4f: {  	[sflag:s16] =	ssyncadd.s32 $0xFFFFFF00  }
0x50: {  	[tilespmem:s18], [sflag:$0x1] =	stream.indirect.gather [hbm4b:s4+s17], $0x80, s3, s17, $0xb8;
	[tilespmem:$0x1C200] =	vst v63  }
.Ltmp0:
0x51: {  	(pc) =	sbr.rel @p0 .LBB2_2-.Ltmp0, $4  }
0x52: {  	[spmem:s1] =	stream.indirect.scatter.add.f32 [tilespmem:s21], [sflag:$0x5], $0x80, s23, s17, $0xb8;
	[tilespmem:$0x1C200] =	vst v63  }
0x53: {  	_ =	swait.ge [sflag:s14], $0x4000  }
0x54: {  	[sflag:s14] =	ssyncset.done $0x0  }
0x55: {  	s26 =	sadd.s32 s26, s11;
	[sflag:s14] =	ssyncadd.s32 $0xFFFFC000  }
0x56: {  	[tilespmem:s15], [sflag:$0x4] =	stream.linear.gather [hbm4b:s26+s3], $0x100, $0x38;
	[tilespmem:$0x1C200] =	vst v63  }
0x57: {  	_ =	swait.ge [sflag:s19], $0x100  }
0x58: {  	[sflag:s19] =	ssyncset.done $0x0  }
0x59: {  	[sflag:s19] =	ssyncadd.s32 $0xFFFFFF00  }
0x5a: {  	_ =	swait.ge [sflag:s20], $0x4000  }
0x5b: {  	[sflag:s20] =	ssyncset.done $0x0  }
0x5c: {  	[sflag:s20] =	ssyncadd.s32 $0xFFFFC000  }
0x5d: {  	[tilespmem:s21], [sflag:$0x2] =	stream.indirect.gather [hbm4b:s4+s17], $0x80, s15, s17, $0xb8;
	[tilespmem:$0x1C200] =	vst v63  }
0x5e: {  	_ = 	snop  }
0x5f: {  	[spmem:s1] =	stream.indirect.scatter.add.f32 [tilespmem:s18], [sflag:$0x5], $0x80, s17, s17, $0xb8;
	[tilespmem:$0x1C200] =	vst v63  }
0x60: {  	_ =	swait.ge [sflag:s14], $0x4000  }
0x61: {  	[sflag:s14] =	ssyncset.done $0x0  }
0x62: {  	[sflag:s14] =	ssyncadd.s32 $0xFFFFC000  }
0x63: {  	_ =	swait.ge [sflag:s22], $0x4000  }
0x64: {  	[sflag:s22] =	ssyncset.done $0x0  }
0x65: {  	[sflag:s22] =	ssyncadd.s32 $0xFFFFC000  }
0x66: {  	[spmem:s1] =	stream.indirect.scatter.add.f32 [tilespmem:s21], [sflag:$0x5], $0x80, s23, s17, $0xb8;
	[tilespmem:$0x1C200] =	vst v63  }
0x67: {  	_ =	swait.ge [sflag:s14], $0x4000  }
0x68: {  	s24 =	sadd.s32 $0x1, s24;
	[sflag:s14] =	ssyncset.done $0x0  }
0x69: {  	p0 =	sne.s32 s24, s8;
	[sflag:s14] =	ssyncadd.s32 $0xFFFFC000  }
.Ltmp1:
0x6a: {  	[bflag:$0x0] =	sbarrier.arrive $0xFFFF;
	(pc) =	sbr.rel @p0 .LBB2_1-.Ltmp1, $4  }
0x6b: {  	[hbm:s7], [sflag:s10] =	dma.local [spmem:s13], $0x2800  }
0x6c: {  	_ =	swait.ge [sflag:s14], $0x2800  }
0x6d: {  	[sflag:s14] =	ssyncset.done $0x0  }
0x6e: {  	[sflag:s14] =	ssyncadd.s32 $0xFFFFD800  }
0x6f: {  	_ =	sfence.sel $0x180000  }
0x70: {  	[bflag:$0x0] =	sbarrier.arrive $0xFFFF  }
0x71: {  	p0 =	sne.s32 s2, $0x0;
	_ =	strace $0x90000053  }
0x72: {  	s0 =	sadd.s32 @!p0 $0x100000, s0;
	[bflag:$0x2] =	sbarrier.arrive $0xFFFF  }
0x73: {  	[sflag:s0] =	ssyncadd.tile.s32 @!p0 $0x1;
	_ =	shalt  }
.Lfunc_end2:
_tile_overlayer_lowered:
.L_overlay_start_2:
0x74: {  	(tag) =	ssettag $0x2  }
0x75: {  	s0 =	rddreg [dreg:$0x0];
	s2 =	stileid.u32  }
0x76: {  	s1 =	rddreg [dreg:$0x1];
	p0 =	sne.s32 s2, $0x0  }
0x77: {  	s3 =	rddreg [dreg:$0x2];
	[bflag:$0x3] =	sbarrier.arrive $0xFFFF;
	s2 =	simm.s32 @!p0 $0x1C05  }
0x78: {  	[timem:s3], [sflag:s2] =	dma.local @!p0 [hbm:s0], s1  }
0x79: {  	s0 =	simm.s32 @!p0 $0x5  }
0x7a: {  	_ =	swait.ge @!p0 [sflag:s0], s1  }
0x7b: {  	s1 =	ssub.s32 @!p0 $0x0, s1;
	[sflag:s0] =	ssyncset.done @!p0 $0x0  }
0x7c: {  	[sflag:s0] =	ssyncadd.s32 @!p0 s1  }
0x7d: {  	[bflag:$0x3] =	sbarrier.arrive $0xFFFF  }
0x7e: {  	_ =	shalt  }

// kernel: kernel.31.cloned.1.call-start
scs
__scs_entry_jumppad:
0x0: {  	(pc) =	sbr.rel $0x88, $3  }
0x1: {  	(tag) =	ssettag $0x0;
	lr =	simm.s32 $0x1  }
0x2: {  	[smem:$0x3F93] =	sst lr;
	_ =	strace $0xD0000000  }
0x3: {  	_ = 	snop  }
0x4: {  	_ = 	snop  }
0x5: {  	_ = 	snop  }
0x6: {  	_ = 	snop  }
0x7: {  	_ = 	snop  }
__scs_overlays_trampoline_lowered:
0x8: {  	[smem:$0x3FA2] =	sst s0  }
0x9: {  	[smem:$0x3FA3] =	sst s1  }
0xa: {  	[smem:$0x3FA4] =	sst s2  }
0xb: {  	[smem:$0x3FA5] =	sst s3  }
0xc: {  	[smem:$0x3FA6] =	sst s4  }
0xd: {  	[smem:$0x3FA7] =	sst s5  }
0xe: {  	[smem:$0x3FA8] =	sst s6  }
0xf: {  	[smem:$0x3FA9] =	sst s7  }
0x10: {  	[smem:$0x3FAA] =	sst s8  }
0x11: {  	[smem:$0x3FAB] =	sst s9;
	s0 =	simm.s32 @!p0 $0x0  }
0x12: {  	s1 =	sld [smem:$0x3F91];
	s0 =	simm.s32 @p0 $0x1  }
0x13: {  	[smem:$0x3FAC] =	sst s0;
	s0 =	simm.s32 @!p1 $0x0  }
0x14: {  	s2 =	sld [smem:$0x3F90];
	s0 =	simm.s32 @p1 $0x1  }
0x15: {  	[smem:$0x3FAD] =	sst s0;
	s0 =	simm.s32 @!p2 $0x0  }
0x16: {  	s3 =	sld [smem:$0x3FDB];
	s0 =	simm.s32 @p2 $0x1  }
0x17: {  	s4 =	simm.s32 $0x1BF5;
	[smem:$0x3FAF] =	sst s0  }
0x18: {  	s0 =	sld [smem:$0x3F92];
	_ =	swait.ge [sflag:s4], $0x0  }
0x19: {  	s7 =	sld [smem:$0x3F93]  }
0x1a: {  	s8 =	sadd.s32 $0xFFFFE003, lr  }
0x1b: {  	s9 =	sadd.s32 $0xFFFFFEF7, lr;
	s5 =	simm.s32 $0xFFFFFFFF;
	p2 =	slt.u32 s8, $0xFFFFF086  }
0x1c: {  	p1 =	slt.u32 s9, $0xF7A;
	s5 =	simm.s32 @!p2 $0x0  }
0x1d: {  	s5 =	simm.s32 @p1 $0x1;
	p0 =	seq.s32 s7, s2  }
0x1e: {  	s7 =	smul.u32 @!p0 $0xF7A, s2;
	p2 =	seq.s32 @!p0 s5, $0x0  }
0x1f: {  	s9 =	smul.u32 $0xF7A, s1;
	s8 =	simm.s32 @!p0 $0x1BF5;
	p2 =	por !p2, p0  }
0x20: {  	[sflag:s8] =	ssyncset.s32 @!p0 $0xFFFFF086;
	s6 =	sadd.s32 @!p0 s3, s7;
	s7 =	simm.s32 @!p0 $0x108  }
0x21: {  	s3 =	sadd.s32 s3, s9;
	s6 =	sadd.s32 @!p0 $0x88, s6;
	s7 =	simm.s32 @p2 $0x1082  }
0x22: {  	[simem:s7], [sflag:s8] =	dma.local @!p0 [hbm:s6], $0xF7A  }
0x23: {  	s9 =	sor.u32 $0xD0000000, s2;
	s6 =	simm.s32 $0x108;
	_ =	swait.ge @!p0 [sflag:s8], $0x0  }
0x24: {  	s3 =	sadd.s32 $0x88, s3;
	s6 =	simm.s32 @!p1 $0x1082;
	[sflag:s4] =	ssyncset.s32 $0xFFFFF086  }
0x25: {  	[simem:s6], [sflag:s4] =	dma.local [hbm:s3], $0xF7A  }
0x26: {  	[smem:$0x3F93] =	sst s1;
	(tag) =	ssettag s2;
	_ =	strace s9  }
0x27: {  	s1 =	sld [smem:$0x3FA3]  }
0x28: {  	s2 =	sld [smem:$0x3FA4]  }
0x29: {  	s4 =	sld [smem:$0x3FA6]  }
0x2a: {  	p0 =	seq.s32 s5, $0x0;
	s5 =	sld [smem:$0x3FA7]  }
0x2b: {  	s6 =	sld [smem:$0x3FA8]  }
0x2c: {  	s7 =	sld [smem:$0x3FA9]  }
0x2d: {  	s3 =	simm.s32 $0x108;
	s8 =	sld [smem:$0x3FAA]  }
0x2e: {  	s3 =	simm.s32 @!p0 $0x1082;
	s9 =	sld [smem:$0x3FAB]  }
0x2f: {  	lr =	sadd.s32 s0, s3;
	s0 =	sld [smem:$0x3FA2]  }
0x30: {  	s3 =	sld [smem:$0x3FA5]  }
0x31: {  	[smem:$0x3FAE] =	sst s10  }
0x32: {  	s10 =	sld [smem:$0x3FAC];
	_ =	sdelay $0x3  }
0x33: {  	p0 =	seq.s32 s10, $0x1;
	s10 =	sld [smem:$0x3FAE];
	_ =	sdelay $0x3  }
0x34: {  	[smem:$0x3FAE] =	sst s10  }
0x35: {  	s10 =	sld [smem:$0x3FAD];
	_ =	sdelay $0x3  }
0x36: {  	p1 =	seq.s32 s10, $0x1;
	s10 =	sld [smem:$0x3FAE];
	_ =	sdelay $0x3  }
0x37: {  	[smem:$0x3FAE] =	sst s10  }
0x38: {  	s10 =	sld [smem:$0x3FAF]  }
0x39: {  	_ = 	snop;
	(pc) =	sbr.ind lr, $3  }
0x3a: {  	_ = 	snop  }
0x3b: {  	_ = 	snop  }
0x3c: {  	p2 =	seq.s32 s10, $0x1;
	s10 =	sld [smem:$0x3FAE]  }
0x3d: {  	_ =	shalt  }
0x3e: {  	_ =	shalt  }
0x3f: {  	_ =	shalt  }
0x40: {  	_ =	shalt  }
0x41: {  	_ =	shalt  }
0x42: {  	_ =	shalt  }
0x43: {  	_ =	shalt  }
0x44: {  	_ =	shalt  }
0x45: {  	_ =	shalt  }
0x46: {  	_ =	shalt  }
0x47: {  	_ =	shalt  }
0x48: {  	_ =	shalt  }
0x49: {  	_ =	shalt  }
0x4a: {  	_ =	shalt  }
0x4b: {  	_ =	shalt  }
0x4c: {  	_ =	shalt  }
0x4d: {  	_ =	shalt  }
0x4e: {  	_ =	shalt  }
0x4f: {  	_ =	shalt  }
0x50: {  	_ =	shalt  }
0x51: {  	_ =	shalt  }
0x52: {  	_ =	shalt  }
0x53: {  	_ =	shalt  }
0x54: {  	_ =	shalt  }
0x55: {  	_ =	shalt  }
0x56: {  	_ =	shalt  }
0x57: {  	_ =	shalt  }
0x58: {  	_ =	shalt  }
0x59: {  	_ =	shalt  }
0x5a: {  	_ =	shalt  }
0x5b: {  	_ =	shalt  }
0x5c: {  	_ =	shalt  }
0x5d: {  	_ =	shalt  }
0x5e: {  	_ =	shalt  }
0x5f: {  	_ =	shalt  }
0x60: {  	_ =	shalt  }
0x61: {  	_ =	shalt  }
0x62: {  	_ =	shalt  }
0x63: {  	_ =	shalt  }
0x64: {  	_ =	shalt  }
0x65: {  	_ =	shalt  }
0x66: {  	_ =	shalt  }
0x67: {  	_ =	shalt  }
0x68: {  	_ =	shalt  }
0x69: {  	_ =	shalt  }
0x6a: {  	_ =	shalt  }
0x6b: {  	_ =	shalt  }
0x6c: {  	_ =	shalt  }
0x6d: {  	_ =	shalt  }
0x6e: {  	_ =	shalt  }
0x6f: {  	_ =	shalt  }
0x70: {  	_ =	shalt  }
0x71: {  	_ =	shalt  }
0x72: {  	_ =	shalt  }
0x73: {  	_ =	shalt  }
0x74: {  	_ =	shalt  }
0x75: {  	_ =	shalt  }
0x76: {  	_ =	shalt  }
0x77: {  	_ =	shalt  }
0x78: {  	_ =	shalt  }
0x79: {  	_ =	shalt  }
0x7a: {  	_ =	shalt  }
0x7b: {  	_ =	shalt  }
0x7c: {  	_ =	shalt  }
0x7d: {  	_ =	shalt  }
0x7e: {  	_ =	shalt  }
0x7f: {  	_ =	shalt  }
0x80: {  	_ =	shalt  }
0x81: {  	_ =	shalt  }
0x82: {  	_ =	shalt  }
0x83: {  	_ =	shalt  }
0x84: {  	_ =	shalt  }
0x85: {  	_ =	shalt  }
0x86: {  	_ =	shalt  }
0x87: {  	_ =	shalt  }
.Lfunc_end0:
.L_simem_size_0:
called_computation.5_lowered:
.L_overlay_start_0:
0x88: {  	s2 =	sld [smem:$0x3FD9]  }
0x89: {  	s3 =	sld [smem:$0x3FFE];
	_ =	sdelay $0x1  }
0x8a: {  	s1 =	srdreg.scid  }
0x8b: {  	s0 =	sand.u32 $0x1, s1  }
0x8c: {  	s17 =	sshll.u32 s0, $0xA;
	s2 =	sadd.s32 s3, s2  }
0x8d: {  	s2 =	sadd.s32 s2, s17  }
0x8e: {  	[smem:$0x3FBA] =	sst s2  }
0x8f: {  	_ = 	snop  }
0x90: {  	s18 =	sld [smem:$0x3FD0];
	(tm) =	ssettm $0x1  }
0x91: {  	s19 =	sld [smem:$0x3FFB];
	_ =	sdelay $0x3  }
0x92: {  	_ =	strace s19  }
0x93: {  	s2 =	sld [smem:$0x3FFC];
	_ =	sdelay $0x3  }
0x94: {  	_ =	strace s2  }
0x95: {  	s2 =	sld [smem:$0x3FFD];
	_ =	sdelay $0x3  }
0x96: {  	_ =	strace s2  }
0x97: {  	_ =	strace $0x8FFFFFFF  }
0x98: {  	s20 =	sld [smem:$0x3FDB];
	_ =	sdelay $0x1  }
0x99: {  	s4 =	simm.s32 $_scs_section_size  }
0x9a: {  	s5 =	simm.s32 $_size__tile_overlayer_lowered;
	s6 =	simm.s32 $_tile_overlayer_lowered  }
0x9b: {  	s7 =	simm.s32 $0x1BFF;
	s21 =	sshll.u32 s6, $0x1;
	s4 =	sadd.s32 s4, s20  }
0x9c: {  	s22 =	simm.s32 $0x0;
	s5 =	sshll.u32 s5, $0x1;
	s6 =	sadd.s32 s21, s4  }
0x9d: {  	[timem:s22], [sflag:s7] =	dma.local [hbm:s6], s5  }
0x9e: {  	_ =	swait.ge [sflag:s7], s5  }
0x9f: {  	s5 =	ssub.s32 $0x0, s5;
	[sflag:s7] =	ssyncset.done $0x0  }
0xa0: {  	[sflag:s7] =	ssyncadd.s32 s5;
	_ =	sdelay $0x1  }
0xa1: {  	s23 =	simm.s32 $0x1B8B  }
0xa2: {  	_ =	swait.ge [sflag:s23], $0x1  }
0xa3: {  	[sflag:s23] =	ssyncset.done $0x0  }
0xa4: {  	[sflag:s23] =	ssyncadd.s32 $0xFFFFFFFF  }
0xa5: {  	s5 =	sld [smem:$0x0]  }
0xa6: {  	s6 =	sand.u32 $0xFFFFFFFE, s1  }
0xa7: {  	p0 =	sne.s32 s1, s6  }
0xa8: {  	s6 =	sshll.u32 @p0 s6, $0xE  }
0xa9: {  	s6 =	sadd.s32 @p0 $0x11B8D, s6;
	s7 =	sshll.u32 @p0 s5, $0x11  }
0xaa: {  	s6 =	sor.u32 @p0 s7, s6  }
0xab: {  	[sflag:s6] =	ssyncadd.remote.s32 @p0 $0x1;
	_ =	sdelay $0x1  }
0xac: {  	s6 =	simm.s32 @p0 $0x1B8D  }
0xad: {  	_ =	swait.eq @p0 [sflag:s6], $0x1  }
0xae: {  	[sflag:s6] =	ssyncadd.s32 @p0 $0xFFFFFFFF  }
0xaf: {  	s7 =	sshll.u32 @!p0 s1, $0xE  }
0xb0: {  	s7 =	sor.u32 @!p0 $0x4000, s7;
	s6 =	simm.s32 @!p0 $0x1B8D  }
0xb1: {  	s5 =	sshll.u32 @!p0 s5, $0x11;
	s7 =	sadd.s32 @!p0 $0x11B8D, s7;
	_ =	swait.eq @!p0 [sflag:s6], $0x1  }
0xb2: {  	s5 =	sor.u32 @!p0 s5, s7;
	[sflag:s6] =	ssyncadd.s32 @!p0 $0xFFFFFFFF  }
0xb3: {  	s25 =	simm.s32 $0x1B8E;
	s24 =	sld [smem:$0x3FFE];
	[sflag:s5] =	ssyncadd.remote.s32 @!p0 $0x1  }
0xb4: {  	s26 =	simm.s32 $execute0_lowered;
	[smem:$0x3FD2] =	sst s25  }
0xb5: {  	s6 =	sshll.u32 s26, $0x1;
	_ =	strace $0x80000055;
	[dreg:$0x1] =	wrdreg $0xFFFFFFFF  }
0xb6: {  	s28 =	simm.s32 $_size_execute0_lowered;
	s4 =	sadd.s32 s4, s6;
	[dreg:$0x0] =	wrdreg $0x0  }
0xb7: {  	s6 =	sshll.u32 s28, $0x1;
	[dreg:$0x2] =	wrdreg s4  }
0xb8: {  	[dreg:$0x3] =	wrdreg s6  }
0xb9: {  	[dreg:$0x4] =	wrdreg $0xC0  }
0xba: {  	_ =	task [dreg:s22], $0x5FFFF  }
0xbb: {  	[dreg:$0x1] =	wrdreg $0xFFFFFFFF  }
0xbc: {  	[dreg:$0x0] =	wrdreg $0x60  }
0xbd: {  	[dreg:$0x2] =	wrdreg s24  }
0xbe: {  	[dreg:$0x3] =	wrdreg s18  }
0xbf: {  	[dreg:$0x4] =	wrdreg $0x82000  }
0xc0: {  	[dreg:$0x5] =	wrdreg $0xB  }
0xc1: {  	_ =	task.clear_ibuf [dreg:s22], $0x6FFFF;
	_ =	strace $0x90000055  }
0xc2: {  	s29 =	simm.s32 $0xB;
	_ =	strace $0x80000057  }
0xc3: {  	_ =	swait.ge [sflag:s29], $0x1  }
0xc4: {  	[sflag:s29] =	ssyncadd.s32 $0xFFFFFFFF  }
0xc5: {  	_ =	strace $0x90000057  }
0xc6: {  	_ =	sfence  }
0xc7: {  	s30 =	sld [smem:$0x0];
	_ =	sdelay $0x2  }
0xc8: {  	s31 =	sshll.u32 s1, $0xD;
	s1 =	sshrl.u32 s1, $0x2  }
0xc9: {  	s4 =	sand.u32 $0x4000, s31;
	s1 =	sadd.s32 s1, s30  }
0xca: {  	s0 =	sor.u32 s4, s0;
	s1 =	sshll.u32 s1, $0x11  }
0xcb: {  	s0 =	sor.u32 s1, s0  }
0xcc: {  	s0 =	sadd.s32 $0x8F2B, s0  }
0xcd: {  	[sflag:s0] =	ssyncadd.remote.s32 $0x1  }
0xce: {  	_ =	sfence.sel $0xFFFF  }
0xcf: {  	[dreg:$0x0] =	wrdreg $0xFFFFFFFF;
	(pc) =	sbr.abs _section_cstart, $3  }
0xd0: {  	[dreg:$0x1] =	wrdreg $0xFFFFFFFF  }
0xd1: {  	_ =	task.clear_ibuf [dreg:s22], $0x2FFFF;
	_ =	strace $0x9FFFFFFF  }
0xd2: {  	(tm) =	ssettm $0x7FFFFFFF  }
0xd3: {  	_ =	shalt  }
tec
execute0_lowered:
.L_overlay_start_1:
0x0: {  	(tag) =	ssettag $0x1  }
0x1: {  	s5 =	rddreg [dreg:$0x0]  }
0x2: {  	s7 =	rddreg [dreg:$0x1]  }
0x3: {  	s1 =	rddreg [dreg:$0x2]  }
0x4: {  	s2 =	srdreg.scid;
	s0 =	rddreg [dreg:$0x3]  }
0x5: {  	s3 =	simm.s32 $0x0;
	s6 =	sand.u32 $0x1, s2;
	s2 =	stileid.u32  }
0x6: {  	s17 =	simm.s32 $0x80;
	s18 =	simm.s32 $0x200;
	s9 =	smul.u32 $0x50000, s2  }
0x7: {  	s19 =	simm.s32 $0x4;
	s20 =	simm.s32 $0x1;
	s11 =	smul.u32 $0x140000, s6  }
0x8: {  	s21 =	simm.s32 $0x4200;
	[smem:$0x7FF] =	sst s3;
	s14 =	smul.u32 $0x14000, s2  }
0x9: {  	s10 =	sadd.s32 $0x93800, s5;
	s12 =	sadd.s32 $0x7800, s5;
	s25 =	smul.u32 $0x50000, s6  }
0xa: {  	s4 =	sshll.u32 s6, $0x4;
	_ =	strace $0x80000056;
	s26 =	smul.u32 $0x5000, s2  }
0xb: {  	s22 =	ssub.s32 $0x2, s6;
	p0 =	seq.s32 s6, $0x1;
	s28 =	smul.u32 $0x2800, s2  }
0xc: {  	s30 =	sshll.u32 s2, $0x6;
	s8 =	sor.u32 s2, s4;
	s4 =	sadd.s32 $0x43800, s5  }
0xd: {  	s13 =	sshrl.u32 s22, $0x1;
	s8 =	smul.u32 $0x5000, s8;
	s9 =	sshrl.u32 s9, $0x2  }
0xe: {  	s13 =	ssub.s32 s22, s13;
	s24 =	sadd.s32 s14, s11;
	s16 =	smov.u32 s4  }
0xf: {  	s29 =	sadd.s32 s26, s25;
	s14 =	simm.s32 $0x5;
	s22 =	simm.s32 $0x2  }
0x10: {  	s15 =	sadd.s32 s9, s1;
	s16 =	smov.u32 @p0 s10;
	s11 =	sor.u32 $0x300, s29  }
0x11: {  	s10 =	sor.u32 $0x200, s29;
	s23 =	sshrl.u32 s8, $0x3;
	s8 =	sshrl.u32 s24, $0x3  }
0x12: {  	s9 =	sadd.s32 s16, s28;
	s11 =	sshrl.u32 s11, $0x3;
	s31 =	sshrl.u32 s10, $0x3  }
0x13: {  	s10 =	sor.u32 $0x1C05, s30;
	s16 =	simm.s32 $0x3;
	s24 =	simm.s32 $0x0  }
0x14: {  	s5 =	sadd.s32 s12, s23;
	s7 =	sadd.s32 s7, s8;
	s8 =	smax.u32 s13, $0x1  }
0x15: {  	s11 =	sadd.s32 s11, s12;
	s12 =	sadd.s32 s31, s12;
	s13 =	sshrl.u32 s15, $0x3  }
0x16: {  	s15 =	simm.s32 $0x100;
	s23 =	simm.s32 $0x180;
	s6 =	sadd.s32 $0x20, s5  }
.LBB2_1:
0x17: {  	[spmem:s13], [sflag:s10] =	dma.local [hbm:s9], $0x2800  }
0x18: {  	_ =	swait.ge [sflag:s14], $0x2800  }
0x19: {  	[sflag:s14] =	ssyncset.done $0x0  }
0x1a: {  	[sflag:s14] =	ssyncadd.s32 $0xFFFFD800  }
0x1b: {  	[tilespmem:s3], [sflag:$0x3] =	stream.linear.gather [hbm4b:s5+s3], $0x100, $0x38;
	[tilespmem:$0x1C200] =	vst v63  }
0x1c: {  	_ = 	snop  }
0x1d: {  	[tilespmem:s15], [sflag:$0x4] =	stream.linear.gather [hbm4b:s6+s3], $0x100, $0x38;
	[tilespmem:$0x1C200] =	vst v63  }
0x1e: {  	[bflag:$0x0] =	sbarrier.arrive $0xFFFF  }
0x1f: {  	_ =	swait.ge [sflag:s16], $0x100  }
0x20: {  	[sflag:s16] =	ssyncset.done $0x0  }
0x21: {  	[sflag:s16] =	ssyncadd.s32 $0xFFFFFF00  }
0x22: {  	[tilespmem:s18], [sflag:$0x1] =	stream.indirect.gather [hbm4b:s4+s17], $0x80, s3, s17, $0xb8;
	[tilespmem:$0x1C200] =	vst v63  }
0x23: {  	_ =	swait.ge [sflag:s19], $0x100  }
0x24: {  	[sflag:s19] =	ssyncset.done $0x0  }
0x25: {  	[sflag:s19] =	ssyncadd.s32 $0xFFFFFF00  }
0x26: {  	_ =	swait.ge [sflag:s20], $0x4000  }
0x27: {  	[sflag:s20] =	ssyncset.done $0x0  }
0x28: {  	[sflag:s20] =	ssyncadd.s32 $0xFFFFC000  }
0x29: {  	[tilespmem:s21], [sflag:$0x2] =	stream.indirect.gather [hbm4b:s4+s17], $0x80, s15, s17, $0xb8;
	[tilespmem:$0x1C200] =	vst v63  }
0x2a: {  	_ = 	snop  }
0x2b: {  	[spmem:s1] =	stream.indirect.scatter.add.f32 [tilespmem:s18], [sflag:$0x5], $0x80, s17, s17, $0xb8;
	[tilespmem:$0x1C200] =	vst v63  }
0x2c: {  	_ =	swait.ge [sflag:s14], $0x4000  }
0x2d: {  	[sflag:s14] =	ssyncset.done $0x0  }
0x2e: {  	s25 =	sadd.s32 $0x0, s12;
	[sflag:s14] =	ssyncadd.s32 $0xFFFFC000  }
0x2f: {  	[tilespmem:s3], [sflag:$0x3] =	stream.linear.gather [hbm4b:s25+s3], $0x100, $0x38;
	[tilespmem:$0x1C200] =	vst v63  }
0x30: {  	_ =	swait.ge [sflag:s22], $0x4000  }
0x31: {  	[sflag:s22] =	ssyncset.done $0x0  }
0x32: {  	[sflag:s22] =	ssyncadd.s32 $0xFFFFC000  }
0x33: {  	_ =	swait.ge [sflag:s16], $0x100  }
0x34: {  	[sflag:s16] =	ssyncset.done $0x0  }
0x35: {  	[sflag:s16] =	ssyncadd.s32 $0xFFFFFF00  }
0x36: {  	[tilespmem:s18], [sflag:$0x1] =	stream.indirect.gather [hbm4b:s4+s17], $0x80, s3, s17, $0xb8;
	[tilespmem:$0x1C200] =	vst v63  }
0x37: {  	_ = 	snop  }
0x38: {  	[spmem:s1] =	stream.indirect.scatter.add.f32 [tilespmem:s21], [sflag:$0x5], $0x80, s23, s17, $0xb8;
	[tilespmem:$0x1C200] =	vst v63  }
0x39: {  	_ =	swait.ge [sflag:s14], $0x4000  }
0x3a: {  	[sflag:s14] =	ssyncset.done $0x0  }
0x3b: {  	s26 =	sadd.s32 $0x0, s11;
	s25 =	simm.s32 $0x40;
	[sflag:s14] =	ssyncadd.s32 $0xFFFFC000  }
.LBB2_2:
0x3c: {  	[tilespmem:s15], [sflag:$0x4] =	stream.linear.gather [hbm4b:s26+s3], $0x100, $0x38;
	[tilespmem:$0x1C200] =	vst v63  }
0x3d: {  	s26 =	smov.u32 s25  }
0x3e: {  	p0 =	sne.s32 s25, $0x980;
	s25 =	sadd.s32 $0x40, s25;
	_ =	swait.ge [sflag:s19], $0x100  }
0x3f: {  	[sflag:s19] =	ssyncset.done $0x0  }
0x40: {  	[sflag:s19] =	ssyncadd.s32 $0xFFFFFF00  }
0x41: {  	_ =	swait.ge [sflag:s20], $0x4000  }
0x42: {  	[sflag:s20] =	ssyncset.done $0x0  }
0x43: {  	[sflag:s20] =	ssyncadd.s32 $0xFFFFC000  }
0x44: {  	[tilespmem:s21], [sflag:$0x2] =	stream.indirect.gather [hbm4b:s4+s17], $0x80, s15, s17, $0xb8;
	[tilespmem:$0x1C200] =	vst v63  }
0x45: {  	_ = 	snop  }
0x46: {  	[spmem:s1] =	stream.indirect.scatter.add.f32 [tilespmem:s18], [sflag:$0x5], $0x80, s17, s17, $0xb8;
	[tilespmem:$0x1C200] =	vst v63  }
0x47: {  	_ =	swait.ge [sflag:s14], $0x4000  }
0x48: {  	[sflag:s14] =	ssyncset.done $0x0  }
0x49: {  	s28 =	sadd.s32 s26, s12;
	[sflag:s14] =	ssyncadd.s32 $0xFFFFC000  }
0x4a: {  	[tilespmem:s3], [sflag:$0x3] =	stream.linear.gather [hbm4b:s28+s3], $0x100, $0x38;
	[tilespmem:$0x1C200] =	vst v63  }
0x4b: {  	_ =	swait.ge [sflag:s22], $0x4000  }
0x4c: {  	[sflag:s22] =	ssyncset.done $0x0  }
0x4d: {  	[sflag:s22] =	ssyncadd.s32 $0xFFFFC000  }
0x4e: {  	_ =	swait.ge [sflag:s16], $0x100  }
0x4f: {  	[sflag:s16] =	ssyncset.done $0x0  }
0x50: {  	[sflag:s16] =	ssyncadd.s32 $0xFFFFFF00  }
0x51: {  	[tilespmem:s18], [sflag:$0x1] =	stream.indirect.gather [hbm4b:s4+s17], $0x80, s3, s17, $0xb8;
	[tilespmem:$0x1C200] =	vst v63  }
.Ltmp0:
0x52: {  	(pc) =	sbr.rel @p0 .LBB2_2-.Ltmp0, $4  }
0x53: {  	[spmem:s1] =	stream.indirect.scatter.add.f32 [tilespmem:s21], [sflag:$0x5], $0x80, s23, s17, $0xb8;
	[tilespmem:$0x1C200] =	vst v63  }
0x54: {  	_ =	swait.ge [sflag:s14], $0x4000  }
0x55: {  	[sflag:s14] =	ssyncset.done $0x0  }
0x56: {  	s26 =	sadd.s32 s26, s11;
	[sflag:s14] =	ssyncadd.s32 $0xFFFFC000  }
0x57: {  	[tilespmem:s15], [sflag:$0x4] =	stream.linear.gather [hbm4b:s26+s3], $0x100, $0x38;
	[tilespmem:$0x1C200] =	vst v63  }
0x58: {  	_ =	swait.ge [sflag:s19], $0x100  }
0x59: {  	[sflag:s19] =	ssyncset.done $0x0  }
0x5a: {  	[sflag:s19] =	ssyncadd.s32 $0xFFFFFF00  }
0x5b: {  	_ =	swait.ge [sflag:s20], $0x4000  }
0x5c: {  	[sflag:s20] =	ssyncset.done $0x0  }
0x5d: {  	[sflag:s20] =	ssyncadd.s32 $0xFFFFC000  }
0x5e: {  	[tilespmem:s21], [sflag:$0x2] =	stream.indirect.gather [hbm4b:s4+s17], $0x80, s15, s17, $0xb8;
	[tilespmem:$0x1C200] =	vst v63  }
0x5f: {  	_ = 	snop  }
0x60: {  	[spmem:s1] =	stream.indirect.scatter.add.f32 [tilespmem:s18], [sflag:$0x5], $0x80, s17, s17, $0xb8;
	[tilespmem:$0x1C200] =	vst v63  }
0x61: {  	_ =	swait.ge [sflag:s14], $0x4000  }
0x62: {  	[sflag:s14] =	ssyncset.done $0x0  }
0x63: {  	[sflag:s14] =	ssyncadd.s32 $0xFFFFC000  }
0x64: {  	_ =	swait.ge [sflag:s22], $0x4000  }
0x65: {  	[sflag:s22] =	ssyncset.done $0x0  }
0x66: {  	[sflag:s22] =	ssyncadd.s32 $0xFFFFC000  }
0x67: {  	[spmem:s1] =	stream.indirect.scatter.add.f32 [tilespmem:s21], [sflag:$0x5], $0x80, s23, s17, $0xb8;
	[tilespmem:$0x1C200] =	vst v63  }
0x68: {  	_ =	swait.ge [sflag:s14], $0x4000  }
0x69: {  	s24 =	sadd.s32 $0x1, s24;
	[sflag:s14] =	ssyncset.done $0x0  }
0x6a: {  	p0 =	sne.s32 s24, s8;
	[sflag:s14] =	ssyncadd.s32 $0xFFFFC000  }
.Ltmp1:
0x6b: {  	[bflag:$0x0] =	sbarrier.arrive $0xFFFF;
	(pc) =	sbr.rel @p0 .LBB2_1-.Ltmp1, $4  }
0x6c: {  	[hbm:s7], [sflag:s10] =	dma.local [spmem:s13], $0x2800  }
0x6d: {  	_ =	swait.ge [sflag:s14], $0x2800  }
0x6e: {  	[sflag:s14] =	ssyncset.done $0x0  }
0x6f: {  	[sflag:s14] =	ssyncadd.s32 $0xFFFFD800  }
0x70: {  	_ =	sfence.sel $0x180000  }
0x71: {  	[bflag:$0x0] =	sbarrier.arrive $0xFFFF  }
0x72: {  	p0 =	sne.s32 s2, $0x0;
	_ =	strace $0x90000056  }
0x73: {  	s0 =	sadd.s32 @!p0 $0x100000, s0;
	[bflag:$0x2] =	sbarrier.arrive $0xFFFF  }
0x74: {  	[sflag:s0] =	ssyncadd.tile.s32 @!p0 $0x1;
	_ =	shalt  }
.Lfunc_end2:
_tile_overlayer_lowered:
.L_overlay_start_2:
0x75: {  	(tag) =	ssettag $0x2  }
0x76: {  	s0 =	rddreg [dreg:$0x0];
	s2 =	stileid.u32  }
0x77: {  	s1 =	rddreg [dreg:$0x1];
	p0 =	sne.s32 s2, $0x0  }
0x78: {  	s3 =	rddreg [dreg:$0x2];
	[bflag:$0x3] =	sbarrier.arrive $0xFFFF;
	s2 =	simm.s32 @!p0 $0x1C05  }
0x79: {  	[timem:s3], [sflag:s2] =	dma.local @!p0 [hbm:s0], s1  }
0x7a: {  	s0 =	simm.s32 @!p0 $0x5  }
0x7b: {  	_ =	swait.ge @!p0 [sflag:s0], s1  }
0x7c: {  	s1 =	ssub.s32 @!p0 $0x0, s1;
	[sflag:s0] =	ssyncset.done @!p0 $0x0  }
0x7d: {  	[sflag:s0] =	ssyncadd.s32 @!p0 s1  }
0x7e: {  	[bflag:$0x3] =	sbarrier.arrive $0xFFFF  }
0x7f: {  	_ =	shalt  }

// kernel: kernel.34.cloned.1.call-start
scs
__scs_entry_jumppad:
0x0: {  	(pc) =	sbr.rel $0x88, $3  }
0x1: {  	(tag) =	ssettag $0x0;
	lr =	simm.s32 $0x1  }
0x2: {  	[smem:$0x3F93] =	sst lr;
	_ =	strace $0xD0000000  }
0x3: {  	_ = 	snop  }
0x4: {  	_ = 	snop  }
0x5: {  	_ = 	snop  }
0x6: {  	_ = 	snop  }
0x7: {  	_ = 	snop  }
__scs_overlays_trampoline_lowered:
0x8: {  	[smem:$0x3FA2] =	sst s0  }
0x9: {  	[smem:$0x3FA3] =	sst s1  }
0xa: {  	[smem:$0x3FA4] =	sst s2  }
0xb: {  	[smem:$0x3FA5] =	sst s3  }
0xc: {  	[smem:$0x3FA6] =	sst s4  }
0xd: {  	[smem:$0x3FA7] =	sst s5  }
0xe: {  	[smem:$0x3FA8] =	sst s6  }
0xf: {  	[smem:$0x3FA9] =	sst s7  }
0x10: {  	[smem:$0x3FAA] =	sst s8  }
0x11: {  	[smem:$0x3FAB] =	sst s9;
	s0 =	simm.s32 @!p0 $0x0  }
0x12: {  	s1 =	sld [smem:$0x3F91];
	s0 =	simm.s32 @p0 $0x1  }
0x13: {  	[smem:$0x3FAC] =	sst s0;
	s0 =	simm.s32 @!p1 $0x0  }
0x14: {  	s2 =	sld [smem:$0x3F90];
	s0 =	simm.s32 @p1 $0x1  }
0x15: {  	[smem:$0x3FAD] =	sst s0;
	s0 =	simm.s32 @!p2 $0x0  }
0x16: {  	s3 =	sld [smem:$0x3FDB];
	s0 =	simm.s32 @p2 $0x1  }
0x17: {  	s4 =	simm.s32 $0x1BF5;
	[smem:$0x3FAF] =	sst s0  }
0x18: {  	s0 =	sld [smem:$0x3F92];
	_ =	swait.ge [sflag:s4], $0x0  }
0x19: {  	s7 =	sld [smem:$0x3F93]  }
0x1a: {  	s8 =	sadd.s32 $0xFFFFE003, lr  }
0x1b: {  	s9 =	sadd.s32 $0xFFFFFEF7, lr;
	s5 =	simm.s32 $0xFFFFFFFF;
	p2 =	slt.u32 s8, $0xFFFFF086  }
0x1c: {  	p1 =	slt.u32 s9, $0xF7A;
	s5 =	simm.s32 @!p2 $0x0  }
0x1d: {  	s5 =	simm.s32 @p1 $0x1;
	p0 =	seq.s32 s7, s2  }
0x1e: {  	s7 =	smul.u32 @!p0 $0xF7A, s2;
	p2 =	seq.s32 @!p0 s5, $0x0  }
0x1f: {  	s9 =	smul.u32 $0xF7A, s1;
	s8 =	simm.s32 @!p0 $0x1BF5;
	p2 =	por !p2, p0  }
0x20: {  	[sflag:s8] =	ssyncset.s32 @!p0 $0xFFFFF086;
	s6 =	sadd.s32 @!p0 s3, s7;
	s7 =	simm.s32 @!p0 $0x108  }
0x21: {  	s3 =	sadd.s32 s3, s9;
	s6 =	sadd.s32 @!p0 $0x88, s6;
	s7 =	simm.s32 @p2 $0x1082  }
0x22: {  	[simem:s7], [sflag:s8] =	dma.local @!p0 [hbm:s6], $0xF7A  }
0x23: {  	s9 =	sor.u32 $0xD0000000, s2;
	s6 =	simm.s32 $0x108;
	_ =	swait.ge @!p0 [sflag:s8], $0x0  }
0x24: {  	s3 =	sadd.s32 $0x88, s3;
	s6 =	simm.s32 @!p1 $0x1082;
	[sflag:s4] =	ssyncset.s32 $0xFFFFF086  }
0x25: {  	[simem:s6], [sflag:s4] =	dma.local [hbm:s3], $0xF7A  }
0x26: {  	[smem:$0x3F93] =	sst s1;
	(tag) =	ssettag s2;
	_ =	strace s9  }
0x27: {  	s1 =	sld [smem:$0x3FA3]  }
0x28: {  	s2 =	sld [smem:$0x3FA4]  }
0x29: {  	s4 =	sld [smem:$0x3FA6]  }
0x2a: {  	p0 =	seq.s32 s5, $0x0;
	s5 =	sld [smem:$0x3FA7]  }
0x2b: {  	s6 =	sld [smem:$0x3FA8]  }
0x2c: {  	s7 =	sld [smem:$0x3FA9]  }
0x2d: {  	s3 =	simm.s32 $0x108;
	s8 =	sld [smem:$0x3FAA]  }
0x2e: {  	s3 =	simm.s32 @!p0 $0x1082;
	s9 =	sld [smem:$0x3FAB]  }
0x2f: {  	lr =	sadd.s32 s0, s3;
	s0 =	sld [smem:$0x3FA2]  }
0x30: {  	s3 =	sld [smem:$0x3FA5]  }
0x31: {  	[smem:$0x3FAE] =	sst s10  }
0x32: {  	s10 =	sld [smem:$0x3FAC];
	_ =	sdelay $0x3  }
0x33: {  	p0 =	seq.s32 s10, $0x1;
	s10 =	sld [smem:$0x3FAE];
	_ =	sdelay $0x3  }
0x34: {  	[smem:$0x3FAE] =	sst s10  }
0x35: {  	s10 =	sld [smem:$0x3FAD];
	_ =	sdelay $0x3  }
0x36: {  	p1 =	seq.s32 s10, $0x1;
	s10 =	sld [smem:$0x3FAE];
	_ =	sdelay $0x3  }
0x37: {  	[smem:$0x3FAE] =	sst s10  }
0x38: {  	s10 =	sld [smem:$0x3FAF]  }
0x39: {  	_ = 	snop;
	(pc) =	sbr.ind lr, $3  }
0x3a: {  	_ = 	snop  }
0x3b: {  	_ = 	snop  }
0x3c: {  	p2 =	seq.s32 s10, $0x1;
	s10 =	sld [smem:$0x3FAE]  }
0x3d: {  	_ =	shalt  }
0x3e: {  	_ =	shalt  }
0x3f: {  	_ =	shalt  }
0x40: {  	_ =	shalt  }
0x41: {  	_ =	shalt  }
0x42: {  	_ =	shalt  }
0x43: {  	_ =	shalt  }
0x44: {  	_ =	shalt  }
0x45: {  	_ =	shalt  }
0x46: {  	_ =	shalt  }
0x47: {  	_ =	shalt  }
0x48: {  	_ =	shalt  }
0x49: {  	_ =	shalt  }
0x4a: {  	_ =	shalt  }
0x4b: {  	_ =	shalt  }
0x4c: {  	_ =	shalt  }
0x4d: {  	_ =	shalt  }
0x4e: {  	_ =	shalt  }
0x4f: {  	_ =	shalt  }
0x50: {  	_ =	shalt  }
0x51: {  	_ =	shalt  }
0x52: {  	_ =	shalt  }
0x53: {  	_ =	shalt  }
0x54: {  	_ =	shalt  }
0x55: {  	_ =	shalt  }
0x56: {  	_ =	shalt  }
0x57: {  	_ =	shalt  }
0x58: {  	_ =	shalt  }
0x59: {  	_ =	shalt  }
0x5a: {  	_ =	shalt  }
0x5b: {  	_ =	shalt  }
0x5c: {  	_ =	shalt  }
0x5d: {  	_ =	shalt  }
0x5e: {  	_ =	shalt  }
0x5f: {  	_ =	shalt  }
0x60: {  	_ =	shalt  }
0x61: {  	_ =	shalt  }
0x62: {  	_ =	shalt  }
0x63: {  	_ =	shalt  }
0x64: {  	_ =	shalt  }
0x65: {  	_ =	shalt  }
0x66: {  	_ =	shalt  }
0x67: {  	_ =	shalt  }
0x68: {  	_ =	shalt  }
0x69: {  	_ =	shalt  }
0x6a: {  	_ =	shalt  }
0x6b: {  	_ =	shalt  }
0x6c: {  	_ =	shalt  }
0x6d: {  	_ =	shalt  }
0x6e: {  	_ =	shalt  }
0x6f: {  	_ =	shalt  }
0x70: {  	_ =	shalt  }
0x71: {  	_ =	shalt  }
0x72: {  	_ =	shalt  }
0x73: {  	_ =	shalt  }
0x74: {  	_ =	shalt  }
0x75: {  	_ =	shalt  }
0x76: {  	_ =	shalt  }
0x77: {  	_ =	shalt  }
0x78: {  	_ =	shalt  }
0x79: {  	_ =	shalt  }
0x7a: {  	_ =	shalt  }
0x7b: {  	_ =	shalt  }
0x7c: {  	_ =	shalt  }
0x7d: {  	_ =	shalt  }
0x7e: {  	_ =	shalt  }
0x7f: {  	_ =	shalt  }
0x80: {  	_ =	shalt  }
0x81: {  	_ =	shalt  }
0x82: {  	_ =	shalt  }
0x83: {  	_ =	shalt  }
0x84: {  	_ =	shalt  }
0x85: {  	_ =	shalt  }
0x86: {  	_ =	shalt  }
0x87: {  	_ =	shalt  }
.Lfunc_end0:
.L_simem_size_0:
called_computation.6_lowered:
.L_overlay_start_0:
0x88: {  	s2 =	sld [smem:$0x3FD9]  }
0x89: {  	s3 =	sld [smem:$0x3FFE];
	_ =	sdelay $0x1  }
0x8a: {  	s1 =	srdreg.scid  }
0x8b: {  	s0 =	sand.u32 $0x1, s1  }
0x8c: {  	s16 =	sshll.u32 s0, $0xA;
	s2 =	sadd.s32 s3, s2  }
0x8d: {  	s2 =	sadd.s32 s2, s16  }
0x8e: {  	[smem:$0x3FBA] =	sst s2  }
0x8f: {  	_ = 	snop  }
0x90: {  	(tm) =	ssettm $0x1  }
0x91: {  	s17 =	sld [smem:$0x3FFB];
	_ =	sdelay $0x3  }
0x92: {  	_ =	strace s17  }
0x93: {  	s2 =	sld [smem:$0x3FFC];
	_ =	sdelay $0x3  }
0x94: {  	_ =	strace s2  }
0x95: {  	s2 =	sld [smem:$0x3FFD];
	_ =	sdelay $0x3  }
0x96: {  	_ =	strace s2  }
0x97: {  	_ =	strace $0x8FFFFFFF  }
0x98: {  	s18 =	sld [smem:$0x3FDB];
	_ =	sdelay $0x1  }
0x99: {  	s19 =	simm.s32 $_scs_section_size  }
0x9a: {  	s4 =	simm.s32 $_size__tile_overlayer_lowered;
	s5 =	simm.s32 $_tile_overlayer_lowered  }
0x9b: {  	s22 =	simm.s32 $0x1BFF;
	s21 =	sshll.u32 s5, $0x1;
	s2 =	sadd.s32 s19, s18  }
0x9c: {  	s6 =	simm.s32 $0x0;
	s20 =	sshll.u32 s4, $0x1;
	s4 =	sadd.s32 s21, s2  }
0x9d: {  	[timem:s6], [sflag:s22] =	dma.local [hbm:s4], s20  }
0x9e: {  	_ =	swait.ge [sflag:s22], s20  }
0x9f: {  	s3 =	ssub.s32 $0x0, s20;
	[sflag:s22] =	ssyncset.done $0x0  }
0xa0: {  	[sflag:s22] =	ssyncadd.s32 s3;
	_ =	sdelay $0x1  }
0xa1: {  	s23 =	simm.s32 $0x1B8B  }
0xa2: {  	_ =	swait.ge [sflag:s23], $0x1  }
0xa3: {  	[sflag:s23] =	ssyncset.done $0x0  }
0xa4: {  	s25 =	simm.s32 $0x1B8E;
	s24 =	sld [smem:$0x3FFE];
	[sflag:s23] =	ssyncadd.s32 $0xFFFFFFFF  }
0xa5: {  	s26 =	simm.s32 $execute0_lowered;
	[smem:$0x3FD2] =	sst s25  }
0xa6: {  	s4 =	sshll.u32 s26, $0x1;
	_ =	strace $0x80000058;
	[dreg:$0x1] =	wrdreg $0xFFFFFFFF  }
0xa7: {  	s28 =	simm.s32 $_size_execute0_lowered;
	s2 =	sadd.s32 s2, s4;
	[dreg:$0x0] =	wrdreg $0x0  }
0xa8: {  	s4 =	sshll.u32 s28, $0x1;
	[dreg:$0x2] =	wrdreg s2  }
0xa9: {  	[dreg:$0x3] =	wrdreg s4  }
0xaa: {  	[dreg:$0x4] =	wrdreg $0xC0  }
0xab: {  	_ =	task [dreg:s6], $0x5FFFF  }
0xac: {  	[dreg:$0x1] =	wrdreg $0xFFFFFFFF  }
0xad: {  	[dreg:$0x0] =	wrdreg $0x60  }
0xae: {  	[dreg:$0x2] =	wrdreg s24  }
0xaf: {  	[dreg:$0x3] =	wrdreg $0x82000  }
0xb0: {  	[dreg:$0x4] =	wrdreg $0x9  }
0xb1: {  	_ =	task.clear_ibuf [dreg:s6], $0x5FFFF;
	_ =	strace $0x90000058  }
0xb2: {  	s29 =	simm.s32 $0x9;
	_ =	strace $0x8000005A  }
0xb3: {  	_ =	swait.ge [sflag:s29], $0x1  }
0xb4: {  	[sflag:s29] =	ssyncadd.s32 $0xFFFFFFFF  }
0xb5: {  	_ =	strace $0x9000005A  }
0xb6: {  	_ =	sfence  }
0xb7: {  	s30 =	sld [smem:$0x0];
	_ =	sdelay $0x2  }
0xb8: {  	s31 =	sshll.u32 s1, $0xD;
	s1 =	sshrl.u32 s1, $0x2  }
0xb9: {  	s3 =	sand.u32 $0x4000, s31;
	s1 =	sadd.s32 s1, s30  }
0xba: {  	s0 =	sor.u32 s3, s0;
	s1 =	sshll.u32 s1, $0x11  }
0xbb: {  	s0 =	sor.u32 s1, s0  }
0xbc: {  	s0 =	sadd.s32 $0x8F2B, s0  }
0xbd: {  	[sflag:s0] =	ssyncadd.remote.s32 $0x1  }
0xbe: {  	_ =	sfence.sel $0xFFFF  }
0xbf: {  	[dreg:$0x0] =	wrdreg $0xFFFFFFFF;
	(pc) =	sbr.abs _section_cstart, $3  }
0xc0: {  	[dreg:$0x1] =	wrdreg $0xFFFFFFFF  }
0xc1: {  	_ =	task.clear_ibuf [dreg:s6], $0x2FFFF;
	_ =	strace $0x9FFFFFFF  }
0xc2: {  	(tm) =	ssettm $0x7FFFFFFF  }
0xc3: {  	_ =	shalt  }
tec
execute0_lowered:
.L_overlay_start_1:
0x0: {  	(tag) =	ssettag $0x1  }
0x1: {  	s5 =	rddreg [dreg:$0x0]  }
0x2: {  	s1 =	rddreg [dreg:$0x1]  }
0x3: {  	s2 =	srdreg.scid;
	s0 =	rddreg [dreg:$0x2];
	s3 =	simm.s32 $0x0  }
0x4: {  	s17 =	simm.s32 $0x80;
	s18 =	simm.s32 $0x200;
	s19 =	simm.s32 $0x4  }
0x5: {  	s20 =	simm.s32 $0x1;
	s21 =	simm.s32 $0x4200;
	s6 =	sand.u32 $0x1, s2  }
0x6: {  	s22 =	simm.s32 $0x2;
	s2 =	stileid.u32;
	s7 =	smul.u32 $0x140000, s6  }
0x7: {  	s23 =	simm.s32 $0x180;
	[smem:$0x7FF] =	sst s3;
	s8 =	smul.u32 $0x14000, s2  }
0x8: {  	s4 =	sadd.s32 $0xBB800, s5;
	s9 =	sadd.s32 $0x93800, s5;
	s11 =	smul.u32 $0x50000, s2  }
0x9: {  	s12 =	sadd.s32 $0x7800, s5;
	_ =	strace $0x80000059;
	s26 =	smul.u32 $0x50000, s6  }
0xa: {  	s24 =	sshll.u32 s6, $0x4;
	s10 =	ssub.s32 $0x2, s6;
	s14 =	smul.u32 $0x5000, s2  }
0xb: {  	p0 =	seq.s32 s6, $0x1;
	s15 =	smul.u32 $0x2800, s2;
	s16 =	smov.u32 s4  }
0xc: {  	s30 =	sshll.u32 s2, $0x6;
	s13 =	sshrl.u32 s10, $0x1;
	s16 =	smov.u32 @p0 s9  }
0xd: {  	s7 =	sadd.s32 s8, s7;
	s8 =	sor.u32 s2, s24;
	s10 =	ssub.s32 s10, s13  }
0xe: {  	s25 =	sshrl.u32 s11, $0x2;
	s29 =	sadd.s32 s14, s26;
	s9 =	sadd.s32 s16, s15  }
0xf: {  	s14 =	simm.s32 $0x5;
	s15 =	simm.s32 $0x100;
	s16 =	simm.s32 $0x3  }
0x10: {  	s24 =	simm.s32 $0x0;
	s7 =	sshrl.u32 s7, $0x3;
	s8 =	smul.u32 $0x5000, s8  }
0x11: {  	s28 =	sadd.s32 s25, s1;
	s11 =	sor.u32 $0x300, s29;
	s7 =	sadd.s32 s7, s5  }
0x12: {  	s11 =	sshrl.u32 s11, $0x3;
	s13 =	sshrl.u32 s28, $0x3;
	s8 =	sshrl.u32 s8, $0x3  }
0x13: {  	s5 =	sadd.s32 s12, s8;
	s8 =	smax.u32 s10, $0x1;
	s10 =	sor.u32 $0x200, s29  }
0x14: {  	s7 =	sadd.s32 $0x10B800, s7;
	s11 =	sadd.s32 s11, s12;
	s31 =	sshrl.u32 s10, $0x3  }
0x15: {  	s6 =	sadd.s32 $0x20, s5;
	s10 =	sor.u32 $0x1C05, s30;
	s12 =	sadd.s32 s31, s12  }
.LBB2_1:
0x16: {  	[spmem:s13], [sflag:s10] =	dma.local [hbm:s9], $0x2800  }
0x17: {  	_ =	swait.ge [sflag:s14], $0x2800  }
0x18: {  	[sflag:s14] =	ssyncset.done $0x0  }
0x19: {  	[sflag:s14] =	ssyncadd.s32 $0xFFFFD800  }
0x1a: {  	[tilespmem:s3], [sflag:$0x3] =	stream.linear.gather [hbm4b:s5+s3], $0x100, $0x38;
	[tilespmem:$0x1C200] =	vst v63  }
0x1b: {  	_ = 	snop  }
0x1c: {  	[tilespmem:s15], [sflag:$0x4] =	stream.linear.gather [hbm4b:s6+s3], $0x100, $0x38;
	[tilespmem:$0x1C200] =	vst v63  }
0x1d: {  	[bflag:$0x0] =	sbarrier.arrive $0xFFFF  }
0x1e: {  	_ =	swait.ge [sflag:s16], $0x100  }
0x1f: {  	[sflag:s16] =	ssyncset.done $0x0  }
0x20: {  	[sflag:s16] =	ssyncadd.s32 $0xFFFFFF00  }
0x21: {  	[tilespmem:s18], [sflag:$0x1] =	stream.indirect.gather [hbm4b:s4+s17], $0x80, s3, s17, $0xb8;
	[tilespmem:$0x1C200] =	vst v63  }
0x22: {  	_ =	swait.ge [sflag:s19], $0x100  }
0x23: {  	[sflag:s19] =	ssyncset.done $0x0  }
0x24: {  	[sflag:s19] =	ssyncadd.s32 $0xFFFFFF00  }
0x25: {  	_ =	swait.ge [sflag:s20], $0x4000  }
0x26: {  	[sflag:s20] =	ssyncset.done $0x0  }
0x27: {  	[sflag:s20] =	ssyncadd.s32 $0xFFFFC000  }
0x28: {  	[tilespmem:s21], [sflag:$0x2] =	stream.indirect.gather [hbm4b:s4+s17], $0x80, s15, s17, $0xb8;
	[tilespmem:$0x1C200] =	vst v63  }
0x29: {  	_ = 	snop  }
0x2a: {  	[spmem:s1] =	stream.indirect.scatter.add.f32 [tilespmem:s18], [sflag:$0x5], $0x80, s17, s17, $0xb8;
	[tilespmem:$0x1C200] =	vst v63  }
0x2b: {  	_ =	swait.ge [sflag:s14], $0x4000  }
0x2c: {  	[sflag:s14] =	ssyncset.done $0x0  }
0x2d: {  	s25 =	sadd.s32 $0x0, s12;
	[sflag:s14] =	ssyncadd.s32 $0xFFFFC000  }
0x2e: {  	[tilespmem:s3], [sflag:$0x3] =	stream.linear.gather [hbm4b:s25+s3], $0x100, $0x38;
	[tilespmem:$0x1C200] =	vst v63  }
0x2f: {  	_ =	swait.ge [sflag:s22], $0x4000  }
0x30: {  	[sflag:s22] =	ssyncset.done $0x0  }
0x31: {  	[sflag:s22] =	ssyncadd.s32 $0xFFFFC000  }
0x32: {  	_ =	swait.ge [sflag:s16], $0x100  }
0x33: {  	[sflag:s16] =	ssyncset.done $0x0  }
0x34: {  	[sflag:s16] =	ssyncadd.s32 $0xFFFFFF00  }
0x35: {  	[tilespmem:s18], [sflag:$0x1] =	stream.indirect.gather [hbm4b:s4+s17], $0x80, s3, s17, $0xb8;
	[tilespmem:$0x1C200] =	vst v63  }
0x36: {  	_ = 	snop  }
0x37: {  	[spmem:s1] =	stream.indirect.scatter.add.f32 [tilespmem:s21], [sflag:$0x5], $0x80, s23, s17, $0xb8;
	[tilespmem:$0x1C200] =	vst v63  }
0x38: {  	_ =	swait.ge [sflag:s14], $0x4000  }
0x39: {  	[sflag:s14] =	ssyncset.done $0x0  }
0x3a: {  	s26 =	sadd.s32 $0x0, s11;
	s25 =	simm.s32 $0x40;
	[sflag:s14] =	ssyncadd.s32 $0xFFFFC000  }
.LBB2_2:
0x3b: {  	[tilespmem:s15], [sflag:$0x4] =	stream.linear.gather [hbm4b:s26+s3], $0x100, $0x38;
	[tilespmem:$0x1C200] =	vst v63  }
0x3c: {  	s26 =	smov.u32 s25  }
0x3d: {  	p0 =	sne.s32 s25, $0x980;
	s25 =	sadd.s32 $0x40, s25;
	_ =	swait.ge [sflag:s19], $0x100  }
0x3e: {  	[sflag:s19] =	ssyncset.done $0x0  }
0x3f: {  	[sflag:s19] =	ssyncadd.s32 $0xFFFFFF00  }
0x40: {  	_ =	swait.ge [sflag:s20], $0x4000  }
0x41: {  	[sflag:s20] =	ssyncset.done $0x0  }
0x42: {  	[sflag:s20] =	ssyncadd.s32 $0xFFFFC000  }
0x43: {  	[tilespmem:s21], [sflag:$0x2] =	stream.indirect.gather [hbm4b:s4+s17], $0x80, s15, s17, $0xb8;
	[tilespmem:$0x1C200] =	vst v63  }
0x44: {  	_ = 	snop  }
0x45: {  	[spmem:s1] =	stream.indirect.scatter.add.f32 [tilespmem:s18], [sflag:$0x5], $0x80, s17, s17, $0xb8;
	[tilespmem:$0x1C200] =	vst v63  }
0x46: {  	_ =	swait.ge [sflag:s14], $0x4000  }
0x47: {  	[sflag:s14] =	ssyncset.done $0x0  }
0x48: {  	s28 =	sadd.s32 s26, s12;
	[sflag:s14] =	ssyncadd.s32 $0xFFFFC000  }
0x49: {  	[tilespmem:s3], [sflag:$0x3] =	stream.linear.gather [hbm4b:s28+s3], $0x100, $0x38;
	[tilespmem:$0x1C200] =	vst v63  }
0x4a: {  	_ =	swait.ge [sflag:s22], $0x4000  }
0x4b: {  	[sflag:s22] =	ssyncset.done $0x0  }
0x4c: {  	[sflag:s22] =	ssyncadd.s32 $0xFFFFC000  }
0x4d: {  	_ =	swait.ge [sflag:s16], $0x100  }
0x4e: {  	[sflag:s16] =	ssyncset.done $0x0  }
0x4f: {  	[sflag:s16] =	ssyncadd.s32 $0xFFFFFF00  }
0x50: {  	[tilespmem:s18], [sflag:$0x1] =	stream.indirect.gather [hbm4b:s4+s17], $0x80, s3, s17, $0xb8;
	[tilespmem:$0x1C200] =	vst v63  }
.Ltmp0:
0x51: {  	(pc) =	sbr.rel @p0 .LBB2_2-.Ltmp0, $4  }
0x52: {  	[spmem:s1] =	stream.indirect.scatter.add.f32 [tilespmem:s21], [sflag:$0x5], $0x80, s23, s17, $0xb8;
	[tilespmem:$0x1C200] =	vst v63  }
0x53: {  	_ =	swait.ge [sflag:s14], $0x4000  }
0x54: {  	[sflag:s14] =	ssyncset.done $0x0  }
0x55: {  	s26 =	sadd.s32 s26, s11;
	[sflag:s14] =	ssyncadd.s32 $0xFFFFC000  }
0x56: {  	[tilespmem:s15], [sflag:$0x4] =	stream.linear.gather [hbm4b:s26+s3], $0x100, $0x38;
	[tilespmem:$0x1C200] =	vst v63  }
0x57: {  	_ =	swait.ge [sflag:s19], $0x100  }
0x58: {  	[sflag:s19] =	ssyncset.done $0x0  }
0x59: {  	[sflag:s19] =	ssyncadd.s32 $0xFFFFFF00  }
0x5a: {  	_ =	swait.ge [sflag:s20], $0x4000  }
0x5b: {  	[sflag:s20] =	ssyncset.done $0x0  }
0x5c: {  	[sflag:s20] =	ssyncadd.s32 $0xFFFFC000  }
0x5d: {  	[tilespmem:s21], [sflag:$0x2] =	stream.indirect.gather [hbm4b:s4+s17], $0x80, s15, s17, $0xb8;
	[tilespmem:$0x1C200] =	vst v63  }
0x5e: {  	_ = 	snop  }
0x5f: {  	[spmem:s1] =	stream.indirect.scatter.add.f32 [tilespmem:s18], [sflag:$0x5], $0x80, s17, s17, $0xb8;
	[tilespmem:$0x1C200] =	vst v63  }
0x60: {  	_ =	swait.ge [sflag:s14], $0x4000  }
0x61: {  	[sflag:s14] =	ssyncset.done $0x0  }
0x62: {  	[sflag:s14] =	ssyncadd.s32 $0xFFFFC000  }
0x63: {  	_ =	swait.ge [sflag:s22], $0x4000  }
0x64: {  	[sflag:s22] =	ssyncset.done $0x0  }
0x65: {  	[sflag:s22] =	ssyncadd.s32 $0xFFFFC000  }
0x66: {  	[spmem:s1] =	stream.indirect.scatter.add.f32 [tilespmem:s21], [sflag:$0x5], $0x80, s23, s17, $0xb8;
	[tilespmem:$0x1C200] =	vst v63  }
0x67: {  	_ =	swait.ge [sflag:s14], $0x4000  }
0x68: {  	s24 =	sadd.s32 $0x1, s24;
	[sflag:s14] =	ssyncset.done $0x0  }
0x69: {  	p0 =	sne.s32 s24, s8;
	[sflag:s14] =	ssyncadd.s32 $0xFFFFC000  }
.Ltmp1:
0x6a: {  	[bflag:$0x0] =	sbarrier.arrive $0xFFFF;
	(pc) =	sbr.rel @p0 .LBB2_1-.Ltmp1, $4  }
0x6b: {  	[hbm:s7], [sflag:s10] =	dma.local [spmem:s13], $0x2800  }
0x6c: {  	_ =	swait.ge [sflag:s14], $0x2800  }
0x6d: {  	[sflag:s14] =	ssyncset.done $0x0  }
0x6e: {  	[sflag:s14] =	ssyncadd.s32 $0xFFFFD800  }
0x6f: {  	_ =	sfence.sel $0x180000  }
0x70: {  	[bflag:$0x0] =	sbarrier.arrive $0xFFFF  }
0x71: {  	p0 =	sne.s32 s2, $0x0;
	_ =	strace $0x90000059  }
0x72: {  	s0 =	sadd.s32 @!p0 $0x100000, s0;
	[bflag:$0x2] =	sbarrier.arrive $0xFFFF  }
0x73: {  	[sflag:s0] =	ssyncadd.tile.s32 @!p0 $0x1;
	_ =	shalt  }
.Lfunc_end2:
_tile_overlayer_lowered:
.L_overlay_start_2:
0x74: {  	(tag) =	ssettag $0x2  }
0x75: {  	s0 =	rddreg [dreg:$0x0];
	s2 =	stileid.u32  }
0x76: {  	s1 =	rddreg [dreg:$0x1];
	p0 =	sne.s32 s2, $0x0  }
0x77: {  	s3 =	rddreg [dreg:$0x2];
	[bflag:$0x3] =	sbarrier.arrive $0xFFFF;
	s2 =	simm.s32 @!p0 $0x1C05  }
0x78: {  	[timem:s3], [sflag:s2] =	dma.local @!p0 [hbm:s0], s1  }
0x79: {  	s0 =	simm.s32 @!p0 $0x5  }
0x7a: {  	_ =	swait.ge @!p0 [sflag:s0], s1  }
0x7b: {  	s1 =	ssub.s32 @!p0 $0x0, s1;
	[sflag:s0] =	ssyncset.done @!p0 $0x0  }
0x7c: {  	[sflag:s0] =	ssyncadd.s32 @!p0 s1  }
0x7d: {  	[bflag:$0x3] =	sbarrier.arrive $0xFFFF  }
0x7e: {  	_ =	shalt  }

// kernel: kernel.37.cloned.1.call-start
scs
__scs_entry_jumppad:
0x0: {  	(pc) =	sbr.rel $0x88, $3  }
0x1: {  	(tag) =	ssettag $0x0;
	lr =	simm.s32 $0x1  }
0x2: {  	[smem:$0x3F93] =	sst lr;
	_ =	strace $0xD0000000  }
0x3: {  	_ = 	snop  }
0x4: {  	_ = 	snop  }
0x5: {  	_ = 	snop  }
0x6: {  	_ = 	snop  }
0x7: {  	_ = 	snop  }
__scs_overlays_trampoline_lowered:
0x8: {  	[smem:$0x3FA2] =	sst s0  }
0x9: {  	[smem:$0x3FA3] =	sst s1  }
0xa: {  	[smem:$0x3FA4] =	sst s2  }
0xb: {  	[smem:$0x3FA5] =	sst s3  }
0xc: {  	[smem:$0x3FA6] =	sst s4  }
0xd: {  	[smem:$0x3FA7] =	sst s5  }
0xe: {  	[smem:$0x3FA8] =	sst s6  }
0xf: {  	[smem:$0x3FA9] =	sst s7  }
0x10: {  	[smem:$0x3FAA] =	sst s8  }
0x11: {  	[smem:$0x3FAB] =	sst s9;
	s0 =	simm.s32 @!p0 $0x0  }
0x12: {  	s1 =	sld [smem:$0x3F91];
	s0 =	simm.s32 @p0 $0x1  }
0x13: {  	[smem:$0x3FAC] =	sst s0;
	s0 =	simm.s32 @!p1 $0x0  }
0x14: {  	s2 =	sld [smem:$0x3F90];
	s0 =	simm.s32 @p1 $0x1  }
0x15: {  	[smem:$0x3FAD] =	sst s0;
	s0 =	simm.s32 @!p2 $0x0  }
0x16: {  	s3 =	sld [smem:$0x3FDB];
	s0 =	simm.s32 @p2 $0x1  }
0x17: {  	s4 =	simm.s32 $0x1BF5;
	[smem:$0x3FAF] =	sst s0  }
0x18: {  	s0 =	sld [smem:$0x3F92];
	_ =	swait.ge [sflag:s4], $0x0  }
0x19: {  	s7 =	sld [smem:$0x3F93]  }
0x1a: {  	s8 =	sadd.s32 $0xFFFFE003, lr  }
0x1b: {  	s9 =	sadd.s32 $0xFFFFFEF7, lr;
	s5 =	simm.s32 $0xFFFFFFFF;
	p2 =	slt.u32 s8, $0xFFFFF086  }
0x1c: {  	p1 =	slt.u32 s9, $0xF7A;
	s5 =	simm.s32 @!p2 $0x0  }
0x1d: {  	s5 =	simm.s32 @p1 $0x1;
	p0 =	seq.s32 s7, s2  }
0x1e: {  	s7 =	smul.u32 @!p0 $0xF7A, s2;
	p2 =	seq.s32 @!p0 s5, $0x0  }
0x1f: {  	s9 =	smul.u32 $0xF7A, s1;
	s8 =	simm.s32 @!p0 $0x1BF5;
	p2 =	por !p2, p0  }
0x20: {  	[sflag:s8] =	ssyncset.s32 @!p0 $0xFFFFF086;
	s6 =	sadd.s32 @!p0 s3, s7;
	s7 =	simm.s32 @!p0 $0x108  }
0x21: {  	s3 =	sadd.s32 s3, s9;
	s6 =	sadd.s32 @!p0 $0x88, s6;
	s7 =	simm.s32 @p2 $0x1082  }
0x22: {  	[simem:s7], [sflag:s8] =	dma.local @!p0 [hbm:s6], $0xF7A  }
0x23: {  	s9 =	sor.u32 $0xD0000000, s2;
	s6 =	simm.s32 $0x108;
	_ =	swait.ge @!p0 [sflag:s8], $0x0  }
0x24: {  	s3 =	sadd.s32 $0x88, s3;
	s6 =	simm.s32 @!p1 $0x1082;
	[sflag:s4] =	ssyncset.s32 $0xFFFFF086  }
0x25: {  	[simem:s6], [sflag:s4] =	dma.local [hbm:s3], $0xF7A  }
0x26: {  	[smem:$0x3F93] =	sst s1;
	(tag) =	ssettag s2;
	_ =	strace s9  }
0x27: {  	s1 =	sld [smem:$0x3FA3]  }
0x28: {  	s2 =	sld [smem:$0x3FA4]  }
0x29: {  	s4 =	sld [smem:$0x3FA6]  }
0x2a: {  	p0 =	seq.s32 s5, $0x0;
	s5 =	sld [smem:$0x3FA7]  }
0x2b: {  	s6 =	sld [smem:$0x3FA8]  }
0x2c: {  	s7 =	sld [smem:$0x3FA9]  }
0x2d: {  	s3 =	simm.s32 $0x108;
	s8 =	sld [smem:$0x3FAA]  }
0x2e: {  	s3 =	simm.s32 @!p0 $0x1082;
	s9 =	sld [smem:$0x3FAB]  }
0x2f: {  	lr =	sadd.s32 s0, s3;
	s0 =	sld [smem:$0x3FA2]  }
0x30: {  	s3 =	sld [smem:$0x3FA5]  }
0x31: {  	[smem:$0x3FAE] =	sst s10  }
0x32: {  	s10 =	sld [smem:$0x3FAC];
	_ =	sdelay $0x3  }
0x33: {  	p0 =	seq.s32 s10, $0x1;
	s10 =	sld [smem:$0x3FAE];
	_ =	sdelay $0x3  }
0x34: {  	[smem:$0x3FAE] =	sst s10  }
0x35: {  	s10 =	sld [smem:$0x3FAD];
	_ =	sdelay $0x3  }
0x36: {  	p1 =	seq.s32 s10, $0x1;
	s10 =	sld [smem:$0x3FAE];
	_ =	sdelay $0x3  }
0x37: {  	[smem:$0x3FAE] =	sst s10  }
0x38: {  	s10 =	sld [smem:$0x3FAF]  }
0x39: {  	_ = 	snop;
	(pc) =	sbr.ind lr, $3  }
0x3a: {  	_ = 	snop  }
0x3b: {  	_ = 	snop  }
0x3c: {  	p2 =	seq.s32 s10, $0x1;
	s10 =	sld [smem:$0x3FAE]  }
0x3d: {  	_ =	shalt  }
0x3e: {  	_ =	shalt  }
0x3f: {  	_ =	shalt  }
0x40: {  	_ =	shalt  }
0x41: {  	_ =	shalt  }
0x42: {  	_ =	shalt  }
0x43: {  	_ =	shalt  }
0x44: {  	_ =	shalt  }
0x45: {  	_ =	shalt  }
0x46: {  	_ =	shalt  }
0x47: {  	_ =	shalt  }
0x48: {  	_ =	shalt  }
0x49: {  	_ =	shalt  }
0x4a: {  	_ =	shalt  }
0x4b: {  	_ =	shalt  }
0x4c: {  	_ =	shalt  }
0x4d: {  	_ =	shalt  }
0x4e: {  	_ =	shalt  }
0x4f: {  	_ =	shalt  }
0x50: {  	_ =	shalt  }
0x51: {  	_ =	shalt  }
0x52: {  	_ =	shalt  }
0x53: {  	_ =	shalt  }
0x54: {  	_ =	shalt  }
0x55: {  	_ =	shalt  }
0x56: {  	_ =	shalt  }
0x57: {  	_ =	shalt  }
0x58: {  	_ =	shalt  }
0x59: {  	_ =	shalt  }
0x5a: {  	_ =	shalt  }
0x5b: {  	_ =	shalt  }
0x5c: {  	_ =	shalt  }
0x5d: {  	_ =	shalt  }
0x5e: {  	_ =	shalt  }
0x5f: {  	_ =	shalt  }
0x60: {  	_ =	shalt  }
0x61: {  	_ =	shalt  }
0x62: {  	_ =	shalt  }
0x63: {  	_ =	shalt  }
0x64: {  	_ =	shalt  }
0x65: {  	_ =	shalt  }
0x66: {  	_ =	shalt  }
0x67: {  	_ =	shalt  }
0x68: {  	_ =	shalt  }
0x69: {  	_ =	shalt  }
0x6a: {  	_ =	shalt  }
0x6b: {  	_ =	shalt  }
0x6c: {  	_ =	shalt  }
0x6d: {  	_ =	shalt  }
0x6e: {  	_ =	shalt  }
0x6f: {  	_ =	shalt  }
0x70: {  	_ =	shalt  }
0x71: {  	_ =	shalt  }
0x72: {  	_ =	shalt  }
0x73: {  	_ =	shalt  }
0x74: {  	_ =	shalt  }
0x75: {  	_ =	shalt  }
0x76: {  	_ =	shalt  }
0x77: {  	_ =	shalt  }
0x78: {  	_ =	shalt  }
0x79: {  	_ =	shalt  }
0x7a: {  	_ =	shalt  }
0x7b: {  	_ =	shalt  }
0x7c: {  	_ =	shalt  }
0x7d: {  	_ =	shalt  }
0x7e: {  	_ =	shalt  }
0x7f: {  	_ =	shalt  }
0x80: {  	_ =	shalt  }
0x81: {  	_ =	shalt  }
0x82: {  	_ =	shalt  }
0x83: {  	_ =	shalt  }
0x84: {  	_ =	shalt  }
0x85: {  	_ =	shalt  }
0x86: {  	_ =	shalt  }
0x87: {  	_ =	shalt  }
.Lfunc_end0:
.L_simem_size_0:
called_computation.7_lowered:
.L_overlay_start_0:
0x88: {  	s2 =	sld [smem:$0x3FD9]  }
0x89: {  	s3 =	sld [smem:$0x3FFE];
	_ =	sdelay $0x1  }
0x8a: {  	s1 =	srdreg.scid  }
0x8b: {  	s0 =	sand.u32 $0x1, s1  }
0x8c: {  	s17 =	sshll.u32 s0, $0xA;
	s2 =	sadd.s32 s3, s2  }
0x8d: {  	s2 =	sadd.s32 s2, s17  }
0x8e: {  	[smem:$0x3FBA] =	sst s2  }
0x8f: {  	_ = 	snop  }
0x90: {  	(tm) =	ssettm $0x1  }
0x91: {  	s18 =	sld [smem:$0x3FFB];
	_ =	sdelay $0x3  }
0x92: {  	_ =	strace s18  }
0x93: {  	s2 =	sld [smem:$0x3FFC];
	_ =	sdelay $0x3  }
0x94: {  	_ =	strace s2  }
0x95: {  	s2 =	sld [smem:$0x3FFD];
	_ =	sdelay $0x3  }
0x96: {  	_ =	strace s2  }
0x97: {  	_ =	strace $0x8FFFFFFF  }
0x98: {  	s19 =	sld [smem:$0x3FDB];
	_ =	sdelay $0x1  }
0x99: {  	s20 =	simm.s32 $_scs_section_size  }
0x9a: {  	s4 =	simm.s32 $_size__tile_overlayer_lowered;
	s5 =	simm.s32 $_tile_overlayer_lowered  }
0x9b: {  	s6 =	simm.s32 $0x1BFF;
	s21 =	sshll.u32 s5, $0x1;
	s3 =	sadd.s32 s20, s19  }
0x9c: {  	s22 =	simm.s32 $0x0;
	s4 =	sshll.u32 s4, $0x1;
	s5 =	sadd.s32 s21, s3  }
0x9d: {  	[timem:s22], [sflag:s6] =	dma.local [hbm:s5], s4  }
0x9e: {  	_ =	swait.ge [sflag:s6], s4  }
0x9f: {  	s4 =	ssub.s32 $0x0, s4;
	[sflag:s6] =	ssyncset.done $0x0  }
0xa0: {  	[sflag:s6] =	ssyncadd.s32 s4;
	_ =	sdelay $0x1  }
0xa1: {  	s23 =	simm.s32 $0x1B8B  }
0xa2: {  	_ =	swait.ge [sflag:s23], $0x1  }
0xa3: {  	[sflag:s23] =	ssyncset.done $0x0  }
0xa4: {  	[sflag:s23] =	ssyncadd.s32 $0xFFFFFFFF  }
0xa5: {  	s4 =	sld [smem:$0x0]  }
0xa6: {  	s5 =	sand.u32 $0xFFFFFFFE, s1  }
0xa7: {  	p0 =	sne.s32 s1, s5  }
0xa8: {  	s5 =	sshll.u32 @p0 s5, $0xE  }
0xa9: {  	s5 =	sadd.s32 @p0 $0x11B8D, s5;
	s6 =	sshll.u32 @p0 s4, $0x11  }
0xaa: {  	s5 =	sor.u32 @p0 s6, s5  }
0xab: {  	[sflag:s5] =	ssyncadd.remote.s32 @p0 $0x1;
	_ =	sdelay $0x1  }
0xac: {  	s5 =	simm.s32 @p0 $0x1B8D  }
0xad: {  	_ =	swait.eq @p0 [sflag:s5], $0x1  }
0xae: {  	[sflag:s5] =	ssyncadd.s32 @p0 $0xFFFFFFFF  }
0xaf: {  	s6 =	sshll.u32 @!p0 s1, $0xE  }
0xb0: {  	s6 =	sor.u32 @!p0 $0x4000, s6;
	s5 =	simm.s32 @!p0 $0x1B8D  }
0xb1: {  	s4 =	sshll.u32 @!p0 s4, $0x11;
	s6 =	sadd.s32 @!p0 $0x11B8D, s6;
	_ =	swait.eq @!p0 [sflag:s5], $0x1  }
0xb2: {  	s4 =	sor.u32 @!p0 s4, s6;
	[sflag:s5] =	ssyncadd.s32 @!p0 $0xFFFFFFFF  }
0xb3: {  	s25 =	simm.s32 $0x1B8E;
	s24 =	sld [smem:$0x3FFE];
	[sflag:s4] =	ssyncadd.remote.s32 @!p0 $0x1  }
0xb4: {  	s26 =	simm.s32 $execute0_lowered;
	[smem:$0x3FD2] =	sst s25  }
0xb5: {  	s5 =	sshll.u32 s26, $0x1;
	_ =	strace $0x8000005B;
	[dreg:$0x1] =	wrdreg $0xFFFFFFFF  }
0xb6: {  	s28 =	simm.s32 $_size_execute0_lowered;
	s3 =	sadd.s32 s3, s5;
	[dreg:$0x0] =	wrdreg $0x0  }
0xb7: {  	s5 =	sshll.u32 s28, $0x1;
	[dreg:$0x2] =	wrdreg s3  }
0xb8: {  	[dreg:$0x3] =	wrdreg s5  }
0xb9: {  	[dreg:$0x4] =	wrdreg $0xC0  }
0xba: {  	_ =	task [dreg:s22], $0x5FFFF  }
0xbb: {  	[dreg:$0x1] =	wrdreg $0xFFFFFFFF  }
0xbc: {  	[dreg:$0x0] =	wrdreg $0x60  }
0xbd: {  	[dreg:$0x2] =	wrdreg s24  }
0xbe: {  	[dreg:$0x3] =	wrdreg $0x82000  }
0xbf: {  	[dreg:$0x4] =	wrdreg $0xA  }
0xc0: {  	_ =	task.clear_ibuf [dreg:s22], $0x5FFFF;
	_ =	strace $0x9000005B  }
0xc1: {  	s29 =	simm.s32 $0xA;
	_ =	strace $0x8000005D  }
0xc2: {  	_ =	swait.ge [sflag:s29], $0x1  }
0xc3: {  	[sflag:s29] =	ssyncadd.s32 $0xFFFFFFFF  }
0xc4: {  	_ =	strace $0x9000005D  }
0xc5: {  	_ =	sfence  }
0xc6: {  	s30 =	sld [smem:$0x0];
	_ =	sdelay $0x2  }
0xc7: {  	s31 =	sshll.u32 s1, $0xD;
	s1 =	sshrl.u32 s1, $0x2  }
0xc8: {  	s4 =	sand.u32 $0x4000, s31;
	s1 =	sadd.s32 s1, s30  }
0xc9: {  	s0 =	sor.u32 s4, s0;
	s1 =	sshll.u32 s1, $0x11  }
0xca: {  	s0 =	sor.u32 s1, s0  }
0xcb: {  	s0 =	sadd.s32 $0x8F2B, s0  }
0xcc: {  	[sflag:s0] =	ssyncadd.remote.s32 $0x1  }
0xcd: {  	_ =	sfence.sel $0xFFFF  }
0xce: {  	[dreg:$0x0] =	wrdreg $0xFFFFFFFF;
	(pc) =	sbr.abs _section_cstart, $3  }
0xcf: {  	[dreg:$0x1] =	wrdreg $0xFFFFFFFF  }
0xd0: {  	_ =	task.clear_ibuf [dreg:s22], $0x2FFFF;
	_ =	strace $0x9FFFFFFF  }
0xd1: {  	(tm) =	ssettm $0x7FFFFFFF  }
tec
execute0_lowered:
.L_overlay_start_1:
0x0: {  	(tag) =	ssettag $0x1  }
0x1: {  	s5 =	rddreg [dreg:$0x0]  }
0x2: {  	s1 =	rddreg [dreg:$0x1]  }
0x3: {  	s2 =	srdreg.scid;
	s0 =	rddreg [dreg:$0x2];
	s3 =	simm.s32 $0x0  }
0x4: {  	s17 =	simm.s32 $0x80;
	s18 =	simm.s32 $0x200;
	s19 =	simm.s32 $0x4  }
0x5: {  	s20 =	simm.s32 $0x1;
	s21 =	simm.s32 $0x4200;
	s6 =	sand.u32 $0x1, s2  }
0x6: {  	s22 =	simm.s32 $0x2;
	s2 =	stileid.u32;
	s7 =	smul.u32 $0x140000, s6  }
0x7: {  	s23 =	simm.s32 $0x180;
	[smem:$0x7FF] =	sst s3;
	s8 =	smul.u32 $0x14000, s2  }
0x8: {  	s4 =	sadd.s32 $0x43800, s5;
	s9 =	sadd.s32 $0x93800, s5;
	s11 =	smul.u32 $0x50000, s2  }
0x9: {  	s12 =	sadd.s32 $0x7800, s5;
	_ =	strace $0x8000005C;
	s26 =	smul.u32 $0x50000, s6  }
0xa: {  	s24 =	sshll.u32 s6, $0x4;
	s10 =	ssub.s32 $0x2, s6;
	s14 =	smul.u32 $0x5000, s2  }
0xb: {  	p0 =	seq.s32 s6, $0x1;
	s15 =	smul.u32 $0x2800, s2;
	s16 =	smov.u32 s4  }
0xc: {  	s30 =	sshll.u32 s2, $0x6;
	s13 =	sshrl.u32 s10, $0x1;
	s16 =	smov.u32 @p0 s9  }
0xd: {  	s7 =	sadd.s32 s8, s7;
	s8 =	sor.u32 s2, s24;
	s10 =	ssub.s32 s10, s13  }
0xe: {  	s25 =	sshrl.u32 s11, $0x2;
	s29 =	sadd.s32 s14, s26;
	s9 =	sadd.s32 s16, s15  }
0xf: {  	s14 =	simm.s32 $0x5;
	s15 =	simm.s32 $0x100;
	s16 =	simm.s32 $0x3  }
0x10: {  	s24 =	simm.s32 $0x0;
	s7 =	sshrl.u32 s7, $0x3;
	s8 =	smul.u32 $0x5000, s8  }
0x11: {  	s28 =	sadd.s32 s25, s1;
	s11 =	sor.u32 $0x300, s29;
	s7 =	sadd.s32 s7, s5  }
0x12: {  	s11 =	sshrl.u32 s11, $0x3;
	s13 =	sshrl.u32 s28, $0x3;
	s8 =	sshrl.u32 s8, $0x3  }
0x13: {  	s5 =	sadd.s32 s12, s8;
	s8 =	smax.u32 s10, $0x1;
	s10 =	sor.u32 $0x200, s29  }
0x14: {  	s7 =	sadd.s32 $0x15B800, s7;
	s11 =	sadd.s32 s11, s12;
	s31 =	sshrl.u32 s10, $0x3  }
0x15: {  	s6 =	sadd.s32 $0x20, s5;
	s10 =	sor.u32 $0x1C05, s30;
	s12 =	sadd.s32 s31, s12  }
.LBB2_1:
0x16: {  	[spmem:s13], [sflag:s10] =	dma.local [hbm:s9], $0x2800  }
0x17: {  	_ =	swait.ge [sflag:s14], $0x2800  }
0x18: {  	[sflag:s14] =	ssyncset.done $0x0  }
0x19: {  	[sflag:s14] =	ssyncadd.s32 $0xFFFFD800  }
0x1a: {  	[tilespmem:s3], [sflag:$0x3] =	stream.linear.gather [hbm4b:s5+s3], $0x100, $0x38;
	[tilespmem:$0x1C200] =	vst v63  }
0x1b: {  	_ = 	snop  }
0x1c: {  	[tilespmem:s15], [sflag:$0x4] =	stream.linear.gather [hbm4b:s6+s3], $0x100, $0x38;
	[tilespmem:$0x1C200] =	vst v63  }
0x1d: {  	[bflag:$0x0] =	sbarrier.arrive $0xFFFF  }
0x1e: {  	_ =	swait.ge [sflag:s16], $0x100  }
0x1f: {  	[sflag:s16] =	ssyncset.done $0x0  }
0x20: {  	[sflag:s16] =	ssyncadd.s32 $0xFFFFFF00  }
0x21: {  	[tilespmem:s18], [sflag:$0x1] =	stream.indirect.gather [hbm4b:s4+s17], $0x80, s3, s17, $0xb8;
	[tilespmem:$0x1C200] =	vst v63  }
0x22: {  	_ =	swait.ge [sflag:s19], $0x100  }
0x23: {  	[sflag:s19] =	ssyncset.done $0x0  }
0x24: {  	[sflag:s19] =	ssyncadd.s32 $0xFFFFFF00  }
0x25: {  	_ =	swait.ge [sflag:s20], $0x4000  }
0x26: {  	[sflag:s20] =	ssyncset.done $0x0  }
0x27: {  	[sflag:s20] =	ssyncadd.s32 $0xFFFFC000  }
0x28: {  	[tilespmem:s21], [sflag:$0x2] =	stream.indirect.gather [hbm4b:s4+s17], $0x80, s15, s17, $0xb8;
	[tilespmem:$0x1C200] =	vst v63  }
0x29: {  	_ = 	snop  }
0x2a: {  	[spmem:s1] =	stream.indirect.scatter.add.f32 [tilespmem:s18], [sflag:$0x5], $0x80, s17, s17, $0xb8;
	[tilespmem:$0x1C200] =	vst v63  }
0x2b: {  	_ =	swait.ge [sflag:s14], $0x4000  }
0x2c: {  	[sflag:s14] =	ssyncset.done $0x0  }
0x2d: {  	s25 =	sadd.s32 $0x0, s12;
	[sflag:s14] =	ssyncadd.s32 $0xFFFFC000  }
0x2e: {  	[tilespmem:s3], [sflag:$0x3] =	stream.linear.gather [hbm4b:s25+s3], $0x100, $0x38;
	[tilespmem:$0x1C200] =	vst v63  }
0x2f: {  	_ =	swait.ge [sflag:s22], $0x4000  }
0x30: {  	[sflag:s22] =	ssyncset.done $0x0  }
0x31: {  	[sflag:s22] =	ssyncadd.s32 $0xFFFFC000  }
0x32: {  	_ =	swait.ge [sflag:s16], $0x100  }
0x33: {  	[sflag:s16] =	ssyncset.done $0x0  }
0x34: {  	[sflag:s16] =	ssyncadd.s32 $0xFFFFFF00  }
0x35: {  	[tilespmem:s18], [sflag:$0x1] =	stream.indirect.gather [hbm4b:s4+s17], $0x80, s3, s17, $0xb8;
	[tilespmem:$0x1C200] =	vst v63  }
0x36: {  	_ = 	snop  }
0x37: {  	[spmem:s1] =	stream.indirect.scatter.add.f32 [tilespmem:s21], [sflag:$0x5], $0x80, s23, s17, $0xb8;
	[tilespmem:$0x1C200] =	vst v63  }
0x38: {  	_ =	swait.ge [sflag:s14], $0x4000  }
0x39: {  	[sflag:s14] =	ssyncset.done $0x0  }
0x3a: {  	s26 =	sadd.s32 $0x0, s11;
	s25 =	simm.s32 $0x40;
	[sflag:s14] =	ssyncadd.s32 $0xFFFFC000  }
.LBB2_2:
0x3b: {  	[tilespmem:s15], [sflag:$0x4] =	stream.linear.gather [hbm4b:s26+s3], $0x100, $0x38;
	[tilespmem:$0x1C200] =	vst v63  }
0x3c: {  	s26 =	smov.u32 s25  }
0x3d: {  	p0 =	sne.s32 s25, $0x980;
	s25 =	sadd.s32 $0x40, s25;
	_ =	swait.ge [sflag:s19], $0x100  }
0x3e: {  	[sflag:s19] =	ssyncset.done $0x0  }
0x3f: {  	[sflag:s19] =	ssyncadd.s32 $0xFFFFFF00  }
0x40: {  	_ =	swait.ge [sflag:s20], $0x4000  }
0x41: {  	[sflag:s20] =	ssyncset.done $0x0  }
0x42: {  	[sflag:s20] =	ssyncadd.s32 $0xFFFFC000  }
0x43: {  	[tilespmem:s21], [sflag:$0x2] =	stream.indirect.gather [hbm4b:s4+s17], $0x80, s15, s17, $0xb8;
	[tilespmem:$0x1C200] =	vst v63  }
0x44: {  	_ = 	snop  }
0x45: {  	[spmem:s1] =	stream.indirect.scatter.add.f32 [tilespmem:s18], [sflag:$0x5], $0x80, s17, s17, $0xb8;
	[tilespmem:$0x1C200] =	vst v63  }
0x46: {  	_ =	swait.ge [sflag:s14], $0x4000  }
0x47: {  	[sflag:s14] =	ssyncset.done $0x0  }
0x48: {  	s28 =	sadd.s32 s26, s12;
	[sflag:s14] =	ssyncadd.s32 $0xFFFFC000  }
0x49: {  	[tilespmem:s3], [sflag:$0x3] =	stream.linear.gather [hbm4b:s28+s3], $0x100, $0x38;
	[tilespmem:$0x1C200] =	vst v63  }
0x4a: {  	_ =	swait.ge [sflag:s22], $0x4000  }
0x4b: {  	[sflag:s22] =	ssyncset.done $0x0  }
0x4c: {  	[sflag:s22] =	ssyncadd.s32 $0xFFFFC000  }
0x4d: {  	_ =	swait.ge [sflag:s16], $0x100  }
0x4e: {  	[sflag:s16] =	ssyncset.done $0x0  }
0x4f: {  	[sflag:s16] =	ssyncadd.s32 $0xFFFFFF00  }
0x50: {  	[tilespmem:s18], [sflag:$0x1] =	stream.indirect.gather [hbm4b:s4+s17], $0x80, s3, s17, $0xb8;
	[tilespmem:$0x1C200] =	vst v63  }
.Ltmp0:
0x51: {  	(pc) =	sbr.rel @p0 .LBB2_2-.Ltmp0, $4  }
0x52: {  	[spmem:s1] =	stream.indirect.scatter.add.f32 [tilespmem:s21], [sflag:$0x5], $0x80, s23, s17, $0xb8;
	[tilespmem:$0x1C200] =	vst v63  }
0x53: {  	_ =	swait.ge [sflag:s14], $0x4000  }
0x54: {  	[sflag:s14] =	ssyncset.done $0x0  }
0x55: {  	s26 =	sadd.s32 s26, s11;
	[sflag:s14] =	ssyncadd.s32 $0xFFFFC000  }
0x56: {  	[tilespmem:s15], [sflag:$0x4] =	stream.linear.gather [hbm4b:s26+s3], $0x100, $0x38;
	[tilespmem:$0x1C200] =	vst v63  }
0x57: {  	_ =	swait.ge [sflag:s19], $0x100  }
0x58: {  	[sflag:s19] =	ssyncset.done $0x0  }
0x59: {  	[sflag:s19] =	ssyncadd.s32 $0xFFFFFF00  }
0x5a: {  	_ =	swait.ge [sflag:s20], $0x4000  }
0x5b: {  	[sflag:s20] =	ssyncset.done $0x0  }
0x5c: {  	[sflag:s20] =	ssyncadd.s32 $0xFFFFC000  }
0x5d: {  	[tilespmem:s21], [sflag:$0x2] =	stream.indirect.gather [hbm4b:s4+s17], $0x80, s15, s17, $0xb8;
	[tilespmem:$0x1C200] =	vst v63  }
0x5e: {  	_ = 	snop  }
0x5f: {  	[spmem:s1] =	stream.indirect.scatter.add.f32 [tilespmem:s18], [sflag:$0x5], $0x80, s17, s17, $0xb8;
	[tilespmem:$0x1C200] =	vst v63  }
0x60: {  	_ =	swait.ge [sflag:s14], $0x4000  }
0x61: {  	[sflag:s14] =	ssyncset.done $0x0  }
0x62: {  	[sflag:s14] =	ssyncadd.s32 $0xFFFFC000  }
0x63: {  	_ =	swait.ge [sflag:s22], $0x4000  }
0x64: {  	[sflag:s22] =	ssyncset.done $0x0  }
0x65: {  	[sflag:s22] =	ssyncadd.s32 $0xFFFFC000  }
0x66: {  	[spmem:s1] =	stream.indirect.scatter.add.f32 [tilespmem:s21], [sflag:$0x5], $0x80, s23, s17, $0xb8;
	[tilespmem:$0x1C200] =	vst v63  }
0x67: {  	_ =	swait.ge [sflag:s14], $0x4000  }
0x68: {  	s24 =	sadd.s32 $0x1, s24;
	[sflag:s14] =	ssyncset.done $0x0  }
0x69: {  	p0 =	sne.s32 s24, s8;
	[sflag:s14] =	ssyncadd.s32 $0xFFFFC000  }
.Ltmp1:
0x6a: {  	[bflag:$0x0] =	sbarrier.arrive $0xFFFF;
	(pc) =	sbr.rel @p0 .LBB2_1-.Ltmp1, $4  }
0x6b: {  	[hbm:s7], [sflag:s10] =	dma.local [spmem:s13], $0x2800  }
0x6c: {  	_ =	swait.ge [sflag:s14], $0x2800  }
0x6d: {  	[sflag:s14] =	ssyncset.done $0x0  }
0x6e: {  	[sflag:s14] =	ssyncadd.s32 $0xFFFFD800  }
0x6f: {  	_ =	sfence.sel $0x180000  }
0x70: {  	[bflag:$0x0] =	sbarrier.arrive $0xFFFF  }
0x71: {  	p0 =	sne.s32 s2, $0x0;
	_ =	strace $0x9000005C  }
0x72: {  	s0 =	sadd.s32 @!p0 $0x100000, s0;
	[bflag:$0x2] =	sbarrier.arrive $0xFFFF  }
0x73: {  	[sflag:s0] =	ssyncadd.tile.s32 @!p0 $0x1;
	_ =	shalt  }
.Lfunc_end2:
_tile_overlayer_lowered:
.L_overlay_start_2:
0x74: {  	(tag) =	ssettag $0x2  }
0x75: {  	s0 =	rddreg [dreg:$0x0];
	s2 =	stileid.u32  }
0x76: {  	s1 =	rddreg [dreg:$0x1];
	p0 =	sne.s32 s2, $0x0  }
0x77: {  	s3 =	rddreg [dreg:$0x2];
	[bflag:$0x3] =	sbarrier.arrive $0xFFFF;
	s2 =	simm.s32 @!p0 $0x1C05  }
0x78: {  	[timem:s3], [sflag:s2] =	dma.local @!p0 [hbm:s0], s1  }
0x79: {  	s0 =	simm.s32 @!p0 $0x5  }
0x7a: {  	_ =	swait.ge @!p0 [sflag:s0], s1  }
0x7b: {  	s1 =	ssub.s32 @!p0 $0x0, s1;
	[sflag:s0] =	ssyncset.done @!p0 $0x0  }
0x7c: {  	[sflag:s0] =	ssyncadd.s32 @!p0 s1  }
0x7d: {  	[bflag:$0x3] =	sbarrier.arrive $0xFFFF  }
0x7e: {  	_ =	shalt  }

// kernel: kernel.40.cloned.1.call-start
scs
__scs_entry_jumppad:
0x0: {  	(pc) =	sbr.rel $0x88, $3  }
0x1: {  	(tag) =	ssettag $0x0;
	lr =	simm.s32 $0x1  }
0x2: {  	[smem:$0x3F93] =	sst lr;
	_ =	strace $0xD0000000  }
0x3: {  	_ = 	snop  }
0x4: {  	_ = 	snop  }
0x5: {  	_ = 	snop  }
0x6: {  	_ = 	snop  }
0x7: {  	_ = 	snop  }
__scs_overlays_trampoline_lowered:
0x8: {  	[smem:$0x3FA2] =	sst s0  }
0x9: {  	[smem:$0x3FA3] =	sst s1  }
0xa: {  	[smem:$0x3FA4] =	sst s2  }
0xb: {  	[smem:$0x3FA5] =	sst s3  }
0xc: {  	[smem:$0x3FA6] =	sst s4  }
0xd: {  	[smem:$0x3FA7] =	sst s5  }
0xe: {  	[smem:$0x3FA8] =	sst s6  }
0xf: {  	[smem:$0x3FA9] =	sst s7  }
0x10: {  	[smem:$0x3FAA] =	sst s8  }
0x11: {  	[smem:$0x3FAB] =	sst s9;
	s0 =	simm.s32 @!p0 $0x0  }
0x12: {  	s1 =	sld [smem:$0x3F91];
	s0 =	simm.s32 @p0 $0x1  }
0x13: {  	[smem:$0x3FAC] =	sst s0;
	s0 =	simm.s32 @!p1 $0x0  }
0x14: {  	s2 =	sld [smem:$0x3F90];
	s0 =	simm.s32 @p1 $0x1  }
0x15: {  	[smem:$0x3FAD] =	sst s0;
	s0 =	simm.s32 @!p2 $0x0  }
0x16: {  	s3 =	sld [smem:$0x3FDB];
	s0 =	simm.s32 @p2 $0x1  }
0x17: {  	s4 =	simm.s32 $0x1BF5;
	[smem:$0x3FAF] =	sst s0  }
0x18: {  	s0 =	sld [smem:$0x3F92];
	_ =	swait.ge [sflag:s4], $0x0  }
0x19: {  	s7 =	sld [smem:$0x3F93]  }
0x1a: {  	s8 =	sadd.s32 $0xFFFFE003, lr  }
0x1b: {  	s9 =	sadd.s32 $0xFFFFFEF7, lr;
	s5 =	simm.s32 $0xFFFFFFFF;
	p2 =	slt.u32 s8, $0xFFFFF086  }
0x1c: {  	p1 =	slt.u32 s9, $0xF7A;
	s5 =	simm.s32 @!p2 $0x0  }
0x1d: {  	s5 =	simm.s32 @p1 $0x1;
	p0 =	seq.s32 s7, s2  }
0x1e: {  	s7 =	smul.u32 @!p0 $0xF7A, s2;
	p2 =	seq.s32 @!p0 s5, $0x0  }
0x1f: {  	s9 =	smul.u32 $0xF7A, s1;
	s8 =	simm.s32 @!p0 $0x1BF5;
	p2 =	por !p2, p0  }
0x20: {  	[sflag:s8] =	ssyncset.s32 @!p0 $0xFFFFF086;
	s6 =	sadd.s32 @!p0 s3, s7;
	s7 =	simm.s32 @!p0 $0x108  }
0x21: {  	s3 =	sadd.s32 s3, s9;
	s6 =	sadd.s32 @!p0 $0x88, s6;
	s7 =	simm.s32 @p2 $0x1082  }
0x22: {  	[simem:s7], [sflag:s8] =	dma.local @!p0 [hbm:s6], $0xF7A  }
0x23: {  	s9 =	sor.u32 $0xD0000000, s2;
	s6 =	simm.s32 $0x108;
	_ =	swait.ge @!p0 [sflag:s8], $0x0  }
0x24: {  	s3 =	sadd.s32 $0x88, s3;
	s6 =	simm.s32 @!p1 $0x1082;
	[sflag:s4] =	ssyncset.s32 $0xFFFFF086  }
0x25: {  	[simem:s6], [sflag:s4] =	dma.local [hbm:s3], $0xF7A  }
0x26: {  	[smem:$0x3F93] =	sst s1;
	(tag) =	ssettag s2;
	_ =	strace s9  }
0x27: {  	s1 =	sld [smem:$0x3FA3]  }
0x28: {  	s2 =	sld [smem:$0x3FA4]  }
0x29: {  	s4 =	sld [smem:$0x3FA6]  }
0x2a: {  	p0 =	seq.s32 s5, $0x0;
	s5 =	sld [smem:$0x3FA7]  }
0x2b: {  	s6 =	sld [smem:$0x3FA8]  }
0x2c: {  	s7 =	sld [smem:$0x3FA9]  }
0x2d: {  	s3 =	simm.s32 $0x108;
	s8 =	sld [smem:$0x3FAA]  }
0x2e: {  	s3 =	simm.s32 @!p0 $0x1082;
	s9 =	sld [smem:$0x3FAB]  }
0x2f: {  	lr =	sadd.s32 s0, s3;
	s0 =	sld [smem:$0x3FA2]  }
0x30: {  	s3 =	sld [smem:$0x3FA5]  }
0x31: {  	[smem:$0x3FAE] =	sst s10  }
0x32: {  	s10 =	sld [smem:$0x3FAC];
	_ =	sdelay $0x3  }
0x33: {  	p0 =	seq.s32 s10, $0x1;
	s10 =	sld [smem:$0x3FAE];
	_ =	sdelay $0x3  }
0x34: {  	[smem:$0x3FAE] =	sst s10  }
0x35: {  	s10 =	sld [smem:$0x3FAD];
	_ =	sdelay $0x3  }
0x36: {  	p1 =	seq.s32 s10, $0x1;
	s10 =	sld [smem:$0x3FAE];
	_ =	sdelay $0x3  }
0x37: {  	[smem:$0x3FAE] =	sst s10  }
0x38: {  	s10 =	sld [smem:$0x3FAF]  }
0x39: {  	_ = 	snop;
	(pc) =	sbr.ind lr, $3  }
0x3a: {  	_ = 	snop  }
0x3b: {  	_ = 	snop  }
0x3c: {  	p2 =	seq.s32 s10, $0x1;
	s10 =	sld [smem:$0x3FAE]  }
0x3d: {  	_ =	shalt  }
0x3e: {  	_ =	shalt  }
0x3f: {  	_ =	shalt  }
0x40: {  	_ =	shalt  }
0x41: {  	_ =	shalt  }
0x42: {  	_ =	shalt  }
0x43: {  	_ =	shalt  }
0x44: {  	_ =	shalt  }
0x45: {  	_ =	shalt  }
0x46: {  	_ =	shalt  }
0x47: {  	_ =	shalt  }
0x48: {  	_ =	shalt  }
0x49: {  	_ =	shalt  }
0x4a: {  	_ =	shalt  }
0x4b: {  	_ =	shalt  }
0x4c: {  	_ =	shalt  }
0x4d: {  	_ =	shalt  }
0x4e: {  	_ =	shalt  }
0x4f: {  	_ =	shalt  }
0x50: {  	_ =	shalt  }
0x51: {  	_ =	shalt  }
0x52: {  	_ =	shalt  }
0x53: {  	_ =	shalt  }
0x54: {  	_ =	shalt  }
0x55: {  	_ =	shalt  }
0x56: {  	_ =	shalt  }
0x57: {  	_ =	shalt  }
0x58: {  	_ =	shalt  }
0x59: {  	_ =	shalt  }
0x5a: {  	_ =	shalt  }
0x5b: {  	_ =	shalt  }
0x5c: {  	_ =	shalt  }
0x5d: {  	_ =	shalt  }
0x5e: {  	_ =	shalt  }
0x5f: {  	_ =	shalt  }
0x60: {  	_ =	shalt  }
0x61: {  	_ =	shalt  }
0x62: {  	_ =	shalt  }
0x63: {  	_ =	shalt  }
0x64: {  	_ =	shalt  }
0x65: {  	_ =	shalt  }
0x66: {  	_ =	shalt  }
0x67: {  	_ =	shalt  }
0x68: {  	_ =	shalt  }
0x69: {  	_ =	shalt  }
0x6a: {  	_ =	shalt  }
0x6b: {  	_ =	shalt  }
0x6c: {  	_ =	shalt  }
0x6d: {  	_ =	shalt  }
0x6e: {  	_ =	shalt  }
0x6f: {  	_ =	shalt  }
0x70: {  	_ =	shalt  }
0x71: {  	_ =	shalt  }
0x72: {  	_ =	shalt  }
0x73: {  	_ =	shalt  }
0x74: {  	_ =	shalt  }
0x75: {  	_ =	shalt  }
0x76: {  	_ =	shalt  }
0x77: {  	_ =	shalt  }
0x78: {  	_ =	shalt  }
0x79: {  	_ =	shalt  }
0x7a: {  	_ =	shalt  }
0x7b: {  	_ =	shalt  }
0x7c: {  	_ =	shalt  }
0x7d: {  	_ =	shalt  }
0x7e: {  	_ =	shalt  }
0x7f: {  	_ =	shalt  }
0x80: {  	_ =	shalt  }
0x81: {  	_ =	shalt  }
0x82: {  	_ =	shalt  }
0x83: {  	_ =	shalt  }
0x84: {  	_ =	shalt  }
0x85: {  	_ =	shalt  }
0x86: {  	_ =	shalt  }
0x87: {  	_ =	shalt  }
.Lfunc_end0:
.L_simem_size_0:
called_computation.8_lowered:
.L_overlay_start_0:
0x88: {  	s2 =	sld [smem:$0x3FD9]  }
0x89: {  	s3 =	sld [smem:$0x3FFE];
	_ =	sdelay $0x1  }
0x8a: {  	s1 =	srdreg.scid  }
0x8b: {  	s0 =	sand.u32 $0x1, s1  }
0x8c: {  	s17 =	sshll.u32 s0, $0xA;
	s2 =	sadd.s32 s3, s2  }
0x8d: {  	s2 =	sadd.s32 s2, s17  }
0x8e: {  	[smem:$0x3FBA] =	sst s2  }
0x8f: {  	_ = 	snop  }
0x90: {  	s18 =	sld [smem:$0x3FD0];
	(tm) =	ssettm $0x1  }
0x91: {  	s19 =	sld [smem:$0x3FFB];
	_ =	sdelay $0x3  }
0x92: {  	_ =	strace s19  }
0x93: {  	s2 =	sld [smem:$0x3FFC];
	_ =	sdelay $0x3  }
0x94: {  	_ =	strace s2  }
0x95: {  	s2 =	sld [smem:$0x3FFD];
	_ =	sdelay $0x3  }
0x96: {  	_ =	strace s2  }
0x97: {  	_ =	strace $0x8FFFFFFF  }
0x98: {  	s20 =	sld [smem:$0x3FDB];
	_ =	sdelay $0x1  }
0x99: {  	s4 =	simm.s32 $_scs_section_size  }
0x9a: {  	s5 =	simm.s32 $_size__tile_overlayer_lowered;
	s6 =	simm.s32 $_tile_overlayer_lowered  }
0x9b: {  	s7 =	simm.s32 $0x1BFF;
	s21 =	sshll.u32 s6, $0x1;
	s4 =	sadd.s32 s4, s20  }
0x9c: {  	s22 =	simm.s32 $0x0;
	s5 =	sshll.u32 s5, $0x1;
	s6 =	sadd.s32 s21, s4  }
0x9d: {  	[timem:s22], [sflag:s7] =	dma.local [hbm:s6], s5  }
0x9e: {  	_ =	swait.ge [sflag:s7], s5  }
0x9f: {  	s5 =	ssub.s32 $0x0, s5;
	[sflag:s7] =	ssyncset.done $0x0  }
0xa0: {  	[sflag:s7] =	ssyncadd.s32 s5;
	_ =	sdelay $0x1  }
0xa1: {  	s23 =	simm.s32 $0x1B8B  }
0xa2: {  	_ =	swait.ge [sflag:s23], $0x1  }
0xa3: {  	[sflag:s23] =	ssyncset.done $0x0  }
0xa4: {  	[sflag:s23] =	ssyncadd.s32 $0xFFFFFFFF  }
0xa5: {  	s5 =	sld [smem:$0x0]  }
0xa6: {  	s6 =	sand.u32 $0xFFFFFFFE, s1  }
0xa7: {  	p0 =	sne.s32 s1, s6  }
0xa8: {  	s6 =	sshll.u32 @p0 s6, $0xE  }
0xa9: {  	s6 =	sadd.s32 @p0 $0x11B8D, s6;
	s7 =	sshll.u32 @p0 s5, $0x11  }
0xaa: {  	s6 =	sor.u32 @p0 s7, s6  }
0xab: {  	[sflag:s6] =	ssyncadd.remote.s32 @p0 $0x1;
	_ =	sdelay $0x1  }
0xac: {  	s6 =	simm.s32 @p0 $0x1B8D  }
0xad: {  	_ =	swait.eq @p0 [sflag:s6], $0x1  }
0xae: {  	[sflag:s6] =	ssyncadd.s32 @p0 $0xFFFFFFFF  }
0xaf: {  	s7 =	sshll.u32 @!p0 s1, $0xE  }
0xb0: {  	s7 =	sor.u32 @!p0 $0x4000, s7;
	s6 =	simm.s32 @!p0 $0x1B8D  }
0xb1: {  	s5 =	sshll.u32 @!p0 s5, $0x11;
	s7 =	sadd.s32 @!p0 $0x11B8D, s7;
	_ =	swait.eq @!p0 [sflag:s6], $0x1  }
0xb2: {  	s5 =	sor.u32 @!p0 s5, s7;
	[sflag:s6] =	ssyncadd.s32 @!p0 $0xFFFFFFFF  }
0xb3: {  	s25 =	simm.s32 $0x1B8E;
	s24 =	sld [smem:$0x3FFE];
	[sflag:s5] =	ssyncadd.remote.s32 @!p0 $0x1  }
0xb4: {  	s26 =	simm.s32 $execute0_lowered;
	[smem:$0x3FD2] =	sst s25  }
0xb5: {  	s6 =	sshll.u32 s26, $0x1;
	_ =	strace $0x8000005E;
	[dreg:$0x1] =	wrdreg $0xFFFFFFFF  }
0xb6: {  	s28 =	simm.s32 $_size_execute0_lowered;
	s4 =	sadd.s32 s4, s6;
	[dreg:$0x0] =	wrdreg $0x0  }
0xb7: {  	s6 =	sshll.u32 s28, $0x1;
	[dreg:$0x2] =	wrdreg s4  }
0xb8: {  	[dreg:$0x3] =	wrdreg s6  }
0xb9: {  	[dreg:$0x4] =	wrdreg $0xC0  }
0xba: {  	_ =	task [dreg:s22], $0x5FFFF  }
0xbb: {  	[dreg:$0x1] =	wrdreg $0xFFFFFFFF  }
0xbc: {  	[dreg:$0x0] =	wrdreg $0x60  }
0xbd: {  	[dreg:$0x2] =	wrdreg s24  }
0xbe: {  	[dreg:$0x3] =	wrdreg s18  }
0xbf: {  	[dreg:$0x4] =	wrdreg $0x82000  }
0xc0: {  	[dreg:$0x5] =	wrdreg $0xB  }
0xc1: {  	_ =	task.clear_ibuf [dreg:s22], $0x6FFFF;
	_ =	strace $0x9000005E  }
0xc2: {  	s29 =	simm.s32 $0xB;
	_ =	strace $0x80000060  }
0xc3: {  	_ =	swait.ge [sflag:s29], $0x1  }
0xc4: {  	[sflag:s29] =	ssyncadd.s32 $0xFFFFFFFF  }
0xc5: {  	_ =	strace $0x90000060  }
0xc6: {  	_ =	sfence  }
0xc7: {  	s30 =	sld [smem:$0x0];
	_ =	sdelay $0x2  }
0xc8: {  	s31 =	sshll.u32 s1, $0xD;
	s1 =	sshrl.u32 s1, $0x2  }
0xc9: {  	s4 =	sand.u32 $0x4000, s31;
	s1 =	sadd.s32 s1, s30  }
0xca: {  	s0 =	sor.u32 s4, s0;
	s1 =	sshll.u32 s1, $0x11  }
0xcb: {  	s0 =	sor.u32 s1, s0  }
0xcc: {  	s0 =	sadd.s32 $0x8F2B, s0  }
0xcd: {  	[sflag:s0] =	ssyncadd.remote.s32 $0x1  }
0xce: {  	_ =	sfence.sel $0xFFFF  }
0xcf: {  	[dreg:$0x0] =	wrdreg $0xFFFFFFFF;
	(pc) =	sbr.abs _section_cstart, $3  }
0xd0: {  	[dreg:$0x1] =	wrdreg $0xFFFFFFFF  }
0xd1: {  	_ =	task.clear_ibuf [dreg:s22], $0x2FFFF;
	_ =	strace $0x9FFFFFFF  }
0xd2: {  	(tm) =	ssettm $0x7FFFFFFF  }
0xd3: {  	_ =	shalt  }
tec
execute0_lowered:
.L_overlay_start_1:
0x0: {  	(tag) =	ssettag $0x1  }
0x1: {  	s5 =	rddreg [dreg:$0x0]  }
0x2: {  	s7 =	rddreg [dreg:$0x1]  }
0x3: {  	s1 =	rddreg [dreg:$0x2]  }
0x4: {  	s2 =	srdreg.scid;
	s0 =	rddreg [dreg:$0x3]  }
0x5: {  	s3 =	simm.s32 $0x0;
	s6 =	sand.u32 $0x1, s2;
	s2 =	stileid.u32  }
0x6: {  	s17 =	simm.s32 $0x80;
	s18 =	simm.s32 $0x200;
	s9 =	smul.u32 $0x50000, s2  }
0x7: {  	s19 =	simm.s32 $0x4;
	s20 =	simm.s32 $0x1;
	s11 =	smul.u32 $0x140000, s6  }
0x8: {  	s21 =	simm.s32 $0x4200;
	[smem:$0x7FF] =	sst s3;
	s14 =	smul.u32 $0x14000, s2  }
0x9: {  	s10 =	sadd.s32 $0x93800, s5;
	s12 =	sadd.s32 $0x7800, s5;
	s25 =	smul.u32 $0x50000, s6  }
0xa: {  	s4 =	sshll.u32 s6, $0x4;
	_ =	strace $0x8000005F;
	s26 =	smul.u32 $0x5000, s2  }
0xb: {  	s22 =	ssub.s32 $0x2, s6;
	p0 =	seq.s32 s6, $0x1;
	s28 =	smul.u32 $0x2800, s2  }
0xc: {  	s30 =	sshll.u32 s2, $0x6;
	s8 =	sor.u32 s2, s4;
	s4 =	sadd.s32 $0x1B800, s5  }
0xd: {  	s13 =	sshrl.u32 s22, $0x1;
	s8 =	smul.u32 $0x5000, s8;
	s9 =	sshrl.u32 s9, $0x2  }
0xe: {  	s13 =	ssub.s32 s22, s13;
	s24 =	sadd.s32 s14, s11;
	s16 =	smov.u32 s4  }
0xf: {  	s29 =	sadd.s32 s26, s25;
	s14 =	simm.s32 $0x5;
	s22 =	simm.s32 $0x2  }
0x10: {  	s15 =	sadd.s32 s9, s1;
	s16 =	smov.u32 @p0 s10;
	s11 =	sor.u32 $0x300, s29  }
0x11: {  	s10 =	sor.u32 $0x200, s29;
	s23 =	sshrl.u32 s8, $0x3;
	s8 =	sshrl.u32 s24, $0x3  }
0x12: {  	s9 =	sadd.s32 s16, s28;
	s11 =	sshrl.u32 s11, $0x3;
	s31 =	sshrl.u32 s10, $0x3  }
0x13: {  	s10 =	sor.u32 $0x1C05, s30;
	s16 =	simm.s32 $0x3;
	s24 =	simm.s32 $0x0  }
0x14: {  	s5 =	sadd.s32 s12, s23;
	s7 =	sadd.s32 s7, s8;
	s8 =	smax.u32 s13, $0x1  }
0x15: {  	s11 =	sadd.s32 s11, s12;
	s12 =	sadd.s32 s31, s12;
	s13 =	sshrl.u32 s15, $0x3  }
0x16: {  	s15 =	simm.s32 $0x100;
	s23 =	simm.s32 $0x180;
	s6 =	sadd.s32 $0x20, s5  }
.LBB2_1:
0x17: {  	[spmem:s13], [sflag:s10] =	dma.local [hbm:s9], $0x2800  }
0x18: {  	_ =	swait.ge [sflag:s14], $0x2800  }
0x19: {  	[sflag:s14] =	ssyncset.done $0x0  }
0x1a: {  	[sflag:s14] =	ssyncadd.s32 $0xFFFFD800  }
0x1b: {  	[tilespmem:s3], [sflag:$0x3] =	stream.linear.gather [hbm4b:s5+s3], $0x100, $0x38;
	[tilespmem:$0x1C200] =	vst v63  }
0x1c: {  	_ = 	snop  }
0x1d: {  	[tilespmem:s15], [sflag:$0x4] =	stream.linear.gather [hbm4b:s6+s3], $0x100, $0x38;
	[tilespmem:$0x1C200] =	vst v63  }
0x1e: {  	[bflag:$0x0] =	sbarrier.arrive $0xFFFF  }
0x1f: {  	_ =	swait.ge [sflag:s16], $0x100  }
0x20: {  	[sflag:s16] =	ssyncset.done $0x0  }
0x21: {  	[sflag:s16] =	ssyncadd.s32 $0xFFFFFF00  }
0x22: {  	[tilespmem:s18], [sflag:$0x1] =	stream.indirect.gather [hbm4b:s4+s17], $0x80, s3, s17, $0xb8;
	[tilespmem:$0x1C200] =	vst v63  }
0x23: {  	_ =	swait.ge [sflag:s19], $0x100  }
0x24: {  	[sflag:s19] =	ssyncset.done $0x0  }
0x25: {  	[sflag:s19] =	ssyncadd.s32 $0xFFFFFF00  }
0x26: {  	_ =	swait.ge [sflag:s20], $0x4000  }
0x27: {  	[sflag:s20] =	ssyncset.done $0x0  }
0x28: {  	[sflag:s20] =	ssyncadd.s32 $0xFFFFC000  }
0x29: {  	[tilespmem:s21], [sflag:$0x2] =	stream.indirect.gather [hbm4b:s4+s17], $0x80, s15, s17, $0xb8;
	[tilespmem:$0x1C200] =	vst v63  }
0x2a: {  	_ = 	snop  }
0x2b: {  	[spmem:s1] =	stream.indirect.scatter.add.f32 [tilespmem:s18], [sflag:$0x5], $0x80, s17, s17, $0xb8;
	[tilespmem:$0x1C200] =	vst v63  }
0x2c: {  	_ =	swait.ge [sflag:s14], $0x4000  }
0x2d: {  	[sflag:s14] =	ssyncset.done $0x0  }
0x2e: {  	s25 =	sadd.s32 $0x0, s12;
	[sflag:s14] =	ssyncadd.s32 $0xFFFFC000  }
0x2f: {  	[tilespmem:s3], [sflag:$0x3] =	stream.linear.gather [hbm4b:s25+s3], $0x100, $0x38;
	[tilespmem:$0x1C200] =	vst v63  }
0x30: {  	_ =	swait.ge [sflag:s22], $0x4000  }
0x31: {  	[sflag:s22] =	ssyncset.done $0x0  }
0x32: {  	[sflag:s22] =	ssyncadd.s32 $0xFFFFC000  }
0x33: {  	_ =	swait.ge [sflag:s16], $0x100  }
0x34: {  	[sflag:s16] =	ssyncset.done $0x0  }
0x35: {  	[sflag:s16] =	ssyncadd.s32 $0xFFFFFF00  }
0x36: {  	[tilespmem:s18], [sflag:$0x1] =	stream.indirect.gather [hbm4b:s4+s17], $0x80, s3, s17, $0xb8;
	[tilespmem:$0x1C200] =	vst v63  }
0x37: {  	_ = 	snop  }
0x38: {  	[spmem:s1] =	stream.indirect.scatter.add.f32 [tilespmem:s21], [sflag:$0x5], $0x80, s23, s17, $0xb8;
	[tilespmem:$0x1C200] =	vst v63  }
0x39: {  	_ =	swait.ge [sflag:s14], $0x4000  }
0x3a: {  	[sflag:s14] =	ssyncset.done $0x0  }
0x3b: {  	s26 =	sadd.s32 $0x0, s11;
	s25 =	simm.s32 $0x40;
	[sflag:s14] =	ssyncadd.s32 $0xFFFFC000  }
.LBB2_2:
0x3c: {  	[tilespmem:s15], [sflag:$0x4] =	stream.linear.gather [hbm4b:s26+s3], $0x100, $0x38;
	[tilespmem:$0x1C200] =	vst v63  }
0x3d: {  	s26 =	smov.u32 s25  }
0x3e: {  	p0 =	sne.s32 s25, $0x980;
	s25 =	sadd.s32 $0x40, s25;
	_ =	swait.ge [sflag:s19], $0x100  }
0x3f: {  	[sflag:s19] =	ssyncset.done $0x0  }
0x40: {  	[sflag:s19] =	ssyncadd.s32 $0xFFFFFF00  }
0x41: {  	_ =	swait.ge [sflag:s20], $0x4000  }
0x42: {  	[sflag:s20] =	ssyncset.done $0x0  }
0x43: {  	[sflag:s20] =	ssyncadd.s32 $0xFFFFC000  }
0x44: {  	[tilespmem:s21], [sflag:$0x2] =	stream.indirect.gather [hbm4b:s4+s17], $0x80, s15, s17, $0xb8;
	[tilespmem:$0x1C200] =	vst v63  }
0x45: {  	_ = 	snop  }
0x46: {  	[spmem:s1] =	stream.indirect.scatter.add.f32 [tilespmem:s18], [sflag:$0x5], $0x80, s17, s17, $0xb8;
	[tilespmem:$0x1C200] =	vst v63  }
0x47: {  	_ =	swait.ge [sflag:s14], $0x4000  }
0x48: {  	[sflag:s14] =	ssyncset.done $0x0  }
0x49: {  	s28 =	sadd.s32 s26, s12;
	[sflag:s14] =	ssyncadd.s32 $0xFFFFC000  }
0x4a: {  	[tilespmem:s3], [sflag:$0x3] =	stream.linear.gather [hbm4b:s28+s3], $0x100, $0x38;
	[tilespmem:$0x1C200] =	vst v63  }
0x4b: {  	_ =	swait.ge [sflag:s22], $0x4000  }
0x4c: {  	[sflag:s22] =	ssyncset.done $0x0  }
0x4d: {  	[sflag:s22] =	ssyncadd.s32 $0xFFFFC000  }
0x4e: {  	_ =	swait.ge [sflag:s16], $0x100  }
0x4f: {  	[sflag:s16] =	ssyncset.done $0x0  }
0x50: {  	[sflag:s16] =	ssyncadd.s32 $0xFFFFFF00  }
0x51: {  	[tilespmem:s18], [sflag:$0x1] =	stream.indirect.gather [hbm4b:s4+s17], $0x80, s3, s17, $0xb8;
	[tilespmem:$0x1C200] =	vst v63  }
.Ltmp0:
0x52: {  	(pc) =	sbr.rel @p0 .LBB2_2-.Ltmp0, $4  }
0x53: {  	[spmem:s1] =	stream.indirect.scatter.add.f32 [tilespmem:s21], [sflag:$0x5], $0x80, s23, s17, $0xb8;
	[tilespmem:$0x1C200] =	vst v63  }
0x54: {  	_ =	swait.ge [sflag:s14], $0x4000  }
0x55: {  	[sflag:s14] =	ssyncset.done $0x0  }
0x56: {  	s26 =	sadd.s32 s26, s11;
	[sflag:s14] =	ssyncadd.s32 $0xFFFFC000  }
0x57: {  	[tilespmem:s15], [sflag:$0x4] =	stream.linear.gather [hbm4b:s26+s3], $0x100, $0x38;
	[tilespmem:$0x1C200] =	vst v63  }
0x58: {  	_ =	swait.ge [sflag:s19], $0x100  }
0x59: {  	[sflag:s19] =	ssyncset.done $0x0  }
0x5a: {  	[sflag:s19] =	ssyncadd.s32 $0xFFFFFF00  }
0x5b: {  	_ =	swait.ge [sflag:s20], $0x4000  }
0x5c: {  	[sflag:s20] =	ssyncset.done $0x0  }
0x5d: {  	[sflag:s20] =	ssyncadd.s32 $0xFFFFC000  }
0x5e: {  	[tilespmem:s21], [sflag:$0x2] =	stream.indirect.gather [hbm4b:s4+s17], $0x80, s15, s17, $0xb8;
	[tilespmem:$0x1C200] =	vst v63  }
0x5f: {  	_ = 	snop  }
0x60: {  	[spmem:s1] =	stream.indirect.scatter.add.f32 [tilespmem:s18], [sflag:$0x5], $0x80, s17, s17, $0xb8;
	[tilespmem:$0x1C200] =	vst v63  }
0x61: {  	_ =	swait.ge [sflag:s14], $0x4000  }
0x62: {  	[sflag:s14] =	ssyncset.done $0x0  }
0x63: {  	[sflag:s14] =	ssyncadd.s32 $0xFFFFC000  }
0x64: {  	_ =	swait.ge [sflag:s22], $0x4000  }
0x65: {  	[sflag:s22] =	ssyncset.done $0x0  }
0x66: {  	[sflag:s22] =	ssyncadd.s32 $0xFFFFC000  }
0x67: {  	[spmem:s1] =	stream.indirect.scatter.add.f32 [tilespmem:s21], [sflag:$0x5], $0x80, s23, s17, $0xb8;
	[tilespmem:$0x1C200] =	vst v63  }
0x68: {  	_ =	swait.ge [sflag:s14], $0x4000  }
0x69: {  	s24 =	sadd.s32 $0x1, s24;
	[sflag:s14] =	ssyncset.done $0x0  }
0x6a: {  	p0 =	sne.s32 s24, s8;
	[sflag:s14] =	ssyncadd.s32 $0xFFFFC000  }
.Ltmp1:
0x6b: {  	[bflag:$0x0] =	sbarrier.arrive $0xFFFF;
	(pc) =	sbr.rel @p0 .LBB2_1-.Ltmp1, $4  }
0x6c: {  	[hbm:s7], [sflag:s10] =	dma.local [spmem:s13], $0x2800  }
0x6d: {  	_ =	swait.ge [sflag:s14], $0x2800  }
0x6e: {  	[sflag:s14] =	ssyncset.done $0x0  }
0x6f: {  	[sflag:s14] =	ssyncadd.s32 $0xFFFFD800  }
0x70: {  	_ =	sfence.sel $0x180000  }
0x71: {  	[bflag:$0x0] =	sbarrier.arrive $0xFFFF  }
0x72: {  	p0 =	sne.s32 s2, $0x0;
	_ =	strace $0x9000005F  }
0x73: {  	s0 =	sadd.s32 @!p0 $0x100000, s0;
	[bflag:$0x2] =	sbarrier.arrive $0xFFFF  }
0x74: {  	[sflag:s0] =	ssyncadd.tile.s32 @!p0 $0x1;
	_ =	shalt  }
.Lfunc_end2:
_tile_overlayer_lowered:
.L_overlay_start_2:
0x75: {  	(tag) =	ssettag $0x2  }
0x76: {  	s0 =	rddreg [dreg:$0x0];
	s2 =	stileid.u32  }
0x77: {  	s1 =	rddreg [dreg:$0x1];
	p0 =	sne.s32 s2, $0x0  }
0x78: {  	s3 =	rddreg [dreg:$0x2];
	[bflag:$0x3] =	sbarrier.arrive $0xFFFF;
	s2 =	simm.s32 @!p0 $0x1C05  }
0x79: {  	[timem:s3], [sflag:s2] =	dma.local @!p0 [hbm:s0], s1  }
0x7a: {  	s0 =	simm.s32 @!p0 $0x5  }
0x7b: {  	_ =	swait.ge @!p0 [sflag:s0], s1  }
0x7c: {  	s1 =	ssub.s32 @!p0 $0x0, s1;
	[sflag:s0] =	ssyncset.done @!p0 $0x0  }
0x7d: {  	[sflag:s0] =	ssyncadd.s32 @!p0 s1  }
0x7e: {  	[bflag:$0x3] =	sbarrier.arrive $0xFFFF  }
0x7f: {  	_ =	shalt  }

</sc_bundles>
